<compile_context>
chip_gen: v7x
topology: tpu7x:2x2x1
jax: 0.10.2.dev20260603
libtpu: 0.0.44.dev20260713+nightly
codegen_flags: <defaults>
</compile_context>

<pallas_src>
import functools

import jax
import jax.numpy as jnp
from jax import lax
from jax.experimental import pallas as pl
from jax.experimental.pallas import tpu as pltpu
from jax.experimental.pallas import tpu_sc as plsc

B = 4096
NUM_TABLES = 26
VOCAB = 100000
DIM = 32
NUM_FEATS = NUM_TABLES + 1
Z_PAD = 384

SC_CORES = 2
SC_SUBCORES = 16
NW = SC_CORES * SC_SUBCORES
N_PAIRS = NUM_TABLES * DIM
PAIRS_PER_W = N_PAIRS // NW


def _sc_gather(tab_T, idx_T):
  mesh = plsc.VectorSubcoreMesh(core_axis_name="c", subcore_axis_name="s")

  @functools.partial(
      pl.kernel,
      mesh=mesh,
      compiler_params=pltpu.CompilerParams(
          use_tc_tiling_on_sc=False, needs_layout_passes=False),
      out_type=jax.ShapeDtypeStruct((N_PAIRS, B), jnp.float32),
      scratch_types=[
          pltpu.VMEM((VOCAB,), jnp.float32),
          pltpu.VMEM((B,), jnp.int32),
          pltpu.VMEM((B,), jnp.float32),
          pltpu.SemaphoreType.DMA,
      ],
  )
  def gather_kernel(tab_hbm, idx_hbm, out_hbm, row_v, idx_v, out_v, sem):
    wid = lax.axis_index("s") * SC_CORES + lax.axis_index("c")
    p0 = wid * PAIRS_PER_W

    def pair_body(j, carry):
      p = p0 + j
      t = p // DIM
      d = p % DIM
      pltpu.sync_copy(idx_hbm.at[t], idx_v)
      pltpu.sync_copy(tab_hbm.at[t, d], row_v)

      def g_body(i, c):
        iv = idx_v[pl.ds(i * 16, 16)]
        out_v[pl.ds(i * 16, 16)] = plsc.load_gather(row_v, [iv])
        return c

      lax.fori_loop(0, B // 16, g_body, 0, unroll=4)
      pltpu.sync_copy(out_v, out_hbm.at[p])
      return carry

    lax.fori_loop(0, PAIRS_PER_W, pair_body, 0)

  return gather_kernel(tab_T, idx_T)


def _tc_body(num_ref, emb_ref, wb0, bb0, wb1, bb1, wb2, bb2,
             wt0, bt0, wt1, bt1, wt2, bt2, wt3, bt3, wt4, bt4,
             out_ref, z_scr):
  mm = lambda w, x: jnp.dot(w, x, preferred_element_type=jnp.float32)
  x = num_ref[:]
  x = jax.nn.relu(mm(wb0[:], x) + bb0[:])
  x = jax.nn.relu(mm(wb1[:], x) + bb1[:])
  x = jax.nn.relu(mm(wb2[:], x) + bb2[:])

  feats = [x] + [emb_ref[pl.ds(DIM * t, DIM), :] for t in range(NUM_TABLES)]

  z_scr[0:DIM, :] = x
  row = DIM
  for i in range(1, NUM_FEATS):
    fi = feats[i]
    for jj in range(i):
      z_scr[pl.ds(row, 1), :] = jnp.sum(fi * feats[jj], axis=0)[None, :]
      row += 1
  z_scr[pl.ds(Z_PAD - 1, 1), :] = jnp.zeros_like(z_scr[pl.ds(Z_PAD - 1, 1), :])

  z = z_scr[:]
  z = jax.nn.relu(mm(wt0[:], z) + bt0[:])
  z = jax.nn.relu(mm(wt1[:], z) + bt1[:])
  z = jax.nn.relu(mm(wt2[:], z) + bt2[:])
  z = jax.nn.relu(mm(wt3[:], z) + bt3[:])
  out_ref[:] = mm(wt4[:], z) + bt4[:]


def _tc_dense(num_T, pairs, Wb0T, bb0, Wb1T, bb1, Wb2T, bb2,
              Wt0T, bt0, Wt1T, bt1, Wt2T, bt2, Wt3T, bt3, Wt4T, bt4, block_b):
  grid = B // block_b
  full2 = lambda w: pl.BlockSpec(w.shape, lambda i: (0, 0))
  in_specs = [
      pl.BlockSpec((num_T.shape[0], block_b), lambda i: (0, i)),
      pl.BlockSpec((NUM_TABLES * DIM, block_b), lambda i: (0, i)),
      full2(Wb0T), full2(bb0), full2(Wb1T), full2(bb1), full2(Wb2T), full2(bb2),
      full2(Wt0T), full2(bt0), full2(Wt1T), full2(bt1), full2(Wt2T), full2(bt2),
      full2(Wt3T), full2(bt3), full2(Wt4T), full2(bt4),
  ]
  return pl.pallas_call(
      _tc_body,
      grid=(grid,),
      in_specs=in_specs,
      out_specs=pl.BlockSpec((1, block_b), lambda i: (0, i)),
      out_shape=jax.ShapeDtypeStruct((1, B), jnp.float32),
      scratch_shapes=[
          pltpu.VMEM((Z_PAD, block_b), jnp.float32),
      ],
  )(num_T, pairs, Wb0T, bb0, Wb1T, bb1, Wb2T, bb2,
    Wt0T, bt0, Wt1T, bt1, Wt2T, bt2, Wt3T, bt3, Wt4T, bt4)


def kernel(numerical_features, categorical_features, embedding_tables,
           Wb0, bb0, Wb1, bb1, Wb2, bb2,
           Wt0, bt0, Wt1, bt1, Wt2, bt2, Wt3, bt3, Wt4, bt4):
  tab_T = embedding_tables.transpose(0, 2, 1)
  idx_T = categorical_features.T

  pairs = _sc_gather(tab_T, idx_T)

  Wt0p = jnp.concatenate([Wt0, jnp.zeros((1, Wt0.shape[1]), Wt0.dtype)], axis=0)
  col = lambda b: b[:, None]
  out_T = _tc_dense(
      numerical_features.T, pairs,
      Wb0.T, col(bb0), Wb1.T, col(bb1), Wb2.T, col(bb2),
      Wt0p.T, col(bt0), Wt1.T, col(bt1), Wt2.T, col(bt2),
      Wt3.T, col(bt3), Wt4.T, col(bt4),
      block_b=256)
  return out_T.T

# --- scband reference (transcript-rebuilt; emitter-appended) ---
"""Pipeline reference for scband-dlrm-6691559047224 (READ-ONLY COPY).

The authoritative reference and input builder live on the scoring server;
editing this copy changes nothing except your own understanding.
"""

import jax, jax.numpy as jnp
import numpy as np

B = 4096
NUM_TABLES = 26
VOCAB = 100000
DIM = 32
NUM_NUM = 13
BOT_DIMS = [512, 256, 32]
TOP_DIMS = [1024, 1024, 512, 256, 1]
N_INT = (NUM_TABLES + 1) * NUM_TABLES // 2
TOP_IN = N_INT + DIM


def _glorot(key, shape):
    fan_in, fan_out = shape
    std = float(np.sqrt(2.0 / (fan_in + fan_out)))
    return jax.random.normal(key, shape, dtype=jnp.float32) * std


def setup_inputs(seed: int = 0) -> dict:
    key = jax.random.key(seed)
    ks = jax.random.split(key, 32)
    inp = {}
    inp["numerical_features"] = jax.random.normal(ks[0], (B, NUM_NUM), dtype=jnp.float32)
    inp["categorical_features"] = jax.random.randint(ks[1], (B, NUM_TABLES), 0, VOCAB, dtype=jnp.int32)
    inp["embedding_tables"] = jax.random.normal(ks[2], (NUM_TABLES, VOCAB, DIM), dtype=jnp.float32) * 0.01
    dims = [NUM_NUM] + BOT_DIMS
    k = 3
    for i in range(len(BOT_DIMS)):
        inp[f"Wb{i}"] = _glorot(ks[k], (dims[i], dims[i + 1])); k += 1
        inp[f"bb{i}"] = jax.random.normal(ks[k], (dims[i + 1],), dtype=jnp.float32) * float(np.sqrt(1.0 / dims[i + 1])); k += 1
    tdims = [TOP_IN] + TOP_DIMS
    for i in range(len(TOP_DIMS)):
        inp[f"Wt{i}"] = _glorot(ks[k], (tdims[i], tdims[i + 1])); k += 1
        inp[f"bt{i}"] = jax.random.normal(ks[k], (tdims[i + 1],), dtype=jnp.float32) * float(np.sqrt(1.0 / tdims[i + 1])); k += 1
    return inp


def reference(numerical_features, categorical_features, embedding_tables,
              Wb0, bb0, Wb1, bb1, Wb2, bb2,
              Wt0, bt0, Wt1, bt1, Wt2, bt2, Wt3, bt3, Wt4, bt4):
    # Bottom MLP over dense/numerical features (all relu, per original code)
    x = numerical_features
    for W, b in ((Wb0, bb0), (Wb1, bb1), (Wb2, bb2)):
        x = jax.nn.relu(x @ W + b)
    # Embedding lookups: one table per sparse field
    emb = jax.vmap(lambda t, idx: jnp.take(t, idx, axis=0), in_axes=(0, 1), out_axes=1)(
        embedding_tables, categorical_features)  # [B, NUM_TABLES, DIM]
    # Dot interaction: bottom-MLP output is treated as an extra feature
    feats = jnp.concatenate([x[:, None, :], emb], axis=1)  # [B, 27, DIM]
    xact = jnp.einsum('bnd,bmd->bnm', feats, feats)  # [B, 27, 27]
    li, lj = np.tril_indices(NUM_TABLES + 1, k=-1)
    flat = xact[:, li, lj]  # [B, 351]
    z = jnp.concatenate([x, flat], axis=1)  # [B, 383]
    # Top MLP: relu on all but last (linear) layer, producing CTR logit
    top = ((Wt0, bt0), (Wt1, bt1), (Wt2, bt2), (Wt3, bt3), (Wt4, bt4))
    for i, (W, b) in enumerate(top):
        z = z @ W + b
        if i < len(top) - 1:
            z = jax.nn.relu(z)
    return z

if __name__ == "__main__":
    import jax
    _d = setup_inputs()
    print(jax.jit(kernel)(*tuple(_d.values())))

</pallas_src>

<mosaic_0001>
#map = affine_map<(d0, d1) -> (0, 0, 0)>
#map1 = affine_map<(d0, d1) -> (0, 0)>
module attributes {stable_mosaic.version = 14 : i64} {
  func.func @gather_kernel(%arg0: i32, %arg1: i32, %arg2: memref<26x32x100000xf32, #tpu.memory_space<hbm>>, %arg3: memref<26x4096xi32, #tpu.memory_space<hbm>>, %arg4: memref<832x4096xf32, #tpu.memory_space<hbm>>, %arg5: memref<100000xf32, #tpu.memory_space<vmem>>, %arg6: memref<4096xi32, #tpu.memory_space<vmem>>, %arg7: memref<4096xf32, #tpu.memory_space<vmem>>, %arg8: memref<!tpu.dma_semaphore, #tpu.memory_space<semaphore_mem>>) attributes {dimension_semantics = [#tpu.dimension_semantics<core_parallel>, #tpu.dimension_semantics<subcore_parallel>], iteration_bounds = array<i64: 2, 16>, scalar_prefetch = 0 : i64, scratch_operands = 4 : i64, tpu.core_type = #tpu.core_type<sc_vector_subcore>, window_params = [{transform_indices = #map}, {transform_indices = #map1}, {transform_indices = #map1}]} {
    %mul3A = arith.constant 2 : i32
    %mul3A_0 = arith.muli %arg1, %mul3A : i32
    %add3A = arith.addi %mul3A_0, %arg0 : i32
    %mul3A_1 = arith.constant 26 : i32
    %mul3A_2 = arith.muli %add3A, %mul3A_1 : i32
    %scan3A = arith.constant 0 : i32
    %scan3A_3 = arith.constant 0 : i32
    %scan3A_4 = arith.constant 26 : i32
    %scan3A_5 = arith.addi %scan3A_3, %scan3A_4 : i32
    %scan3A_6 = arith.constant 1 : i32
    scf.for %scan3A_8 = %scan3A_3 to %scan3A_5 step %scan3A_6  : i32 {
      %add3A_9 = arith.addi %mul3A_2, %scan3A_8 : i32
      %jit3A = arith.constant 32 : i32
      %div3A = arith.divsi %add3A_9, %jit3A : i32
      %sign3A = arith.constant 0 : i32
      %sign3A_10 = arith.cmpi sgt, %add3A_9, %sign3A : i32
      %sign3A_11 = arith.extui %sign3A_10 : i1 to i32
      %sign3A_12 = arith.constant 0 : i32
      %sign3A_13 = arith.cmpi slt, %add3A_9, %sign3A_12 : i32
      %sign3A_14 = arith.extui %sign3A_13 : i1 to i32
      %sign3A_15 = arith.subi %sign3A_11, %sign3A_14 : i32
      %sign3A_16 = arith.constant 0 : i32
      %sign3A_17 = arith.cmpi sgt, %jit3A, %sign3A_16 : i32
      %sign3A_18 = arith.extui %sign3A_17 : i1 to i32
      %sign3A_19 = arith.constant 0 : i32
      %sign3A_20 = arith.cmpi slt, %jit3A, %sign3A_19 : i32
      %sign3A_21 = arith.extui %sign3A_20 : i1 to i32
      %sign3A_22 = arith.subi %sign3A_18, %sign3A_21 : i32
      %ne3A = arith.cmpi ne, %sign3A_15, %sign3A_22 : i32
      %rem3A = arith.remsi %add3A_9, %jit3A : i32
      %ne3A_23 = arith.constant 0 : i32
      %ne3A_24 = arith.cmpi ne, %rem3A, %ne3A_23 : i32
      %and3A = arith.andi %ne3A, %ne3A_24 : i1
      %sub3A = arith.constant 1 : i32
      %sub3A_25 = arith.subi %div3A, %sub3A : i32
      %select_n3A = arith.select %and3A, %sub3A_25, %div3A : i32
      %jit3A_26 = arith.constant 32 : i32
      %eq3A = arith.constant 0 : i32
      %eq3A_27 = arith.cmpi eq, %jit3A_26, %eq3A : i32
      %jit3A_28 = arith.constant 1 : i32
      %select_n3A_29 = arith.select %eq3A_27, %jit3A_28, %jit3A_26 : i32
      %rem3A_30 = arith.remsi %add3A_9, %select_n3A_29 : i32
      %ne3A_31 = arith.constant 0 : i32
      %ne3A_32 = arith.cmpi ne, %rem3A_30, %ne3A_31 : i32
      %lt3A = arith.constant 0 : i32
      %lt3A_33 = arith.cmpi slt, %rem3A_30, %lt3A : i32
      %lt3A_34 = arith.constant 0 : i32
      %lt3A_35 = arith.cmpi slt, %select_n3A_29, %lt3A_34 : i32
      %ne3A_36 = arith.xori %lt3A_33, %lt3A_35 : i1
      %and3A_37 = arith.andi %ne3A_36, %ne3A_32 : i1
      %add3A_38 = arith.addi %rem3A_30, %select_n3A_29 : i32
      %select_n3A_39 = arith.select %and3A_37, %add3A_38, %rem3A_30 : i32
      "tpu.region"() ({
        %run_scoped3A = tpu.sem_alloc : memref<!tpu.dma_semaphore, #tpu.memory_space<semaphore_mem>>
        %dma_start3A = arith.constant 0 : i32
        %dma_start3A_46 = tpu.memref_slice %arg3[%select_n3A, %dma_start3A] : memref<26x4096xi32, #tpu.memory_space<hbm>> -> memref<1x4096xi32, #tpu.memory_space<hbm>>
        %dma_start3A_47 = tpu.memref_squeeze %dma_start3A_46 : memref<1x4096xi32, #tpu.memory_space<hbm>> -> memref<4096xi32, #tpu.memory_space<hbm>>
        %dma_start3A_48 = arith.constant 0 : i32
        %dma_start3A_49 = tpu.memref_slice %arg3[%select_n3A, %dma_start3A_48] : memref<26x4096xi32, #tpu.memory_space<hbm>> -> memref<1x4096xi32, #tpu.memory_space<hbm>>
        %dma_start3A_50 = tpu.memref_squeeze %dma_start3A_49 : memref<1x4096xi32, #tpu.memory_space<hbm>> -> memref<4096xi32, #tpu.memory_space<hbm>>
        tpu.enqueue_dma source(%dma_start3A_50 : memref<4096xi32, #tpu.memory_space<hbm>>) target(%arg6 : memref<4096xi32, #tpu.memory_space<vmem>>) target_semaphore(%run_scoped3A : memref<!tpu.dma_semaphore, #tpu.memory_space<semaphore_mem>>)
        %dma_wait3A = arith.constant 0 : i32
        %dma_wait3A_51 = tpu.memref_slice %arg3[%select_n3A, %dma_wait3A] : memref<26x4096xi32, #tpu.memory_space<hbm>> -> memref<1x4096xi32, #tpu.memory_space<hbm>>
        %dma_wait3A_52 = tpu.memref_squeeze %dma_wait3A_51 : memref<1x4096xi32, #tpu.memory_space<hbm>> -> memref<4096xi32, #tpu.memory_space<hbm>>
        %dma_wait3A_53 = arith.constant 0 : i32
        %dma_wait3A_54 = tpu.memref_slice %arg3[%select_n3A, %dma_wait3A_53] : memref<26x4096xi32, #tpu.memory_space<hbm>> -> memref<1x4096xi32, #tpu.memory_space<hbm>>
        %dma_wait3A_55 = tpu.memref_squeeze %dma_wait3A_54 : memref<1x4096xi32, #tpu.memory_space<hbm>> -> memref<4096xi32, #tpu.memory_space<hbm>>
        tpu.wait_dma2 semaphore(%run_scoped3A : memref<!tpu.dma_semaphore, #tpu.memory_space<semaphore_mem>>) src(%dma_wait3A_55 : memref<4096xi32, #tpu.memory_space<hbm>>) dst(%arg6 : memref<4096xi32, #tpu.memory_space<vmem>>)
        tpu.yield
      }) : () -> ()
      "tpu.region"() ({
        %run_scoped3A = tpu.sem_alloc : memref<!tpu.dma_semaphore, #tpu.memory_space<semaphore_mem>>
        %dma_start3A = arith.constant 0 : i32
        %dma_start3A_46 = tpu.memref_slice %arg2[%select_n3A, %select_n3A_39, %dma_start3A] : memref<26x32x100000xf32, #tpu.memory_space<hbm>> -> memref<1x1x100000xf32, #tpu.memory_space<hbm>>
        %dma_start3A_47 = tpu.memref_squeeze %dma_start3A_46 : memref<1x1x100000xf32, #tpu.memory_space<hbm>> -> memref<100000xf32, #tpu.memory_space<hbm>>
        %dma_start3A_48 = arith.constant 0 : i32
        %dma_start3A_49 = tpu.memref_slice %arg2[%select_n3A, %select_n3A_39, %dma_start3A_48] : memref<26x32x100000xf32, #tpu.memory_space<hbm>> -> memref<1x1x100000xf32, #tpu.memory_space<hbm>>
        %dma_start3A_50 = tpu.memref_squeeze %dma_start3A_49 : memref<1x1x100000xf32, #tpu.memory_space<hbm>> -> memref<100000xf32, #tpu.memory_space<hbm>>
        tpu.enqueue_dma source(%dma_start3A_50 : memref<100000xf32, #tpu.memory_space<hbm>>) target(%arg5 : memref<100000xf32, #tpu.memory_space<vmem>>) target_semaphore(%run_scoped3A : memref<!tpu.dma_semaphore, #tpu.memory_space<semaphore_mem>>)
        %dma_wait3A = arith.constant 0 : i32
        %dma_wait3A_51 = tpu.memref_slice %arg2[%select_n3A, %select_n3A_39, %dma_wait3A] : memref<26x32x100000xf32, #tpu.memory_space<hbm>> -> memref<1x1x100000xf32, #tpu.memory_space<hbm>>
        %dma_wait3A_52 = tpu.memref_squeeze %dma_wait3A_51 : memref<1x1x100000xf32, #tpu.memory_space<hbm>> -> memref<100000xf32, #tpu.memory_space<hbm>>
        %dma_wait3A_53 = arith.constant 0 : i32
        %dma_wait3A_54 = tpu.memref_slice %arg2[%select_n3A, %select_n3A_39, %dma_wait3A_53] : memref<26x32x100000xf32, #tpu.memory_space<hbm>> -> memref<1x1x100000xf32, #tpu.memory_space<hbm>>
        %dma_wait3A_55 = tpu.memref_squeeze %dma_wait3A_54 : memref<1x1x100000xf32, #tpu.memory_space<hbm>> -> memref<100000xf32, #tpu.memory_space<hbm>>
        tpu.wait_dma2 semaphore(%run_scoped3A : memref<!tpu.dma_semaphore, #tpu.memory_space<semaphore_mem>>) src(%dma_wait3A_55 : memref<100000xf32, #tpu.memory_space<hbm>>) dst(%arg5 : memref<100000xf32, #tpu.memory_space<vmem>>)
        tpu.yield
      }) : () -> ()
      %scan3A_40 = arith.constant 0 : i32
      %scan3A_41 = arith.constant 0 : i32
      %scan3A_42 = arith.constant 256 : i32
      %scan3A_43 = arith.addi %scan3A_41, %scan3A_42 : i32
      %scan3A_44 = arith.constant 4 : i32
      scf.for %scan3A_46 = %scan3A_41 to %scan3A_43 step %scan3A_44  : i32 {
        %mul3A_47 = arith.constant 16 : i32
        %mul3A_48 = arith.muli %scan3A_46, %mul3A_47 : i32
        %get3A = arith.index_cast %mul3A_48 : i32 to index
        %get3A_49 = tpu.vector_load %arg6[%get3A] {strides = array<i32>} : memref<4096xi32, #tpu.memory_space<vmem>>, vector<16xi32>,
        %gather3A = tpu.vector_load_idx %arg5[%get3A_49] : memref<100000xf32, #tpu.memory_space<vmem>>[vector<16xi32>], vector<16xf32>,
        %mul3A_50 = arith.constant 16 : i32
        %mul3A_51 = arith.muli %scan3A_46, %mul3A_50 : i32
        %swap3A = arith.index_cast %mul3A_51 : i32 to index
        %swap3A_52 = tpu.vector_load %arg7[%swap3A] {strides = array<i32>} : memref<4096xf32, #tpu.memory_space<vmem>>, vector<16xf32>,
        tpu.vector_store %arg7[%swap3A], %gather3A {strides = array<i32>} : memref<4096xf32, #tpu.memory_space<vmem>>, vector<16xf32>,
        %scan3A_53 = arith.constant 1 : i32
        %scan3A_54 = arith.addi %scan3A_46, %scan3A_53 : i32
        %mul3A_55 = arith.constant 16 : i32
        %mul3A_56 = arith.muli %scan3A_54, %mul3A_55 : i32
        %get3A_57 = arith.index_cast %mul3A_56 : i32 to index
        %get3A_58 = tpu.vector_load %arg6[%get3A_57] {strides = array<i32>} : memref<4096xi32, #tpu.memory_space<vmem>>, vector<16xi32>,
        %gather3A_59 = tpu.vector_load_idx %arg5[%get3A_58] : memref<100000xf32, #tpu.memory_space<vmem>>[vector<16xi32>], vector<16xf32>,
        %mul3A_60 = arith.constant 16 : i32
        %mul3A_61 = arith.muli %scan3A_54, %mul3A_60 : i32
        %swap3A_62 = arith.index_cast %mul3A_61 : i32 to index
        %swap3A_63 = tpu.vector_load %arg7[%swap3A_62] {strides = array<i32>} : memref<4096xf32, #tpu.memory_space<vmem>>, vector<16xf32>,
        tpu.vector_store %arg7[%swap3A_62], %gather3A_59 {strides = array<i32>} : memref<4096xf32, #tpu.memory_space<vmem>>, vector<16xf32>,
        %scan3A_64 = arith.constant 2 : i32
        %scan3A_65 = arith.addi %scan3A_46, %scan3A_64 : i32
        %mul3A_66 = arith.constant 16 : i32
        %mul3A_67 = arith.muli %scan3A_65, %mul3A_66 : i32
        %get3A_68 = arith.index_cast %mul3A_67 : i32 to index
        %get3A_69 = tpu.vector_load %arg6[%get3A_68] {strides = array<i32>} : memref<4096xi32, #tpu.memory_space<vmem>>, vector<16xi32>,
        %gather3A_70 = tpu.vector_load_idx %arg5[%get3A_69] : memref<100000xf32, #tpu.memory_space<vmem>>[vector<16xi32>], vector<16xf32>,
        %mul3A_71 = arith.constant 16 : i32
        %mul3A_72 = arith.muli %scan3A_65, %mul3A_71 : i32
        %swap3A_73 = arith.index_cast %mul3A_72 : i32 to index
        %swap3A_74 = tpu.vector_load %arg7[%swap3A_73] {strides = array<i32>} : memref<4096xf32, #tpu.memory_space<vmem>>, vector<16xf32>,
        tpu.vector_store %arg7[%swap3A_73], %gather3A_70 {strides = array<i32>} : memref<4096xf32, #tpu.memory_space<vmem>>, vector<16xf32>,
        %scan3A_75 = arith.constant 3 : i32
        %scan3A_76 = arith.addi %scan3A_46, %scan3A_75 : i32
        %mul3A_77 = arith.constant 16 : i32
        %mul3A_78 = arith.muli %scan3A_76, %mul3A_77 : i32
        %get3A_79 = arith.index_cast %mul3A_78 : i32 to index
        %get3A_80 = tpu.vector_load %arg6[%get3A_79] {strides = array<i32>} : memref<4096xi32, #tpu.memory_space<vmem>>, vector<16xi32>,
        %gather3A_81 = tpu.vector_load_idx %arg5[%get3A_80] : memref<100000xf32, #tpu.memory_space<vmem>>[vector<16xi32>], vector<16xf32>,
        %mul3A_82 = arith.constant 16 : i32
        %mul3A_83 = arith.muli %scan3A_76, %mul3A_82 : i32
        %swap3A_84 = arith.index_cast %mul3A_83 : i32 to index
        %swap3A_85 = tpu.vector_load %arg7[%swap3A_84] {strides = array<i32>} : memref<4096xf32, #tpu.memory_space<vmem>>, vector<16xf32>,
        tpu.vector_store %arg7[%swap3A_84], %gather3A_81 {strides = array<i32>} : memref<4096xf32, #tpu.memory_space<vmem>>, vector<16xf32>,
      }
      %scan3A_45 = arith.constant 256 : i32
      "tpu.region"() ({
        %run_scoped3A = tpu.sem_alloc : memref<!tpu.dma_semaphore, #tpu.memory_space<semaphore_mem>>
        %dma_start3A = arith.constant 0 : i32
        %dma_start3A_46 = tpu.memref_slice %arg4[%add3A_9, %dma_start3A] : memref<832x4096xf32, #tpu.memory_space<hbm>> -> memref<1x4096xf32, #tpu.memory_space<hbm>>
        %dma_start3A_47 = tpu.memref_squeeze %dma_start3A_46 : memref<1x4096xf32, #tpu.memory_space<hbm>> -> memref<4096xf32, #tpu.memory_space<hbm>>
        %dma_start3A_48 = arith.constant 0 : i32
        %dma_start3A_49 = tpu.memref_slice %arg4[%add3A_9, %dma_start3A_48] : memref<832x4096xf32, #tpu.memory_space<hbm>> -> memref<1x4096xf32, #tpu.memory_space<hbm>>
        %dma_start3A_50 = tpu.memref_squeeze %dma_start3A_49 : memref<1x4096xf32, #tpu.memory_space<hbm>> -> memref<4096xf32, #tpu.memory_space<hbm>>
        tpu.enqueue_dma source(%arg7 : memref<4096xf32, #tpu.memory_space<vmem>>) target(%dma_start3A_50 : memref<4096xf32, #tpu.memory_space<hbm>>) target_semaphore(%run_scoped3A : memref<!tpu.dma_semaphore, #tpu.memory_space<semaphore_mem>>)
        %dma_wait3A = arith.constant 0 : i32
        %dma_wait3A_51 = tpu.memref_slice %arg4[%add3A_9, %dma_wait3A] : memref<832x4096xf32, #tpu.memory_space<hbm>> -> memref<1x4096xf32, #tpu.memory_space<hbm>>
        %dma_wait3A_52 = tpu.memref_squeeze %dma_wait3A_51 : memref<1x4096xf32, #tpu.memory_space<hbm>> -> memref<4096xf32, #tpu.memory_space<hbm>>
        %dma_wait3A_53 = arith.constant 0 : i32
        %dma_wait3A_54 = tpu.memref_slice %arg4[%add3A_9, %dma_wait3A_53] : memref<832x4096xf32, #tpu.memory_space<hbm>> -> memref<1x4096xf32, #tpu.memory_space<hbm>>
        %dma_wait3A_55 = tpu.memref_squeeze %dma_wait3A_54 : memref<1x4096xf32, #tpu.memory_space<hbm>> -> memref<4096xf32, #tpu.memory_space<hbm>>
        tpu.wait_dma2 semaphore(%run_scoped3A : memref<!tpu.dma_semaphore, #tpu.memory_space<semaphore_mem>>) src(%arg7 : memref<4096xf32, #tpu.memory_space<vmem>>) dst(%dma_wait3A_55 : memref<4096xf32, #tpu.memory_space<hbm>>)
        tpu.yield
      }) : () -> ()
    }
    %scan3A_7 = arith.constant 26 : i32
    return
  }
}

module attributes {stable_mosaic.version = 14 : i64} {
  func.func @_tc_body(%arg0: i32, %arg1: memref<13x256xf32, #tpu.memory_space<vmem>>, %arg2: memref<832x256xf32, #tpu.memory_space<vmem>>, %arg3: memref<512x13xf32, #tpu.memory_space<vmem>>, %arg4: memref<512x1xf32, #tpu.memory_space<vmem>>, %arg5: memref<256x512xf32, #tpu.memory_space<vmem>>, %arg6: memref<256x1xf32, #tpu.memory_space<vmem>>, %arg7: memref<32x256xf32, #tpu.memory_space<vmem>>, %arg8: memref<32x1xf32, #tpu.memory_space<vmem>>, %arg9: memref<1024x384xf32, #tpu.memory_space<vmem>>, %arg10: memref<1024x1xf32, #tpu.memory_space<vmem>>, %arg11: memref<1024x1024xf32, #tpu.memory_space<vmem>>, %arg12: memref<1024x1xf32, #tpu.memory_space<vmem>>, %arg13: memref<512x1024xf32, #tpu.memory_space<vmem>>, %arg14: memref<512x1xf32, #tpu.memory_space<vmem>>, %arg15: memref<256x512xf32, #tpu.memory_space<vmem>>, %arg16: memref<256x1xf32, #tpu.memory_space<vmem>>, %arg17: memref<1x256xf32, #tpu.memory_space<vmem>>, %arg18: memref<1x1xf32, #tpu.memory_space<vmem>>, %arg19: memref<1x256xf32, #tpu.memory_space<vmem>>, %arg20: memref<384x256xf32, #tpu.memory_space<vmem>>) attributes {dimension_semantics = [#tpu.dimension_semantics<arbitrary>], iteration_bounds = array<i64: 16>, scalar_prefetch = 0 : i64, scratch_operands = 1 : i64, tpu.core_type = #tpu.core_type<tc>, window_params = [{transform_indices = @transform_0, window_bounds = array<i64: 13, 256>}, {transform_indices = @transform_1, window_bounds = array<i64: 832, 256>}, {pipeline_mode = #tpu.pipeline_mode<synchronous>, transform_indices = @transform_2, window_bounds = array<i64: 512, 13>}, {pipeline_mode = #tpu.pipeline_mode<synchronous>, transform_indices = @transform_3, window_bounds = array<i64: 512, 1>}, {pipeline_mode = #tpu.pipeline_mode<synchronous>, transform_indices = @transform_4, window_bounds = array<i64: 256, 512>}, {pipeline_mode = #tpu.pipeline_mode<synchronous>, transform_indices = @transform_5, window_bounds = array<i64: 256, 1>}, {pipeline_mode = #tpu.pipeline_mode<synchronous>, transform_indices = @transform_6, window_bounds = array<i64: 32, 256>}, {pipeline_mode = #tpu.pipeline_mode<synchronous>, transform_indices = @transform_7, window_bounds = array<i64: 32, 1>}, {pipeline_mode = #tpu.pipeline_mode<synchronous>, transform_indices = @transform_8, window_bounds = array<i64: 1024, 384>}, {pipeline_mode = #tpu.pipeline_mode<synchronous>, transform_indices = @transform_9, window_bounds = array<i64: 1024, 1>}, {pipeline_mode = #tpu.pipeline_mode<synchronous>, transform_indices = @transform_10, window_bounds = array<i64: 1024, 1024>}, {pipeline_mode = #tpu.pipeline_mode<synchronous>, transform_indices = @transform_11, window_bounds = array<i64: 1024, 1>}, {pipeline_mode = #tpu.pipeline_mode<synchronous>, transform_indices = @transform_12, window_bounds = array<i64: 512, 1024>}, {pipeline_mode = #tpu.pipeline_mode<synchronous>, transform_indices = @transform_13, window_bounds = array<i64: 512, 1>}, {pipeline_mode = #tpu.pipeline_mode<synchronous>, transform_indices = @transform_14, window_bounds = array<i64: 256, 512>}, {pipeline_mode = #tpu.pipeline_mode<synchronous>, transform_indices = @transform_15, window_bounds = array<i64: 256, 1>}, {pipeline_mode = #tpu.pipeline_mode<synchronous>, transform_indices = @transform_16, window_bounds = array<i64: 1, 256>}, {pipeline_mode = #tpu.pipeline_mode<synchronous>, transform_indices = @transform_17, window_bounds = array<i64: 1, 1>}, {transform_indices = @transform_18, window_bounds = array<i64: 1, 256>}]} {
    %get3A = arith.constant 0 : index
    %get3A_0 = arith.constant 0 : index
    %get3A_1 = vector.load %arg1[%get3A, %get3A_0] : memref<13x256xf32, #tpu.memory_space<vmem>>, vector<13x256xf32>
    %get3A_2 = arith.constant 0 : index
    %get3A_3 = arith.constant 0 : index
    %get3A_4 = vector.load %arg3[%get3A_2, %get3A_3] : memref<512x13xf32, #tpu.memory_space<vmem>>, vector<512x13xf32>
    %dot_general3A = arith.constant dense<0.000000e+00> : vector<512x256xf32>
    %dot_general3A_5 = tpu.matmul %get3A_4, %get3A_1, %dot_general3A {dimension_numbers = #tpu.dot_dimension_numbers<[1], [0], [0], [1], [0, 0, 1, 1], [], []>, transpose_lhs_hint = false} : vector<512x13xf32>, vector<13x256xf32>, vector<512x256xf32> -> vector<512x256xf32>
    %get3A_6 = arith.constant 0 : index
    %get3A_7 = arith.constant 0 : index
    %get3A_8 = vector.load %arg4[%get3A_6, %get3A_7] : memref<512x1xf32, #tpu.memory_space<vmem>>, vector<512x1xf32>
    %add3A = vector.broadcast %get3A_8 : vector<512x1xf32> to vector<512x256xf32>
    %add3A_9 = arith.addf %dot_general3A_5, %add3A : vector<512x256xf32>
    %max3A = arith.constant 0.000000e+00 : f32
    %max3A_10 = vector.broadcast %max3A : f32 to vector<512x256xf32>
    %max3A_11 = arith.maximumf %add3A_9, %max3A_10 : vector<512x256xf32>
    %get3A_12 = arith.constant 0 : index
    %get3A_13 = arith.constant 0 : index
    %get3A_14 = vector.load %arg5[%get3A_12, %get3A_13] : memref<256x512xf32, #tpu.memory_space<vmem>>, vector<256x512xf32>
    %dot_general3A_15 = arith.constant dense<0.000000e+00> : vector<256x256xf32>
    %dot_general3A_16 = tpu.matmul %get3A_14, %max3A_11, %dot_general3A_15 {dimension_numbers = #tpu.dot_dimension_numbers<[1], [0], [0], [1], [0, 0, 1, 1], [], []>, transpose_lhs_hint = false} : vector<256x512xf32>, vector<512x256xf32>, vector<256x256xf32> -> vector<256x256xf32>
    %get3A_17 = arith.constant 0 : index
    %get3A_18 = arith.constant 0 : index
    %get3A_19 = vector.load %arg6[%get3A_17, %get3A_18] : memref<256x1xf32, #tpu.memory_space<vmem>>, vector<256x1xf32>
    %add3A_20 = vector.broadcast %get3A_19 : vector<256x1xf32> to vector<256x256xf32>
    %add3A_21 = arith.addf %dot_general3A_16, %add3A_20 : vector<256x256xf32>
    %max3A_22 = arith.constant 0.000000e+00 : f32
    %max3A_23 = vector.broadcast %max3A_22 : f32 to vector<256x256xf32>
    %max3A_24 = arith.maximumf %add3A_21, %max3A_23 : vector<256x256xf32>
    %get3A_25 = arith.constant 0 : index
    %get3A_26 = arith.constant 0 : index
    %get3A_27 = vector.load %arg7[%get3A_25, %get3A_26] : memref<32x256xf32, #tpu.memory_space<vmem>>, vector<32x256xf32>
    %dot_general3A_28 = arith.constant dense<0.000000e+00> : vector<32x256xf32>
    %dot_general3A_29 = tpu.matmul %get3A_27, %max3A_24, %dot_general3A_28 {dimension_numbers = #tpu.dot_dimension_numbers<[1], [0], [0], [1], [0, 0, 1, 1], [], []>, transpose_lhs_hint = false} : vector<32x256xf32>, vector<256x256xf32>, vector<32x256xf32> -> vector<32x256xf32>
    %get3A_30 = arith.constant 0 : index
    %get3A_31 = arith.constant 0 : index
    %get3A_32 = vector.load %arg8[%get3A_30, %get3A_31] : memref<32x1xf32, #tpu.memory_space<vmem>>, vector<32x1xf32>
    %add3A_33 = vector.broadcast %get3A_32 : vector<32x1xf32> to vector<32x256xf32>
    %add3A_34 = arith.addf %dot_general3A_29, %add3A_33 : vector<32x256xf32>
    %max3A_35 = arith.constant 0.000000e+00 : f32
    %max3A_36 = vector.broadcast %max3A_35 : f32 to vector<32x256xf32>
    %max3A_37 = arith.maximumf %add3A_34, %max3A_36 : vector<32x256xf32>
    %get3A_38 = arith.constant 0 : index
    %get3A_39 = arith.constant 0 : index
    %get3A_40 = vector.load %arg2[%get3A_38, %get3A_39] : memref<832x256xf32, #tpu.memory_space<vmem>>, vector<32x256xf32>
    %get3A_41 = arith.constant 32 : index
    %get3A_42 = arith.constant 0 : index
    %get3A_43 = vector.load %arg2[%get3A_41, %get3A_42] : memref<832x256xf32, #tpu.memory_space<vmem>>, vector<32x256xf32>
    %get3A_44 = arith.constant 64 : index
    %get3A_45 = arith.constant 0 : index
    %get3A_46 = vector.load %arg2[%get3A_44, %get3A_45] : memref<832x256xf32, #tpu.memory_space<vmem>>, vector<32x256xf32>
    %get3A_47 = arith.constant 96 : index
    %get3A_48 = arith.constant 0 : index
    %get3A_49 = vector.load %arg2[%get3A_47, %get3A_48] : memref<832x256xf32, #tpu.memory_space<vmem>>, vector<32x256xf32>
    %get3A_50 = arith.constant 128 : index
    %get3A_51 = arith.constant 0 : index
    %get3A_52 = vector.load %arg2[%get3A_50, %get3A_51] : memref<832x256xf32, #tpu.memory_space<vmem>>, vector<32x256xf32>
    %get3A_53 = arith.constant 160 : index
    %get3A_54 = arith.constant 0 : index
    %get3A_55 = vector.load %arg2[%get3A_53, %get3A_54] : memref<832x256xf32, #tpu.memory_space<vmem>>, vector<32x256xf32>
    %get3A_56 = arith.constant 192 : index
    %get3A_57 = arith.constant 0 : index
    %get3A_58 = vector.load %arg2[%get3A_56, %get3A_57] : memref<832x256xf32, #tpu.memory_space<vmem>>, vector<32x256xf32>
    %get3A_59 = arith.constant 224 : index
    %get3A_60 = arith.constant 0 : index
    %get3A_61 = vector.load %arg2[%get3A_59, %get3A_60] : memref<832x256xf32, #tpu.memory_space<vmem>>, vector<32x256xf32>
    %get3A_62 = arith.constant 256 : index
    %get3A_63 = arith.constant 0 : index
    %get3A_64 = vector.load %arg2[%get3A_62, %get3A_63] : memref<832x256xf32, #tpu.memory_space<vmem>>, vector<32x256xf32>
    %get3A_65 = arith.constant 288 : index
    %get3A_66 = arith.constant 0 : index
    %get3A_67 = vector.load %arg2[%get3A_65, %get3A_66] : memref<832x256xf32, #tpu.memory_space<vmem>>, vector<32x256xf32>
    %get3A_68 = arith.constant 320 : index
    %get3A_69 = arith.constant 0 : index
    %get3A_70 = vector.load %arg2[%get3A_68, %get3A_69] : memref<832x256xf32, #tpu.memory_space<vmem>>, vector<32x256xf32>
    %get3A_71 = arith.constant 352 : index
    %get3A_72 = arith.constant 0 : index
    %get3A_73 = vector.load %arg2[%get3A_71, %get3A_72] : memref<832x256xf32, #tpu.memory_space<vmem>>, vector<32x256xf32>
    %get3A_74 = arith.constant 384 : index
    %get3A_75 = arith.constant 0 : index
    %get3A_76 = vector.load %arg2[%get3A_74, %get3A_75] : memref<832x256xf32, #tpu.memory_space<vmem>>, vector<32x256xf32>
    %get3A_77 = arith.constant 416 : index
    %get3A_78 = arith.constant 0 : index
    %get3A_79 = vector.load %arg2[%get3A_77, %get3A_78] : memref<832x256xf32, #tpu.memory_space<vmem>>, vector<32x256xf32>
    %get3A_80 = arith.constant 448 : index
    %get3A_81 = arith.constant 0 : index
    %get3A_82 = vector.load %arg2[%get3A_80, %get3A_81] : memref<832x256xf32, #tpu.memory_space<vmem>>, vector<32x256xf32>
    %get3A_83 = arith.constant 480 : index
    %get3A_84 = arith.constant 0 : index
    %get3A_85 = vector.load %arg2[%get3A_83, %get3A_84] : memref<832x256xf32, #tpu.memory_space<vmem>>, vector<32x256xf32>
    %get3A_86 = arith.constant 512 : index
    %get3A_87 = arith.constant 0 : index
    %get3A_88 = vector.load %arg2[%get3A_86, %get3A_87] : memref<832x256xf32, #tpu.memory_space<vmem>>, vector<32x256xf32>
    %get3A_89 = arith.constant 544 : index
    %get3A_90 = arith.constant 0 : index
    %get3A_91 = vector.load %arg2[%get3A_89, %get3A_90] : memref<832x256xf32, #tpu.memory_space<vmem>>, vector<32x256xf32>
    %get3A_92 = arith.constant 576 : index
    %get3A_93 = arith.constant 0 : index
    %get3A_94 = vector.load %arg2[%get3A_92, %get3A_93] : memref<832x256xf32, #tpu.memory_space<vmem>>, vector<32x256xf32>
    %get3A_95 = arith.constant 608 : index
    %get3A_96 = arith.constant 0 : index
    %get3A_97 = vector.load %arg2[%get3A_95, %get3A_96] : memref<832x256xf32, #tpu.memory_space<vmem>>, vector<32x256xf32>
    %get3A_98 = arith.constant 640 : index
    %get3A_99 = arith.constant 0 : index
    %get3A_100 = vector.load %arg2[%get3A_98, %get3A_99] : memref<832x256xf32, #tpu.memory_space<vmem>>, vector<32x256xf32>
    %get3A_101 = arith.constant 672 : index
    %get3A_102 = arith.constant 0 : index
    %get3A_103 = vector.load %arg2[%get3A_101, %get3A_102] : memref<832x256xf32, #tpu.memory_space<vmem>>, vector<32x256xf32>
    %get3A_104 = arith.constant 704 : index
    %get3A_105 = arith.constant 0 : index
    %get3A_106 = vector.load %arg2[%get3A_104, %get3A_105] : memref<832x256xf32, #tpu.memory_space<vmem>>, vector<32x256xf32>
    %get3A_107 = arith.constant 736 : index
    %get3A_108 = arith.constant 0 : index
    %get3A_109 = vector.load %arg2[%get3A_107, %get3A_108] : memref<832x256xf32, #tpu.memory_space<vmem>>, vector<32x256xf32>
    %get3A_110 = arith.constant 768 : index
    %get3A_111 = arith.constant 0 : index
    %get3A_112 = vector.load %arg2[%get3A_110, %get3A_111] : memref<832x256xf32, #tpu.memory_space<vmem>>, vector<32x256xf32>
    %get3A_113 = arith.constant 800 : index
    %get3A_114 = arith.constant 0 : index
    %get3A_115 = vector.load %arg2[%get3A_113, %get3A_114] : memref<832x256xf32, #tpu.memory_space<vmem>>, vector<32x256xf32>
    %swap3A = arith.constant 0 : index
    %swap3A_116 = arith.constant 0 : index
    %swap3A_117 = vector.load %arg20[%swap3A, %swap3A_116] : memref<384x256xf32, #tpu.memory_space<vmem>>, vector<32x256xf32>
    tpu.vector_store %arg20[%swap3A, %swap3A_116], %max3A_37 {strides = array<i32>} : memref<384x256xf32, #tpu.memory_space<vmem>>, vector<32x256xf32>,
    %mul3A = arith.mulf %get3A_40, %max3A_37 : vector<32x256xf32>
    %reduce_sum3A = arith.constant dense<0.000000e+00> : vector<256xf32>
    %reduce_sum3A_118 = vector.multi_reduction <add>, %mul3A, %reduce_sum3A [0] : vector<32x256xf32> to vector<256xf32>
    %broadcast_in_dim3A = vector.shape_cast %reduce_sum3A_118 : vector<256xf32> to vector<1x256xf32>
    %swap3A_119 = arith.constant 32 : index
    %swap3A_120 = arith.constant 0 : index
    %swap3A_121 = vector.load %arg20[%swap3A_119, %swap3A_120] : memref<384x256xf32, #tpu.memory_space<vmem>>, vector<1x256xf32>
    tpu.vector_store %arg20[%swap3A_119, %swap3A_120], %broadcast_in_dim3A {strides = array<i32>} : memref<384x256xf32, #tpu.memory_space<vmem>>, vector<1x256xf32>,
    %mul3A_122 = arith.mulf %get3A_43, %max3A_37 : vector<32x256xf32>
    %reduce_sum3A_123 = arith.constant dense<0.000000e+00> : vector<256xf32>
    %reduce_sum3A_124 = vector.multi_reduction <add>, %mul3A_122, %reduce_sum3A_123 [0] : vector<32x256xf32> to vector<256xf32>
    %broadcast_in_dim3A_125 = vector.shape_cast %reduce_sum3A_124 : vector<256xf32> to vector<1x256xf32>
    %swap3A_126 = arith.constant 33 : index
    %swap3A_127 = arith.constant 0 : index
    %swap3A_128 = vector.load %arg20[%swap3A_126, %swap3A_127] : memref<384x256xf32, #tpu.memory_space<vmem>>, vector<1x256xf32>
    tpu.vector_store %arg20[%swap3A_126, %swap3A_127], %broadcast_in_dim3A_125 {strides = array<i32>} : memref<384x256xf32, #tpu.memory_space<vmem>>, vector<1x256xf32>,
    %mul3A_129 = arith.mulf %get3A_43, %get3A_40 : vector<32x256xf32>
    %reduce_sum3A_130 = arith.constant dense<0.000000e+00> : vector<256xf32>
    %reduce_sum3A_131 = vector.multi_reduction <add>, %mul3A_129, %reduce_sum3A_130 [0] : vector<32x256xf32> to vector<256xf32>
    %broadcast_in_dim3A_132 = vector.shape_cast %reduce_sum3A_131 : vector<256xf32> to vector<1x256xf32>
    %swap3A_133 = arith.constant 34 : index
    %swap3A_134 = arith.constant 0 : index
    %swap3A_135 = vector.load %arg20[%swap3A_133, %swap3A_134] : memref<384x256xf32, #tpu.memory_space<vmem>>, vector<1x256xf32>
    tpu.vector_store %arg20[%swap3A_133, %swap3A_134], %broadcast_in_dim3A_132 {strides = array<i32>} : memref<384x256xf32, #tpu.memory_space<vmem>>, vector<1x256xf32>,
    %mul3A_136 = arith.mulf %get3A_46, %max3A_37 : vector<32x256xf32>
    %reduce_sum3A_137 = arith.constant dense<0.000000e+00> : vector<256xf32>
    %reduce_sum3A_138 = vector.multi_reduction <add>, %mul3A_136, %reduce_sum3A_137 [0] : vector<32x256xf32> to vector<256xf32>
    %broadcast_in_dim3A_139 = vector.shape_cast %reduce_sum3A_138 : vector<256xf32> to vector<1x256xf32>
    %swap3A_140 = arith.constant 35 : index
    %swap3A_141 = arith.constant 0 : index
    %swap3A_142 = vector.load %arg20[%swap3A_140, %swap3A_141] : memref<384x256xf32, #tpu.memory_space<vmem>>, vector<1x256xf32>
    tpu.vector_store %arg20[%swap3A_140, %swap3A_141], %broadcast_in_dim3A_139 {strides = array<i32>} : memref<384x256xf32, #tpu.memory_space<vmem>>, vector<1x256xf32>,
    %mul3A_143 = arith.mulf %get3A_46, %get3A_40 : vector<32x256xf32>
    %reduce_sum3A_144 = arith.constant dense<0.000000e+00> : vector<256xf32>
    %reduce_sum3A_145 = vector.multi_reduction <add>, %mul3A_143, %reduce_sum3A_144 [0] : vector<32x256xf32> to vector<256xf32>
    %broadcast_in_dim3A_146 = vector.shape_cast %reduce_sum3A_145 : vector<256xf32> to vector<1x256xf32>
    %swap3A_147 = arith.constant 36 : index
    %swap3A_148 = arith.constant 0 : index
    %swap3A_149 = vector.load %arg20[%swap3A_147, %swap3A_148] : memref<384x256xf32, #tpu.memory_space<vmem>>, vector<1x256xf32>
    tpu.vector_store %arg20[%swap3A_147, %swap3A_148], %broadcast_in_dim3A_146 {strides = array<i32>} : memref<384x256xf32, #tpu.memory_space<vmem>>, vector<1x256xf32>,
    %mul3A_150 = arith.mulf %get3A_46, %get3A_43 : vector<32x256xf32>
    %reduce_sum3A_151 = arith.constant dense<0.000000e+00> : vector<256xf32>
    %reduce_sum3A_152 = vector.multi_reduction <add>, %mul3A_150, %reduce_sum3A_151 [0] : vector<32x256xf32> to vector<256xf32>
    %broadcast_in_dim3A_153 = vector.shape_cast %reduce_sum3A_152 : vector<256xf32> to vector<1x256xf32>
    %swap3A_154 = arith.constant 37 : index
    %swap3A_155 = arith.constant 0 : index
    %swap3A_156 = vector.load %arg20[%swap3A_154, %swap3A_155] : memref<384x256xf32, #tpu.memory_space<vmem>>, vector<1x256xf32>
    tpu.vector_store %arg20[%swap3A_154, %swap3A_155], %broadcast_in_dim3A_153 {strides = array<i32>} : memref<384x256xf32, #tpu.memory_space<vmem>>, vector<1x256xf32>,
    %mul3A_157 = arith.mulf %get3A_49, %max3A_37 : vector<32x256xf32>
    %reduce_sum3A_158 = arith.constant dense<0.000000e+00> : vector<256xf32>
    %reduce_sum3A_159 = vector.multi_reduction <add>, %mul3A_157, %reduce_sum3A_158 [0] : vector<32x256xf32> to vector<256xf32>
    %broadcast_in_dim3A_160 = vector.shape_cast %reduce_sum3A_159 : vector<256xf32> to vector<1x256xf32>
    %swap3A_161 = arith.constant 38 : index
    %swap3A_162 = arith.constant 0 : index
    %swap3A_163 = vector.load %arg20[%swap3A_161, %swap3A_162] : memref<384x256xf32, #tpu.memory_space<vmem>>, vector<1x256xf32>
    tpu.vector_store %arg20[%swap3A_161, %swap3A_162], %broadcast_in_dim3A_160 {strides = array<i32>} : memref<384x256xf32, #tpu.memory_space<vmem>>, vector<1x256xf32>,
    %mul3A_164 = arith.mulf %get3A_49, %get3A_40 : vector<32x256xf32>
    %reduce_sum3A_165 = arith.constant dense<0.000000e+00> : vector<256xf32>
    %reduce_sum3A_166 = vector.multi_reduction <add>, %mul3A_164, %reduce_sum3A_165 [0] : vector<32x256xf32> to vector<256xf32>
    %broadcast_in_dim3A_167 = vector.shape_cast %reduce_sum3A_166 : vector<256xf32> to vector<1x256xf32>
    %swap3A_168 = arith.constant 39 : index
    %swap3A_169 = arith.constant 0 : index
    %swap3A_170 = vector.load %arg20[%swap3A_168, %swap3A_169] : memref<384x256xf32, #tpu.memory_space<vmem>>, vector<1x256xf32>
    tpu.vector_store %arg20[%swap3A_168, %swap3A_169], %broadcast_in_dim3A_167 {strides = array<i32>} : memref<384x256xf32, #tpu.memory_space<vmem>>, vector<1x256xf32>,
    %mul3A_171 = arith.mulf %get3A_49, %get3A_43 : vector<32x256xf32>
    %reduce_sum3A_172 = arith.constant dense<0.000000e+00> : vector<256xf32>
    %reduce_sum3A_173 = vector.multi_reduction <add>, %mul3A_171, %reduce_sum3A_172 [0] : vector<32x256xf32> to vector<256xf32>
    %broadcast_in_dim3A_174 = vector.shape_cast %reduce_sum3A_173 : vector<256xf32> to vector<1x256xf32>
    %swap3A_175 = arith.constant 40 : index
    %swap3A_176 = arith.constant 0 : index
    %swap3A_177 = vector.load %arg20[%swap3A_175, %swap3A_176] : memref<384x256xf32, #tpu.memory_space<vmem>>, vector<1x256xf32>
    tpu.vector_store %arg20[%swap3A_175, %swap3A_176], %broadcast_in_dim3A_174 {strides = array<i32>} : memref<384x256xf32, #tpu.memory_space<vmem>>, vector<1x256xf32>,
    %mul3A_178 = arith.mulf %get3A_49, %get3A_46 : vector<32x256xf32>
    %reduce_sum3A_179 = arith.constant dense<0.000000e+00> : vector<256xf32>
    %reduce_sum3A_180 = vector.multi_reduction <add>, %mul3A_178, %reduce_sum3A_179 [0] : vector<32x256xf32> to vector<256xf32>
    %broadcast_in_dim3A_181 = vector.shape_cast %reduce_sum3A_180 : vector<256xf32> to vector<1x256xf32>
    %swap3A_182 = arith.constant 41 : index
    %swap3A_183 = arith.constant 0 : index
    %swap3A_184 = vector.load %arg20[%swap3A_182, %swap3A_183] : memref<384x256xf32, #tpu.memory_space<vmem>>, vector<1x256xf32>
    tpu.vector_store %arg20[%swap3A_182, %swap3A_183], %broadcast_in_dim3A_181 {strides = array<i32>} : memref<384x256xf32, #tpu.memory_space<vmem>>, vector<1x256xf32>,
    %mul3A_185 = arith.mulf %get3A_52, %max3A_37 : vector<32x256xf32>
    %reduce_sum3A_186 = arith.constant dense<0.000000e+00> : vector<256xf32>
    %reduce_sum3A_187 = vector.multi_reduction <add>, %mul3A_185, %reduce_sum3A_186 [0] : vector<32x256xf32> to vector<256xf32>
    %broadcast_in_dim3A_188 = vector.shape_cast %reduce_sum3A_187 : vector<256xf32> to vector<1x256xf32>
    %swap3A_189 = arith.constant 42 : index
    %swap3A_190 = arith.constant 0 : index
    %swap3A_191 = vector.load %arg20[%swap3A_189, %swap3A_190] : memref<384x256xf32, #tpu.memory_space<vmem>>, vector<1x256xf32>
    tpu.vector_store %arg20[%swap3A_189, %swap3A_190], %broadcast_in_dim3A_188 {strides = array<i32>} : memref<384x256xf32, #tpu.memory_space<vmem>>, vector<1x256xf32>,
    %mul3A_192 = arith.mulf %get3A_52, %get3A_40 : vector<32x256xf32>
    %reduce_sum3A_193 = arith.constant dense<0.000000e+00> : vector<256xf32>
    %reduce_sum3A_194 = vector.multi_reduction <add>, %mul3A_192, %reduce_sum3A_193 [0] : vector<32x256xf32> to vector<256xf32>
    %broadcast_in_dim3A_195 = vector.shape_cast %reduce_sum3A_194 : vector<256xf32> to vector<1x256xf32>
    %swap3A_196 = arith.constant 43 : index
    %swap3A_197 = arith.constant 0 : index
    %swap3A_198 = vector.load %arg20[%swap3A_196, %swap3A_197] : memref<384x256xf32, #tpu.memory_space<vmem>>, vector<1x256xf32>
    tpu.vector_store %arg20[%swap3A_196, %swap3A_197], %broadcast_in_dim3A_195 {strides = array<i32>} : memref<384x256xf32, #tpu.memory_space<vmem>>, vector<1x256xf32>,
    %mul3A_199 = arith.mulf %get3A_52, %get3A_43 : vector<32x256xf32>
    %reduce_sum3A_200 = arith.constant dense<0.000000e+00> : vector<256xf32>
    %reduce_sum3A_201 = vector.multi_reduction <add>, %mul3A_199, %reduce_sum3A_200 [0] : vector<32x256xf32> to vector<256xf32>
    %broadcast_in_dim3A_202 = vector.shape_cast %reduce_sum3A_201 : vector<256xf32> to vector<1x256xf32>
    %swap3A_203 = arith.constant 44 : index
    %swap3A_204 = arith.constant 0 : index
    %swap3A_205 = vector.load %arg20[%swap3A_203, %swap3A_204] : memref<384x256xf32, #tpu.memory_space<vmem>>, vector<1x256xf32>
    tpu.vector_store %arg20[%swap3A_203, %swap3A_204], %broadcast_in_dim3A_202 {strides = array<i32>} : memref<384x256xf32, #tpu.memory_space<vmem>>, vector<1x256xf32>,
    %mul3A_206 = arith.mulf %get3A_52, %get3A_46 : vector<32x256xf32>
    %reduce_sum3A_207 = arith.constant dense<0.000000e+00> : vector<256xf32>
    %reduce_sum3A_208 = vector.multi_reduction <add>, %mul3A_206, %reduce_sum3A_207 [0] : vector<32x256xf32> to vector<256xf32>
    %broadcast_in_dim3A_209 = vector.shape_cast %reduce_sum3A_208 : vector<256xf32> to vector<1x256xf32>
    %swap3A_210 = arith.constant 45 : index
    %swap3A_211 = arith.constant 0 : index
    %swap3A_212 = vector.load %arg20[%swap3A_210, %swap3A_211] : memref<384x256xf32, #tpu.memory_space<vmem>>, vector<1x256xf32>
    tpu.vector_store %arg20[%swap3A_210, %swap3A_211], %broadcast_in_dim3A_209 {strides = array<i32>} : memref<384x256xf32, #tpu.memory_space<vmem>>, vector<1x256xf32>,
    %mul3A_213 = arith.mulf %get3A_52, %get3A_49 : vector<32x256xf32>
    %reduce_sum3A_214 = arith.constant dense<0.000000e+00> : vector<256xf32>
    %reduce_sum3A_215 = vector.multi_reduction <add>, %mul3A_213, %reduce_sum3A_214 [0] : vector<32x256xf32> to vector<256xf32>
    %broadcast_in_dim3A_216 = vector.shape_cast %reduce_sum3A_215 : vector<256xf32> to vector<1x256xf32>
    %swap3A_217 = arith.constant 46 : index
    %swap3A_218 = arith.constant 0 : index
    %swap3A_219 = vector.load %arg20[%swap3A_217, %swap3A_218] : memref<384x256xf32, #tpu.memory_space<vmem>>, vector<1x256xf32>
    tpu.vector_store %arg20[%swap3A_217, %swap3A_218], %broadcast_in_dim3A_216 {strides = array<i32>} : memref<384x256xf32, #tpu.memory_space<vmem>>, vector<1x256xf32>,
    %mul3A_220 = arith.mulf %get3A_55, %max3A_37 : vector<32x256xf32>
    %reduce_sum3A_221 = arith.constant dense<0.000000e+00> : vector<256xf32>
    %reduce_sum3A_222 = vector.multi_reduction <add>, %mul3A_220, %reduce_sum3A_221 [0] : vector<32x256xf32> to vector<256xf32>
    %broadcast_in_dim3A_223 = vector.shape_cast %reduce_sum3A_222 : vector<256xf32> to vector<1x256xf32>
    %swap3A_224 = arith.constant 47 : index
    %swap3A_225 = arith.constant 0 : index
    %swap3A_226 = vector.load %arg20[%swap3A_224, %swap3A_225] : memref<384x256xf32, #tpu.memory_space<vmem>>, vector<1x256xf32>
    tpu.vector_store %arg20[%swap3A_224, %swap3A_225], %broadcast_in_dim3A_223 {strides = array<i32>} : memref<384x256xf32, #tpu.memory_space<vmem>>, vector<1x256xf32>,
    %mul3A_227 = arith.mulf %get3A_55, %get3A_40 : vector<32x256xf32>
    %reduce_sum3A_228 = arith.constant dense<0.000000e+00> : vector<256xf32>
    %reduce_sum3A_229 = vector.multi_reduction <add>, %mul3A_227, %reduce_sum3A_228 [0] : vector<32x256xf32> to vector<256xf32>
    %broadcast_in_dim3A_230 = vector.shape_cast %reduce_sum3A_229 : vector<256xf32> to vector<1x256xf32>
    %swap3A_231 = arith.constant 48 : index
    %swap3A_232 = arith.constant 0 : index
    %swap3A_233 = vector.load %arg20[%swap3A_231, %swap3A_232] : memref<384x256xf32, #tpu.memory_space<vmem>>, vector<1x256xf32>
    tpu.vector_store %arg20[%swap3A_231, %swap3A_232], %broadcast_in_dim3A_230 {strides = array<i32>} : memref<384x256xf32, #tpu.memory_space<vmem>>, vector<1x256xf32>,
    %mul3A_234 = arith.mulf %get3A_55, %get3A_43 : vector<32x256xf32>
    %reduce_sum3A_235 = arith.constant dense<0.000000e+00> : vector<256xf32>
    %reduce_sum3A_236 = vector.multi_reduction <add>, %mul3A_234, %reduce_sum3A_235 [0] : vector<32x256xf32> to vector<256xf32>
    %broadcast_in_dim3A_237 = vector.shape_cast %reduce_sum3A_236 : vector<256xf32> to vector<1x256xf32>
    %swap3A_238 = arith.constant 49 : index
    %swap3A_239 = arith.constant 0 : index
    %swap3A_240 = vector.load %arg20[%swap3A_238, %swap3A_239] : memref<384x256xf32, #tpu.memory_space<vmem>>, vector<1x256xf32>
    tpu.vector_store %arg20[%swap3A_238, %swap3A_239], %broadcast_in_dim3A_237 {strides = array<i32>} : memref<384x256xf32, #tpu.memory_space<vmem>>, vector<1x256xf32>,
    %mul3A_241 = arith.mulf %get3A_55, %get3A_46 : vector<32x256xf32>
    %reduce_sum3A_242 = arith.constant dense<0.000000e+00> : vector<256xf32>
    %reduce_sum3A_243 = vector.multi_reduction <add>, %mul3A_241, %reduce_sum3A_242 [0] : vector<32x256xf32> to vector<256xf32>
    %broadcast_in_dim3A_244 = vector.shape_cast %reduce_sum3A_243 : vector<256xf32> to vector<1x256xf32>
    %swap3A_245 = arith.constant 50 : index
    %swap3A_246 = arith.constant 0 : index
    %swap3A_247 = vector.load %arg20[%swap3A_245, %swap3A_246] : memref<384x256xf32, #tpu.memory_space<vmem>>, vector<1x256xf32>
    tpu.vector_store %arg20[%swap3A_245, %swap3A_246], %broadcast_in_dim3A_244 {strides = array<i32>} : memref<384x256xf32, #tpu.memory_space<vmem>>, vector<1x256xf32>,
    %mul3A_248 = arith.mulf %get3A_55, %get3A_49 : vector<32x256xf32>
    %reduce_sum3A_249 = arith.constant dense<0.000000e+00> : vector<256xf32>
    %reduce_sum3A_250 = vector.multi_reduction <add>, %mul3A_248, %reduce_sum3A_249 [0] : vector<32x256xf32> to vector<256xf32>
    %broadcast_in_dim3A_251 = vector.shape_cast %reduce_sum3A_250 : vector<256xf32> to vector<1x256xf32>
    %swap3A_252 = arith.constant 51 : index
    %swap3A_253 = arith.constant 0 : index
    %swap3A_254 = vector.load %arg20[%swap3A_252, %swap3A_253] : memref<384x256xf32, #tpu.memory_space<vmem>>, vector<1x256xf32>
    tpu.vector_store %arg20[%swap3A_252, %swap3A_253], %broadcast_in_dim3A_251 {strides = array<i32>} : memref<384x256xf32, #tpu.memory_space<vmem>>, vector<1x256xf32>,
    %mul3A_255 = arith.mulf %get3A_55, %get3A_52 : vector<32x256xf32>
    %reduce_sum3A_256 = arith.constant dense<0.000000e+00> : vector<256xf32>
    %reduce_sum3A_257 = vector.multi_reduction <add>, %mul3A_255, %reduce_sum3A_256 [0] : vector<32x256xf32> to vector<256xf32>
    %broadcast_in_dim3A_258 = vector.shape_cast %reduce_sum3A_257 : vector<256xf32> to vector<1x256xf32>
    %swap3A_259 = arith.constant 52 : index
    %swap3A_260 = arith.constant 0 : index
    %swap3A_261 = vector.load %arg20[%swap3A_259, %swap3A_260] : memref<384x256xf32, #tpu.memory_space<vmem>>, vector<1x256xf32>
    tpu.vector_store %arg20[%swap3A_259, %swap3A_260], %broadcast_in_dim3A_258 {strides = array<i32>} : memref<384x256xf32, #tpu.memory_space<vmem>>, vector<1x256xf32>,
    %mul3A_262 = arith.mulf %get3A_58, %max3A_37 : vector<32x256xf32>
    %reduce_sum3A_263 = arith.constant dense<0.000000e+00> : vector<256xf32>
    %reduce_sum3A_264 = vector.multi_reduction <add>, %mul3A_262, %reduce_sum3A_263 [0] : vector<32x256xf32> to vector<256xf32>
    %broadcast_in_dim3A_265 = vector.shape_cast %reduce_sum3A_264 : vector<256xf32> to vector<1x256xf32>
    %swap3A_266 = arith.constant 53 : index
    %swap3A_267 = arith.constant 0 : index
    %swap3A_268 = vector.load %arg20[%swap3A_266, %swap3A_267] : memref<384x256xf32, #tpu.memory_space<vmem>>, vector<1x256xf32>
    tpu.vector_store %arg20[%swap3A_266, %swap3A_267], %broadcast_in_dim3A_265 {strides = array<i32>} : memref<384x256xf32, #tpu.memory_space<vmem>>, vector<1x256xf32>,
    %mul3A_269 = arith.mulf %get3A_58, %get3A_40 : vector<32x256xf32>
    %reduce_sum3A_270 = arith.constant dense<0.000000e+00> : vector<256xf32>
    %reduce_sum3A_271 = vector.multi_reduction <add>, %mul3A_269, %reduce_sum3A_270 [0] : vector<32x256xf32> to vector<256xf32>
    %broadcast_in_dim3A_272 = vector.shape_cast %reduce_sum3A_271 : vector<256xf32> to vector<1x256xf32>
    %swap3A_273 = arith.constant 54 : index
    %swap3A_274 = arith.constant 0 : index
    %swap3A_275 = vector.load %arg20[%swap3A_273, %swap3A_274] : memref<384x256xf32, #tpu.memory_space<vmem>>, vector<1x256xf32>
    tpu.vector_store %arg20[%swap3A_273, %swap3A_274], %broadcast_in_dim3A_272 {strides = array<i32>} : memref<384x256xf32, #tpu.memory_space<vmem>>, vector<1x256xf32>,
    %mul3A_276 = arith.mulf %get3A_58, %get3A_43 : vector<32x256xf32>
    %reduce_sum3A_277 = arith.constant dense<0.000000e+00> : vector<256xf32>
    %reduce_sum3A_278 = vector.multi_reduction <add>, %mul3A_276, %reduce_sum3A_277 [0] : vector<32x256xf32> to vector<256xf32>
    %broadcast_in_dim3A_279 = vector.shape_cast %reduce_sum3A_278 : vector<256xf32> to vector<1x256xf32>
    %swap3A_280 = arith.constant 55 : index
    %swap3A_281 = arith.constant 0 : index
    %swap3A_282 = vector.load %arg20[%swap3A_280, %swap3A_281] : memref<384x256xf32, #tpu.memory_space<vmem>>, vector<1x256xf32>
    tpu.vector_store %arg20[%swap3A_280, %swap3A_281], %broadcast_in_dim3A_279 {strides = array<i32>} : memref<384x256xf32, #tpu.memory_space<vmem>>, vector<1x256xf32>,
    %mul3A_283 = arith.mulf %get3A_58, %get3A_46 : vector<32x256xf32>
    %reduce_sum3A_284 = arith.constant dense<0.000000e+00> : vector<256xf32>
    %reduce_sum3A_285 = vector.multi_reduction <add>, %mul3A_283, %reduce_sum3A_284 [0] : vector<32x256xf32> to vector<256xf32>
    %broadcast_in_dim3A_286 = vector.shape_cast %reduce_sum3A_285 : vector<256xf32> to vector<1x256xf32>
    %swap3A_287 = arith.constant 56 : index
    %swap3A_288 = arith.constant 0 : index
    %swap3A_289 = vector.load %arg20[%swap3A_287, %swap3A_288] : memref<384x256xf32, #tpu.memory_space<vmem>>, vector<1x256xf32>
    tpu.vector_store %arg20[%swap3A_287, %swap3A_288], %broadcast_in_dim3A_286 {strides = array<i32>} : memref<384x256xf32, #tpu.memory_space<vmem>>, vector<1x256xf32>,
    %mul3A_290 = arith.mulf %get3A_58, %get3A_49 : vector<32x256xf32>
    %reduce_sum3A_291 = arith.constant dense<0.000000e+00> : vector<256xf32>
    %reduce_sum3A_292 = vector.multi_reduction <add>, %mul3A_290, %reduce_sum3A_291 [0] : vector<32x256xf32> to vector<256xf32>
    %broadcast_in_dim3A_293 = vector.shape_cast %reduce_sum3A_292 : vector<256xf32> to vector<1x256xf32>
    %swap3A_294 = arith.constant 57 : index
    %swap3A_295 = arith.constant 0 : index
    %swap3A_296 = vector.load %arg20[%swap3A_294, %swap3A_295] : memref<384x256xf32, #tpu.memory_space<vmem>>, vector<1x256xf32>
    tpu.vector_store %arg20[%swap3A_294, %swap3A_295], %broadcast_in_dim3A_293 {strides = array<i32>} : memref<384x256xf32, #tpu.memory_space<vmem>>, vector<1x256xf32>,
    %mul3A_297 = arith.mulf %get3A_58, %get3A_52 : vector<32x256xf32>
    %reduce_sum3A_298 = arith.constant dense<0.000000e+00> : vector<256xf32>
    %reduce_sum3A_299 = vector.multi_reduction <add>, %mul3A_297, %reduce_sum3A_298 [0] : vector<32x256xf32> to vector<256xf32>
    %broadcast_in_dim3A_300 = vector.shape_cast %reduce_sum3A_299 : vector<256xf32> to vector<1x256xf32>
    %swap3A_301 = arith.constant 58 : index
    %swap3A_302 = arith.constant 0 : index
    %swap3A_303 = vector.load %arg20[%swap3A_301, %swap3A_302] : memref<384x256xf32, #tpu.memory_space<vmem>>, vector<1x256xf32>
    tpu.vector_store %arg20[%swap3A_301, %swap3A_302], %broadcast_in_dim3A_300 {strides = array<i32>} : memref<384x256xf32, #tpu.memory_space<vmem>>, vector<1x256xf32>,
    %mul3A_304 = arith.mulf %get3A_58, %get3A_55 : vector<32x256xf32>
    %reduce_sum3A_305 = arith.constant dense<0.000000e+00> : vector<256xf32>
    %reduce_sum3A_306 = vector.multi_reduction <add>, %mul3A_304, %reduce_sum3A_305 [0] : vector<32x256xf32> to vector<256xf32>
    %broadcast_in_dim3A_307 = vector.shape_cast %reduce_sum3A_306 : vector<256xf32> to vector<1x256xf32>
    %swap3A_308 = arith.constant 59 : index
    %swap3A_309 = arith.constant 0 : index
    %swap3A_310 = vector.load %arg20[%swap3A_308, %swap3A_309] : memref<384x256xf32, #tpu.memory_space<vmem>>, vector<1x256xf32>
    tpu.vector_store %arg20[%swap3A_308, %swap3A_309], %broadcast_in_dim3A_307 {strides = array<i32>} : memref<384x256xf32, #tpu.memory_space<vmem>>, vector<1x256xf32>,
    %mul3A_311 = arith.mulf %get3A_61, %max3A_37 : vector<32x256xf32>
    %reduce_sum3A_312 = arith.constant dense<0.000000e+00> : vector<256xf32>
    %reduce_sum3A_313 = vector.multi_reduction <add>, %mul3A_311, %reduce_sum3A_312 [0] : vector<32x256xf32> to vector<256xf32>
    %broadcast_in_dim3A_314 = vector.shape_cast %reduce_sum3A_313 : vector<256xf32> to vector<1x256xf32>
    %swap3A_315 = arith.constant 60 : index
    %swap3A_316 = arith.constant 0 : index
    %swap3A_317 = vector.load %arg20[%swap3A_315, %swap3A_316] : memref<384x256xf32, #tpu.memory_space<vmem>>, vector<1x256xf32>
    tpu.vector_store %arg20[%swap3A_315, %swap3A_316], %broadcast_in_dim3A_314 {strides = array<i32>} : memref<384x256xf32, #tpu.memory_space<vmem>>, vector<1x256xf32>,
    %mul3A_318 = arith.mulf %get3A_61, %get3A_40 : vector<32x256xf32>
    %reduce_sum3A_319 = arith.constant dense<0.000000e+00> : vector<256xf32>
    %reduce_sum3A_320 = vector.multi_reduction <add>, %mul3A_318, %reduce_sum3A_319 [0] : vector<32x256xf32> to vector<256xf32>
    %broadcast_in_dim3A_321 = vector.shape_cast %reduce_sum3A_320 : vector<256xf32> to vector<1x256xf32>
    %swap3A_322 = arith.constant 61 : index
    %swap3A_323 = arith.constant 0 : index
    %swap3A_324 = vector.load %arg20[%swap3A_322, %swap3A_323] : memref<384x256xf32, #tpu.memory_space<vmem>>, vector<1x256xf32>
    tpu.vector_store %arg20[%swap3A_322, %swap3A_323], %broadcast_in_dim3A_321 {strides = array<i32>} : memref<384x256xf32, #tpu.memory_space<vmem>>, vector<1x256xf32>,
    %mul3A_325 = arith.mulf %get3A_61, %get3A_43 : vector<32x256xf32>
    %reduce_sum3A_326 = arith.constant dense<0.000000e+00> : vector<256xf32>
    %reduce_sum3A_327 = vector.multi_reduction <add>, %mul3A_325, %reduce_sum3A_326 [0] : vector<32x256xf32> to vector<256xf32>
    %broadcast_in_dim3A_328 = vector.shape_cast %reduce_sum3A_327 : vector<256xf32> to vector<1x256xf32>
    %swap3A_329 = arith.constant 62 : index
    %swap3A_330 = arith.constant 0 : index
    %swap3A_331 = vector.load %arg20[%swap3A_329, %swap3A_330] : memref<384x256xf32, #tpu.memory_space<vmem>>, vector<1x256xf32>
    tpu.vector_store %arg20[%swap3A_329, %swap3A_330], %broadcast_in_dim3A_328 {strides = array<i32>} : memref<384x256xf32, #tpu.memory_space<vmem>>, vector<1x256xf32>,
    %mul3A_332 = arith.mulf %get3A_61, %get3A_46 : vector<32x256xf32>
    %reduce_sum3A_333 = arith.constant dense<0.000000e+00> : vector<256xf32>
    %reduce_sum3A_334 = vector.multi_reduction <add>, %mul3A_332, %reduce_sum3A_333 [0] : vector<32x256xf32> to vector<256xf32>
    %broadcast_in_dim3A_335 = vector.shape_cast %reduce_sum3A_334 : vector<256xf32> to vector<1x256xf32>
    %swap3A_336 = arith.constant 63 : index
    %swap3A_337 = arith.constant 0 : index
    %swap3A_338 = vector.load %arg20[%swap3A_336, %swap3A_337] : memref<384x256xf32, #tpu.memory_space<vmem>>, vector<1x256xf32>
    tpu.vector_store %arg20[%swap3A_336, %swap3A_337], %broadcast_in_dim3A_335 {strides = array<i32>} : memref<384x256xf32, #tpu.memory_space<vmem>>, vector<1x256xf32>,
    %mul3A_339 = arith.mulf %get3A_61, %get3A_49 : vector<32x256xf32>
    %reduce_sum3A_340 = arith.constant dense<0.000000e+00> : vector<256xf32>
    %reduce_sum3A_341 = vector.multi_reduction <add>, %mul3A_339, %reduce_sum3A_340 [0] : vector<32x256xf32> to vector<256xf32>
    %broadcast_in_dim3A_342 = vector.shape_cast %reduce_sum3A_341 : vector<256xf32> to vector<1x256xf32>
    %swap3A_343 = arith.constant 64 : index
    %swap3A_344 = arith.constant 0 : index
    %swap3A_345 = vector.load %arg20[%swap3A_343, %swap3A_344] : memref<384x256xf32, #tpu.memory_space<vmem>>, vector<1x256xf32>
    tpu.vector_store %arg20[%swap3A_343, %swap3A_344], %broadcast_in_dim3A_342 {strides = array<i32>} : memref<384x256xf32, #tpu.memory_space<vmem>>, vector<1x256xf32>,
    %mul3A_346 = arith.mulf %get3A_61, %get3A_52 : vector<32x256xf32>
    %reduce_sum3A_347 = arith.constant dense<0.000000e+00> : vector<256xf32>
    %reduce_sum3A_348 = vector.multi_reduction <add>, %mul3A_346, %reduce_sum3A_347 [0] : vector<32x256xf32> to vector<256xf32>
    %broadcast_in_dim3A_349 = vector.shape_cast %reduce_sum3A_348 : vector<256xf32> to vector<1x256xf32>
    %swap3A_350 = arith.constant 65 : index
    %swap3A_351 = arith.constant 0 : index
    %swap3A_352 = vector.load %arg20[%swap3A_350, %swap3A_351] : memref<384x256xf32, #tpu.memory_space<vmem>>, vector<1x256xf32>
    tpu.vector_store %arg20[%swap3A_350, %swap3A_351], %broadcast_in_dim3A_349 {strides = array<i32>} : memref<384x256xf32, #tpu.memory_space<vmem>>, vector<1x256xf32>,
    %mul3A_353 = arith.mulf %get3A_61, %get3A_55 : vector<32x256xf32>
    %reduce_sum3A_354 = arith.constant dense<0.000000e+00> : vector<256xf32>
    %reduce_sum3A_355 = vector.multi_reduction <add>, %mul3A_353, %reduce_sum3A_354 [0] : vector<32x256xf32> to vector<256xf32>
    %broadcast_in_dim3A_356 = vector.shape_cast %reduce_sum3A_355 : vector<256xf32> to vector<1x256xf32>
    %swap3A_357 = arith.constant 66 : index
    %swap3A_358 = arith.constant 0 : index
    %swap3A_359 = vector.load %arg20[%swap3A_357, %swap3A_358] : memref<384x256xf32, #tpu.memory_space<vmem>>, vector<1x256xf32>
    tpu.vector_store %arg20[%swap3A_357, %swap3A_358], %broadcast_in_dim3A_356 {strides = array<i32>} : memref<384x256xf32, #tpu.memory_space<vmem>>, vector<1x256xf32>,
    %mul3A_360 = arith.mulf %get3A_61, %get3A_58 : vector<32x256xf32>
    %reduce_sum3A_361 = arith.constant dense<0.000000e+00> : vector<256xf32>
    %reduce_sum3A_362 = vector.multi_reduction <add>, %mul3A_360, %reduce_sum3A_361 [0] : vector<32x256xf32> to vector<256xf32>
    %broadcast_in_dim3A_363 = vector.shape_cast %reduce_sum3A_362 : vector<256xf32> to vector<1x256xf32>
    %swap3A_364 = arith.constant 67 : index
    %swap3A_365 = arith.constant 0 : index
    %swap3A_366 = vector.load %arg20[%swap3A_364, %swap3A_365] : memref<384x256xf32, #tpu.memory_space<vmem>>, vector<1x256xf32>
    tpu.vector_store %arg20[%swap3A_364, %swap3A_365], %broadcast_in_dim3A_363 {strides = array<i32>} : memref<384x256xf32, #tpu.memory_space<vmem>>, vector<1x256xf32>,
    %mul3A_367 = arith.mulf %get3A_64, %max3A_37 : vector<32x256xf32>
    %reduce_sum3A_368 = arith.constant dense<0.000000e+00> : vector<256xf32>
    %reduce_sum3A_369 = vector.multi_reduction <add>, %mul3A_367, %reduce_sum3A_368 [0] : vector<32x256xf32> to vector<256xf32>
    %broadcast_in_dim3A_370 = vector.shape_cast %reduce_sum3A_369 : vector<256xf32> to vector<1x256xf32>
    %swap3A_371 = arith.constant 68 : index
    %swap3A_372 = arith.constant 0 : index
    %swap3A_373 = vector.load %arg20[%swap3A_371, %swap3A_372] : memref<384x256xf32, #tpu.memory_space<vmem>>, vector<1x256xf32>
    tpu.vector_store %arg20[%swap3A_371, %swap3A_372], %broadcast_in_dim3A_370 {strides = array<i32>} : memref<384x256xf32, #tpu.memory_space<vmem>>, vector<1x256xf32>,
    %mul3A_374 = arith.mulf %get3A_64, %get3A_40 : vector<32x256xf32>
    %reduce_sum3A_375 = arith.constant dense<0.000000e+00> : vector<256xf32>
    %reduce_sum3A_376 = vector.multi_reduction <add>, %mul3A_374, %reduce_sum3A_375 [0] : vector<32x256xf32> to vector<256xf32>
    %broadcast_in_dim3A_377 = vector.shape_cast %reduce_sum3A_376 : vector<256xf32> to vector<1x256xf32>
    %swap3A_378 = arith.constant 69 : index
    %swap3A_379 = arith.constant 0 : index
    %swap3A_380 = vector.load %arg20[%swap3A_378, %swap3A_379] : memref<384x256xf32, #tpu.memory_space<vmem>>, vector<1x256xf32>
    tpu.vector_store %arg20[%swap3A_378, %swap3A_379], %broadcast_in_dim3A_377 {strides = array<i32>} : memref<384x256xf32, #tpu.memory_space<vmem>>, vector<1x256xf32>,
    %mul3A_381 = arith.mulf %get3A_64, %get3A_43 : vector<32x256xf32>
    %reduce_sum3A_382 = arith.constant dense<0.000000e+00> : vector<256xf32>
    %reduce_sum3A_383 = vector.multi_reduction <add>, %mul3A_381, %reduce_sum3A_382 [0] : vector<32x256xf32> to vector<256xf32>
    %broadcast_in_dim3A_384 = vector.shape_cast %reduce_sum3A_383 : vector<256xf32> to vector<1x256xf32>
    %swap3A_385 = arith.constant 70 : index
    %swap3A_386 = arith.constant 0 : index
    %swap3A_387 = vector.load %arg20[%swap3A_385, %swap3A_386] : memref<384x256xf32, #tpu.memory_space<vmem>>, vector<1x256xf32>
    tpu.vector_store %arg20[%swap3A_385, %swap3A_386], %broadcast_in_dim3A_384 {strides = array<i32>} : memref<384x256xf32, #tpu.memory_space<vmem>>, vector<1x256xf32>,
    %mul3A_388 = arith.mulf %get3A_64, %get3A_46 : vector<32x256xf32>
    %reduce_sum3A_389 = arith.constant dense<0.000000e+00> : vector<256xf32>
    %reduce_sum3A_390 = vector.multi_reduction <add>, %mul3A_388, %reduce_sum3A_389 [0] : vector<32x256xf32> to vector<256xf32>
    %broadcast_in_dim3A_391 = vector.shape_cast %reduce_sum3A_390 : vector<256xf32> to vector<1x256xf32>
    %swap3A_392 = arith.constant 71 : index
    %swap3A_393 = arith.constant 0 : index
    %swap3A_394 = vector.load %arg20[%swap3A_392, %swap3A_393] : memref<384x256xf32, #tpu.memory_space<vmem>>, vector<1x256xf32>
    tpu.vector_store %arg20[%swap3A_392, %swap3A_393], %broadcast_in_dim3A_391 {strides = array<i32>} : memref<384x256xf32, #tpu.memory_space<vmem>>, vector<1x256xf32>,
    %mul3A_395 = arith.mulf %get3A_64, %get3A_49 : vector<32x256xf32>
    %reduce_sum3A_396 = arith.constant dense<0.000000e+00> : vector<256xf32>
    %reduce_sum3A_397 = vector.multi_reduction <add>, %mul3A_395, %reduce_sum3A_396 [0] : vector<32x256xf32> to vector<256xf32>
    %broadcast_in_dim3A_398 = vector.shape_cast %reduce_sum3A_397 : vector<256xf32> to vector<1x256xf32>
    %swap3A_399 = arith.constant 72 : index
    %swap3A_400 = arith.constant 0 : index
    %swap3A_401 = vector.load %arg20[%swap3A_399, %swap3A_400] : memref<384x256xf32, #tpu.memory_space<vmem>>, vector<1x256xf32>
    tpu.vector_store %arg20[%swap3A_399, %swap3A_400], %broadcast_in_dim3A_398 {strides = array<i32>} : memref<384x256xf32, #tpu.memory_space<vmem>>, vector<1x256xf32>,
    %mul3A_402 = arith.mulf %get3A_64, %get3A_52 : vector<32x256xf32>
    %reduce_sum3A_403 = arith.constant dense<0.000000e+00> : vector<256xf32>
    %reduce_sum3A_404 = vector.multi_reduction <add>, %mul3A_402, %reduce_sum3A_403 [0] : vector<32x256xf32> to vector<256xf32>
    %broadcast_in_dim3A_405 = vector.shape_cast %reduce_sum3A_404 : vector<256xf32> to vector<1x256xf32>
    %swap3A_406 = arith.constant 73 : index
    %swap3A_407 = arith.constant 0 : index
    %swap3A_408 = vector.load %arg20[%swap3A_406, %swap3A_407] : memref<384x256xf32, #tpu.memory_space<vmem>>, vector<1x256xf32>
    tpu.vector_store %arg20[%swap3A_406, %swap3A_407], %broadcast_in_dim3A_405 {strides = array<i32>} : memref<384x256xf32, #tpu.memory_space<vmem>>, vector<1x256xf32>,
    %mul3A_409 = arith.mulf %get3A_64, %get3A_55 : vector<32x256xf32>
    %reduce_sum3A_410 = arith.constant dense<0.000000e+00> : vector<256xf32>
    %reduce_sum3A_411 = vector.multi_reduction <add>, %mul3A_409, %reduce_sum3A_410 [0] : vector<32x256xf32> to vector<256xf32>
    %broadcast_in_dim3A_412 = vector.shape_cast %reduce_sum3A_411 : vector<256xf32> to vector<1x256xf32>
    %swap3A_413 = arith.constant 74 : index
    %swap3A_414 = arith.constant 0 : index
    %swap3A_415 = vector.load %arg20[%swap3A_413, %swap3A_414] : memref<384x256xf32, #tpu.memory_space<vmem>>, vector<1x256xf32>
    tpu.vector_store %arg20[%swap3A_413, %swap3A_414], %broadcast_in_dim3A_412 {strides = array<i32>} : memref<384x256xf32, #tpu.memory_space<vmem>>, vector<1x256xf32>,
    %mul3A_416 = arith.mulf %get3A_64, %get3A_58 : vector<32x256xf32>
    %reduce_sum3A_417 = arith.constant dense<0.000000e+00> : vector<256xf32>
    %reduce_sum3A_418 = vector.multi_reduction <add>, %mul3A_416, %reduce_sum3A_417 [0] : vector<32x256xf32> to vector<256xf32>
    %broadcast_in_dim3A_419 = vector.shape_cast %reduce_sum3A_418 : vector<256xf32> to vector<1x256xf32>
    %swap3A_420 = arith.constant 75 : index
    %swap3A_421 = arith.constant 0 : index
    %swap3A_422 = vector.load %arg20[%swap3A_420, %swap3A_421] : memref<384x256xf32, #tpu.memory_space<vmem>>, vector<1x256xf32>
    tpu.vector_store %arg20[%swap3A_420, %swap3A_421], %broadcast_in_dim3A_419 {strides = array<i32>} : memref<384x256xf32, #tpu.memory_space<vmem>>, vector<1x256xf32>,
    %mul3A_423 = arith.mulf %get3A_64, %get3A_61 : vector<32x256xf32>
    %reduce_sum3A_424 = arith.constant dense<0.000000e+00> : vector<256xf32>
    %reduce_sum3A_425 = vector.multi_reduction <add>, %mul3A_423, %reduce_sum3A_424 [0] : vector<32x256xf32> to vector<256xf32>
    %broadcast_in_dim3A_426 = vector.shape_cast %reduce_sum3A_425 : vector<256xf32> to vector<1x256xf32>
    %swap3A_427 = arith.constant 76 : index
    %swap3A_428 = arith.constant 0 : index
    %swap3A_429 = vector.load %arg20[%swap3A_427, %swap3A_428] : memref<384x256xf32, #tpu.memory_space<vmem>>, vector<1x256xf32>
    tpu.vector_store %arg20[%swap3A_427, %swap3A_428], %broadcast_in_dim3A_426 {strides = array<i32>} : memref<384x256xf32, #tpu.memory_space<vmem>>, vector<1x256xf32>,
    %mul3A_430 = arith.mulf %get3A_67, %max3A_37 : vector<32x256xf32>
    %reduce_sum3A_431 = arith.constant dense<0.000000e+00> : vector<256xf32>
    %reduce_sum3A_432 = vector.multi_reduction <add>, %mul3A_430, %reduce_sum3A_431 [0] : vector<32x256xf32> to vector<256xf32>
    %broadcast_in_dim3A_433 = vector.shape_cast %reduce_sum3A_432 : vector<256xf32> to vector<1x256xf32>
    %swap3A_434 = arith.constant 77 : index
    %swap3A_435 = arith.constant 0 : index
    %swap3A_436 = vector.load %arg20[%swap3A_434, %swap3A_435] : memref<384x256xf32, #tpu.memory_space<vmem>>, vector<1x256xf32>
    tpu.vector_store %arg20[%swap3A_434, %swap3A_435], %broadcast_in_dim3A_433 {strides = array<i32>} : memref<384x256xf32, #tpu.memory_space<vmem>>, vector<1x256xf32>,
    %mul3A_437 = arith.mulf %get3A_67, %get3A_40 : vector<32x256xf32>
    %reduce_sum3A_438 = arith.constant dense<0.000000e+00> : vector<256xf32>
    %reduce_sum3A_439 = vector.multi_reduction <add>, %mul3A_437, %reduce_sum3A_438 [0] : vector<32x256xf32> to vector<256xf32>
    %broadcast_in_dim3A_440 = vector.shape_cast %reduce_sum3A_439 : vector<256xf32> to vector<1x256xf32>
    %swap3A_441 = arith.constant 78 : index
    %swap3A_442 = arith.constant 0 : index
    %swap3A_443 = vector.load %arg20[%swap3A_441, %swap3A_442] : memref<384x256xf32, #tpu.memory_space<vmem>>, vector<1x256xf32>
    tpu.vector_store %arg20[%swap3A_441, %swap3A_442], %broadcast_in_dim3A_440 {strides = array<i32>} : memref<384x256xf32, #tpu.memory_space<vmem>>, vector<1x256xf32>,
    %mul3A_444 = arith.mulf %get3A_67, %get3A_43 : vector<32x256xf32>
    %reduce_sum3A_445 = arith.constant dense<0.000000e+00> : vector<256xf32>
    %reduce_sum3A_446 = vector.multi_reduction <add>, %mul3A_444, %reduce_sum3A_445 [0] : vector<32x256xf32> to vector<256xf32>
    %broadcast_in_dim3A_447 = vector.shape_cast %reduce_sum3A_446 : vector<256xf32> to vector<1x256xf32>
    %swap3A_448 = arith.constant 79 : index
    %swap3A_449 = arith.constant 0 : index
    %swap3A_450 = vector.load %arg20[%swap3A_448, %swap3A_449] : memref<384x256xf32, #tpu.memory_space<vmem>>, vector<1x256xf32>
    tpu.vector_store %arg20[%swap3A_448, %swap3A_449], %broadcast_in_dim3A_447 {strides = array<i32>} : memref<384x256xf32, #tpu.memory_space<vmem>>, vector<1x256xf32>,
    %mul3A_451 = arith.mulf %get3A_67, %get3A_46 : vector<32x256xf32>
    %reduce_sum3A_452 = arith.constant dense<0.000000e+00> : vector<256xf32>
    %reduce_sum3A_453 = vector.multi_reduction <add>, %mul3A_451, %reduce_sum3A_452 [0] : vector<32x256xf32> to vector<256xf32>
    %broadcast_in_dim3A_454 = vector.shape_cast %reduce_sum3A_453 : vector<256xf32> to vector<1x256xf32>
    %swap3A_455 = arith.constant 80 : index
    %swap3A_456 = arith.constant 0 : index
    %swap3A_457 = vector.load %arg20[%swap3A_455, %swap3A_456] : memref<384x256xf32, #tpu.memory_space<vmem>>, vector<1x256xf32>
    tpu.vector_store %arg20[%swap3A_455, %swap3A_456], %broadcast_in_dim3A_454 {strides = array<i32>} : memref<384x256xf32, #tpu.memory_space<vmem>>, vector<1x256xf32>,
    %mul3A_458 = arith.mulf %get3A_67, %get3A_49 : vector<32x256xf32>
    %reduce_sum3A_459 = arith.constant dense<0.000000e+00> : vector<256xf32>
    %reduce_sum3A_460 = vector.multi_reduction <add>, %mul3A_458, %reduce_sum3A_459 [0] : vector<32x256xf32> to vector<256xf32>
    %broadcast_in_dim3A_461 = vector.shape_cast %reduce_sum3A_460 : vector<256xf32> to vector<1x256xf32>
    %swap3A_462 = arith.constant 81 : index
    %swap3A_463 = arith.constant 0 : index
    %swap3A_464 = vector.load %arg20[%swap3A_462, %swap3A_463] : memref<384x256xf32, #tpu.memory_space<vmem>>, vector<1x256xf32>
    tpu.vector_store %arg20[%swap3A_462, %swap3A_463], %broadcast_in_dim3A_461 {strides = array<i32>} : memref<384x256xf32, #tpu.memory_space<vmem>>, vector<1x256xf32>,
    %mul3A_465 = arith.mulf %get3A_67, %get3A_52 : vector<32x256xf32>
    %reduce_sum3A_466 = arith.constant dense<0.000000e+00> : vector<256xf32>
    %reduce_sum3A_467 = vector.multi_reduction <add>, %mul3A_465, %reduce_sum3A_466 [0] : vector<32x256xf32> to vector<256xf32>
    %broadcast_in_dim3A_468 = vector.shape_cast %reduce_sum3A_467 : vector<256xf32> to vector<1x256xf32>
    %swap3A_469 = arith.constant 82 : index
    %swap3A_470 = arith.constant 0 : index
    %swap3A_471 = vector.load %arg20[%swap3A_469, %swap3A_470] : memref<384x256xf32, #tpu.memory_space<vmem>>, vector<1x256xf32>
    tpu.vector_store %arg20[%swap3A_469, %swap3A_470], %broadcast_in_dim3A_468 {strides = array<i32>} : memref<384x256xf32, #tpu.memory_space<vmem>>, vector<1x256xf32>,
    %mul3A_472 = arith.mulf %get3A_67, %get3A_55 : vector<32x256xf32>
    %reduce_sum3A_473 = arith.constant dense<0.000000e+00> : vector<256xf32>
    %reduce_sum3A_474 = vector.multi_reduction <add>, %mul3A_472, %reduce_sum3A_473 [0] : vector<32x256xf32> to vector<256xf32>
    %broadcast_in_dim3A_475 = vector.shape_cast %reduce_sum3A_474 : vector<256xf32> to vector<1x256xf32>
    %swap3A_476 = arith.constant 83 : index
    %swap3A_477 = arith.constant 0 : index
    %swap3A_478 = vector.load %arg20[%swap3A_476, %swap3A_477] : memref<384x256xf32, #tpu.memory_space<vmem>>, vector<1x256xf32>
    tpu.vector_store %arg20[%swap3A_476, %swap3A_477], %broadcast_in_dim3A_475 {strides = array<i32>} : memref<384x256xf32, #tpu.memory_space<vmem>>, vector<1x256xf32>,
    %mul3A_479 = arith.mulf %get3A_67, %get3A_58 : vector<32x256xf32>
    %reduce_sum3A_480 = arith.constant dense<0.000000e+00> : vector<256xf32>
    %reduce_sum3A_481 = vector.multi_reduction <add>, %mul3A_479, %reduce_sum3A_480 [0] : vector<32x256xf32> to vector<256xf32>
    %broadcast_in_dim3A_482 = vector.shape_cast %reduce_sum3A_481 : vector<256xf32> to vector<1x256xf32>
    %swap3A_483 = arith.constant 84 : index
    %swap3A_484 = arith.constant 0 : index
    %swap3A_485 = vector.load %arg20[%swap3A_483, %swap3A_484] : memref<384x256xf32, #tpu.memory_space<vmem>>, vector<1x256xf32>
    tpu.vector_store %arg20[%swap3A_483, %swap3A_484], %broadcast_in_dim3A_482 {strides = array<i32>} : memref<384x256xf32, #tpu.memory_space<vmem>>, vector<1x256xf32>,
    %mul3A_486 = arith.mulf %get3A_67, %get3A_61 : vector<32x256xf32>
    %reduce_sum3A_487 = arith.constant dense<0.000000e+00> : vector<256xf32>
    %reduce_sum3A_488 = vector.multi_reduction <add>, %mul3A_486, %reduce_sum3A_487 [0] : vector<32x256xf32> to vector<256xf32>
    %broadcast_in_dim3A_489 = vector.shape_cast %reduce_sum3A_488 : vector<256xf32> to vector<1x256xf32>
    %swap3A_490 = arith.constant 85 : index
    %swap3A_491 = arith.constant 0 : index
    %swap3A_492 = vector.load %arg20[%swap3A_490, %swap3A_491] : memref<384x256xf32, #tpu.memory_space<vmem>>, vector<1x256xf32>
    tpu.vector_store %arg20[%swap3A_490, %swap3A_491], %broadcast_in_dim3A_489 {strides = array<i32>} : memref<384x256xf32, #tpu.memory_space<vmem>>, vector<1x256xf32>,
    %mul3A_493 = arith.mulf %get3A_67, %get3A_64 : vector<32x256xf32>
    %reduce_sum3A_494 = arith.constant dense<0.000000e+00> : vector<256xf32>
    %reduce_sum3A_495 = vector.multi_reduction <add>, %mul3A_493, %reduce_sum3A_494 [0] : vector<32x256xf32> to vector<256xf32>
    %broadcast_in_dim3A_496 = vector.shape_cast %reduce_sum3A_495 : vector<256xf32> to vector<1x256xf32>
    %swap3A_497 = arith.constant 86 : index
    %swap3A_498 = arith.constant 0 : index
    %swap3A_499 = vector.load %arg20[%swap3A_497, %swap3A_498] : memref<384x256xf32, #tpu.memory_space<vmem>>, vector<1x256xf32>
    tpu.vector_store %arg20[%swap3A_497, %swap3A_498], %broadcast_in_dim3A_496 {strides = array<i32>} : memref<384x256xf32, #tpu.memory_space<vmem>>, vector<1x256xf32>,
    %mul3A_500 = arith.mulf %get3A_70, %max3A_37 : vector<32x256xf32>
    %reduce_sum3A_501 = arith.constant dense<0.000000e+00> : vector<256xf32>
    %reduce_sum3A_502 = vector.multi_reduction <add>, %mul3A_500, %reduce_sum3A_501 [0] : vector<32x256xf32> to vector<256xf32>
    %broadcast_in_dim3A_503 = vector.shape_cast %reduce_sum3A_502 : vector<256xf32> to vector<1x256xf32>
    %swap3A_504 = arith.constant 87 : index
    %swap3A_505 = arith.constant 0 : index
    %swap3A_506 = vector.load %arg20[%swap3A_504, %swap3A_505] : memref<384x256xf32, #tpu.memory_space<vmem>>, vector<1x256xf32>
    tpu.vector_store %arg20[%swap3A_504, %swap3A_505], %broadcast_in_dim3A_503 {strides = array<i32>} : memref<384x256xf32, #tpu.memory_space<vmem>>, vector<1x256xf32>,
    %mul3A_507 = arith.mulf %get3A_70, %get3A_40 : vector<32x256xf32>
    %reduce_sum3A_508 = arith.constant dense<0.000000e+00> : vector<256xf32>
    %reduce_sum3A_509 = vector.multi_reduction <add>, %mul3A_507, %reduce_sum3A_508 [0] : vector<32x256xf32> to vector<256xf32>
    %broadcast_in_dim3A_510 = vector.shape_cast %reduce_sum3A_509 : vector<256xf32> to vector<1x256xf32>
    %swap3A_511 = arith.constant 88 : index
    %swap3A_512 = arith.constant 0 : index
    %swap3A_513 = vector.load %arg20[%swap3A_511, %swap3A_512] : memref<384x256xf32, #tpu.memory_space<vmem>>, vector<1x256xf32>
    tpu.vector_store %arg20[%swap3A_511, %swap3A_512], %broadcast_in_dim3A_510 {strides = array<i32>} : memref<384x256xf32, #tpu.memory_space<vmem>>, vector<1x256xf32>,
    %mul3A_514 = arith.mulf %get3A_70, %get3A_43 : vector<32x256xf32>
    %reduce_sum3A_515 = arith.constant dense<0.000000e+00> : vector<256xf32>
    %reduce_sum3A_516 = vector.multi_reduction <add>, %mul3A_514, %reduce_sum3A_515 [0] : vector<32x256xf32> to vector<256xf32>
    %broadcast_in_dim3A_517 = vector.shape_cast %reduce_sum3A_516 : vector<256xf32> to vector<1x256xf32>
    %swap3A_518 = arith.constant 89 : index
    %swap3A_519 = arith.constant 0 : index
    %swap3A_520 = vector.load %arg20[%swap3A_518, %swap3A_519] : memref<384x256xf32, #tpu.memory_space<vmem>>, vector<1x256xf32>
    tpu.vector_store %arg20[%swap3A_518, %swap3A_519], %broadcast_in_dim3A_517 {strides = array<i32>} : memref<384x256xf32, #tpu.memory_space<vmem>>, vector<1x256xf32>,
    %mul3A_521 = arith.mulf %get3A_70, %get3A_46 : vector<32x256xf32>
    %reduce_sum3A_522 = arith.constant dense<0.000000e+00> : vector<256xf32>
    %reduce_sum3A_523 = vector.multi_reduction <add>, %mul3A_521, %reduce_sum3A_522 [0] : vector<32x256xf32> to vector<256xf32>
    %broadcast_in_dim3A_524 = vector.shape_cast %reduce_sum3A_523 : vector<256xf32> to vector<1x256xf32>
    %swap3A_525 = arith.constant 90 : index
    %swap3A_526 = arith.constant 0 : index
    %swap3A_527 = vector.load %arg20[%swap3A_525, %swap3A_526] : memref<384x256xf32, #tpu.memory_space<vmem>>, vector<1x256xf32>
    tpu.vector_store %arg20[%swap3A_525, %swap3A_526], %broadcast_in_dim3A_524 {strides = array<i32>} : memref<384x256xf32, #tpu.memory_space<vmem>>, vector<1x256xf32>,
    %mul3A_528 = arith.mulf %get3A_70, %get3A_49 : vector<32x256xf32>
    %reduce_sum3A_529 = arith.constant dense<0.000000e+00> : vector<256xf32>
    %reduce_sum3A_530 = vector.multi_reduction <add>, %mul3A_528, %reduce_sum3A_529 [0] : vector<32x256xf32> to vector<256xf32>
    %broadcast_in_dim3A_531 = vector.shape_cast %reduce_sum3A_530 : vector<256xf32> to vector<1x256xf32>
    %swap3A_532 = arith.constant 91 : index
    %swap3A_533 = arith.constant 0 : index
    %swap3A_534 = vector.load %arg20[%swap3A_532, %swap3A_533] : memref<384x256xf32, #tpu.memory_space<vmem>>, vector<1x256xf32>
    tpu.vector_store %arg20[%swap3A_532, %swap3A_533], %broadcast_in_dim3A_531 {strides = array<i32>} : memref<384x256xf32, #tpu.memory_space<vmem>>, vector<1x256xf32>,
    %mul3A_535 = arith.mulf %get3A_70, %get3A_52 : vector<32x256xf32>
    %reduce_sum3A_536 = arith.constant dense<0.000000e+00> : vector<256xf32>
    %reduce_sum3A_537 = vector.multi_reduction <add>, %mul3A_535, %reduce_sum3A_536 [0] : vector<32x256xf32> to vector<256xf32>
    %broadcast_in_dim3A_538 = vector.shape_cast %reduce_sum3A_537 : vector<256xf32> to vector<1x256xf32>
    %swap3A_539 = arith.constant 92 : index
    %swap3A_540 = arith.constant 0 : index
    %swap3A_541 = vector.load %arg20[%swap3A_539, %swap3A_540] : memref<384x256xf32, #tpu.memory_space<vmem>>, vector<1x256xf32>
    tpu.vector_store %arg20[%swap3A_539, %swap3A_540], %broadcast_in_dim3A_538 {strides = array<i32>} : memref<384x256xf32, #tpu.memory_space<vmem>>, vector<1x256xf32>,
    %mul3A_542 = arith.mulf %get3A_70, %get3A_55 : vector<32x256xf32>
    %reduce_sum3A_543 = arith.constant dense<0.000000e+00> : vector<256xf32>
    %reduce_sum3A_544 = vector.multi_reduction <add>, %mul3A_542, %reduce_sum3A_543 [0] : vector<32x256xf32> to vector<256xf32>
    %broadcast_in_dim3A_545 = vector.shape_cast %reduce_sum3A_544 : vector<256xf32> to vector<1x256xf32>
    %swap3A_546 = arith.constant 93 : index
    %swap3A_547 = arith.constant 0 : index
    %swap3A_548 = vector.load %arg20[%swap3A_546, %swap3A_547] : memref<384x256xf32, #tpu.memory_space<vmem>>, vector<1x256xf32>
    tpu.vector_store %arg20[%swap3A_546, %swap3A_547], %broadcast_in_dim3A_545 {strides = array<i32>} : memref<384x256xf32, #tpu.memory_space<vmem>>, vector<1x256xf32>,
    %mul3A_549 = arith.mulf %get3A_70, %get3A_58 : vector<32x256xf32>
    %reduce_sum3A_550 = arith.constant dense<0.000000e+00> : vector<256xf32>
    %reduce_sum3A_551 = vector.multi_reduction <add>, %mul3A_549, %reduce_sum3A_550 [0] : vector<32x256xf32> to vector<256xf32>
    %broadcast_in_dim3A_552 = vector.shape_cast %reduce_sum3A_551 : vector<256xf32> to vector<1x256xf32>
    %swap3A_553 = arith.constant 94 : index
    %swap3A_554 = arith.constant 0 : index
    %swap3A_555 = vector.load %arg20[%swap3A_553, %swap3A_554] : memref<384x256xf32, #tpu.memory_space<vmem>>, vector<1x256xf32>
    tpu.vector_store %arg20[%swap3A_553, %swap3A_554], %broadcast_in_dim3A_552 {strides = array<i32>} : memref<384x256xf32, #tpu.memory_space<vmem>>, vector<1x256xf32>,
    %mul3A_556 = arith.mulf %get3A_70, %get3A_61 : vector<32x256xf32>
    %reduce_sum3A_557 = arith.constant dense<0.000000e+00> : vector<256xf32>
    %reduce_sum3A_558 = vector.multi_reduction <add>, %mul3A_556, %reduce_sum3A_557 [0] : vector<32x256xf32> to vector<256xf32>
    %broadcast_in_dim3A_559 = vector.shape_cast %reduce_sum3A_558 : vector<256xf32> to vector<1x256xf32>
    %swap3A_560 = arith.constant 95 : index
    %swap3A_561 = arith.constant 0 : index
    %swap3A_562 = vector.load %arg20[%swap3A_560, %swap3A_561] : memref<384x256xf32, #tpu.memory_space<vmem>>, vector<1x256xf32>
    tpu.vector_store %arg20[%swap3A_560, %swap3A_561], %broadcast_in_dim3A_559 {strides = array<i32>} : memref<384x256xf32, #tpu.memory_space<vmem>>, vector<1x256xf32>,
    %mul3A_563 = arith.mulf %get3A_70, %get3A_64 : vector<32x256xf32>
    %reduce_sum3A_564 = arith.constant dense<0.000000e+00> : vector<256xf32>
    %reduce_sum3A_565 = vector.multi_reduction <add>, %mul3A_563, %reduce_sum3A_564 [0] : vector<32x256xf32> to vector<256xf32>
    %broadcast_in_dim3A_566 = vector.shape_cast %reduce_sum3A_565 : vector<256xf32> to vector<1x256xf32>
    %swap3A_567 = arith.constant 96 : index
    %swap3A_568 = arith.constant 0 : index
    %swap3A_569 = vector.load %arg20[%swap3A_567, %swap3A_568] : memref<384x256xf32, #tpu.memory_space<vmem>>, vector<1x256xf32>
    tpu.vector_store %arg20[%swap3A_567, %swap3A_568], %broadcast_in_dim3A_566 {strides = array<i32>} : memref<384x256xf32, #tpu.memory_space<vmem>>, vector<1x256xf32>,
    %mul3A_570 = arith.mulf %get3A_70, %get3A_67 : vector<32x256xf32>
    %reduce_sum3A_571 = arith.constant dense<0.000000e+00> : vector<256xf32>
    %reduce_sum3A_572 = vector.multi_reduction <add>, %mul3A_570, %reduce_sum3A_571 [0] : vector<32x256xf32> to vector<256xf32>
    %broadcast_in_dim3A_573 = vector.shape_cast %reduce_sum3A_572 : vector<256xf32> to vector<1x256xf32>
    %swap3A_574 = arith.constant 97 : index
    %swap3A_575 = arith.constant 0 : index
    %swap3A_576 = vector.load %arg20[%swap3A_574, %swap3A_575] : memref<384x256xf32, #tpu.memory_space<vmem>>, vector<1x256xf32>
    tpu.vector_store %arg20[%swap3A_574, %swap3A_575], %broadcast_in_dim3A_573 {strides = array<i32>} : memref<384x256xf32, #tpu.memory_space<vmem>>, vector<1x256xf32>,
    %mul3A_577 = arith.mulf %get3A_73, %max3A_37 : vector<32x256xf32>
    %reduce_sum3A_578 = arith.constant dense<0.000000e+00> : vector<256xf32>
    %reduce_sum3A_579 = vector.multi_reduction <add>, %mul3A_577, %reduce_sum3A_578 [0] : vector<32x256xf32> to vector<256xf32>
    %broadcast_in_dim3A_580 = vector.shape_cast %reduce_sum3A_579 : vector<256xf32> to vector<1x256xf32>
    %swap3A_581 = arith.constant 98 : index
    %swap3A_582 = arith.constant 0 : index
    %swap3A_583 = vector.load %arg20[%swap3A_581, %swap3A_582] : memref<384x256xf32, #tpu.memory_space<vmem>>, vector<1x256xf32>
    tpu.vector_store %arg20[%swap3A_581, %swap3A_582], %broadcast_in_dim3A_580 {strides = array<i32>} : memref<384x256xf32, #tpu.memory_space<vmem>>, vector<1x256xf32>,
    %mul3A_584 = arith.mulf %get3A_73, %get3A_40 : vector<32x256xf32>
    %reduce_sum3A_585 = arith.constant dense<0.000000e+00> : vector<256xf32>
    %reduce_sum3A_586 = vector.multi_reduction <add>, %mul3A_584, %reduce_sum3A_585 [0] : vector<32x256xf32> to vector<256xf32>
    %broadcast_in_dim3A_587 = vector.shape_cast %reduce_sum3A_586 : vector<256xf32> to vector<1x256xf32>
    %swap3A_588 = arith.constant 99 : index
    %swap3A_589 = arith.constant 0 : index
    %swap3A_590 = vector.load %arg20[%swap3A_588, %swap3A_589] : memref<384x256xf32, #tpu.memory_space<vmem>>, vector<1x256xf32>
    tpu.vector_store %arg20[%swap3A_588, %swap3A_589], %broadcast_in_dim3A_587 {strides = array<i32>} : memref<384x256xf32, #tpu.memory_space<vmem>>, vector<1x256xf32>,
    %mul3A_591 = arith.mulf %get3A_73, %get3A_43 : vector<32x256xf32>
    %reduce_sum3A_592 = arith.constant dense<0.000000e+00> : vector<256xf32>
    %reduce_sum3A_593 = vector.multi_reduction <add>, %mul3A_591, %reduce_sum3A_592 [0] : vector<32x256xf32> to vector<256xf32>
    %broadcast_in_dim3A_594 = vector.shape_cast %reduce_sum3A_593 : vector<256xf32> to vector<1x256xf32>
    %swap3A_595 = arith.constant 100 : index
    %swap3A_596 = arith.constant 0 : index
    %swap3A_597 = vector.load %arg20[%swap3A_595, %swap3A_596] : memref<384x256xf32, #tpu.memory_space<vmem>>, vector<1x256xf32>
    tpu.vector_store %arg20[%swap3A_595, %swap3A_596], %broadcast_in_dim3A_594 {strides = array<i32>} : memref<384x256xf32, #tpu.memory_space<vmem>>, vector<1x256xf32>,
    %mul3A_598 = arith.mulf %get3A_73, %get3A_46 : vector<32x256xf32>
    %reduce_sum3A_599 = arith.constant dense<0.000000e+00> : vector<256xf32>
    %reduce_sum3A_600 = vector.multi_reduction <add>, %mul3A_598, %reduce_sum3A_599 [0] : vector<32x256xf32> to vector<256xf32>
    %broadcast_in_dim3A_601 = vector.shape_cast %reduce_sum3A_600 : vector<256xf32> to vector<1x256xf32>
    %swap3A_602 = arith.constant 101 : index
    %swap3A_603 = arith.constant 0 : index
    %swap3A_604 = vector.load %arg20[%swap3A_602, %swap3A_603] : memref<384x256xf32, #tpu.memory_space<vmem>>, vector<1x256xf32>
    tpu.vector_store %arg20[%swap3A_602, %swap3A_603], %broadcast_in_dim3A_601 {strides = array<i32>} : memref<384x256xf32, #tpu.memory_space<vmem>>, vector<1x256xf32>,
    %mul3A_605 = arith.mulf %get3A_73, %get3A_49 : vector<32x256xf32>
    %reduce_sum3A_606 = arith.constant dense<0.000000e+00> : vector<256xf32>
    %reduce_sum3A_607 = vector.multi_reduction <add>, %mul3A_605, %reduce_sum3A_606 [0] : vector<32x256xf32> to vector<256xf32>
    %broadcast_in_dim3A_608 = vector.shape_cast %reduce_sum3A_607 : vector<256xf32> to vector<1x256xf32>
    %swap3A_609 = arith.constant 102 : index
    %swap3A_610 = arith.constant 0 : index
    %swap3A_611 = vector.load %arg20[%swap3A_609, %swap3A_610] : memref<384x256xf32, #tpu.memory_space<vmem>>, vector<1x256xf32>
    tpu.vector_store %arg20[%swap3A_609, %swap3A_610], %broadcast_in_dim3A_608 {strides = array<i32>} : memref<384x256xf32, #tpu.memory_space<vmem>>, vector<1x256xf32>,
    %mul3A_612 = arith.mulf %get3A_73, %get3A_52 : vector<32x256xf32>
    %reduce_sum3A_613 = arith.constant dense<0.000000e+00> : vector<256xf32>
    %reduce_sum3A_614 = vector.multi_reduction <add>, %mul3A_612, %reduce_sum3A_613 [0] : vector<32x256xf32> to vector<256xf32>
    %broadcast_in_dim3A_615 = vector.shape_cast %reduce_sum3A_614 : vector<256xf32> to vector<1x256xf32>
    %swap3A_616 = arith.constant 103 : index
    %swap3A_617 = arith.constant 0 : index
    %swap3A_618 = vector.load %arg20[%swap3A_616, %swap3A_617] : memref<384x256xf32, #tpu.memory_space<vmem>>, vector<1x256xf32>
    tpu.vector_store %arg20[%swap3A_616, %swap3A_617], %broadcast_in_dim3A_615 {strides = array<i32>} : memref<384x256xf32, #tpu.memory_space<vmem>>, vector<1x256xf32>,
    %mul3A_619 = arith.mulf %get3A_73, %get3A_55 : vector<32x256xf32>
    %reduce_sum3A_620 = arith.constant dense<0.000000e+00> : vector<256xf32>
    %reduce_sum3A_621 = vector.multi_reduction <add>, %mul3A_619, %reduce_sum3A_620 [0] : vector<32x256xf32> to vector<256xf32>
    %broadcast_in_dim3A_622 = vector.shape_cast %reduce_sum3A_621 : vector<256xf32> to vector<1x256xf32>
    %swap3A_623 = arith.constant 104 : index
    %swap3A_624 = arith.constant 0 : index
    %swap3A_625 = vector.load %arg20[%swap3A_623, %swap3A_624] : memref<384x256xf32, #tpu.memory_space<vmem>>, vector<1x256xf32>
    tpu.vector_store %arg20[%swap3A_623, %swap3A_624], %broadcast_in_dim3A_622 {strides = array<i32>} : memref<384x256xf32, #tpu.memory_space<vmem>>, vector<1x256xf32>,
    %mul3A_626 = arith.mulf %get3A_73, %get3A_58 : vector<32x256xf32>
    %reduce_sum3A_627 = arith.constant dense<0.000000e+00> : vector<256xf32>
    %reduce_sum3A_628 = vector.multi_reduction <add>, %mul3A_626, %reduce_sum3A_627 [0] : vector<32x256xf32> to vector<256xf32>
    %broadcast_in_dim3A_629 = vector.shape_cast %reduce_sum3A_628 : vector<256xf32> to vector<1x256xf32>
    %swap3A_630 = arith.constant 105 : index
    %swap3A_631 = arith.constant 0 : index
    %swap3A_632 = vector.load %arg20[%swap3A_630, %swap3A_631] : memref<384x256xf32, #tpu.memory_space<vmem>>, vector<1x256xf32>
    tpu.vector_store %arg20[%swap3A_630, %swap3A_631], %broadcast_in_dim3A_629 {strides = array<i32>} : memref<384x256xf32, #tpu.memory_space<vmem>>, vector<1x256xf32>,
    %mul3A_633 = arith.mulf %get3A_73, %get3A_61 : vector<32x256xf32>
    %reduce_sum3A_634 = arith.constant dense<0.000000e+00> : vector<256xf32>
    %reduce_sum3A_635 = vector.multi_reduction <add>, %mul3A_633, %reduce_sum3A_634 [0] : vector<32x256xf32> to vector<256xf32>
    %broadcast_in_dim3A_636 = vector.shape_cast %reduce_sum3A_635 : vector<256xf32> to vector<1x256xf32>
    %swap3A_637 = arith.constant 106 : index
    %swap3A_638 = arith.constant 0 : index
    %swap3A_639 = vector.load %arg20[%swap3A_637, %swap3A_638] : memref<384x256xf32, #tpu.memory_space<vmem>>, vector<1x256xf32>
    tpu.vector_store %arg20[%swap3A_637, %swap3A_638], %broadcast_in_dim3A_636 {strides = array<i32>} : memref<384x256xf32, #tpu.memory_space<vmem>>, vector<1x256xf32>,
    %mul3A_640 = arith.mulf %get3A_73, %get3A_64 : vector<32x256xf32>
    %reduce_sum3A_641 = arith.constant dense<0.000000e+00> : vector<256xf32>
    %reduce_sum3A_642 = vector.multi_reduction <add>, %mul3A_640, %reduce_sum3A_641 [0] : vector<32x256xf32> to vector<256xf32>
    %broadcast_in_dim3A_643 = vector.shape_cast %reduce_sum3A_642 : vector<256xf32> to vector<1x256xf32>
    %swap3A_644 = arith.constant 107 : index
    %swap3A_645 = arith.constant 0 : index
    %swap3A_646 = vector.load %arg20[%swap3A_644, %swap3A_645] : memref<384x256xf32, #tpu.memory_space<vmem>>, vector<1x256xf32>
    tpu.vector_store %arg20[%swap3A_644, %swap3A_645], %broadcast_in_dim3A_643 {strides = array<i32>} : memref<384x256xf32, #tpu.memory_space<vmem>>, vector<1x256xf32>,
    %mul3A_647 = arith.mulf %get3A_73, %get3A_67 : vector<32x256xf32>
    %reduce_sum3A_648 = arith.constant dense<0.000000e+00> : vector<256xf32>
    %reduce_sum3A_649 = vector.multi_reduction <add>, %mul3A_647, %reduce_sum3A_648 [0] : vector<32x256xf32> to vector<256xf32>
    %broadcast_in_dim3A_650 = vector.shape_cast %reduce_sum3A_649 : vector<256xf32> to vector<1x256xf32>
    %swap3A_651 = arith.constant 108 : index
    %swap3A_652 = arith.constant 0 : index
    %swap3A_653 = vector.load %arg20[%swap3A_651, %swap3A_652] : memref<384x256xf32, #tpu.memory_space<vmem>>, vector<1x256xf32>
    tpu.vector_store %arg20[%swap3A_651, %swap3A_652], %broadcast_in_dim3A_650 {strides = array<i32>} : memref<384x256xf32, #tpu.memory_space<vmem>>, vector<1x256xf32>,
    %mul3A_654 = arith.mulf %get3A_73, %get3A_70 : vector<32x256xf32>
    %reduce_sum3A_655 = arith.constant dense<0.000000e+00> : vector<256xf32>
    %reduce_sum3A_656 = vector.multi_reduction <add>, %mul3A_654, %reduce_sum3A_655 [0] : vector<32x256xf32> to vector<256xf32>
    %broadcast_in_dim3A_657 = vector.shape_cast %reduce_sum3A_656 : vector<256xf32> to vector<1x256xf32>
    %swap3A_658 = arith.constant 109 : index
    %swap3A_659 = arith.constant 0 : index
    %swap3A_660 = vector.load %arg20[%swap3A_658, %swap3A_659] : memref<384x256xf32, #tpu.memory_space<vmem>>, vector<1x256xf32>
    tpu.vector_store %arg20[%swap3A_658, %swap3A_659], %broadcast_in_dim3A_657 {strides = array<i32>} : memref<384x256xf32, #tpu.memory_space<vmem>>, vector<1x256xf32>,
    %mul3A_661 = arith.mulf %get3A_76, %max3A_37 : vector<32x256xf32>
    %reduce_sum3A_662 = arith.constant dense<0.000000e+00> : vector<256xf32>
    %reduce_sum3A_663 = vector.multi_reduction <add>, %mul3A_661, %reduce_sum3A_662 [0] : vector<32x256xf32> to vector<256xf32>
    %broadcast_in_dim3A_664 = vector.shape_cast %reduce_sum3A_663 : vector<256xf32> to vector<1x256xf32>
    %swap3A_665 = arith.constant 110 : index
    %swap3A_666 = arith.constant 0 : index
    %swap3A_667 = vector.load %arg20[%swap3A_665, %swap3A_666] : memref<384x256xf32, #tpu.memory_space<vmem>>, vector<1x256xf32>
    tpu.vector_store %arg20[%swap3A_665, %swap3A_666], %broadcast_in_dim3A_664 {strides = array<i32>} : memref<384x256xf32, #tpu.memory_space<vmem>>, vector<1x256xf32>,
    %mul3A_668 = arith.mulf %get3A_76, %get3A_40 : vector<32x256xf32>
    %reduce_sum3A_669 = arith.constant dense<0.000000e+00> : vector<256xf32>
    %reduce_sum3A_670 = vector.multi_reduction <add>, %mul3A_668, %reduce_sum3A_669 [0] : vector<32x256xf32> to vector<256xf32>
    %broadcast_in_dim3A_671 = vector.shape_cast %reduce_sum3A_670 : vector<256xf32> to vector<1x256xf32>
    %swap3A_672 = arith.constant 111 : index
    %swap3A_673 = arith.constant 0 : index
    %swap3A_674 = vector.load %arg20[%swap3A_672, %swap3A_673] : memref<384x256xf32, #tpu.memory_space<vmem>>, vector<1x256xf32>
    tpu.vector_store %arg20[%swap3A_672, %swap3A_673], %broadcast_in_dim3A_671 {strides = array<i32>} : memref<384x256xf32, #tpu.memory_space<vmem>>, vector<1x256xf32>,
    %mul3A_675 = arith.mulf %get3A_76, %get3A_43 : vector<32x256xf32>
    %reduce_sum3A_676 = arith.constant dense<0.000000e+00> : vector<256xf32>
    %reduce_sum3A_677 = vector.multi_reduction <add>, %mul3A_675, %reduce_sum3A_676 [0] : vector<32x256xf32> to vector<256xf32>
    %broadcast_in_dim3A_678 = vector.shape_cast %reduce_sum3A_677 : vector<256xf32> to vector<1x256xf32>
    %swap3A_679 = arith.constant 112 : index
    %swap3A_680 = arith.constant 0 : index
    %swap3A_681 = vector.load %arg20[%swap3A_679, %swap3A_680] : memref<384x256xf32, #tpu.memory_space<vmem>>, vector<1x256xf32>
    tpu.vector_store %arg20[%swap3A_679, %swap3A_680], %broadcast_in_dim3A_678 {strides = array<i32>} : memref<384x256xf32, #tpu.memory_space<vmem>>, vector<1x256xf32>,
    %mul3A_682 = arith.mulf %get3A_76, %get3A_46 : vector<32x256xf32>
    %reduce_sum3A_683 = arith.constant dense<0.000000e+00> : vector<256xf32>
    %reduce_sum3A_684 = vector.multi_reduction <add>, %mul3A_682, %reduce_sum3A_683 [0] : vector<32x256xf32> to vector<256xf32>
    %broadcast_in_dim3A_685 = vector.shape_cast %reduce_sum3A_684 : vector<256xf32> to vector<1x256xf32>
    %swap3A_686 = arith.constant 113 : index
    %swap3A_687 = arith.constant 0 : index
    %swap3A_688 = vector.load %arg20[%swap3A_686, %swap3A_687] : memref<384x256xf32, #tpu.memory_space<vmem>>, vector<1x256xf32>
    tpu.vector_store %arg20[%swap3A_686, %swap3A_687], %broadcast_in_dim3A_685 {strides = array<i32>} : memref<384x256xf32, #tpu.memory_space<vmem>>, vector<1x256xf32>,
    %mul3A_689 = arith.mulf %get3A_76, %get3A_49 : vector<32x256xf32>
    %reduce_sum3A_690 = arith.constant dense<0.000000e+00> : vector<256xf32>
    %reduce_sum3A_691 = vector.multi_reduction <add>, %mul3A_689, %reduce_sum3A_690 [0] : vector<32x256xf32> to vector<256xf32>
    %broadcast_in_dim3A_692 = vector.shape_cast %reduce_sum3A_691 : vector<256xf32> to vector<1x256xf32>
    %swap3A_693 = arith.constant 114 : index
    %swap3A_694 = arith.constant 0 : index
    %swap3A_695 = vector.load %arg20[%swap3A_693, %swap3A_694] : memref<384x256xf32, #tpu.memory_space<vmem>>, vector<1x256xf32>
    tpu.vector_store %arg20[%swap3A_693, %swap3A_694], %broadcast_in_dim3A_692 {strides = array<i32>} : memref<384x256xf32, #tpu.memory_space<vmem>>, vector<1x256xf32>,
    %mul3A_696 = arith.mulf %get3A_76, %get3A_52 : vector<32x256xf32>
    %reduce_sum3A_697 = arith.constant dense<0.000000e+00> : vector<256xf32>
    %reduce_sum3A_698 = vector.multi_reduction <add>, %mul3A_696, %reduce_sum3A_697 [0] : vector<32x256xf32> to vector<256xf32>
    %broadcast_in_dim3A_699 = vector.shape_cast %reduce_sum3A_698 : vector<256xf32> to vector<1x256xf32>
    %swap3A_700 = arith.constant 115 : index
    %swap3A_701 = arith.constant 0 : index
    %swap3A_702 = vector.load %arg20[%swap3A_700, %swap3A_701] : memref<384x256xf32, #tpu.memory_space<vmem>>, vector<1x256xf32>
    tpu.vector_store %arg20[%swap3A_700, %swap3A_701], %broadcast_in_dim3A_699 {strides = array<i32>} : memref<384x256xf32, #tpu.memory_space<vmem>>, vector<1x256xf32>,
    %mul3A_703 = arith.mulf %get3A_76, %get3A_55 : vector<32x256xf32>
    %reduce_sum3A_704 = arith.constant dense<0.000000e+00> : vector<256xf32>
    %reduce_sum3A_705 = vector.multi_reduction <add>, %mul3A_703, %reduce_sum3A_704 [0] : vector<32x256xf32> to vector<256xf32>
    %broadcast_in_dim3A_706 = vector.shape_cast %reduce_sum3A_705 : vector<256xf32> to vector<1x256xf32>
    %swap3A_707 = arith.constant 116 : index
    %swap3A_708 = arith.constant 0 : index
    %swap3A_709 = vector.load %arg20[%swap3A_707, %swap3A_708] : memref<384x256xf32, #tpu.memory_space<vmem>>, vector<1x256xf32>
    tpu.vector_store %arg20[%swap3A_707, %swap3A_708], %broadcast_in_dim3A_706 {strides = array<i32>} : memref<384x256xf32, #tpu.memory_space<vmem>>, vector<1x256xf32>,
    %mul3A_710 = arith.mulf %get3A_76, %get3A_58 : vector<32x256xf32>
    %reduce_sum3A_711 = arith.constant dense<0.000000e+00> : vector<256xf32>
    %reduce_sum3A_712 = vector.multi_reduction <add>, %mul3A_710, %reduce_sum3A_711 [0] : vector<32x256xf32> to vector<256xf32>
    %broadcast_in_dim3A_713 = vector.shape_cast %reduce_sum3A_712 : vector<256xf32> to vector<1x256xf32>
    %swap3A_714 = arith.constant 117 : index
    %swap3A_715 = arith.constant 0 : index
    %swap3A_716 = vector.load %arg20[%swap3A_714, %swap3A_715] : memref<384x256xf32, #tpu.memory_space<vmem>>, vector<1x256xf32>
    tpu.vector_store %arg20[%swap3A_714, %swap3A_715], %broadcast_in_dim3A_713 {strides = array<i32>} : memref<384x256xf32, #tpu.memory_space<vmem>>, vector<1x256xf32>,
    %mul3A_717 = arith.mulf %get3A_76, %get3A_61 : vector<32x256xf32>
    %reduce_sum3A_718 = arith.constant dense<0.000000e+00> : vector<256xf32>
    %reduce_sum3A_719 = vector.multi_reduction <add>, %mul3A_717, %reduce_sum3A_718 [0] : vector<32x256xf32> to vector<256xf32>
    %broadcast_in_dim3A_720 = vector.shape_cast %reduce_sum3A_719 : vector<256xf32> to vector<1x256xf32>
    %swap3A_721 = arith.constant 118 : index
    %swap3A_722 = arith.constant 0 : index
    %swap3A_723 = vector.load %arg20[%swap3A_721, %swap3A_722] : memref<384x256xf32, #tpu.memory_space<vmem>>, vector<1x256xf32>
    tpu.vector_store %arg20[%swap3A_721, %swap3A_722], %broadcast_in_dim3A_720 {strides = array<i32>} : memref<384x256xf32, #tpu.memory_space<vmem>>, vector<1x256xf32>,
    %mul3A_724 = arith.mulf %get3A_76, %get3A_64 : vector<32x256xf32>
    %reduce_sum3A_725 = arith.constant dense<0.000000e+00> : vector<256xf32>
    %reduce_sum3A_726 = vector.multi_reduction <add>, %mul3A_724, %reduce_sum3A_725 [0] : vector<32x256xf32> to vector<256xf32>
    %broadcast_in_dim3A_727 = vector.shape_cast %reduce_sum3A_726 : vector<256xf32> to vector<1x256xf32>
    %swap3A_728 = arith.constant 119 : index
    %swap3A_729 = arith.constant 0 : index
    %swap3A_730 = vector.load %arg20[%swap3A_728, %swap3A_729] : memref<384x256xf32, #tpu.memory_space<vmem>>, vector<1x256xf32>
    tpu.vector_store %arg20[%swap3A_728, %swap3A_729], %broadcast_in_dim3A_727 {strides = array<i32>} : memref<384x256xf32, #tpu.memory_space<vmem>>, vector<1x256xf32>,
    %mul3A_731 = arith.mulf %get3A_76, %get3A_67 : vector<32x256xf32>
    %reduce_sum3A_732 = arith.constant dense<0.000000e+00> : vector<256xf32>
    %reduce_sum3A_733 = vector.multi_reduction <add>, %mul3A_731, %reduce_sum3A_732 [0] : vector<32x256xf32> to vector<256xf32>
    %broadcast_in_dim3A_734 = vector.shape_cast %reduce_sum3A_733 : vector<256xf32> to vector<1x256xf32>
    %swap3A_735 = arith.constant 120 : index
    %swap3A_736 = arith.constant 0 : index
    %swap3A_737 = vector.load %arg20[%swap3A_735, %swap3A_736] : memref<384x256xf32, #tpu.memory_space<vmem>>, vector<1x256xf32>
    tpu.vector_store %arg20[%swap3A_735, %swap3A_736], %broadcast_in_dim3A_734 {strides = array<i32>} : memref<384x256xf32, #tpu.memory_space<vmem>>, vector<1x256xf32>,
    %mul3A_738 = arith.mulf %get3A_76, %get3A_70 : vector<32x256xf32>
    %reduce_sum3A_739 = arith.constant dense<0.000000e+00> : vector<256xf32>
    %reduce_sum3A_740 = vector.multi_reduction <add>, %mul3A_738, %reduce_sum3A_739 [0] : vector<32x256xf32> to vector<256xf32>
    %broadcast_in_dim3A_741 = vector.shape_cast %reduce_sum3A_740 : vector<256xf32> to vector<1x256xf32>
    %swap3A_742 = arith.constant 121 : index
    %swap3A_743 = arith.constant 0 : index
    %swap3A_744 = vector.load %arg20[%swap3A_742, %swap3A_743] : memref<384x256xf32, #tpu.memory_space<vmem>>, vector<1x256xf32>
    tpu.vector_store %arg20[%swap3A_742, %swap3A_743], %broadcast_in_dim3A_741 {strides = array<i32>} : memref<384x256xf32, #tpu.memory_space<vmem>>, vector<1x256xf32>,
    %mul3A_745 = arith.mulf %get3A_76, %get3A_73 : vector<32x256xf32>
    %reduce_sum3A_746 = arith.constant dense<0.000000e+00> : vector<256xf32>
    %reduce_sum3A_747 = vector.multi_reduction <add>, %mul3A_745, %reduce_sum3A_746 [0] : vector<32x256xf32> to vector<256xf32>
    %broadcast_in_dim3A_748 = vector.shape_cast %reduce_sum3A_747 : vector<256xf32> to vector<1x256xf32>
    %swap3A_749 = arith.constant 122 : index
    %swap3A_750 = arith.constant 0 : index
    %swap3A_751 = vector.load %arg20[%swap3A_749, %swap3A_750] : memref<384x256xf32, #tpu.memory_space<vmem>>, vector<1x256xf32>
    tpu.vector_store %arg20[%swap3A_749, %swap3A_750], %broadcast_in_dim3A_748 {strides = array<i32>} : memref<384x256xf32, #tpu.memory_space<vmem>>, vector<1x256xf32>,
    %mul3A_752 = arith.mulf %get3A_79, %max3A_37 : vector<32x256xf32>
    %reduce_sum3A_753 = arith.constant dense<0.000000e+00> : vector<256xf32>
    %reduce_sum3A_754 = vector.multi_reduction <add>, %mul3A_752, %reduce_sum3A_753 [0] : vector<32x256xf32> to vector<256xf32>
    %broadcast_in_dim3A_755 = vector.shape_cast %reduce_sum3A_754 : vector<256xf32> to vector<1x256xf32>
    %swap3A_756 = arith.constant 123 : index
    %swap3A_757 = arith.constant 0 : index
    %swap3A_758 = vector.load %arg20[%swap3A_756, %swap3A_757] : memref<384x256xf32, #tpu.memory_space<vmem>>, vector<1x256xf32>
    tpu.vector_store %arg20[%swap3A_756, %swap3A_757], %broadcast_in_dim3A_755 {strides = array<i32>} : memref<384x256xf32, #tpu.memory_space<vmem>>, vector<1x256xf32>,
    %mul3A_759 = arith.mulf %get3A_79, %get3A_40 : vector<32x256xf32>
    %reduce_sum3A_760 = arith.constant dense<0.000000e+00> : vector<256xf32>
    %reduce_sum3A_761 = vector.multi_reduction <add>, %mul3A_759, %reduce_sum3A_760 [0] : vector<32x256xf32> to vector<256xf32>
    %broadcast_in_dim3A_762 = vector.shape_cast %reduce_sum3A_761 : vector<256xf32> to vector<1x256xf32>
    %swap3A_763 = arith.constant 124 : index
    %swap3A_764 = arith.constant 0 : index
    %swap3A_765 = vector.load %arg20[%swap3A_763, %swap3A_764] : memref<384x256xf32, #tpu.memory_space<vmem>>, vector<1x256xf32>
    tpu.vector_store %arg20[%swap3A_763, %swap3A_764], %broadcast_in_dim3A_762 {strides = array<i32>} : memref<384x256xf32, #tpu.memory_space<vmem>>, vector<1x256xf32>,
    %mul3A_766 = arith.mulf %get3A_79, %get3A_43 : vector<32x256xf32>
    %reduce_sum3A_767 = arith.constant dense<0.000000e+00> : vector<256xf32>
    %reduce_sum3A_768 = vector.multi_reduction <add>, %mul3A_766, %reduce_sum3A_767 [0] : vector<32x256xf32> to vector<256xf32>
    %broadcast_in_dim3A_769 = vector.shape_cast %reduce_sum3A_768 : vector<256xf32> to vector<1x256xf32>
    %swap3A_770 = arith.constant 125 : index
    %swap3A_771 = arith.constant 0 : index
    %swap3A_772 = vector.load %arg20[%swap3A_770, %swap3A_771] : memref<384x256xf32, #tpu.memory_space<vmem>>, vector<1x256xf32>
    tpu.vector_store %arg20[%swap3A_770, %swap3A_771], %broadcast_in_dim3A_769 {strides = array<i32>} : memref<384x256xf32, #tpu.memory_space<vmem>>, vector<1x256xf32>,
    %mul3A_773 = arith.mulf %get3A_79, %get3A_46 : vector<32x256xf32>
    %reduce_sum3A_774 = arith.constant dense<0.000000e+00> : vector<256xf32>
    %reduce_sum3A_775 = vector.multi_reduction <add>, %mul3A_773, %reduce_sum3A_774 [0] : vector<32x256xf32> to vector<256xf32>
    %broadcast_in_dim3A_776 = vector.shape_cast %reduce_sum3A_775 : vector<256xf32> to vector<1x256xf32>
    %swap3A_777 = arith.constant 126 : index
    %swap3A_778 = arith.constant 0 : index
    %swap3A_779 = vector.load %arg20[%swap3A_777, %swap3A_778] : memref<384x256xf32, #tpu.memory_space<vmem>>, vector<1x256xf32>
    tpu.vector_store %arg20[%swap3A_777, %swap3A_778], %broadcast_in_dim3A_776 {strides = array<i32>} : memref<384x256xf32, #tpu.memory_space<vmem>>, vector<1x256xf32>,
    %mul3A_780 = arith.mulf %get3A_79, %get3A_49 : vector<32x256xf32>
    %reduce_sum3A_781 = arith.constant dense<0.000000e+00> : vector<256xf32>
    %reduce_sum3A_782 = vector.multi_reduction <add>, %mul3A_780, %reduce_sum3A_781 [0] : vector<32x256xf32> to vector<256xf32>
    %broadcast_in_dim3A_783 = vector.shape_cast %reduce_sum3A_782 : vector<256xf32> to vector<1x256xf32>
    %swap3A_784 = arith.constant 127 : index
    %swap3A_785 = arith.constant 0 : index
    %swap3A_786 = vector.load %arg20[%swap3A_784, %swap3A_785] : memref<384x256xf32, #tpu.memory_space<vmem>>, vector<1x256xf32>
    tpu.vector_store %arg20[%swap3A_784, %swap3A_785], %broadcast_in_dim3A_783 {strides = array<i32>} : memref<384x256xf32, #tpu.memory_space<vmem>>, vector<1x256xf32>,
    %mul3A_787 = arith.mulf %get3A_79, %get3A_52 : vector<32x256xf32>
    %reduce_sum3A_788 = arith.constant dense<0.000000e+00> : vector<256xf32>
    %reduce_sum3A_789 = vector.multi_reduction <add>, %mul3A_787, %reduce_sum3A_788 [0] : vector<32x256xf32> to vector<256xf32>
    %broadcast_in_dim3A_790 = vector.shape_cast %reduce_sum3A_789 : vector<256xf32> to vector<1x256xf32>
    %swap3A_791 = arith.constant 128 : index
    %swap3A_792 = arith.constant 0 : index
    %swap3A_793 = vector.load %arg20[%swap3A_791, %swap3A_792] : memref<384x256xf32, #tpu.memory_space<vmem>>, vector<1x256xf32>
    tpu.vector_store %arg20[%swap3A_791, %swap3A_792], %broadcast_in_dim3A_790 {strides = array<i32>} : memref<384x256xf32, #tpu.memory_space<vmem>>, vector<1x256xf32>,
    %mul3A_794 = arith.mulf %get3A_79, %get3A_55 : vector<32x256xf32>
    %reduce_sum3A_795 = arith.constant dense<0.000000e+00> : vector<256xf32>
    %reduce_sum3A_796 = vector.multi_reduction <add>, %mul3A_794, %reduce_sum3A_795 [0] : vector<32x256xf32> to vector<256xf32>
    %broadcast_in_dim3A_797 = vector.shape_cast %reduce_sum3A_796 : vector<256xf32> to vector<1x256xf32>
    %swap3A_798 = arith.constant 129 : index
    %swap3A_799 = arith.constant 0 : index
    %swap3A_800 = vector.load %arg20[%swap3A_798, %swap3A_799] : memref<384x256xf32, #tpu.memory_space<vmem>>, vector<1x256xf32>
    tpu.vector_store %arg20[%swap3A_798, %swap3A_799], %broadcast_in_dim3A_797 {strides = array<i32>} : memref<384x256xf32, #tpu.memory_space<vmem>>, vector<1x256xf32>,
    %mul3A_801 = arith.mulf %get3A_79, %get3A_58 : vector<32x256xf32>
    %reduce_sum3A_802 = arith.constant dense<0.000000e+00> : vector<256xf32>
    %reduce_sum3A_803 = vector.multi_reduction <add>, %mul3A_801, %reduce_sum3A_802 [0] : vector<32x256xf32> to vector<256xf32>
    %broadcast_in_dim3A_804 = vector.shape_cast %reduce_sum3A_803 : vector<256xf32> to vector<1x256xf32>
    %swap3A_805 = arith.constant 130 : index
    %swap3A_806 = arith.constant 0 : index
    %swap3A_807 = vector.load %arg20[%swap3A_805, %swap3A_806] : memref<384x256xf32, #tpu.memory_space<vmem>>, vector<1x256xf32>
    tpu.vector_store %arg20[%swap3A_805, %swap3A_806], %broadcast_in_dim3A_804 {strides = array<i32>} : memref<384x256xf32, #tpu.memory_space<vmem>>, vector<1x256xf32>,
    %mul3A_808 = arith.mulf %get3A_79, %get3A_61 : vector<32x256xf32>
    %reduce_sum3A_809 = arith.constant dense<0.000000e+00> : vector<256xf32>
    %reduce_sum3A_810 = vector.multi_reduction <add>, %mul3A_808, %reduce_sum3A_809 [0] : vector<32x256xf32> to vector<256xf32>
    %broadcast_in_dim3A_811 = vector.shape_cast %reduce_sum3A_810 : vector<256xf32> to vector<1x256xf32>
    %swap3A_812 = arith.constant 131 : index
    %swap3A_813 = arith.constant 0 : index
    %swap3A_814 = vector.load %arg20[%swap3A_812, %swap3A_813] : memref<384x256xf32, #tpu.memory_space<vmem>>, vector<1x256xf32>
    tpu.vector_store %arg20[%swap3A_812, %swap3A_813], %broadcast_in_dim3A_811 {strides = array<i32>} : memref<384x256xf32, #tpu.memory_space<vmem>>, vector<1x256xf32>,
    %mul3A_815 = arith.mulf %get3A_79, %get3A_64 : vector<32x256xf32>
    %reduce_sum3A_816 = arith.constant dense<0.000000e+00> : vector<256xf32>
    %reduce_sum3A_817 = vector.multi_reduction <add>, %mul3A_815, %reduce_sum3A_816 [0] : vector<32x256xf32> to vector<256xf32>
    %broadcast_in_dim3A_818 = vector.shape_cast %reduce_sum3A_817 : vector<256xf32> to vector<1x256xf32>
    %swap3A_819 = arith.constant 132 : index
    %swap3A_820 = arith.constant 0 : index
    %swap3A_821 = vector.load %arg20[%swap3A_819, %swap3A_820] : memref<384x256xf32, #tpu.memory_space<vmem>>, vector<1x256xf32>
    tpu.vector_store %arg20[%swap3A_819, %swap3A_820], %broadcast_in_dim3A_818 {strides = array<i32>} : memref<384x256xf32, #tpu.memory_space<vmem>>, vector<1x256xf32>,
    %mul3A_822 = arith.mulf %get3A_79, %get3A_67 : vector<32x256xf32>
    %reduce_sum3A_823 = arith.constant dense<0.000000e+00> : vector<256xf32>
    %reduce_sum3A_824 = vector.multi_reduction <add>, %mul3A_822, %reduce_sum3A_823 [0] : vector<32x256xf32> to vector<256xf32>
    %broadcast_in_dim3A_825 = vector.shape_cast %reduce_sum3A_824 : vector<256xf32> to vector<1x256xf32>
    %swap3A_826 = arith.constant 133 : index
    %swap3A_827 = arith.constant 0 : index
    %swap3A_828 = vector.load %arg20[%swap3A_826, %swap3A_827] : memref<384x256xf32, #tpu.memory_space<vmem>>, vector<1x256xf32>
    tpu.vector_store %arg20[%swap3A_826, %swap3A_827], %broadcast_in_dim3A_825 {strides = array<i32>} : memref<384x256xf32, #tpu.memory_space<vmem>>, vector<1x256xf32>,
    %mul3A_829 = arith.mulf %get3A_79, %get3A_70 : vector<32x256xf32>
    %reduce_sum3A_830 = arith.constant dense<0.000000e+00> : vector<256xf32>
    %reduce_sum3A_831 = vector.multi_reduction <add>, %mul3A_829, %reduce_sum3A_830 [0] : vector<32x256xf32> to vector<256xf32>
    %broadcast_in_dim3A_832 = vector.shape_cast %reduce_sum3A_831 : vector<256xf32> to vector<1x256xf32>
    %swap3A_833 = arith.constant 134 : index
    %swap3A_834 = arith.constant 0 : index
    %swap3A_835 = vector.load %arg20[%swap3A_833, %swap3A_834] : memref<384x256xf32, #tpu.memory_space<vmem>>, vector<1x256xf32>
    tpu.vector_store %arg20[%swap3A_833, %swap3A_834], %broadcast_in_dim3A_832 {strides = array<i32>} : memref<384x256xf32, #tpu.memory_space<vmem>>, vector<1x256xf32>,
    %mul3A_836 = arith.mulf %get3A_79, %get3A_73 : vector<32x256xf32>
    %reduce_sum3A_837 = arith.constant dense<0.000000e+00> : vector<256xf32>
    %reduce_sum3A_838 = vector.multi_reduction <add>, %mul3A_836, %reduce_sum3A_837 [0] : vector<32x256xf32> to vector<256xf32>
    %broadcast_in_dim3A_839 = vector.shape_cast %reduce_sum3A_838 : vector<256xf32> to vector<1x256xf32>
    %swap3A_840 = arith.constant 135 : index
    %swap3A_841 = arith.constant 0 : index
    %swap3A_842 = vector.load %arg20[%swap3A_840, %swap3A_841] : memref<384x256xf32, #tpu.memory_space<vmem>>, vector<1x256xf32>
    tpu.vector_store %arg20[%swap3A_840, %swap3A_841], %broadcast_in_dim3A_839 {strides = array<i32>} : memref<384x256xf32, #tpu.memory_space<vmem>>, vector<1x256xf32>,
    %mul3A_843 = arith.mulf %get3A_79, %get3A_76 : vector<32x256xf32>
    %reduce_sum3A_844 = arith.constant dense<0.000000e+00> : vector<256xf32>
    %reduce_sum3A_845 = vector.multi_reduction <add>, %mul3A_843, %reduce_sum3A_844 [0] : vector<32x256xf32> to vector<256xf32>
    %broadcast_in_dim3A_846 = vector.shape_cast %reduce_sum3A_845 : vector<256xf32> to vector<1x256xf32>
    %swap3A_847 = arith.constant 136 : index
    %swap3A_848 = arith.constant 0 : index
    %swap3A_849 = vector.load %arg20[%swap3A_847, %swap3A_848] : memref<384x256xf32, #tpu.memory_space<vmem>>, vector<1x256xf32>
    tpu.vector_store %arg20[%swap3A_847, %swap3A_848], %broadcast_in_dim3A_846 {strides = array<i32>} : memref<384x256xf32, #tpu.memory_space<vmem>>, vector<1x256xf32>,
    %mul3A_850 = arith.mulf %get3A_82, %max3A_37 : vector<32x256xf32>
    %reduce_sum3A_851 = arith.constant dense<0.000000e+00> : vector<256xf32>
    %reduce_sum3A_852 = vector.multi_reduction <add>, %mul3A_850, %reduce_sum3A_851 [0] : vector<32x256xf32> to vector<256xf32>
    %broadcast_in_dim3A_853 = vector.shape_cast %reduce_sum3A_852 : vector<256xf32> to vector<1x256xf32>
    %swap3A_854 = arith.constant 137 : index
    %swap3A_855 = arith.constant 0 : index
    %swap3A_856 = vector.load %arg20[%swap3A_854, %swap3A_855] : memref<384x256xf32, #tpu.memory_space<vmem>>, vector<1x256xf32>
    tpu.vector_store %arg20[%swap3A_854, %swap3A_855], %broadcast_in_dim3A_853 {strides = array<i32>} : memref<384x256xf32, #tpu.memory_space<vmem>>, vector<1x256xf32>,
    %mul3A_857 = arith.mulf %get3A_82, %get3A_40 : vector<32x256xf32>
    %reduce_sum3A_858 = arith.constant dense<0.000000e+00> : vector<256xf32>
    %reduce_sum3A_859 = vector.multi_reduction <add>, %mul3A_857, %reduce_sum3A_858 [0] : vector<32x256xf32> to vector<256xf32>
    %broadcast_in_dim3A_860 = vector.shape_cast %reduce_sum3A_859 : vector<256xf32> to vector<1x256xf32>
    %swap3A_861 = arith.constant 138 : index
    %swap3A_862 = arith.constant 0 : index
    %swap3A_863 = vector.load %arg20[%swap3A_861, %swap3A_862] : memref<384x256xf32, #tpu.memory_space<vmem>>, vector<1x256xf32>
    tpu.vector_store %arg20[%swap3A_861, %swap3A_862], %broadcast_in_dim3A_860 {strides = array<i32>} : memref<384x256xf32, #tpu.memory_space<vmem>>, vector<1x256xf32>,
    %mul3A_864 = arith.mulf %get3A_82, %get3A_43 : vector<32x256xf32>
    %reduce_sum3A_865 = arith.constant dense<0.000000e+00> : vector<256xf32>
    %reduce_sum3A_866 = vector.multi_reduction <add>, %mul3A_864, %reduce_sum3A_865 [0] : vector<32x256xf32> to vector<256xf32>
    %broadcast_in_dim3A_867 = vector.shape_cast %reduce_sum3A_866 : vector<256xf32> to vector<1x256xf32>
    %swap3A_868 = arith.constant 139 : index
    %swap3A_869 = arith.constant 0 : index
    %swap3A_870 = vector.load %arg20[%swap3A_868, %swap3A_869] : memref<384x256xf32, #tpu.memory_space<vmem>>, vector<1x256xf32>
    tpu.vector_store %arg20[%swap3A_868, %swap3A_869], %broadcast_in_dim3A_867 {strides = array<i32>} : memref<384x256xf32, #tpu.memory_space<vmem>>, vector<1x256xf32>,
    %mul3A_871 = arith.mulf %get3A_82, %get3A_46 : vector<32x256xf32>
    %reduce_sum3A_872 = arith.constant dense<0.000000e+00> : vector<256xf32>
    %reduce_sum3A_873 = vector.multi_reduction <add>, %mul3A_871, %reduce_sum3A_872 [0] : vector<32x256xf32> to vector<256xf32>
    %broadcast_in_dim3A_874 = vector.shape_cast %reduce_sum3A_873 : vector<256xf32> to vector<1x256xf32>
    %swap3A_875 = arith.constant 140 : index
    %swap3A_876 = arith.constant 0 : index
    %swap3A_877 = vector.load %arg20[%swap3A_875, %swap3A_876] : memref<384x256xf32, #tpu.memory_space<vmem>>, vector<1x256xf32>
    tpu.vector_store %arg20[%swap3A_875, %swap3A_876], %broadcast_in_dim3A_874 {strides = array<i32>} : memref<384x256xf32, #tpu.memory_space<vmem>>, vector<1x256xf32>,
    %mul3A_878 = arith.mulf %get3A_82, %get3A_49 : vector<32x256xf32>
    %reduce_sum3A_879 = arith.constant dense<0.000000e+00> : vector<256xf32>
    %reduce_sum3A_880 = vector.multi_reduction <add>, %mul3A_878, %reduce_sum3A_879 [0] : vector<32x256xf32> to vector<256xf32>
    %broadcast_in_dim3A_881 = vector.shape_cast %reduce_sum3A_880 : vector<256xf32> to vector<1x256xf32>
    %swap3A_882 = arith.constant 141 : index
    %swap3A_883 = arith.constant 0 : index
    %swap3A_884 = vector.load %arg20[%swap3A_882, %swap3A_883] : memref<384x256xf32, #tpu.memory_space<vmem>>, vector<1x256xf32>
    tpu.vector_store %arg20[%swap3A_882, %swap3A_883], %broadcast_in_dim3A_881 {strides = array<i32>} : memref<384x256xf32, #tpu.memory_space<vmem>>, vector<1x256xf32>,
    %mul3A_885 = arith.mulf %get3A_82, %get3A_52 : vector<32x256xf32>
    %reduce_sum3A_886 = arith.constant dense<0.000000e+00> : vector<256xf32>
    %reduce_sum3A_887 = vector.multi_reduction <add>, %mul3A_885, %reduce_sum3A_886 [0] : vector<32x256xf32> to vector<256xf32>
    %broadcast_in_dim3A_888 = vector.shape_cast %reduce_sum3A_887 : vector<256xf32> to vector<1x256xf32>
    %swap3A_889 = arith.constant 142 : index
    %swap3A_890 = arith.constant 0 : index
    %swap3A_891 = vector.load %arg20[%swap3A_889, %swap3A_890] : memref<384x256xf32, #tpu.memory_space<vmem>>, vector<1x256xf32>
    tpu.vector_store %arg20[%swap3A_889, %swap3A_890], %broadcast_in_dim3A_888 {strides = array<i32>} : memref<384x256xf32, #tpu.memory_space<vmem>>, vector<1x256xf32>,
    %mul3A_892 = arith.mulf %get3A_82, %get3A_55 : vector<32x256xf32>
    %reduce_sum3A_893 = arith.constant dense<0.000000e+00> : vector<256xf32>
    %reduce_sum3A_894 = vector.multi_reduction <add>, %mul3A_892, %reduce_sum3A_893 [0] : vector<32x256xf32> to vector<256xf32>
    %broadcast_in_dim3A_895 = vector.shape_cast %reduce_sum3A_894 : vector<256xf32> to vector<1x256xf32>
    %swap3A_896 = arith.constant 143 : index
    %swap3A_897 = arith.constant 0 : index
    %swap3A_898 = vector.load %arg20[%swap3A_896, %swap3A_897] : memref<384x256xf32, #tpu.memory_space<vmem>>, vector<1x256xf32>
    tpu.vector_store %arg20[%swap3A_896, %swap3A_897], %broadcast_in_dim3A_895 {strides = array<i32>} : memref<384x256xf32, #tpu.memory_space<vmem>>, vector<1x256xf32>,
    %mul3A_899 = arith.mulf %get3A_82, %get3A_58 : vector<32x256xf32>
    %reduce_sum3A_900 = arith.constant dense<0.000000e+00> : vector<256xf32>
    %reduce_sum3A_901 = vector.multi_reduction <add>, %mul3A_899, %reduce_sum3A_900 [0] : vector<32x256xf32> to vector<256xf32>
    %broadcast_in_dim3A_902 = vector.shape_cast %reduce_sum3A_901 : vector<256xf32> to vector<1x256xf32>
    %swap3A_903 = arith.constant 144 : index
    %swap3A_904 = arith.constant 0 : index
    %swap3A_905 = vector.load %arg20[%swap3A_903, %swap3A_904] : memref<384x256xf32, #tpu.memory_space<vmem>>, vector<1x256xf32>
    tpu.vector_store %arg20[%swap3A_903, %swap3A_904], %broadcast_in_dim3A_902 {strides = array<i32>} : memref<384x256xf32, #tpu.memory_space<vmem>>, vector<1x256xf32>,
    %mul3A_906 = arith.mulf %get3A_82, %get3A_61 : vector<32x256xf32>
    %reduce_sum3A_907 = arith.constant dense<0.000000e+00> : vector<256xf32>
    %reduce_sum3A_908 = vector.multi_reduction <add>, %mul3A_906, %reduce_sum3A_907 [0] : vector<32x256xf32> to vector<256xf32>
    %broadcast_in_dim3A_909 = vector.shape_cast %reduce_sum3A_908 : vector<256xf32> to vector<1x256xf32>
    %swap3A_910 = arith.constant 145 : index
    %swap3A_911 = arith.constant 0 : index
    %swap3A_912 = vector.load %arg20[%swap3A_910, %swap3A_911] : memref<384x256xf32, #tpu.memory_space<vmem>>, vector<1x256xf32>
    tpu.vector_store %arg20[%swap3A_910, %swap3A_911], %broadcast_in_dim3A_909 {strides = array<i32>} : memref<384x256xf32, #tpu.memory_space<vmem>>, vector<1x256xf32>,
    %mul3A_913 = arith.mulf %get3A_82, %get3A_64 : vector<32x256xf32>
    %reduce_sum3A_914 = arith.constant dense<0.000000e+00> : vector<256xf32>
    %reduce_sum3A_915 = vector.multi_reduction <add>, %mul3A_913, %reduce_sum3A_914 [0] : vector<32x256xf32> to vector<256xf32>
    %broadcast_in_dim3A_916 = vector.shape_cast %reduce_sum3A_915 : vector<256xf32> to vector<1x256xf32>
    %swap3A_917 = arith.constant 146 : index
    %swap3A_918 = arith.constant 0 : index
    %swap3A_919 = vector.load %arg20[%swap3A_917, %swap3A_918] : memref<384x256xf32, #tpu.memory_space<vmem>>, vector<1x256xf32>
    tpu.vector_store %arg20[%swap3A_917, %swap3A_918], %broadcast_in_dim3A_916 {strides = array<i32>} : memref<384x256xf32, #tpu.memory_space<vmem>>, vector<1x256xf32>,
    %mul3A_920 = arith.mulf %get3A_82, %get3A_67 : vector<32x256xf32>
    %reduce_sum3A_921 = arith.constant dense<0.000000e+00> : vector<256xf32>
    %reduce_sum3A_922 = vector.multi_reduction <add>, %mul3A_920, %reduce_sum3A_921 [0] : vector<32x256xf32> to vector<256xf32>
    %broadcast_in_dim3A_923 = vector.shape_cast %reduce_sum3A_922 : vector<256xf32> to vector<1x256xf32>
    %swap3A_924 = arith.constant 147 : index
    %swap3A_925 = arith.constant 0 : index
    %swap3A_926 = vector.load %arg20[%swap3A_924, %swap3A_925] : memref<384x256xf32, #tpu.memory_space<vmem>>, vector<1x256xf32>
    tpu.vector_store %arg20[%swap3A_924, %swap3A_925], %broadcast_in_dim3A_923 {strides = array<i32>} : memref<384x256xf32, #tpu.memory_space<vmem>>, vector<1x256xf32>,
    %mul3A_927 = arith.mulf %get3A_82, %get3A_70 : vector<32x256xf32>
    %reduce_sum3A_928 = arith.constant dense<0.000000e+00> : vector<256xf32>
    %reduce_sum3A_929 = vector.multi_reduction <add>, %mul3A_927, %reduce_sum3A_928 [0] : vector<32x256xf32> to vector<256xf32>
    %broadcast_in_dim3A_930 = vector.shape_cast %reduce_sum3A_929 : vector<256xf32> to vector<1x256xf32>
    %swap3A_931 = arith.constant 148 : index
    %swap3A_932 = arith.constant 0 : index
    %swap3A_933 = vector.load %arg20[%swap3A_931, %swap3A_932] : memref<384x256xf32, #tpu.memory_space<vmem>>, vector<1x256xf32>
    tpu.vector_store %arg20[%swap3A_931, %swap3A_932], %broadcast_in_dim3A_930 {strides = array<i32>} : memref<384x256xf32, #tpu.memory_space<vmem>>, vector<1x256xf32>,
    %mul3A_934 = arith.mulf %get3A_82, %get3A_73 : vector<32x256xf32>
    %reduce_sum3A_935 = arith.constant dense<0.000000e+00> : vector<256xf32>
    %reduce_sum3A_936 = vector.multi_reduction <add>, %mul3A_934, %reduce_sum3A_935 [0] : vector<32x256xf32> to vector<256xf32>
    %broadcast_in_dim3A_937 = vector.shape_cast %reduce_sum3A_936 : vector<256xf32> to vector<1x256xf32>
    %swap3A_938 = arith.constant 149 : index
    %swap3A_939 = arith.constant 0 : index
    %swap3A_940 = vector.load %arg20[%swap3A_938, %swap3A_939] : memref<384x256xf32, #tpu.memory_space<vmem>>, vector<1x256xf32>
    tpu.vector_store %arg20[%swap3A_938, %swap3A_939], %broadcast_in_dim3A_937 {strides = array<i32>} : memref<384x256xf32, #tpu.memory_space<vmem>>, vector<1x256xf32>,
    %mul3A_941 = arith.mulf %get3A_82, %get3A_76 : vector<32x256xf32>
    %reduce_sum3A_942 = arith.constant dense<0.000000e+00> : vector<256xf32>
    %reduce_sum3A_943 = vector.multi_reduction <add>, %mul3A_941, %reduce_sum3A_942 [0] : vector<32x256xf32> to vector<256xf32>
    %broadcast_in_dim3A_944 = vector.shape_cast %reduce_sum3A_943 : vector<256xf32> to vector<1x256xf32>
    %swap3A_945 = arith.constant 150 : index
    %swap3A_946 = arith.constant 0 : index
    %swap3A_947 = vector.load %arg20[%swap3A_945, %swap3A_946] : memref<384x256xf32, #tpu.memory_space<vmem>>, vector<1x256xf32>
    tpu.vector_store %arg20[%swap3A_945, %swap3A_946], %broadcast_in_dim3A_944 {strides = array<i32>} : memref<384x256xf32, #tpu.memory_space<vmem>>, vector<1x256xf32>,
    %mul3A_948 = arith.mulf %get3A_82, %get3A_79 : vector<32x256xf32>
    %reduce_sum3A_949 = arith.constant dense<0.000000e+00> : vector<256xf32>
    %reduce_sum3A_950 = vector.multi_reduction <add>, %mul3A_948, %reduce_sum3A_949 [0] : vector<32x256xf32> to vector<256xf32>
    %broadcast_in_dim3A_951 = vector.shape_cast %reduce_sum3A_950 : vector<256xf32> to vector<1x256xf32>
    %swap3A_952 = arith.constant 151 : index
    %swap3A_953 = arith.constant 0 : index
    %swap3A_954 = vector.load %arg20[%swap3A_952, %swap3A_953] : memref<384x256xf32, #tpu.memory_space<vmem>>, vector<1x256xf32>
    tpu.vector_store %arg20[%swap3A_952, %swap3A_953], %broadcast_in_dim3A_951 {strides = array<i32>} : memref<384x256xf32, #tpu.memory_space<vmem>>, vector<1x256xf32>,
    %mul3A_955 = arith.mulf %get3A_85, %max3A_37 : vector<32x256xf32>
    %reduce_sum3A_956 = arith.constant dense<0.000000e+00> : vector<256xf32>
    %reduce_sum3A_957 = vector.multi_reduction <add>, %mul3A_955, %reduce_sum3A_956 [0] : vector<32x256xf32> to vector<256xf32>
    %broadcast_in_dim3A_958 = vector.shape_cast %reduce_sum3A_957 : vector<256xf32> to vector<1x256xf32>
    %swap3A_959 = arith.constant 152 : index
    %swap3A_960 = arith.constant 0 : index
    %swap3A_961 = vector.load %arg20[%swap3A_959, %swap3A_960] : memref<384x256xf32, #tpu.memory_space<vmem>>, vector<1x256xf32>
    tpu.vector_store %arg20[%swap3A_959, %swap3A_960], %broadcast_in_dim3A_958 {strides = array<i32>} : memref<384x256xf32, #tpu.memory_space<vmem>>, vector<1x256xf32>,
    %mul3A_962 = arith.mulf %get3A_85, %get3A_40 : vector<32x256xf32>
    %reduce_sum3A_963 = arith.constant dense<0.000000e+00> : vector<256xf32>
    %reduce_sum3A_964 = vector.multi_reduction <add>, %mul3A_962, %reduce_sum3A_963 [0] : vector<32x256xf32> to vector<256xf32>
    %broadcast_in_dim3A_965 = vector.shape_cast %reduce_sum3A_964 : vector<256xf32> to vector<1x256xf32>
    %swap3A_966 = arith.constant 153 : index
    %swap3A_967 = arith.constant 0 : index
    %swap3A_968 = vector.load %arg20[%swap3A_966, %swap3A_967] : memref<384x256xf32, #tpu.memory_space<vmem>>, vector<1x256xf32>
    tpu.vector_store %arg20[%swap3A_966, %swap3A_967], %broadcast_in_dim3A_965 {strides = array<i32>} : memref<384x256xf32, #tpu.memory_space<vmem>>, vector<1x256xf32>,
    %mul3A_969 = arith.mulf %get3A_85, %get3A_43 : vector<32x256xf32>
    %reduce_sum3A_970 = arith.constant dense<0.000000e+00> : vector<256xf32>
    %reduce_sum3A_971 = vector.multi_reduction <add>, %mul3A_969, %reduce_sum3A_970 [0] : vector<32x256xf32> to vector<256xf32>
    %broadcast_in_dim3A_972 = vector.shape_cast %reduce_sum3A_971 : vector<256xf32> to vector<1x256xf32>
    %swap3A_973 = arith.constant 154 : index
    %swap3A_974 = arith.constant 0 : index
    %swap3A_975 = vector.load %arg20[%swap3A_973, %swap3A_974] : memref<384x256xf32, #tpu.memory_space<vmem>>, vector<1x256xf32>
    tpu.vector_store %arg20[%swap3A_973, %swap3A_974], %broadcast_in_dim3A_972 {strides = array<i32>} : memref<384x256xf32, #tpu.memory_space<vmem>>, vector<1x256xf32>,
    %mul3A_976 = arith.mulf %get3A_85, %get3A_46 : vector<32x256xf32>
    %reduce_sum3A_977 = arith.constant dense<0.000000e+00> : vector<256xf32>
    %reduce_sum3A_978 = vector.multi_reduction <add>, %mul3A_976, %reduce_sum3A_977 [0] : vector<32x256xf32> to vector<256xf32>
    %broadcast_in_dim3A_979 = vector.shape_cast %reduce_sum3A_978 : vector<256xf32> to vector<1x256xf32>
    %swap3A_980 = arith.constant 155 : index
    %swap3A_981 = arith.constant 0 : index
    %swap3A_982 = vector.load %arg20[%swap3A_980, %swap3A_981] : memref<384x256xf32, #tpu.memory_space<vmem>>, vector<1x256xf32>
    tpu.vector_store %arg20[%swap3A_980, %swap3A_981], %broadcast_in_dim3A_979 {strides = array<i32>} : memref<384x256xf32, #tpu.memory_space<vmem>>, vector<1x256xf32>,
    %mul3A_983 = arith.mulf %get3A_85, %get3A_49 : vector<32x256xf32>
    %reduce_sum3A_984 = arith.constant dense<0.000000e+00> : vector<256xf32>
    %reduce_sum3A_985 = vector.multi_reduction <add>, %mul3A_983, %reduce_sum3A_984 [0] : vector<32x256xf32> to vector<256xf32>
    %broadcast_in_dim3A_986 = vector.shape_cast %reduce_sum3A_985 : vector<256xf32> to vector<1x256xf32>
    %swap3A_987 = arith.constant 156 : index
    %swap3A_988 = arith.constant 0 : index
    %swap3A_989 = vector.load %arg20[%swap3A_987, %swap3A_988] : memref<384x256xf32, #tpu.memory_space<vmem>>, vector<1x256xf32>
    tpu.vector_store %arg20[%swap3A_987, %swap3A_988], %broadcast_in_dim3A_986 {strides = array<i32>} : memref<384x256xf32, #tpu.memory_space<vmem>>, vector<1x256xf32>,
    %mul3A_990 = arith.mulf %get3A_85, %get3A_52 : vector<32x256xf32>
    %reduce_sum3A_991 = arith.constant dense<0.000000e+00> : vector<256xf32>
    %reduce_sum3A_992 = vector.multi_reduction <add>, %mul3A_990, %reduce_sum3A_991 [0] : vector<32x256xf32> to vector<256xf32>
    %broadcast_in_dim3A_993 = vector.shape_cast %reduce_sum3A_992 : vector<256xf32> to vector<1x256xf32>
    %swap3A_994 = arith.constant 157 : index
    %swap3A_995 = arith.constant 0 : index
    %swap3A_996 = vector.load %arg20[%swap3A_994, %swap3A_995] : memref<384x256xf32, #tpu.memory_space<vmem>>, vector<1x256xf32>
    tpu.vector_store %arg20[%swap3A_994, %swap3A_995], %broadcast_in_dim3A_993 {strides = array<i32>} : memref<384x256xf32, #tpu.memory_space<vmem>>, vector<1x256xf32>,
    %mul3A_997 = arith.mulf %get3A_85, %get3A_55 : vector<32x256xf32>
    %reduce_sum3A_998 = arith.constant dense<0.000000e+00> : vector<256xf32>
    %reduce_sum3A_999 = vector.multi_reduction <add>, %mul3A_997, %reduce_sum3A_998 [0] : vector<32x256xf32> to vector<256xf32>
    %broadcast_in_dim3A_1000 = vector.shape_cast %reduce_sum3A_999 : vector<256xf32> to vector<1x256xf32>
    %swap3A_1001 = arith.constant 158 : index
    %swap3A_1002 = arith.constant 0 : index
    %swap3A_1003 = vector.load %arg20[%swap3A_1001, %swap3A_1002] : memref<384x256xf32, #tpu.memory_space<vmem>>, vector<1x256xf32>
    tpu.vector_store %arg20[%swap3A_1001, %swap3A_1002], %broadcast_in_dim3A_1000 {strides = array<i32>} : memref<384x256xf32, #tpu.memory_space<vmem>>, vector<1x256xf32>,
    %mul3A_1004 = arith.mulf %get3A_85, %get3A_58 : vector<32x256xf32>
    %reduce_sum3A_1005 = arith.constant dense<0.000000e+00> : vector<256xf32>
    %reduce_sum3A_1006 = vector.multi_reduction <add>, %mul3A_1004, %reduce_sum3A_1005 [0] : vector<32x256xf32> to vector<256xf32>
    %broadcast_in_dim3A_1007 = vector.shape_cast %reduce_sum3A_1006 : vector<256xf32> to vector<1x256xf32>
    %swap3A_1008 = arith.constant 159 : index
    %swap3A_1009 = arith.constant 0 : index
    %swap3A_1010 = vector.load %arg20[%swap3A_1008, %swap3A_1009] : memref<384x256xf32, #tpu.memory_space<vmem>>, vector<1x256xf32>
    tpu.vector_store %arg20[%swap3A_1008, %swap3A_1009], %broadcast_in_dim3A_1007 {strides = array<i32>} : memref<384x256xf32, #tpu.memory_space<vmem>>, vector<1x256xf32>,
    %mul3A_1011 = arith.mulf %get3A_85, %get3A_61 : vector<32x256xf32>
    %reduce_sum3A_1012 = arith.constant dense<0.000000e+00> : vector<256xf32>
    %reduce_sum3A_1013 = vector.multi_reduction <add>, %mul3A_1011, %reduce_sum3A_1012 [0] : vector<32x256xf32> to vector<256xf32>
    %broadcast_in_dim3A_1014 = vector.shape_cast %reduce_sum3A_1013 : vector<256xf32> to vector<1x256xf32>
    %swap3A_1015 = arith.constant 160 : index
    %swap3A_1016 = arith.constant 0 : index
    %swap3A_1017 = vector.load %arg20[%swap3A_1015, %swap3A_1016] : memref<384x256xf32, #tpu.memory_space<vmem>>, vector<1x256xf32>
    tpu.vector_store %arg20[%swap3A_1015, %swap3A_1016], %broadcast_in_dim3A_1014 {strides = array<i32>} : memref<384x256xf32, #tpu.memory_space<vmem>>, vector<1x256xf32>,
    %mul3A_1018 = arith.mulf %get3A_85, %get3A_64 : vector<32x256xf32>
    %reduce_sum3A_1019 = arith.constant dense<0.000000e+00> : vector<256xf32>
    %reduce_sum3A_1020 = vector.multi_reduction <add>, %mul3A_1018, %reduce_sum3A_1019 [0] : vector<32x256xf32> to vector<256xf32>
    %broadcast_in_dim3A_1021 = vector.shape_cast %reduce_sum3A_1020 : vector<256xf32> to vector<1x256xf32>
    %swap3A_1022 = arith.constant 161 : index
    %swap3A_1023 = arith.constant 0 : index
    %swap3A_1024 = vector.load %arg20[%swap3A_1022, %swap3A_1023] : memref<384x256xf32, #tpu.memory_space<vmem>>, vector<1x256xf32>
    tpu.vector_store %arg20[%swap3A_1022, %swap3A_1023], %broadcast_in_dim3A_1021 {strides = array<i32>} : memref<384x256xf32, #tpu.memory_space<vmem>>, vector<1x256xf32>,
    %mul3A_1025 = arith.mulf %get3A_85, %get3A_67 : vector<32x256xf32>
    %reduce_sum3A_1026 = arith.constant dense<0.000000e+00> : vector<256xf32>
    %reduce_sum3A_1027 = vector.multi_reduction <add>, %mul3A_1025, %reduce_sum3A_1026 [0] : vector<32x256xf32> to vector<256xf32>
    %broadcast_in_dim3A_1028 = vector.shape_cast %reduce_sum3A_1027 : vector<256xf32> to vector<1x256xf32>
    %swap3A_1029 = arith.constant 162 : index
    %swap3A_1030 = arith.constant 0 : index
    %swap3A_1031 = vector.load %arg20[%swap3A_1029, %swap3A_1030] : memref<384x256xf32, #tpu.memory_space<vmem>>, vector<1x256xf32>
    tpu.vector_store %arg20[%swap3A_1029, %swap3A_1030], %broadcast_in_dim3A_1028 {strides = array<i32>} : memref<384x256xf32, #tpu.memory_space<vmem>>, vector<1x256xf32>,
    %mul3A_1032 = arith.mulf %get3A_85, %get3A_70 : vector<32x256xf32>
    %reduce_sum3A_1033 = arith.constant dense<0.000000e+00> : vector<256xf32>
    %reduce_sum3A_1034 = vector.multi_reduction <add>, %mul3A_1032, %reduce_sum3A_1033 [0] : vector<32x256xf32> to vector<256xf32>
    %broadcast_in_dim3A_1035 = vector.shape_cast %reduce_sum3A_1034 : vector<256xf32> to vector<1x256xf32>
    %swap3A_1036 = arith.constant 163 : index
    %swap3A_1037 = arith.constant 0 : index
    %swap3A_1038 = vector.load %arg20[%swap3A_1036, %swap3A_1037] : memref<384x256xf32, #tpu.memory_space<vmem>>, vector<1x256xf32>
    tpu.vector_store %arg20[%swap3A_1036, %swap3A_1037], %broadcast_in_dim3A_1035 {strides = array<i32>} : memref<384x256xf32, #tpu.memory_space<vmem>>, vector<1x256xf32>,
    %mul3A_1039 = arith.mulf %get3A_85, %get3A_73 : vector<32x256xf32>
    %reduce_sum3A_1040 = arith.constant dense<0.000000e+00> : vector<256xf32>
    %reduce_sum3A_1041 = vector.multi_reduction <add>, %mul3A_1039, %reduce_sum3A_1040 [0] : vector<32x256xf32> to vector<256xf32>
    %broadcast_in_dim3A_1042 = vector.shape_cast %reduce_sum3A_1041 : vector<256xf32> to vector<1x256xf32>
    %swap3A_1043 = arith.constant 164 : index
    %swap3A_1044 = arith.constant 0 : index
    %swap3A_1045 = vector.load %arg20[%swap3A_1043, %swap3A_1044] : memref<384x256xf32, #tpu.memory_space<vmem>>, vector<1x256xf32>
    tpu.vector_store %arg20[%swap3A_1043, %swap3A_1044], %broadcast_in_dim3A_1042 {strides = array<i32>} : memref<384x256xf32, #tpu.memory_space<vmem>>, vector<1x256xf32>,
    %mul3A_1046 = arith.mulf %get3A_85, %get3A_76 : vector<32x256xf32>
    %reduce_sum3A_1047 = arith.constant dense<0.000000e+00> : vector<256xf32>
    %reduce_sum3A_1048 = vector.multi_reduction <add>, %mul3A_1046, %reduce_sum3A_1047 [0] : vector<32x256xf32> to vector<256xf32>
    %broadcast_in_dim3A_1049 = vector.shape_cast %reduce_sum3A_1048 : vector<256xf32> to vector<1x256xf32>
    %swap3A_1050 = arith.constant 165 : index
    %swap3A_1051 = arith.constant 0 : index
    %swap3A_1052 = vector.load %arg20[%swap3A_1050, %swap3A_1051] : memref<384x256xf32, #tpu.memory_space<vmem>>, vector<1x256xf32>
    tpu.vector_store %arg20[%swap3A_1050, %swap3A_1051], %broadcast_in_dim3A_1049 {strides = array<i32>} : memref<384x256xf32, #tpu.memory_space<vmem>>, vector<1x256xf32>,
    %mul3A_1053 = arith.mulf %get3A_85, %get3A_79 : vector<32x256xf32>
    %reduce_sum3A_1054 = arith.constant dense<0.000000e+00> : vector<256xf32>
    %reduce_sum3A_1055 = vector.multi_reduction <add>, %mul3A_1053, %reduce_sum3A_1054 [0] : vector<32x256xf32> to vector<256xf32>
    %broadcast_in_dim3A_1056 = vector.shape_cast %reduce_sum3A_1055 : vector<256xf32> to vector<1x256xf32>
    %swap3A_1057 = arith.constant 166 : index
    %swap3A_1058 = arith.constant 0 : index
    %swap3A_1059 = vector.load %arg20[%swap3A_1057, %swap3A_1058] : memref<384x256xf32, #tpu.memory_space<vmem>>, vector<1x256xf32>
    tpu.vector_store %arg20[%swap3A_1057, %swap3A_1058], %broadcast_in_dim3A_1056 {strides = array<i32>} : memref<384x256xf32, #tpu.memory_space<vmem>>, vector<1x256xf32>,
    %mul3A_1060 = arith.mulf %get3A_85, %get3A_82 : vector<32x256xf32>
    %reduce_sum3A_1061 = arith.constant dense<0.000000e+00> : vector<256xf32>
    %reduce_sum3A_1062 = vector.multi_reduction <add>, %mul3A_1060, %reduce_sum3A_1061 [0] : vector<32x256xf32> to vector<256xf32>
    %broadcast_in_dim3A_1063 = vector.shape_cast %reduce_sum3A_1062 : vector<256xf32> to vector<1x256xf32>
    %swap3A_1064 = arith.constant 167 : index
    %swap3A_1065 = arith.constant 0 : index
    %swap3A_1066 = vector.load %arg20[%swap3A_1064, %swap3A_1065] : memref<384x256xf32, #tpu.memory_space<vmem>>, vector<1x256xf32>
    tpu.vector_store %arg20[%swap3A_1064, %swap3A_1065], %broadcast_in_dim3A_1063 {strides = array<i32>} : memref<384x256xf32, #tpu.memory_space<vmem>>, vector<1x256xf32>,
    %mul3A_1067 = arith.mulf %get3A_88, %max3A_37 : vector<32x256xf32>
    %reduce_sum3A_1068 = arith.constant dense<0.000000e+00> : vector<256xf32>
    %reduce_sum3A_1069 = vector.multi_reduction <add>, %mul3A_1067, %reduce_sum3A_1068 [0] : vector<32x256xf32> to vector<256xf32>
    %broadcast_in_dim3A_1070 = vector.shape_cast %reduce_sum3A_1069 : vector<256xf32> to vector<1x256xf32>
    %swap3A_1071 = arith.constant 168 : index
    %swap3A_1072 = arith.constant 0 : index
    %swap3A_1073 = vector.load %arg20[%swap3A_1071, %swap3A_1072] : memref<384x256xf32, #tpu.memory_space<vmem>>, vector<1x256xf32>
    tpu.vector_store %arg20[%swap3A_1071, %swap3A_1072], %broadcast_in_dim3A_1070 {strides = array<i32>} : memref<384x256xf32, #tpu.memory_space<vmem>>, vector<1x256xf32>,
    %mul3A_1074 = arith.mulf %get3A_88, %get3A_40 : vector<32x256xf32>
    %reduce_sum3A_1075 = arith.constant dense<0.000000e+00> : vector<256xf32>
    %reduce_sum3A_1076 = vector.multi_reduction <add>, %mul3A_1074, %reduce_sum3A_1075 [0] : vector<32x256xf32> to vector<256xf32>
    %broadcast_in_dim3A_1077 = vector.shape_cast %reduce_sum3A_1076 : vector<256xf32> to vector<1x256xf32>
    %swap3A_1078 = arith.constant 169 : index
    %swap3A_1079 = arith.constant 0 : index
    %swap3A_1080 = vector.load %arg20[%swap3A_1078, %swap3A_1079] : memref<384x256xf32, #tpu.memory_space<vmem>>, vector<1x256xf32>
    tpu.vector_store %arg20[%swap3A_1078, %swap3A_1079], %broadcast_in_dim3A_1077 {strides = array<i32>} : memref<384x256xf32, #tpu.memory_space<vmem>>, vector<1x256xf32>,
    %mul3A_1081 = arith.mulf %get3A_88, %get3A_43 : vector<32x256xf32>
    %reduce_sum3A_1082 = arith.constant dense<0.000000e+00> : vector<256xf32>
    %reduce_sum3A_1083 = vector.multi_reduction <add>, %mul3A_1081, %reduce_sum3A_1082 [0] : vector<32x256xf32> to vector<256xf32>
    %broadcast_in_dim3A_1084 = vector.shape_cast %reduce_sum3A_1083 : vector<256xf32> to vector<1x256xf32>
    %swap3A_1085 = arith.constant 170 : index
    %swap3A_1086 = arith.constant 0 : index
    %swap3A_1087 = vector.load %arg20[%swap3A_1085, %swap3A_1086] : memref<384x256xf32, #tpu.memory_space<vmem>>, vector<1x256xf32>
    tpu.vector_store %arg20[%swap3A_1085, %swap3A_1086], %broadcast_in_dim3A_1084 {strides = array<i32>} : memref<384x256xf32, #tpu.memory_space<vmem>>, vector<1x256xf32>,
    %mul3A_1088 = arith.mulf %get3A_88, %get3A_46 : vector<32x256xf32>
    %reduce_sum3A_1089 = arith.constant dense<0.000000e+00> : vector<256xf32>
    %reduce_sum3A_1090 = vector.multi_reduction <add>, %mul3A_1088, %reduce_sum3A_1089 [0] : vector<32x256xf32> to vector<256xf32>
    %broadcast_in_dim3A_1091 = vector.shape_cast %reduce_sum3A_1090 : vector<256xf32> to vector<1x256xf32>
    %swap3A_1092 = arith.constant 171 : index
    %swap3A_1093 = arith.constant 0 : index
    %swap3A_1094 = vector.load %arg20[%swap3A_1092, %swap3A_1093] : memref<384x256xf32, #tpu.memory_space<vmem>>, vector<1x256xf32>
    tpu.vector_store %arg20[%swap3A_1092, %swap3A_1093], %broadcast_in_dim3A_1091 {strides = array<i32>} : memref<384x256xf32, #tpu.memory_space<vmem>>, vector<1x256xf32>,
    %mul3A_1095 = arith.mulf %get3A_88, %get3A_49 : vector<32x256xf32>
    %reduce_sum3A_1096 = arith.constant dense<0.000000e+00> : vector<256xf32>
    %reduce_sum3A_1097 = vector.multi_reduction <add>, %mul3A_1095, %reduce_sum3A_1096 [0] : vector<32x256xf32> to vector<256xf32>
    %broadcast_in_dim3A_1098 = vector.shape_cast %reduce_sum3A_1097 : vector<256xf32> to vector<1x256xf32>
    %swap3A_1099 = arith.constant 172 : index
    %swap3A_1100 = arith.constant 0 : index
    %swap3A_1101 = vector.load %arg20[%swap3A_1099, %swap3A_1100] : memref<384x256xf32, #tpu.memory_space<vmem>>, vector<1x256xf32>
    tpu.vector_store %arg20[%swap3A_1099, %swap3A_1100], %broadcast_in_dim3A_1098 {strides = array<i32>} : memref<384x256xf32, #tpu.memory_space<vmem>>, vector<1x256xf32>,
    %mul3A_1102 = arith.mulf %get3A_88, %get3A_52 : vector<32x256xf32>
    %reduce_sum3A_1103 = arith.constant dense<0.000000e+00> : vector<256xf32>
    %reduce_sum3A_1104 = vector.multi_reduction <add>, %mul3A_1102, %reduce_sum3A_1103 [0] : vector<32x256xf32> to vector<256xf32>
    %broadcast_in_dim3A_1105 = vector.shape_cast %reduce_sum3A_1104 : vector<256xf32> to vector<1x256xf32>
    %swap3A_1106 = arith.constant 173 : index
    %swap3A_1107 = arith.constant 0 : index
    %swap3A_1108 = vector.load %arg20[%swap3A_1106, %swap3A_1107] : memref<384x256xf32, #tpu.memory_space<vmem>>, vector<1x256xf32>
    tpu.vector_store %arg20[%swap3A_1106, %swap3A_1107], %broadcast_in_dim3A_1105 {strides = array<i32>} : memref<384x256xf32, #tpu.memory_space<vmem>>, vector<1x256xf32>,
    %mul3A_1109 = arith.mulf %get3A_88, %get3A_55 : vector<32x256xf32>
    %reduce_sum3A_1110 = arith.constant dense<0.000000e+00> : vector<256xf32>
    %reduce_sum3A_1111 = vector.multi_reduction <add>, %mul3A_1109, %reduce_sum3A_1110 [0] : vector<32x256xf32> to vector<256xf32>
    %broadcast_in_dim3A_1112 = vector.shape_cast %reduce_sum3A_1111 : vector<256xf32> to vector<1x256xf32>
    %swap3A_1113 = arith.constant 174 : index
    %swap3A_1114 = arith.constant 0 : index
    %swap3A_1115 = vector.load %arg20[%swap3A_1113, %swap3A_1114] : memref<384x256xf32, #tpu.memory_space<vmem>>, vector<1x256xf32>
    tpu.vector_store %arg20[%swap3A_1113, %swap3A_1114], %broadcast_in_dim3A_1112 {strides = array<i32>} : memref<384x256xf32, #tpu.memory_space<vmem>>, vector<1x256xf32>,
    %mul3A_1116 = arith.mulf %get3A_88, %get3A_58 : vector<32x256xf32>
    %reduce_sum3A_1117 = arith.constant dense<0.000000e+00> : vector<256xf32>
    %reduce_sum3A_1118 = vector.multi_reduction <add>, %mul3A_1116, %reduce_sum3A_1117 [0] : vector<32x256xf32> to vector<256xf32>
    %broadcast_in_dim3A_1119 = vector.shape_cast %reduce_sum3A_1118 : vector<256xf32> to vector<1x256xf32>
    %swap3A_1120 = arith.constant 175 : index
    %swap3A_1121 = arith.constant 0 : index
    %swap3A_1122 = vector.load %arg20[%swap3A_1120, %swap3A_1121] : memref<384x256xf32, #tpu.memory_space<vmem>>, vector<1x256xf32>
    tpu.vector_store %arg20[%swap3A_1120, %swap3A_1121], %broadcast_in_dim3A_1119 {strides = array<i32>} : memref<384x256xf32, #tpu.memory_space<vmem>>, vector<1x256xf32>,
    %mul3A_1123 = arith.mulf %get3A_88, %get3A_61 : vector<32x256xf32>
    %reduce_sum3A_1124 = arith.constant dense<0.000000e+00> : vector<256xf32>
    %reduce_sum3A_1125 = vector.multi_reduction <add>, %mul3A_1123, %reduce_sum3A_1124 [0] : vector<32x256xf32> to vector<256xf32>
    %broadcast_in_dim3A_1126 = vector.shape_cast %reduce_sum3A_1125 : vector<256xf32> to vector<1x256xf32>
    %swap3A_1127 = arith.constant 176 : index
    %swap3A_1128 = arith.constant 0 : index
    %swap3A_1129 = vector.load %arg20[%swap3A_1127, %swap3A_1128] : memref<384x256xf32, #tpu.memory_space<vmem>>, vector<1x256xf32>
    tpu.vector_store %arg20[%swap3A_1127, %swap3A_1128], %broadcast_in_dim3A_1126 {strides = array<i32>} : memref<384x256xf32, #tpu.memory_space<vmem>>, vector<1x256xf32>,
    %mul3A_1130 = arith.mulf %get3A_88, %get3A_64 : vector<32x256xf32>
    %reduce_sum3A_1131 = arith.constant dense<0.000000e+00> : vector<256xf32>
    %reduce_sum3A_1132 = vector.multi_reduction <add>, %mul3A_1130, %reduce_sum3A_1131 [0] : vector<32x256xf32> to vector<256xf32>
    %broadcast_in_dim3A_1133 = vector.shape_cast %reduce_sum3A_1132 : vector<256xf32> to vector<1x256xf32>
    %swap3A_1134 = arith.constant 177 : index
    %swap3A_1135 = arith.constant 0 : index
    %swap3A_1136 = vector.load %arg20[%swap3A_1134, %swap3A_1135] : memref<384x256xf32, #tpu.memory_space<vmem>>, vector<1x256xf32>
    tpu.vector_store %arg20[%swap3A_1134, %swap3A_1135], %broadcast_in_dim3A_1133 {strides = array<i32>} : memref<384x256xf32, #tpu.memory_space<vmem>>, vector<1x256xf32>,
    %mul3A_1137 = arith.mulf %get3A_88, %get3A_67 : vector<32x256xf32>
    %reduce_sum3A_1138 = arith.constant dense<0.000000e+00> : vector<256xf32>
    %reduce_sum3A_1139 = vector.multi_reduction <add>, %mul3A_1137, %reduce_sum3A_1138 [0] : vector<32x256xf32> to vector<256xf32>
    %broadcast_in_dim3A_1140 = vector.shape_cast %reduce_sum3A_1139 : vector<256xf32> to vector<1x256xf32>
    %swap3A_1141 = arith.constant 178 : index
    %swap3A_1142 = arith.constant 0 : index
    %swap3A_1143 = vector.load %arg20[%swap3A_1141, %swap3A_1142] : memref<384x256xf32, #tpu.memory_space<vmem>>, vector<1x256xf32>
    tpu.vector_store %arg20[%swap3A_1141, %swap3A_1142], %broadcast_in_dim3A_1140 {strides = array<i32>} : memref<384x256xf32, #tpu.memory_space<vmem>>, vector<1x256xf32>,
    %mul3A_1144 = arith.mulf %get3A_88, %get3A_70 : vector<32x256xf32>
    %reduce_sum3A_1145 = arith.constant dense<0.000000e+00> : vector<256xf32>
    %reduce_sum3A_1146 = vector.multi_reduction <add>, %mul3A_1144, %reduce_sum3A_1145 [0] : vector<32x256xf32> to vector<256xf32>
    %broadcast_in_dim3A_1147 = vector.shape_cast %reduce_sum3A_1146 : vector<256xf32> to vector<1x256xf32>
    %swap3A_1148 = arith.constant 179 : index
    %swap3A_1149 = arith.constant 0 : index
    %swap3A_1150 = vector.load %arg20[%swap3A_1148, %swap3A_1149] : memref<384x256xf32, #tpu.memory_space<vmem>>, vector<1x256xf32>
    tpu.vector_store %arg20[%swap3A_1148, %swap3A_1149], %broadcast_in_dim3A_1147 {strides = array<i32>} : memref<384x256xf32, #tpu.memory_space<vmem>>, vector<1x256xf32>,
    %mul3A_1151 = arith.mulf %get3A_88, %get3A_73 : vector<32x256xf32>
    %reduce_sum3A_1152 = arith.constant dense<0.000000e+00> : vector<256xf32>
    %reduce_sum3A_1153 = vector.multi_reduction <add>, %mul3A_1151, %reduce_sum3A_1152 [0] : vector<32x256xf32> to vector<256xf32>
    %broadcast_in_dim3A_1154 = vector.shape_cast %reduce_sum3A_1153 : vector<256xf32> to vector<1x256xf32>
    %swap3A_1155 = arith.constant 180 : index
    %swap3A_1156 = arith.constant 0 : index
    %swap3A_1157 = vector.load %arg20[%swap3A_1155, %swap3A_1156] : memref<384x256xf32, #tpu.memory_space<vmem>>, vector<1x256xf32>
    tpu.vector_store %arg20[%swap3A_1155, %swap3A_1156], %broadcast_in_dim3A_1154 {strides = array<i32>} : memref<384x256xf32, #tpu.memory_space<vmem>>, vector<1x256xf32>,
    %mul3A_1158 = arith.mulf %get3A_88, %get3A_76 : vector<32x256xf32>
    %reduce_sum3A_1159 = arith.constant dense<0.000000e+00> : vector<256xf32>
    %reduce_sum3A_1160 = vector.multi_reduction <add>, %mul3A_1158, %reduce_sum3A_1159 [0] : vector<32x256xf32> to vector<256xf32>
    %broadcast_in_dim3A_1161 = vector.shape_cast %reduce_sum3A_1160 : vector<256xf32> to vector<1x256xf32>
    %swap3A_1162 = arith.constant 181 : index
    %swap3A_1163 = arith.constant 0 : index
    %swap3A_1164 = vector.load %arg20[%swap3A_1162, %swap3A_1163] : memref<384x256xf32, #tpu.memory_space<vmem>>, vector<1x256xf32>
    tpu.vector_store %arg20[%swap3A_1162, %swap3A_1163], %broadcast_in_dim3A_1161 {strides = array<i32>} : memref<384x256xf32, #tpu.memory_space<vmem>>, vector<1x256xf32>,
    %mul3A_1165 = arith.mulf %get3A_88, %get3A_79 : vector<32x256xf32>
    %reduce_sum3A_1166 = arith.constant dense<0.000000e+00> : vector<256xf32>
    %reduce_sum3A_1167 = vector.multi_reduction <add>, %mul3A_1165, %reduce_sum3A_1166 [0] : vector<32x256xf32> to vector<256xf32>
    %broadcast_in_dim3A_1168 = vector.shape_cast %reduce_sum3A_1167 : vector<256xf32> to vector<1x256xf32>
    %swap3A_1169 = arith.constant 182 : index
    %swap3A_1170 = arith.constant 0 : index
    %swap3A_1171 = vector.load %arg20[%swap3A_1169, %swap3A_1170] : memref<384x256xf32, #tpu.memory_space<vmem>>, vector<1x256xf32>
    tpu.vector_store %arg20[%swap3A_1169, %swap3A_1170], %broadcast_in_dim3A_1168 {strides = array<i32>} : memref<384x256xf32, #tpu.memory_space<vmem>>, vector<1x256xf32>,
    %mul3A_1172 = arith.mulf %get3A_88, %get3A_82 : vector<32x256xf32>
    %reduce_sum3A_1173 = arith.constant dense<0.000000e+00> : vector<256xf32>
    %reduce_sum3A_1174 = vector.multi_reduction <add>, %mul3A_1172, %reduce_sum3A_1173 [0] : vector<32x256xf32> to vector<256xf32>
    %broadcast_in_dim3A_1175 = vector.shape_cast %reduce_sum3A_1174 : vector<256xf32> to vector<1x256xf32>
    %swap3A_1176 = arith.constant 183 : index
    %swap3A_1177 = arith.constant 0 : index
    %swap3A_1178 = vector.load %arg20[%swap3A_1176, %swap3A_1177] : memref<384x256xf32, #tpu.memory_space<vmem>>, vector<1x256xf32>
    tpu.vector_store %arg20[%swap3A_1176, %swap3A_1177], %broadcast_in_dim3A_1175 {strides = array<i32>} : memref<384x256xf32, #tpu.memory_space<vmem>>, vector<1x256xf32>,
    %mul3A_1179 = arith.mulf %get3A_88, %get3A_85 : vector<32x256xf32>
    %reduce_sum3A_1180 = arith.constant dense<0.000000e+00> : vector<256xf32>
    %reduce_sum3A_1181 = vector.multi_reduction <add>, %mul3A_1179, %reduce_sum3A_1180 [0] : vector<32x256xf32> to vector<256xf32>
    %broadcast_in_dim3A_1182 = vector.shape_cast %reduce_sum3A_1181 : vector<256xf32> to vector<1x256xf32>
    %swap3A_1183 = arith.constant 184 : index
    %swap3A_1184 = arith.constant 0 : index
    %swap3A_1185 = vector.load %arg20[%swap3A_1183, %swap3A_1184] : memref<384x256xf32, #tpu.memory_space<vmem>>, vector<1x256xf32>
    tpu.vector_store %arg20[%swap3A_1183, %swap3A_1184], %broadcast_in_dim3A_1182 {strides = array<i32>} : memref<384x256xf32, #tpu.memory_space<vmem>>, vector<1x256xf32>,
    %mul3A_1186 = arith.mulf %get3A_91, %max3A_37 : vector<32x256xf32>
    %reduce_sum3A_1187 = arith.constant dense<0.000000e+00> : vector<256xf32>
    %reduce_sum3A_1188 = vector.multi_reduction <add>, %mul3A_1186, %reduce_sum3A_1187 [0] : vector<32x256xf32> to vector<256xf32>
    %broadcast_in_dim3A_1189 = vector.shape_cast %reduce_sum3A_1188 : vector<256xf32> to vector<1x256xf32>
    %swap3A_1190 = arith.constant 185 : index
    %swap3A_1191 = arith.constant 0 : index
    %swap3A_1192 = vector.load %arg20[%swap3A_1190, %swap3A_1191] : memref<384x256xf32, #tpu.memory_space<vmem>>, vector<1x256xf32>
    tpu.vector_store %arg20[%swap3A_1190, %swap3A_1191], %broadcast_in_dim3A_1189 {strides = array<i32>} : memref<384x256xf32, #tpu.memory_space<vmem>>, vector<1x256xf32>,
    %mul3A_1193 = arith.mulf %get3A_91, %get3A_40 : vector<32x256xf32>
    %reduce_sum3A_1194 = arith.constant dense<0.000000e+00> : vector<256xf32>
    %reduce_sum3A_1195 = vector.multi_reduction <add>, %mul3A_1193, %reduce_sum3A_1194 [0] : vector<32x256xf32> to vector<256xf32>
    %broadcast_in_dim3A_1196 = vector.shape_cast %reduce_sum3A_1195 : vector<256xf32> to vector<1x256xf32>
    %swap3A_1197 = arith.constant 186 : index
    %swap3A_1198 = arith.constant 0 : index
    %swap3A_1199 = vector.load %arg20[%swap3A_1197, %swap3A_1198] : memref<384x256xf32, #tpu.memory_space<vmem>>, vector<1x256xf32>
    tpu.vector_store %arg20[%swap3A_1197, %swap3A_1198], %broadcast_in_dim3A_1196 {strides = array<i32>} : memref<384x256xf32, #tpu.memory_space<vmem>>, vector<1x256xf32>,
    %mul3A_1200 = arith.mulf %get3A_91, %get3A_43 : vector<32x256xf32>
    %reduce_sum3A_1201 = arith.constant dense<0.000000e+00> : vector<256xf32>
    %reduce_sum3A_1202 = vector.multi_reduction <add>, %mul3A_1200, %reduce_sum3A_1201 [0] : vector<32x256xf32> to vector<256xf32>
    %broadcast_in_dim3A_1203 = vector.shape_cast %reduce_sum3A_1202 : vector<256xf32> to vector<1x256xf32>
    %swap3A_1204 = arith.constant 187 : index
    %swap3A_1205 = arith.constant 0 : index
    %swap3A_1206 = vector.load %arg20[%swap3A_1204, %swap3A_1205] : memref<384x256xf32, #tpu.memory_space<vmem>>, vector<1x256xf32>
    tpu.vector_store %arg20[%swap3A_1204, %swap3A_1205], %broadcast_in_dim3A_1203 {strides = array<i32>} : memref<384x256xf32, #tpu.memory_space<vmem>>, vector<1x256xf32>,
    %mul3A_1207 = arith.mulf %get3A_91, %get3A_46 : vector<32x256xf32>
    %reduce_sum3A_1208 = arith.constant dense<0.000000e+00> : vector<256xf32>
    %reduce_sum3A_1209 = vector.multi_reduction <add>, %mul3A_1207, %reduce_sum3A_1208 [0] : vector<32x256xf32> to vector<256xf32>
    %broadcast_in_dim3A_1210 = vector.shape_cast %reduce_sum3A_1209 : vector<256xf32> to vector<1x256xf32>
    %swap3A_1211 = arith.constant 188 : index
    %swap3A_1212 = arith.constant 0 : index
    %swap3A_1213 = vector.load %arg20[%swap3A_1211, %swap3A_1212] : memref<384x256xf32, #tpu.memory_space<vmem>>, vector<1x256xf32>
    tpu.vector_store %arg20[%swap3A_1211, %swap3A_1212], %broadcast_in_dim3A_1210 {strides = array<i32>} : memref<384x256xf32, #tpu.memory_space<vmem>>, vector<1x256xf32>,
    %mul3A_1214 = arith.mulf %get3A_91, %get3A_49 : vector<32x256xf32>
    %reduce_sum3A_1215 = arith.constant dense<0.000000e+00> : vector<256xf32>
    %reduce_sum3A_1216 = vector.multi_reduction <add>, %mul3A_1214, %reduce_sum3A_1215 [0] : vector<32x256xf32> to vector<256xf32>
    %broadcast_in_dim3A_1217 = vector.shape_cast %reduce_sum3A_1216 : vector<256xf32> to vector<1x256xf32>
    %swap3A_1218 = arith.constant 189 : index
    %swap3A_1219 = arith.constant 0 : index
    %swap3A_1220 = vector.load %arg20[%swap3A_1218, %swap3A_1219] : memref<384x256xf32, #tpu.memory_space<vmem>>, vector<1x256xf32>
    tpu.vector_store %arg20[%swap3A_1218, %swap3A_1219], %broadcast_in_dim3A_1217 {strides = array<i32>} : memref<384x256xf32, #tpu.memory_space<vmem>>, vector<1x256xf32>,
    %mul3A_1221 = arith.mulf %get3A_91, %get3A_52 : vector<32x256xf32>
    %reduce_sum3A_1222 = arith.constant dense<0.000000e+00> : vector<256xf32>
    %reduce_sum3A_1223 = vector.multi_reduction <add>, %mul3A_1221, %reduce_sum3A_1222 [0] : vector<32x256xf32> to vector<256xf32>
    %broadcast_in_dim3A_1224 = vector.shape_cast %reduce_sum3A_1223 : vector<256xf32> to vector<1x256xf32>
    %swap3A_1225 = arith.constant 190 : index
    %swap3A_1226 = arith.constant 0 : index
    %swap3A_1227 = vector.load %arg20[%swap3A_1225, %swap3A_1226] : memref<384x256xf32, #tpu.memory_space<vmem>>, vector<1x256xf32>
    tpu.vector_store %arg20[%swap3A_1225, %swap3A_1226], %broadcast_in_dim3A_1224 {strides = array<i32>} : memref<384x256xf32, #tpu.memory_space<vmem>>, vector<1x256xf32>,
    %mul3A_1228 = arith.mulf %get3A_91, %get3A_55 : vector<32x256xf32>
    %reduce_sum3A_1229 = arith.constant dense<0.000000e+00> : vector<256xf32>
    %reduce_sum3A_1230 = vector.multi_reduction <add>, %mul3A_1228, %reduce_sum3A_1229 [0] : vector<32x256xf32> to vector<256xf32>
    %broadcast_in_dim3A_1231 = vector.shape_cast %reduce_sum3A_1230 : vector<256xf32> to vector<1x256xf32>
    %swap3A_1232 = arith.constant 191 : index
    %swap3A_1233 = arith.constant 0 : index
    %swap3A_1234 = vector.load %arg20[%swap3A_1232, %swap3A_1233] : memref<384x256xf32, #tpu.memory_space<vmem>>, vector<1x256xf32>
    tpu.vector_store %arg20[%swap3A_1232, %swap3A_1233], %broadcast_in_dim3A_1231 {strides = array<i32>} : memref<384x256xf32, #tpu.memory_space<vmem>>, vector<1x256xf32>,
    %mul3A_1235 = arith.mulf %get3A_91, %get3A_58 : vector<32x256xf32>
    %reduce_sum3A_1236 = arith.constant dense<0.000000e+00> : vector<256xf32>
    %reduce_sum3A_1237 = vector.multi_reduction <add>, %mul3A_1235, %reduce_sum3A_1236 [0] : vector<32x256xf32> to vector<256xf32>
    %broadcast_in_dim3A_1238 = vector.shape_cast %reduce_sum3A_1237 : vector<256xf32> to vector<1x256xf32>
    %swap3A_1239 = arith.constant 192 : index
    %swap3A_1240 = arith.constant 0 : index
    %swap3A_1241 = vector.load %arg20[%swap3A_1239, %swap3A_1240] : memref<384x256xf32, #tpu.memory_space<vmem>>, vector<1x256xf32>
    tpu.vector_store %arg20[%swap3A_1239, %swap3A_1240], %broadcast_in_dim3A_1238 {strides = array<i32>} : memref<384x256xf32, #tpu.memory_space<vmem>>, vector<1x256xf32>,
    %mul3A_1242 = arith.mulf %get3A_91, %get3A_61 : vector<32x256xf32>
    %reduce_sum3A_1243 = arith.constant dense<0.000000e+00> : vector<256xf32>
    %reduce_sum3A_1244 = vector.multi_reduction <add>, %mul3A_1242, %reduce_sum3A_1243 [0] : vector<32x256xf32> to vector<256xf32>
    %broadcast_in_dim3A_1245 = vector.shape_cast %reduce_sum3A_1244 : vector<256xf32> to vector<1x256xf32>
    %swap3A_1246 = arith.constant 193 : index
    %swap3A_1247 = arith.constant 0 : index
    %swap3A_1248 = vector.load %arg20[%swap3A_1246, %swap3A_1247] : memref<384x256xf32, #tpu.memory_space<vmem>>, vector<1x256xf32>
    tpu.vector_store %arg20[%swap3A_1246, %swap3A_1247], %broadcast_in_dim3A_1245 {strides = array<i32>} : memref<384x256xf32, #tpu.memory_space<vmem>>, vector<1x256xf32>,
    %mul3A_1249 = arith.mulf %get3A_91, %get3A_64 : vector<32x256xf32>
    %reduce_sum3A_1250 = arith.constant dense<0.000000e+00> : vector<256xf32>
    %reduce_sum3A_1251 = vector.multi_reduction <add>, %mul3A_1249, %reduce_sum3A_1250 [0] : vector<32x256xf32> to vector<256xf32>
    %broadcast_in_dim3A_1252 = vector.shape_cast %reduce_sum3A_1251 : vector<256xf32> to vector<1x256xf32>
    %swap3A_1253 = arith.constant 194 : index
    %swap3A_1254 = arith.constant 0 : index
    %swap3A_1255 = vector.load %arg20[%swap3A_1253, %swap3A_1254] : memref<384x256xf32, #tpu.memory_space<vmem>>, vector<1x256xf32>
    tpu.vector_store %arg20[%swap3A_1253, %swap3A_1254], %broadcast_in_dim3A_1252 {strides = array<i32>} : memref<384x256xf32, #tpu.memory_space<vmem>>, vector<1x256xf32>,
    %mul3A_1256 = arith.mulf %get3A_91, %get3A_67 : vector<32x256xf32>
    %reduce_sum3A_1257 = arith.constant dense<0.000000e+00> : vector<256xf32>
    %reduce_sum3A_1258 = vector.multi_reduction <add>, %mul3A_1256, %reduce_sum3A_1257 [0] : vector<32x256xf32> to vector<256xf32>
    %broadcast_in_dim3A_1259 = vector.shape_cast %reduce_sum3A_1258 : vector<256xf32> to vector<1x256xf32>
    %swap3A_1260 = arith.constant 195 : index
    %swap3A_1261 = arith.constant 0 : index
    %swap3A_1262 = vector.load %arg20[%swap3A_1260, %swap3A_1261] : memref<384x256xf32, #tpu.memory_space<vmem>>, vector<1x256xf32>
    tpu.vector_store %arg20[%swap3A_1260, %swap3A_1261], %broadcast_in_dim3A_1259 {strides = array<i32>} : memref<384x256xf32, #tpu.memory_space<vmem>>, vector<1x256xf32>,
    %mul3A_1263 = arith.mulf %get3A_91, %get3A_70 : vector<32x256xf32>
    %reduce_sum3A_1264 = arith.constant dense<0.000000e+00> : vector<256xf32>
    %reduce_sum3A_1265 = vector.multi_reduction <add>, %mul3A_1263, %reduce_sum3A_1264 [0] : vector<32x256xf32> to vector<256xf32>
    %broadcast_in_dim3A_1266 = vector.shape_cast %reduce_sum3A_1265 : vector<256xf32> to vector<1x256xf32>
    %swap3A_1267 = arith.constant 196 : index
    %swap3A_1268 = arith.constant 0 : index
    %swap3A_1269 = vector.load %arg20[%swap3A_1267, %swap3A_1268] : memref<384x256xf32, #tpu.memory_space<vmem>>, vector<1x256xf32>
    tpu.vector_store %arg20[%swap3A_1267, %swap3A_1268], %broadcast_in_dim3A_1266 {strides = array<i32>} : memref<384x256xf32, #tpu.memory_space<vmem>>, vector<1x256xf32>,
    %mul3A_1270 = arith.mulf %get3A_91, %get3A_73 : vector<32x256xf32>
    %reduce_sum3A_1271 = arith.constant dense<0.000000e+00> : vector<256xf32>
    %reduce_sum3A_1272 = vector.multi_reduction <add>, %mul3A_1270, %reduce_sum3A_1271 [0] : vector<32x256xf32> to vector<256xf32>
    %broadcast_in_dim3A_1273 = vector.shape_cast %reduce_sum3A_1272 : vector<256xf32> to vector<1x256xf32>
    %swap3A_1274 = arith.constant 197 : index
    %swap3A_1275 = arith.constant 0 : index
    %swap3A_1276 = vector.load %arg20[%swap3A_1274, %swap3A_1275] : memref<384x256xf32, #tpu.memory_space<vmem>>, vector<1x256xf32>
    tpu.vector_store %arg20[%swap3A_1274, %swap3A_1275], %broadcast_in_dim3A_1273 {strides = array<i32>} : memref<384x256xf32, #tpu.memory_space<vmem>>, vector<1x256xf32>,
    %mul3A_1277 = arith.mulf %get3A_91, %get3A_76 : vector<32x256xf32>
    %reduce_sum3A_1278 = arith.constant dense<0.000000e+00> : vector<256xf32>
    %reduce_sum3A_1279 = vector.multi_reduction <add>, %mul3A_1277, %reduce_sum3A_1278 [0] : vector<32x256xf32> to vector<256xf32>
    %broadcast_in_dim3A_1280 = vector.shape_cast %reduce_sum3A_1279 : vector<256xf32> to vector<1x256xf32>
    %swap3A_1281 = arith.constant 198 : index
    %swap3A_1282 = arith.constant 0 : index
    %swap3A_1283 = vector.load %arg20[%swap3A_1281, %swap3A_1282] : memref<384x256xf32, #tpu.memory_space<vmem>>, vector<1x256xf32>
    tpu.vector_store %arg20[%swap3A_1281, %swap3A_1282], %broadcast_in_dim3A_1280 {strides = array<i32>} : memref<384x256xf32, #tpu.memory_space<vmem>>, vector<1x256xf32>,
    %mul3A_1284 = arith.mulf %get3A_91, %get3A_79 : vector<32x256xf32>
    %reduce_sum3A_1285 = arith.constant dense<0.000000e+00> : vector<256xf32>
    %reduce_sum3A_1286 = vector.multi_reduction <add>, %mul3A_1284, %reduce_sum3A_1285 [0] : vector<32x256xf32> to vector<256xf32>
    %broadcast_in_dim3A_1287 = vector.shape_cast %reduce_sum3A_1286 : vector<256xf32> to vector<1x256xf32>
    %swap3A_1288 = arith.constant 199 : index
    %swap3A_1289 = arith.constant 0 : index
    %swap3A_1290 = vector.load %arg20[%swap3A_1288, %swap3A_1289] : memref<384x256xf32, #tpu.memory_space<vmem>>, vector<1x256xf32>
    tpu.vector_store %arg20[%swap3A_1288, %swap3A_1289], %broadcast_in_dim3A_1287 {strides = array<i32>} : memref<384x256xf32, #tpu.memory_space<vmem>>, vector<1x256xf32>,
    %mul3A_1291 = arith.mulf %get3A_91, %get3A_82 : vector<32x256xf32>
    %reduce_sum3A_1292 = arith.constant dense<0.000000e+00> : vector<256xf32>
    %reduce_sum3A_1293 = vector.multi_reduction <add>, %mul3A_1291, %reduce_sum3A_1292 [0] : vector<32x256xf32> to vector<256xf32>
    %broadcast_in_dim3A_1294 = vector.shape_cast %reduce_sum3A_1293 : vector<256xf32> to vector<1x256xf32>
    %swap3A_1295 = arith.constant 200 : index
    %swap3A_1296 = arith.constant 0 : index
    %swap3A_1297 = vector.load %arg20[%swap3A_1295, %swap3A_1296] : memref<384x256xf32, #tpu.memory_space<vmem>>, vector<1x256xf32>
    tpu.vector_store %arg20[%swap3A_1295, %swap3A_1296], %broadcast_in_dim3A_1294 {strides = array<i32>} : memref<384x256xf32, #tpu.memory_space<vmem>>, vector<1x256xf32>,
    %mul3A_1298 = arith.mulf %get3A_91, %get3A_85 : vector<32x256xf32>
    %reduce_sum3A_1299 = arith.constant dense<0.000000e+00> : vector<256xf32>
    %reduce_sum3A_1300 = vector.multi_reduction <add>, %mul3A_1298, %reduce_sum3A_1299 [0] : vector<32x256xf32> to vector<256xf32>
    %broadcast_in_dim3A_1301 = vector.shape_cast %reduce_sum3A_1300 : vector<256xf32> to vector<1x256xf32>
    %swap3A_1302 = arith.constant 201 : index
    %swap3A_1303 = arith.constant 0 : index
    %swap3A_1304 = vector.load %arg20[%swap3A_1302, %swap3A_1303] : memref<384x256xf32, #tpu.memory_space<vmem>>, vector<1x256xf32>
    tpu.vector_store %arg20[%swap3A_1302, %swap3A_1303], %broadcast_in_dim3A_1301 {strides = array<i32>} : memref<384x256xf32, #tpu.memory_space<vmem>>, vector<1x256xf32>,
    %mul3A_1305 = arith.mulf %get3A_91, %get3A_88 : vector<32x256xf32>
    %reduce_sum3A_1306 = arith.constant dense<0.000000e+00> : vector<256xf32>
    %reduce_sum3A_1307 = vector.multi_reduction <add>, %mul3A_1305, %reduce_sum3A_1306 [0] : vector<32x256xf32> to vector<256xf32>
    %broadcast_in_dim3A_1308 = vector.shape_cast %reduce_sum3A_1307 : vector<256xf32> to vector<1x256xf32>
    %swap3A_1309 = arith.constant 202 : index
    %swap3A_1310 = arith.constant 0 : index
    %swap3A_1311 = vector.load %arg20[%swap3A_1309, %swap3A_1310] : memref<384x256xf32, #tpu.memory_space<vmem>>, vector<1x256xf32>
    tpu.vector_store %arg20[%swap3A_1309, %swap3A_1310], %broadcast_in_dim3A_1308 {strides = array<i32>} : memref<384x256xf32, #tpu.memory_space<vmem>>, vector<1x256xf32>,
    %mul3A_1312 = arith.mulf %get3A_94, %max3A_37 : vector<32x256xf32>
    %reduce_sum3A_1313 = arith.constant dense<0.000000e+00> : vector<256xf32>
    %reduce_sum3A_1314 = vector.multi_reduction <add>, %mul3A_1312, %reduce_sum3A_1313 [0] : vector<32x256xf32> to vector<256xf32>
    %broadcast_in_dim3A_1315 = vector.shape_cast %reduce_sum3A_1314 : vector<256xf32> to vector<1x256xf32>
    %swap3A_1316 = arith.constant 203 : index
    %swap3A_1317 = arith.constant 0 : index
    %swap3A_1318 = vector.load %arg20[%swap3A_1316, %swap3A_1317] : memref<384x256xf32, #tpu.memory_space<vmem>>, vector<1x256xf32>
    tpu.vector_store %arg20[%swap3A_1316, %swap3A_1317], %broadcast_in_dim3A_1315 {strides = array<i32>} : memref<384x256xf32, #tpu.memory_space<vmem>>, vector<1x256xf32>,
    %mul3A_1319 = arith.mulf %get3A_94, %get3A_40 : vector<32x256xf32>
    %reduce_sum3A_1320 = arith.constant dense<0.000000e+00> : vector<256xf32>
    %reduce_sum3A_1321 = vector.multi_reduction <add>, %mul3A_1319, %reduce_sum3A_1320 [0] : vector<32x256xf32> to vector<256xf32>
    %broadcast_in_dim3A_1322 = vector.shape_cast %reduce_sum3A_1321 : vector<256xf32> to vector<1x256xf32>
    %swap3A_1323 = arith.constant 204 : index
    %swap3A_1324 = arith.constant 0 : index
    %swap3A_1325 = vector.load %arg20[%swap3A_1323, %swap3A_1324] : memref<384x256xf32, #tpu.memory_space<vmem>>, vector<1x256xf32>
    tpu.vector_store %arg20[%swap3A_1323, %swap3A_1324], %broadcast_in_dim3A_1322 {strides = array<i32>} : memref<384x256xf32, #tpu.memory_space<vmem>>, vector<1x256xf32>,
    %mul3A_1326 = arith.mulf %get3A_94, %get3A_43 : vector<32x256xf32>
    %reduce_sum3A_1327 = arith.constant dense<0.000000e+00> : vector<256xf32>
    %reduce_sum3A_1328 = vector.multi_reduction <add>, %mul3A_1326, %reduce_sum3A_1327 [0] : vector<32x256xf32> to vector<256xf32>
    %broadcast_in_dim3A_1329 = vector.shape_cast %reduce_sum3A_1328 : vector<256xf32> to vector<1x256xf32>
    %swap3A_1330 = arith.constant 205 : index
    %swap3A_1331 = arith.constant 0 : index
    %swap3A_1332 = vector.load %arg20[%swap3A_1330, %swap3A_1331] : memref<384x256xf32, #tpu.memory_space<vmem>>, vector<1x256xf32>
    tpu.vector_store %arg20[%swap3A_1330, %swap3A_1331], %broadcast_in_dim3A_1329 {strides = array<i32>} : memref<384x256xf32, #tpu.memory_space<vmem>>, vector<1x256xf32>,
    %mul3A_1333 = arith.mulf %get3A_94, %get3A_46 : vector<32x256xf32>
    %reduce_sum3A_1334 = arith.constant dense<0.000000e+00> : vector<256xf32>
    %reduce_sum3A_1335 = vector.multi_reduction <add>, %mul3A_1333, %reduce_sum3A_1334 [0] : vector<32x256xf32> to vector<256xf32>
    %broadcast_in_dim3A_1336 = vector.shape_cast %reduce_sum3A_1335 : vector<256xf32> to vector<1x256xf32>
    %swap3A_1337 = arith.constant 206 : index
    %swap3A_1338 = arith.constant 0 : index
    %swap3A_1339 = vector.load %arg20[%swap3A_1337, %swap3A_1338] : memref<384x256xf32, #tpu.memory_space<vmem>>, vector<1x256xf32>
    tpu.vector_store %arg20[%swap3A_1337, %swap3A_1338], %broadcast_in_dim3A_1336 {strides = array<i32>} : memref<384x256xf32, #tpu.memory_space<vmem>>, vector<1x256xf32>,
    %mul3A_1340 = arith.mulf %get3A_94, %get3A_49 : vector<32x256xf32>
    %reduce_sum3A_1341 = arith.constant dense<0.000000e+00> : vector<256xf32>
    %reduce_sum3A_1342 = vector.multi_reduction <add>, %mul3A_1340, %reduce_sum3A_1341 [0] : vector<32x256xf32> to vector<256xf32>
    %broadcast_in_dim3A_1343 = vector.shape_cast %reduce_sum3A_1342 : vector<256xf32> to vector<1x256xf32>
    %swap3A_1344 = arith.constant 207 : index
    %swap3A_1345 = arith.constant 0 : index
    %swap3A_1346 = vector.load %arg20[%swap3A_1344, %swap3A_1345] : memref<384x256xf32, #tpu.memory_space<vmem>>, vector<1x256xf32>
    tpu.vector_store %arg20[%swap3A_1344, %swap3A_1345], %broadcast_in_dim3A_1343 {strides = array<i32>} : memref<384x256xf32, #tpu.memory_space<vmem>>, vector<1x256xf32>,
    %mul3A_1347 = arith.mulf %get3A_94, %get3A_52 : vector<32x256xf32>
    %reduce_sum3A_1348 = arith.constant dense<0.000000e+00> : vector<256xf32>
    %reduce_sum3A_1349 = vector.multi_reduction <add>, %mul3A_1347, %reduce_sum3A_1348 [0] : vector<32x256xf32> to vector<256xf32>
    %broadcast_in_dim3A_1350 = vector.shape_cast %reduce_sum3A_1349 : vector<256xf32> to vector<1x256xf32>
    %swap3A_1351 = arith.constant 208 : index
    %swap3A_1352 = arith.constant 0 : index
    %swap3A_1353 = vector.load %arg20[%swap3A_1351, %swap3A_1352] : memref<384x256xf32, #tpu.memory_space<vmem>>, vector<1x256xf32>
    tpu.vector_store %arg20[%swap3A_1351, %swap3A_1352], %broadcast_in_dim3A_1350 {strides = array<i32>} : memref<384x256xf32, #tpu.memory_space<vmem>>, vector<1x256xf32>,
    %mul3A_1354 = arith.mulf %get3A_94, %get3A_55 : vector<32x256xf32>
    %reduce_sum3A_1355 = arith.constant dense<0.000000e+00> : vector<256xf32>
    %reduce_sum3A_1356 = vector.multi_reduction <add>, %mul3A_1354, %reduce_sum3A_1355 [0] : vector<32x256xf32> to vector<256xf32>
    %broadcast_in_dim3A_1357 = vector.shape_cast %reduce_sum3A_1356 : vector<256xf32> to vector<1x256xf32>
    %swap3A_1358 = arith.constant 209 : index
    %swap3A_1359 = arith.constant 0 : index
    %swap3A_1360 = vector.load %arg20[%swap3A_1358, %swap3A_1359] : memref<384x256xf32, #tpu.memory_space<vmem>>, vector<1x256xf32>
    tpu.vector_store %arg20[%swap3A_1358, %swap3A_1359], %broadcast_in_dim3A_1357 {strides = array<i32>} : memref<384x256xf32, #tpu.memory_space<vmem>>, vector<1x256xf32>,
    %mul3A_1361 = arith.mulf %get3A_94, %get3A_58 : vector<32x256xf32>
    %reduce_sum3A_1362 = arith.constant dense<0.000000e+00> : vector<256xf32>
    %reduce_sum3A_1363 = vector.multi_reduction <add>, %mul3A_1361, %reduce_sum3A_1362 [0] : vector<32x256xf32> to vector<256xf32>
    %broadcast_in_dim3A_1364 = vector.shape_cast %reduce_sum3A_1363 : vector<256xf32> to vector<1x256xf32>
    %swap3A_1365 = arith.constant 210 : index
    %swap3A_1366 = arith.constant 0 : index
    %swap3A_1367 = vector.load %arg20[%swap3A_1365, %swap3A_1366] : memref<384x256xf32, #tpu.memory_space<vmem>>, vector<1x256xf32>
    tpu.vector_store %arg20[%swap3A_1365, %swap3A_1366], %broadcast_in_dim3A_1364 {strides = array<i32>} : memref<384x256xf32, #tpu.memory_space<vmem>>, vector<1x256xf32>,
    %mul3A_1368 = arith.mulf %get3A_94, %get3A_61 : vector<32x256xf32>
    %reduce_sum3A_1369 = arith.constant dense<0.000000e+00> : vector<256xf32>
    %reduce_sum3A_1370 = vector.multi_reduction <add>, %mul3A_1368, %reduce_sum3A_1369 [0] : vector<32x256xf32> to vector<256xf32>
    %broadcast_in_dim3A_1371 = vector.shape_cast %reduce_sum3A_1370 : vector<256xf32> to vector<1x256xf32>
    %swap3A_1372 = arith.constant 211 : index
    %swap3A_1373 = arith.constant 0 : index
    %swap3A_1374 = vector.load %arg20[%swap3A_1372, %swap3A_1373] : memref<384x256xf32, #tpu.memory_space<vmem>>, vector<1x256xf32>
    tpu.vector_store %arg20[%swap3A_1372, %swap3A_1373], %broadcast_in_dim3A_1371 {strides = array<i32>} : memref<384x256xf32, #tpu.memory_space<vmem>>, vector<1x256xf32>,
    %mul3A_1375 = arith.mulf %get3A_94, %get3A_64 : vector<32x256xf32>
    %reduce_sum3A_1376 = arith.constant dense<0.000000e+00> : vector<256xf32>
    %reduce_sum3A_1377 = vector.multi_reduction <add>, %mul3A_1375, %reduce_sum3A_1376 [0] : vector<32x256xf32> to vector<256xf32>
    %broadcast_in_dim3A_1378 = vector.shape_cast %reduce_sum3A_1377 : vector<256xf32> to vector<1x256xf32>
    %swap3A_1379 = arith.constant 212 : index
    %swap3A_1380 = arith.constant 0 : index
    %swap3A_1381 = vector.load %arg20[%swap3A_1379, %swap3A_1380] : memref<384x256xf32, #tpu.memory_space<vmem>>, vector<1x256xf32>
    tpu.vector_store %arg20[%swap3A_1379, %swap3A_1380], %broadcast_in_dim3A_1378 {strides = array<i32>} : memref<384x256xf32, #tpu.memory_space<vmem>>, vector<1x256xf32>,
    %mul3A_1382 = arith.mulf %get3A_94, %get3A_67 : vector<32x256xf32>
    %reduce_sum3A_1383 = arith.constant dense<0.000000e+00> : vector<256xf32>
    %reduce_sum3A_1384 = vector.multi_reduction <add>, %mul3A_1382, %reduce_sum3A_1383 [0] : vector<32x256xf32> to vector<256xf32>
    %broadcast_in_dim3A_1385 = vector.shape_cast %reduce_sum3A_1384 : vector<256xf32> to vector<1x256xf32>
    %swap3A_1386 = arith.constant 213 : index
    %swap3A_1387 = arith.constant 0 : index
    %swap3A_1388 = vector.load %arg20[%swap3A_1386, %swap3A_1387] : memref<384x256xf32, #tpu.memory_space<vmem>>, vector<1x256xf32>
    tpu.vector_store %arg20[%swap3A_1386, %swap3A_1387], %broadcast_in_dim3A_1385 {strides = array<i32>} : memref<384x256xf32, #tpu.memory_space<vmem>>, vector<1x256xf32>,
    %mul3A_1389 = arith.mulf %get3A_94, %get3A_70 : vector<32x256xf32>
    %reduce_sum3A_1390 = arith.constant dense<0.000000e+00> : vector<256xf32>
    %reduce_sum3A_1391 = vector.multi_reduction <add>, %mul3A_1389, %reduce_sum3A_1390 [0] : vector<32x256xf32> to vector<256xf32>
    %broadcast_in_dim3A_1392 = vector.shape_cast %reduce_sum3A_1391 : vector<256xf32> to vector<1x256xf32>
    %swap3A_1393 = arith.constant 214 : index
    %swap3A_1394 = arith.constant 0 : index
    %swap3A_1395 = vector.load %arg20[%swap3A_1393, %swap3A_1394] : memref<384x256xf32, #tpu.memory_space<vmem>>, vector<1x256xf32>
    tpu.vector_store %arg20[%swap3A_1393, %swap3A_1394], %broadcast_in_dim3A_1392 {strides = array<i32>} : memref<384x256xf32, #tpu.memory_space<vmem>>, vector<1x256xf32>,
    %mul3A_1396 = arith.mulf %get3A_94, %get3A_73 : vector<32x256xf32>
    %reduce_sum3A_1397 = arith.constant dense<0.000000e+00> : vector<256xf32>
    %reduce_sum3A_1398 = vector.multi_reduction <add>, %mul3A_1396, %reduce_sum3A_1397 [0] : vector<32x256xf32> to vector<256xf32>
    %broadcast_in_dim3A_1399 = vector.shape_cast %reduce_sum3A_1398 : vector<256xf32> to vector<1x256xf32>
    %swap3A_1400 = arith.constant 215 : index
    %swap3A_1401 = arith.constant 0 : index
    %swap3A_1402 = vector.load %arg20[%swap3A_1400, %swap3A_1401] : memref<384x256xf32, #tpu.memory_space<vmem>>, vector<1x256xf32>
    tpu.vector_store %arg20[%swap3A_1400, %swap3A_1401], %broadcast_in_dim3A_1399 {strides = array<i32>} : memref<384x256xf32, #tpu.memory_space<vmem>>, vector<1x256xf32>,
    %mul3A_1403 = arith.mulf %get3A_94, %get3A_76 : vector<32x256xf32>
    %reduce_sum3A_1404 = arith.constant dense<0.000000e+00> : vector<256xf32>
    %reduce_sum3A_1405 = vector.multi_reduction <add>, %mul3A_1403, %reduce_sum3A_1404 [0] : vector<32x256xf32> to vector<256xf32>
    %broadcast_in_dim3A_1406 = vector.shape_cast %reduce_sum3A_1405 : vector<256xf32> to vector<1x256xf32>
    %swap3A_1407 = arith.constant 216 : index
    %swap3A_1408 = arith.constant 0 : index
    %swap3A_1409 = vector.load %arg20[%swap3A_1407, %swap3A_1408] : memref<384x256xf32, #tpu.memory_space<vmem>>, vector<1x256xf32>
    tpu.vector_store %arg20[%swap3A_1407, %swap3A_1408], %broadcast_in_dim3A_1406 {strides = array<i32>} : memref<384x256xf32, #tpu.memory_space<vmem>>, vector<1x256xf32>,
    %mul3A_1410 = arith.mulf %get3A_94, %get3A_79 : vector<32x256xf32>
    %reduce_sum3A_1411 = arith.constant dense<0.000000e+00> : vector<256xf32>
    %reduce_sum3A_1412 = vector.multi_reduction <add>, %mul3A_1410, %reduce_sum3A_1411 [0] : vector<32x256xf32> to vector<256xf32>
    %broadcast_in_dim3A_1413 = vector.shape_cast %reduce_sum3A_1412 : vector<256xf32> to vector<1x256xf32>
    %swap3A_1414 = arith.constant 217 : index
    %swap3A_1415 = arith.constant 0 : index
    %swap3A_1416 = vector.load %arg20[%swap3A_1414, %swap3A_1415] : memref<384x256xf32, #tpu.memory_space<vmem>>, vector<1x256xf32>
    tpu.vector_store %arg20[%swap3A_1414, %swap3A_1415], %broadcast_in_dim3A_1413 {strides = array<i32>} : memref<384x256xf32, #tpu.memory_space<vmem>>, vector<1x256xf32>,
    %mul3A_1417 = arith.mulf %get3A_94, %get3A_82 : vector<32x256xf32>
    %reduce_sum3A_1418 = arith.constant dense<0.000000e+00> : vector<256xf32>
    %reduce_sum3A_1419 = vector.multi_reduction <add>, %mul3A_1417, %reduce_sum3A_1418 [0] : vector<32x256xf32> to vector<256xf32>
    %broadcast_in_dim3A_1420 = vector.shape_cast %reduce_sum3A_1419 : vector<256xf32> to vector<1x256xf32>
    %swap3A_1421 = arith.constant 218 : index
    %swap3A_1422 = arith.constant 0 : index
    %swap3A_1423 = vector.load %arg20[%swap3A_1421, %swap3A_1422] : memref<384x256xf32, #tpu.memory_space<vmem>>, vector<1x256xf32>
    tpu.vector_store %arg20[%swap3A_1421, %swap3A_1422], %broadcast_in_dim3A_1420 {strides = array<i32>} : memref<384x256xf32, #tpu.memory_space<vmem>>, vector<1x256xf32>,
    %mul3A_1424 = arith.mulf %get3A_94, %get3A_85 : vector<32x256xf32>
    %reduce_sum3A_1425 = arith.constant dense<0.000000e+00> : vector<256xf32>
    %reduce_sum3A_1426 = vector.multi_reduction <add>, %mul3A_1424, %reduce_sum3A_1425 [0] : vector<32x256xf32> to vector<256xf32>
    %broadcast_in_dim3A_1427 = vector.shape_cast %reduce_sum3A_1426 : vector<256xf32> to vector<1x256xf32>
    %swap3A_1428 = arith.constant 219 : index
    %swap3A_1429 = arith.constant 0 : index
    %swap3A_1430 = vector.load %arg20[%swap3A_1428, %swap3A_1429] : memref<384x256xf32, #tpu.memory_space<vmem>>, vector<1x256xf32>
    tpu.vector_store %arg20[%swap3A_1428, %swap3A_1429], %broadcast_in_dim3A_1427 {strides = array<i32>} : memref<384x256xf32, #tpu.memory_space<vmem>>, vector<1x256xf32>,
    %mul3A_1431 = arith.mulf %get3A_94, %get3A_88 : vector<32x256xf32>
    %reduce_sum3A_1432 = arith.constant dense<0.000000e+00> : vector<256xf32>
    %reduce_sum3A_1433 = vector.multi_reduction <add>, %mul3A_1431, %reduce_sum3A_1432 [0] : vector<32x256xf32> to vector<256xf32>
    %broadcast_in_dim3A_1434 = vector.shape_cast %reduce_sum3A_1433 : vector<256xf32> to vector<1x256xf32>
    %swap3A_1435 = arith.constant 220 : index
    %swap3A_1436 = arith.constant 0 : index
    %swap3A_1437 = vector.load %arg20[%swap3A_1435, %swap3A_1436] : memref<384x256xf32, #tpu.memory_space<vmem>>, vector<1x256xf32>
    tpu.vector_store %arg20[%swap3A_1435, %swap3A_1436], %broadcast_in_dim3A_1434 {strides = array<i32>} : memref<384x256xf32, #tpu.memory_space<vmem>>, vector<1x256xf32>,
    %mul3A_1438 = arith.mulf %get3A_94, %get3A_91 : vector<32x256xf32>
    %reduce_sum3A_1439 = arith.constant dense<0.000000e+00> : vector<256xf32>
    %reduce_sum3A_1440 = vector.multi_reduction <add>, %mul3A_1438, %reduce_sum3A_1439 [0] : vector<32x256xf32> to vector<256xf32>
    %broadcast_in_dim3A_1441 = vector.shape_cast %reduce_sum3A_1440 : vector<256xf32> to vector<1x256xf32>
    %swap3A_1442 = arith.constant 221 : index
    %swap3A_1443 = arith.constant 0 : index
    %swap3A_1444 = vector.load %arg20[%swap3A_1442, %swap3A_1443] : memref<384x256xf32, #tpu.memory_space<vmem>>, vector<1x256xf32>
    tpu.vector_store %arg20[%swap3A_1442, %swap3A_1443], %broadcast_in_dim3A_1441 {strides = array<i32>} : memref<384x256xf32, #tpu.memory_space<vmem>>, vector<1x256xf32>,
    %mul3A_1445 = arith.mulf %get3A_97, %max3A_37 : vector<32x256xf32>
    %reduce_sum3A_1446 = arith.constant dense<0.000000e+00> : vector<256xf32>
    %reduce_sum3A_1447 = vector.multi_reduction <add>, %mul3A_1445, %reduce_sum3A_1446 [0] : vector<32x256xf32> to vector<256xf32>
    %broadcast_in_dim3A_1448 = vector.shape_cast %reduce_sum3A_1447 : vector<256xf32> to vector<1x256xf32>
    %swap3A_1449 = arith.constant 222 : index
    %swap3A_1450 = arith.constant 0 : index
    %swap3A_1451 = vector.load %arg20[%swap3A_1449, %swap3A_1450] : memref<384x256xf32, #tpu.memory_space<vmem>>, vector<1x256xf32>
    tpu.vector_store %arg20[%swap3A_1449, %swap3A_1450], %broadcast_in_dim3A_1448 {strides = array<i32>} : memref<384x256xf32, #tpu.memory_space<vmem>>, vector<1x256xf32>,
    %mul3A_1452 = arith.mulf %get3A_97, %get3A_40 : vector<32x256xf32>
    %reduce_sum3A_1453 = arith.constant dense<0.000000e+00> : vector<256xf32>
    %reduce_sum3A_1454 = vector.multi_reduction <add>, %mul3A_1452, %reduce_sum3A_1453 [0] : vector<32x256xf32> to vector<256xf32>
    %broadcast_in_dim3A_1455 = vector.shape_cast %reduce_sum3A_1454 : vector<256xf32> to vector<1x256xf32>
    %swap3A_1456 = arith.constant 223 : index
    %swap3A_1457 = arith.constant 0 : index
    %swap3A_1458 = vector.load %arg20[%swap3A_1456, %swap3A_1457] : memref<384x256xf32, #tpu.memory_space<vmem>>, vector<1x256xf32>
    tpu.vector_store %arg20[%swap3A_1456, %swap3A_1457], %broadcast_in_dim3A_1455 {strides = array<i32>} : memref<384x256xf32, #tpu.memory_space<vmem>>, vector<1x256xf32>,
    %mul3A_1459 = arith.mulf %get3A_97, %get3A_43 : vector<32x256xf32>
    %reduce_sum3A_1460 = arith.constant dense<0.000000e+00> : vector<256xf32>
    %reduce_sum3A_1461 = vector.multi_reduction <add>, %mul3A_1459, %reduce_sum3A_1460 [0] : vector<32x256xf32> to vector<256xf32>
    %broadcast_in_dim3A_1462 = vector.shape_cast %reduce_sum3A_1461 : vector<256xf32> to vector<1x256xf32>
    %swap3A_1463 = arith.constant 224 : index
    %swap3A_1464 = arith.constant 0 : index
    %swap3A_1465 = vector.load %arg20[%swap3A_1463, %swap3A_1464] : memref<384x256xf32, #tpu.memory_space<vmem>>, vector<1x256xf32>
    tpu.vector_store %arg20[%swap3A_1463, %swap3A_1464], %broadcast_in_dim3A_1462 {strides = array<i32>} : memref<384x256xf32, #tpu.memory_space<vmem>>, vector<1x256xf32>,
    %mul3A_1466 = arith.mulf %get3A_97, %get3A_46 : vector<32x256xf32>
    %reduce_sum3A_1467 = arith.constant dense<0.000000e+00> : vector<256xf32>
    %reduce_sum3A_1468 = vector.multi_reduction <add>, %mul3A_1466, %reduce_sum3A_1467 [0] : vector<32x256xf32> to vector<256xf32>
    %broadcast_in_dim3A_1469 = vector.shape_cast %reduce_sum3A_1468 : vector<256xf32> to vector<1x256xf32>
    %swap3A_1470 = arith.constant 225 : index
    %swap3A_1471 = arith.constant 0 : index
    %swap3A_1472 = vector.load %arg20[%swap3A_1470, %swap3A_1471] : memref<384x256xf32, #tpu.memory_space<vmem>>, vector<1x256xf32>
    tpu.vector_store %arg20[%swap3A_1470, %swap3A_1471], %broadcast_in_dim3A_1469 {strides = array<i32>} : memref<384x256xf32, #tpu.memory_space<vmem>>, vector<1x256xf32>,
    %mul3A_1473 = arith.mulf %get3A_97, %get3A_49 : vector<32x256xf32>
    %reduce_sum3A_1474 = arith.constant dense<0.000000e+00> : vector<256xf32>
    %reduce_sum3A_1475 = vector.multi_reduction <add>, %mul3A_1473, %reduce_sum3A_1474 [0] : vector<32x256xf32> to vector<256xf32>
    %broadcast_in_dim3A_1476 = vector.shape_cast %reduce_sum3A_1475 : vector<256xf32> to vector<1x256xf32>
    %swap3A_1477 = arith.constant 226 : index
    %swap3A_1478 = arith.constant 0 : index
    %swap3A_1479 = vector.load %arg20[%swap3A_1477, %swap3A_1478] : memref<384x256xf32, #tpu.memory_space<vmem>>, vector<1x256xf32>
    tpu.vector_store %arg20[%swap3A_1477, %swap3A_1478], %broadcast_in_dim3A_1476 {strides = array<i32>} : memref<384x256xf32, #tpu.memory_space<vmem>>, vector<1x256xf32>,
    %mul3A_1480 = arith.mulf %get3A_97, %get3A_52 : vector<32x256xf32>
    %reduce_sum3A_1481 = arith.constant dense<0.000000e+00> : vector<256xf32>
    %reduce_sum3A_1482 = vector.multi_reduction <add>, %mul3A_1480, %reduce_sum3A_1481 [0] : vector<32x256xf32> to vector<256xf32>
    %broadcast_in_dim3A_1483 = vector.shape_cast %reduce_sum3A_1482 : vector<256xf32> to vector<1x256xf32>
    %swap3A_1484 = arith.constant 227 : index
    %swap3A_1485 = arith.constant 0 : index
    %swap3A_1486 = vector.load %arg20[%swap3A_1484, %swap3A_1485] : memref<384x256xf32, #tpu.memory_space<vmem>>, vector<1x256xf32>
    tpu.vector_store %arg20[%swap3A_1484, %swap3A_1485], %broadcast_in_dim3A_1483 {strides = array<i32>} : memref<384x256xf32, #tpu.memory_space<vmem>>, vector<1x256xf32>,
    %mul3A_1487 = arith.mulf %get3A_97, %get3A_55 : vector<32x256xf32>
    %reduce_sum3A_1488 = arith.constant dense<0.000000e+00> : vector<256xf32>
    %reduce_sum3A_1489 = vector.multi_reduction <add>, %mul3A_1487, %reduce_sum3A_1488 [0] : vector<32x256xf32> to vector<256xf32>
    %broadcast_in_dim3A_1490 = vector.shape_cast %reduce_sum3A_1489 : vector<256xf32> to vector<1x256xf32>
    %swap3A_1491 = arith.constant 228 : index
    %swap3A_1492 = arith.constant 0 : index
    %swap3A_1493 = vector.load %arg20[%swap3A_1491, %swap3A_1492] : memref<384x256xf32, #tpu.memory_space<vmem>>, vector<1x256xf32>
    tpu.vector_store %arg20[%swap3A_1491, %swap3A_1492], %broadcast_in_dim3A_1490 {strides = array<i32>} : memref<384x256xf32, #tpu.memory_space<vmem>>, vector<1x256xf32>,
    %mul3A_1494 = arith.mulf %get3A_97, %get3A_58 : vector<32x256xf32>
    %reduce_sum3A_1495 = arith.constant dense<0.000000e+00> : vector<256xf32>
    %reduce_sum3A_1496 = vector.multi_reduction <add>, %mul3A_1494, %reduce_sum3A_1495 [0] : vector<32x256xf32> to vector<256xf32>
    %broadcast_in_dim3A_1497 = vector.shape_cast %reduce_sum3A_1496 : vector<256xf32> to vector<1x256xf32>
    %swap3A_1498 = arith.constant 229 : index
    %swap3A_1499 = arith.constant 0 : index
    %swap3A_1500 = vector.load %arg20[%swap3A_1498, %swap3A_1499] : memref<384x256xf32, #tpu.memory_space<vmem>>, vector<1x256xf32>
    tpu.vector_store %arg20[%swap3A_1498, %swap3A_1499], %broadcast_in_dim3A_1497 {strides = array<i32>} : memref<384x256xf32, #tpu.memory_space<vmem>>, vector<1x256xf32>,
    %mul3A_1501 = arith.mulf %get3A_97, %get3A_61 : vector<32x256xf32>
    %reduce_sum3A_1502 = arith.constant dense<0.000000e+00> : vector<256xf32>
    %reduce_sum3A_1503 = vector.multi_reduction <add>, %mul3A_1501, %reduce_sum3A_1502 [0] : vector<32x256xf32> to vector<256xf32>
    %broadcast_in_dim3A_1504 = vector.shape_cast %reduce_sum3A_1503 : vector<256xf32> to vector<1x256xf32>
    %swap3A_1505 = arith.constant 230 : index
    %swap3A_1506 = arith.constant 0 : index
    %swap3A_1507 = vector.load %arg20[%swap3A_1505, %swap3A_1506] : memref<384x256xf32, #tpu.memory_space<vmem>>, vector<1x256xf32>
    tpu.vector_store %arg20[%swap3A_1505, %swap3A_1506], %broadcast_in_dim3A_1504 {strides = array<i32>} : memref<384x256xf32, #tpu.memory_space<vmem>>, vector<1x256xf32>,
    %mul3A_1508 = arith.mulf %get3A_97, %get3A_64 : vector<32x256xf32>
    %reduce_sum3A_1509 = arith.constant dense<0.000000e+00> : vector<256xf32>
    %reduce_sum3A_1510 = vector.multi_reduction <add>, %mul3A_1508, %reduce_sum3A_1509 [0] : vector<32x256xf32> to vector<256xf32>
    %broadcast_in_dim3A_1511 = vector.shape_cast %reduce_sum3A_1510 : vector<256xf32> to vector<1x256xf32>
    %swap3A_1512 = arith.constant 231 : index
    %swap3A_1513 = arith.constant 0 : index
    %swap3A_1514 = vector.load %arg20[%swap3A_1512, %swap3A_1513] : memref<384x256xf32, #tpu.memory_space<vmem>>, vector<1x256xf32>
    tpu.vector_store %arg20[%swap3A_1512, %swap3A_1513], %broadcast_in_dim3A_1511 {strides = array<i32>} : memref<384x256xf32, #tpu.memory_space<vmem>>, vector<1x256xf32>,
    %mul3A_1515 = arith.mulf %get3A_97, %get3A_67 : vector<32x256xf32>
    %reduce_sum3A_1516 = arith.constant dense<0.000000e+00> : vector<256xf32>
    %reduce_sum3A_1517 = vector.multi_reduction <add>, %mul3A_1515, %reduce_sum3A_1516 [0] : vector<32x256xf32> to vector<256xf32>
    %broadcast_in_dim3A_1518 = vector.shape_cast %reduce_sum3A_1517 : vector<256xf32> to vector<1x256xf32>
    %swap3A_1519 = arith.constant 232 : index
    %swap3A_1520 = arith.constant 0 : index
    %swap3A_1521 = vector.load %arg20[%swap3A_1519, %swap3A_1520] : memref<384x256xf32, #tpu.memory_space<vmem>>, vector<1x256xf32>
    tpu.vector_store %arg20[%swap3A_1519, %swap3A_1520], %broadcast_in_dim3A_1518 {strides = array<i32>} : memref<384x256xf32, #tpu.memory_space<vmem>>, vector<1x256xf32>,
    %mul3A_1522 = arith.mulf %get3A_97, %get3A_70 : vector<32x256xf32>
    %reduce_sum3A_1523 = arith.constant dense<0.000000e+00> : vector<256xf32>
    %reduce_sum3A_1524 = vector.multi_reduction <add>, %mul3A_1522, %reduce_sum3A_1523 [0] : vector<32x256xf32> to vector<256xf32>
    %broadcast_in_dim3A_1525 = vector.shape_cast %reduce_sum3A_1524 : vector<256xf32> to vector<1x256xf32>
    %swap3A_1526 = arith.constant 233 : index
    %swap3A_1527 = arith.constant 0 : index
    %swap3A_1528 = vector.load %arg20[%swap3A_1526, %swap3A_1527] : memref<384x256xf32, #tpu.memory_space<vmem>>, vector<1x256xf32>
    tpu.vector_store %arg20[%swap3A_1526, %swap3A_1527], %broadcast_in_dim3A_1525 {strides = array<i32>} : memref<384x256xf32, #tpu.memory_space<vmem>>, vector<1x256xf32>,
    %mul3A_1529 = arith.mulf %get3A_97, %get3A_73 : vector<32x256xf32>
    %reduce_sum3A_1530 = arith.constant dense<0.000000e+00> : vector<256xf32>
    %reduce_sum3A_1531 = vector.multi_reduction <add>, %mul3A_1529, %reduce_sum3A_1530 [0] : vector<32x256xf32> to vector<256xf32>
    %broadcast_in_dim3A_1532 = vector.shape_cast %reduce_sum3A_1531 : vector<256xf32> to vector<1x256xf32>
    %swap3A_1533 = arith.constant 234 : index
    %swap3A_1534 = arith.constant 0 : index
    %swap3A_1535 = vector.load %arg20[%swap3A_1533, %swap3A_1534] : memref<384x256xf32, #tpu.memory_space<vmem>>, vector<1x256xf32>
    tpu.vector_store %arg20[%swap3A_1533, %swap3A_1534], %broadcast_in_dim3A_1532 {strides = array<i32>} : memref<384x256xf32, #tpu.memory_space<vmem>>, vector<1x256xf32>,
    %mul3A_1536 = arith.mulf %get3A_97, %get3A_76 : vector<32x256xf32>
    %reduce_sum3A_1537 = arith.constant dense<0.000000e+00> : vector<256xf32>
    %reduce_sum3A_1538 = vector.multi_reduction <add>, %mul3A_1536, %reduce_sum3A_1537 [0] : vector<32x256xf32> to vector<256xf32>
    %broadcast_in_dim3A_1539 = vector.shape_cast %reduce_sum3A_1538 : vector<256xf32> to vector<1x256xf32>
    %swap3A_1540 = arith.constant 235 : index
    %swap3A_1541 = arith.constant 0 : index
    %swap3A_1542 = vector.load %arg20[%swap3A_1540, %swap3A_1541] : memref<384x256xf32, #tpu.memory_space<vmem>>, vector<1x256xf32>
    tpu.vector_store %arg20[%swap3A_1540, %swap3A_1541], %broadcast_in_dim3A_1539 {strides = array<i32>} : memref<384x256xf32, #tpu.memory_space<vmem>>, vector<1x256xf32>,
    %mul3A_1543 = arith.mulf %get3A_97, %get3A_79 : vector<32x256xf32>
    %reduce_sum3A_1544 = arith.constant dense<0.000000e+00> : vector<256xf32>
    %reduce_sum3A_1545 = vector.multi_reduction <add>, %mul3A_1543, %reduce_sum3A_1544 [0] : vector<32x256xf32> to vector<256xf32>
    %broadcast_in_dim3A_1546 = vector.shape_cast %reduce_sum3A_1545 : vector<256xf32> to vector<1x256xf32>
    %swap3A_1547 = arith.constant 236 : index
    %swap3A_1548 = arith.constant 0 : index
    %swap3A_1549 = vector.load %arg20[%swap3A_1547, %swap3A_1548] : memref<384x256xf32, #tpu.memory_space<vmem>>, vector<1x256xf32>
    tpu.vector_store %arg20[%swap3A_1547, %swap3A_1548], %broadcast_in_dim3A_1546 {strides = array<i32>} : memref<384x256xf32, #tpu.memory_space<vmem>>, vector<1x256xf32>,
    %mul3A_1550 = arith.mulf %get3A_97, %get3A_82 : vector<32x256xf32>
    %reduce_sum3A_1551 = arith.constant dense<0.000000e+00> : vector<256xf32>
    %reduce_sum3A_1552 = vector.multi_reduction <add>, %mul3A_1550, %reduce_sum3A_1551 [0] : vector<32x256xf32> to vector<256xf32>
    %broadcast_in_dim3A_1553 = vector.shape_cast %reduce_sum3A_1552 : vector<256xf32> to vector<1x256xf32>
    %swap3A_1554 = arith.constant 237 : index
    %swap3A_1555 = arith.constant 0 : index
    %swap3A_1556 = vector.load %arg20[%swap3A_1554, %swap3A_1555] : memref<384x256xf32, #tpu.memory_space<vmem>>, vector<1x256xf32>
    tpu.vector_store %arg20[%swap3A_1554, %swap3A_1555], %broadcast_in_dim3A_1553 {strides = array<i32>} : memref<384x256xf32, #tpu.memory_space<vmem>>, vector<1x256xf32>,
    %mul3A_1557 = arith.mulf %get3A_97, %get3A_85 : vector<32x256xf32>
    %reduce_sum3A_1558 = arith.constant dense<0.000000e+00> : vector<256xf32>
    %reduce_sum3A_1559 = vector.multi_reduction <add>, %mul3A_1557, %reduce_sum3A_1558 [0] : vector<32x256xf32> to vector<256xf32>
    %broadcast_in_dim3A_1560 = vector.shape_cast %reduce_sum3A_1559 : vector<256xf32> to vector<1x256xf32>
    %swap3A_1561 = arith.constant 238 : index
    %swap3A_1562 = arith.constant 0 : index
    %swap3A_1563 = vector.load %arg20[%swap3A_1561, %swap3A_1562] : memref<384x256xf32, #tpu.memory_space<vmem>>, vector<1x256xf32>
    tpu.vector_store %arg20[%swap3A_1561, %swap3A_1562], %broadcast_in_dim3A_1560 {strides = array<i32>} : memref<384x256xf32, #tpu.memory_space<vmem>>, vector<1x256xf32>,
    %mul3A_1564 = arith.mulf %get3A_97, %get3A_88 : vector<32x256xf32>
    %reduce_sum3A_1565 = arith.constant dense<0.000000e+00> : vector<256xf32>
    %reduce_sum3A_1566 = vector.multi_reduction <add>, %mul3A_1564, %reduce_sum3A_1565 [0] : vector<32x256xf32> to vector<256xf32>
    %broadcast_in_dim3A_1567 = vector.shape_cast %reduce_sum3A_1566 : vector<256xf32> to vector<1x256xf32>
    %swap3A_1568 = arith.constant 239 : index
    %swap3A_1569 = arith.constant 0 : index
    %swap3A_1570 = vector.load %arg20[%swap3A_1568, %swap3A_1569] : memref<384x256xf32, #tpu.memory_space<vmem>>, vector<1x256xf32>
    tpu.vector_store %arg20[%swap3A_1568, %swap3A_1569], %broadcast_in_dim3A_1567 {strides = array<i32>} : memref<384x256xf32, #tpu.memory_space<vmem>>, vector<1x256xf32>,
    %mul3A_1571 = arith.mulf %get3A_97, %get3A_91 : vector<32x256xf32>
    %reduce_sum3A_1572 = arith.constant dense<0.000000e+00> : vector<256xf32>
    %reduce_sum3A_1573 = vector.multi_reduction <add>, %mul3A_1571, %reduce_sum3A_1572 [0] : vector<32x256xf32> to vector<256xf32>
    %broadcast_in_dim3A_1574 = vector.shape_cast %reduce_sum3A_1573 : vector<256xf32> to vector<1x256xf32>
    %swap3A_1575 = arith.constant 240 : index
    %swap3A_1576 = arith.constant 0 : index
    %swap3A_1577 = vector.load %arg20[%swap3A_1575, %swap3A_1576] : memref<384x256xf32, #tpu.memory_space<vmem>>, vector<1x256xf32>
    tpu.vector_store %arg20[%swap3A_1575, %swap3A_1576], %broadcast_in_dim3A_1574 {strides = array<i32>} : memref<384x256xf32, #tpu.memory_space<vmem>>, vector<1x256xf32>,
    %mul3A_1578 = arith.mulf %get3A_97, %get3A_94 : vector<32x256xf32>
    %reduce_sum3A_1579 = arith.constant dense<0.000000e+00> : vector<256xf32>
    %reduce_sum3A_1580 = vector.multi_reduction <add>, %mul3A_1578, %reduce_sum3A_1579 [0] : vector<32x256xf32> to vector<256xf32>
    %broadcast_in_dim3A_1581 = vector.shape_cast %reduce_sum3A_1580 : vector<256xf32> to vector<1x256xf32>
    %swap3A_1582 = arith.constant 241 : index
    %swap3A_1583 = arith.constant 0 : index
    %swap3A_1584 = vector.load %arg20[%swap3A_1582, %swap3A_1583] : memref<384x256xf32, #tpu.memory_space<vmem>>, vector<1x256xf32>
    tpu.vector_store %arg20[%swap3A_1582, %swap3A_1583], %broadcast_in_dim3A_1581 {strides = array<i32>} : memref<384x256xf32, #tpu.memory_space<vmem>>, vector<1x256xf32>,
    %mul3A_1585 = arith.mulf %get3A_100, %max3A_37 : vector<32x256xf32>
    %reduce_sum3A_1586 = arith.constant dense<0.000000e+00> : vector<256xf32>
    %reduce_sum3A_1587 = vector.multi_reduction <add>, %mul3A_1585, %reduce_sum3A_1586 [0] : vector<32x256xf32> to vector<256xf32>
    %broadcast_in_dim3A_1588 = vector.shape_cast %reduce_sum3A_1587 : vector<256xf32> to vector<1x256xf32>
    %swap3A_1589 = arith.constant 242 : index
    %swap3A_1590 = arith.constant 0 : index
    %swap3A_1591 = vector.load %arg20[%swap3A_1589, %swap3A_1590] : memref<384x256xf32, #tpu.memory_space<vmem>>, vector<1x256xf32>
    tpu.vector_store %arg20[%swap3A_1589, %swap3A_1590], %broadcast_in_dim3A_1588 {strides = array<i32>} : memref<384x256xf32, #tpu.memory_space<vmem>>, vector<1x256xf32>,
    %mul3A_1592 = arith.mulf %get3A_100, %get3A_40 : vector<32x256xf32>
    %reduce_sum3A_1593 = arith.constant dense<0.000000e+00> : vector<256xf32>
    %reduce_sum3A_1594 = vector.multi_reduction <add>, %mul3A_1592, %reduce_sum3A_1593 [0] : vector<32x256xf32> to vector<256xf32>
    %broadcast_in_dim3A_1595 = vector.shape_cast %reduce_sum3A_1594 : vector<256xf32> to vector<1x256xf32>
    %swap3A_1596 = arith.constant 243 : index
    %swap3A_1597 = arith.constant 0 : index
    %swap3A_1598 = vector.load %arg20[%swap3A_1596, %swap3A_1597] : memref<384x256xf32, #tpu.memory_space<vmem>>, vector<1x256xf32>
    tpu.vector_store %arg20[%swap3A_1596, %swap3A_1597], %broadcast_in_dim3A_1595 {strides = array<i32>} : memref<384x256xf32, #tpu.memory_space<vmem>>, vector<1x256xf32>,
    %mul3A_1599 = arith.mulf %get3A_100, %get3A_43 : vector<32x256xf32>
    %reduce_sum3A_1600 = arith.constant dense<0.000000e+00> : vector<256xf32>
    %reduce_sum3A_1601 = vector.multi_reduction <add>, %mul3A_1599, %reduce_sum3A_1600 [0] : vector<32x256xf32> to vector<256xf32>
    %broadcast_in_dim3A_1602 = vector.shape_cast %reduce_sum3A_1601 : vector<256xf32> to vector<1x256xf32>
    %swap3A_1603 = arith.constant 244 : index
    %swap3A_1604 = arith.constant 0 : index
    %swap3A_1605 = vector.load %arg20[%swap3A_1603, %swap3A_1604] : memref<384x256xf32, #tpu.memory_space<vmem>>, vector<1x256xf32>
    tpu.vector_store %arg20[%swap3A_1603, %swap3A_1604], %broadcast_in_dim3A_1602 {strides = array<i32>} : memref<384x256xf32, #tpu.memory_space<vmem>>, vector<1x256xf32>,
    %mul3A_1606 = arith.mulf %get3A_100, %get3A_46 : vector<32x256xf32>
    %reduce_sum3A_1607 = arith.constant dense<0.000000e+00> : vector<256xf32>
    %reduce_sum3A_1608 = vector.multi_reduction <add>, %mul3A_1606, %reduce_sum3A_1607 [0] : vector<32x256xf32> to vector<256xf32>
    %broadcast_in_dim3A_1609 = vector.shape_cast %reduce_sum3A_1608 : vector<256xf32> to vector<1x256xf32>
    %swap3A_1610 = arith.constant 245 : index
    %swap3A_1611 = arith.constant 0 : index
    %swap3A_1612 = vector.load %arg20[%swap3A_1610, %swap3A_1611] : memref<384x256xf32, #tpu.memory_space<vmem>>, vector<1x256xf32>
    tpu.vector_store %arg20[%swap3A_1610, %swap3A_1611], %broadcast_in_dim3A_1609 {strides = array<i32>} : memref<384x256xf32, #tpu.memory_space<vmem>>, vector<1x256xf32>,
    %mul3A_1613 = arith.mulf %get3A_100, %get3A_49 : vector<32x256xf32>
    %reduce_sum3A_1614 = arith.constant dense<0.000000e+00> : vector<256xf32>
    %reduce_sum3A_1615 = vector.multi_reduction <add>, %mul3A_1613, %reduce_sum3A_1614 [0] : vector<32x256xf32> to vector<256xf32>
    %broadcast_in_dim3A_1616 = vector.shape_cast %reduce_sum3A_1615 : vector<256xf32> to vector<1x256xf32>
    %swap3A_1617 = arith.constant 246 : index
    %swap3A_1618 = arith.constant 0 : index
    %swap3A_1619 = vector.load %arg20[%swap3A_1617, %swap3A_1618] : memref<384x256xf32, #tpu.memory_space<vmem>>, vector<1x256xf32>
    tpu.vector_store %arg20[%swap3A_1617, %swap3A_1618], %broadcast_in_dim3A_1616 {strides = array<i32>} : memref<384x256xf32, #tpu.memory_space<vmem>>, vector<1x256xf32>,
    %mul3A_1620 = arith.mulf %get3A_100, %get3A_52 : vector<32x256xf32>
    %reduce_sum3A_1621 = arith.constant dense<0.000000e+00> : vector<256xf32>
    %reduce_sum3A_1622 = vector.multi_reduction <add>, %mul3A_1620, %reduce_sum3A_1621 [0] : vector<32x256xf32> to vector<256xf32>
    %broadcast_in_dim3A_1623 = vector.shape_cast %reduce_sum3A_1622 : vector<256xf32> to vector<1x256xf32>
    %swap3A_1624 = arith.constant 247 : index
    %swap3A_1625 = arith.constant 0 : index
    %swap3A_1626 = vector.load %arg20[%swap3A_1624, %swap3A_1625] : memref<384x256xf32, #tpu.memory_space<vmem>>, vector<1x256xf32>
    tpu.vector_store %arg20[%swap3A_1624, %swap3A_1625], %broadcast_in_dim3A_1623 {strides = array<i32>} : memref<384x256xf32, #tpu.memory_space<vmem>>, vector<1x256xf32>,
    %mul3A_1627 = arith.mulf %get3A_100, %get3A_55 : vector<32x256xf32>
    %reduce_sum3A_1628 = arith.constant dense<0.000000e+00> : vector<256xf32>
    %reduce_sum3A_1629 = vector.multi_reduction <add>, %mul3A_1627, %reduce_sum3A_1628 [0] : vector<32x256xf32> to vector<256xf32>
    %broadcast_in_dim3A_1630 = vector.shape_cast %reduce_sum3A_1629 : vector<256xf32> to vector<1x256xf32>
    %swap3A_1631 = arith.constant 248 : index
    %swap3A_1632 = arith.constant 0 : index
    %swap3A_1633 = vector.load %arg20[%swap3A_1631, %swap3A_1632] : memref<384x256xf32, #tpu.memory_space<vmem>>, vector<1x256xf32>
    tpu.vector_store %arg20[%swap3A_1631, %swap3A_1632], %broadcast_in_dim3A_1630 {strides = array<i32>} : memref<384x256xf32, #tpu.memory_space<vmem>>, vector<1x256xf32>,
    %mul3A_1634 = arith.mulf %get3A_100, %get3A_58 : vector<32x256xf32>
    %reduce_sum3A_1635 = arith.constant dense<0.000000e+00> : vector<256xf32>
    %reduce_sum3A_1636 = vector.multi_reduction <add>, %mul3A_1634, %reduce_sum3A_1635 [0] : vector<32x256xf32> to vector<256xf32>
    %broadcast_in_dim3A_1637 = vector.shape_cast %reduce_sum3A_1636 : vector<256xf32> to vector<1x256xf32>
    %swap3A_1638 = arith.constant 249 : index
    %swap3A_1639 = arith.constant 0 : index
    %swap3A_1640 = vector.load %arg20[%swap3A_1638, %swap3A_1639] : memref<384x256xf32, #tpu.memory_space<vmem>>, vector<1x256xf32>
    tpu.vector_store %arg20[%swap3A_1638, %swap3A_1639], %broadcast_in_dim3A_1637 {strides = array<i32>} : memref<384x256xf32, #tpu.memory_space<vmem>>, vector<1x256xf32>,
    %mul3A_1641 = arith.mulf %get3A_100, %get3A_61 : vector<32x256xf32>
    %reduce_sum3A_1642 = arith.constant dense<0.000000e+00> : vector<256xf32>
    %reduce_sum3A_1643 = vector.multi_reduction <add>, %mul3A_1641, %reduce_sum3A_1642 [0] : vector<32x256xf32> to vector<256xf32>
    %broadcast_in_dim3A_1644 = vector.shape_cast %reduce_sum3A_1643 : vector<256xf32> to vector<1x256xf32>
    %swap3A_1645 = arith.constant 250 : index
    %swap3A_1646 = arith.constant 0 : index
    %swap3A_1647 = vector.load %arg20[%swap3A_1645, %swap3A_1646] : memref<384x256xf32, #tpu.memory_space<vmem>>, vector<1x256xf32>
    tpu.vector_store %arg20[%swap3A_1645, %swap3A_1646], %broadcast_in_dim3A_1644 {strides = array<i32>} : memref<384x256xf32, #tpu.memory_space<vmem>>, vector<1x256xf32>,
    %mul3A_1648 = arith.mulf %get3A_100, %get3A_64 : vector<32x256xf32>
    %reduce_sum3A_1649 = arith.constant dense<0.000000e+00> : vector<256xf32>
    %reduce_sum3A_1650 = vector.multi_reduction <add>, %mul3A_1648, %reduce_sum3A_1649 [0] : vector<32x256xf32> to vector<256xf32>
    %broadcast_in_dim3A_1651 = vector.shape_cast %reduce_sum3A_1650 : vector<256xf32> to vector<1x256xf32>
    %swap3A_1652 = arith.constant 251 : index
    %swap3A_1653 = arith.constant 0 : index
    %swap3A_1654 = vector.load %arg20[%swap3A_1652, %swap3A_1653] : memref<384x256xf32, #tpu.memory_space<vmem>>, vector<1x256xf32>
    tpu.vector_store %arg20[%swap3A_1652, %swap3A_1653], %broadcast_in_dim3A_1651 {strides = array<i32>} : memref<384x256xf32, #tpu.memory_space<vmem>>, vector<1x256xf32>,
    %mul3A_1655 = arith.mulf %get3A_100, %get3A_67 : vector<32x256xf32>
    %reduce_sum3A_1656 = arith.constant dense<0.000000e+00> : vector<256xf32>
    %reduce_sum3A_1657 = vector.multi_reduction <add>, %mul3A_1655, %reduce_sum3A_1656 [0] : vector<32x256xf32> to vector<256xf32>
    %broadcast_in_dim3A_1658 = vector.shape_cast %reduce_sum3A_1657 : vector<256xf32> to vector<1x256xf32>
    %swap3A_1659 = arith.constant 252 : index
    %swap3A_1660 = arith.constant 0 : index
    %swap3A_1661 = vector.load %arg20[%swap3A_1659, %swap3A_1660] : memref<384x256xf32, #tpu.memory_space<vmem>>, vector<1x256xf32>
    tpu.vector_store %arg20[%swap3A_1659, %swap3A_1660], %broadcast_in_dim3A_1658 {strides = array<i32>} : memref<384x256xf32, #tpu.memory_space<vmem>>, vector<1x256xf32>,
    %mul3A_1662 = arith.mulf %get3A_100, %get3A_70 : vector<32x256xf32>
    %reduce_sum3A_1663 = arith.constant dense<0.000000e+00> : vector<256xf32>
    %reduce_sum3A_1664 = vector.multi_reduction <add>, %mul3A_1662, %reduce_sum3A_1663 [0] : vector<32x256xf32> to vector<256xf32>
    %broadcast_in_dim3A_1665 = vector.shape_cast %reduce_sum3A_1664 : vector<256xf32> to vector<1x256xf32>
    %swap3A_1666 = arith.constant 253 : index
    %swap3A_1667 = arith.constant 0 : index
    %swap3A_1668 = vector.load %arg20[%swap3A_1666, %swap3A_1667] : memref<384x256xf32, #tpu.memory_space<vmem>>, vector<1x256xf32>
    tpu.vector_store %arg20[%swap3A_1666, %swap3A_1667], %broadcast_in_dim3A_1665 {strides = array<i32>} : memref<384x256xf32, #tpu.memory_space<vmem>>, vector<1x256xf32>,
    %mul3A_1669 = arith.mulf %get3A_100, %get3A_73 : vector<32x256xf32>
    %reduce_sum3A_1670 = arith.constant dense<0.000000e+00> : vector<256xf32>
    %reduce_sum3A_1671 = vector.multi_reduction <add>, %mul3A_1669, %reduce_sum3A_1670 [0] : vector<32x256xf32> to vector<256xf32>
    %broadcast_in_dim3A_1672 = vector.shape_cast %reduce_sum3A_1671 : vector<256xf32> to vector<1x256xf32>
    %swap3A_1673 = arith.constant 254 : index
    %swap3A_1674 = arith.constant 0 : index
    %swap3A_1675 = vector.load %arg20[%swap3A_1673, %swap3A_1674] : memref<384x256xf32, #tpu.memory_space<vmem>>, vector<1x256xf32>
    tpu.vector_store %arg20[%swap3A_1673, %swap3A_1674], %broadcast_in_dim3A_1672 {strides = array<i32>} : memref<384x256xf32, #tpu.memory_space<vmem>>, vector<1x256xf32>,
    %mul3A_1676 = arith.mulf %get3A_100, %get3A_76 : vector<32x256xf32>
    %reduce_sum3A_1677 = arith.constant dense<0.000000e+00> : vector<256xf32>
    %reduce_sum3A_1678 = vector.multi_reduction <add>, %mul3A_1676, %reduce_sum3A_1677 [0] : vector<32x256xf32> to vector<256xf32>
    %broadcast_in_dim3A_1679 = vector.shape_cast %reduce_sum3A_1678 : vector<256xf32> to vector<1x256xf32>
    %swap3A_1680 = arith.constant 255 : index
    %swap3A_1681 = arith.constant 0 : index
    %swap3A_1682 = vector.load %arg20[%swap3A_1680, %swap3A_1681] : memref<384x256xf32, #tpu.memory_space<vmem>>, vector<1x256xf32>
    tpu.vector_store %arg20[%swap3A_1680, %swap3A_1681], %broadcast_in_dim3A_1679 {strides = array<i32>} : memref<384x256xf32, #tpu.memory_space<vmem>>, vector<1x256xf32>,
    %mul3A_1683 = arith.mulf %get3A_100, %get3A_79 : vector<32x256xf32>
    %reduce_sum3A_1684 = arith.constant dense<0.000000e+00> : vector<256xf32>
    %reduce_sum3A_1685 = vector.multi_reduction <add>, %mul3A_1683, %reduce_sum3A_1684 [0] : vector<32x256xf32> to vector<256xf32>
    %broadcast_in_dim3A_1686 = vector.shape_cast %reduce_sum3A_1685 : vector<256xf32> to vector<1x256xf32>
    %swap3A_1687 = arith.constant 256 : index
    %swap3A_1688 = arith.constant 0 : index
    %swap3A_1689 = vector.load %arg20[%swap3A_1687, %swap3A_1688] : memref<384x256xf32, #tpu.memory_space<vmem>>, vector<1x256xf32>
    tpu.vector_store %arg20[%swap3A_1687, %swap3A_1688], %broadcast_in_dim3A_1686 {strides = array<i32>} : memref<384x256xf32, #tpu.memory_space<vmem>>, vector<1x256xf32>,
    %mul3A_1690 = arith.mulf %get3A_100, %get3A_82 : vector<32x256xf32>
    %reduce_sum3A_1691 = arith.constant dense<0.000000e+00> : vector<256xf32>
    %reduce_sum3A_1692 = vector.multi_reduction <add>, %mul3A_1690, %reduce_sum3A_1691 [0] : vector<32x256xf32> to vector<256xf32>
    %broadcast_in_dim3A_1693 = vector.shape_cast %reduce_sum3A_1692 : vector<256xf32> to vector<1x256xf32>
    %swap3A_1694 = arith.constant 257 : index
    %swap3A_1695 = arith.constant 0 : index
    %swap3A_1696 = vector.load %arg20[%swap3A_1694, %swap3A_1695] : memref<384x256xf32, #tpu.memory_space<vmem>>, vector<1x256xf32>
    tpu.vector_store %arg20[%swap3A_1694, %swap3A_1695], %broadcast_in_dim3A_1693 {strides = array<i32>} : memref<384x256xf32, #tpu.memory_space<vmem>>, vector<1x256xf32>,
    %mul3A_1697 = arith.mulf %get3A_100, %get3A_85 : vector<32x256xf32>
    %reduce_sum3A_1698 = arith.constant dense<0.000000e+00> : vector<256xf32>
    %reduce_sum3A_1699 = vector.multi_reduction <add>, %mul3A_1697, %reduce_sum3A_1698 [0] : vector<32x256xf32> to vector<256xf32>
    %broadcast_in_dim3A_1700 = vector.shape_cast %reduce_sum3A_1699 : vector<256xf32> to vector<1x256xf32>
    %swap3A_1701 = arith.constant 258 : index
    %swap3A_1702 = arith.constant 0 : index
    %swap3A_1703 = vector.load %arg20[%swap3A_1701, %swap3A_1702] : memref<384x256xf32, #tpu.memory_space<vmem>>, vector<1x256xf32>
    tpu.vector_store %arg20[%swap3A_1701, %swap3A_1702], %broadcast_in_dim3A_1700 {strides = array<i32>} : memref<384x256xf32, #tpu.memory_space<vmem>>, vector<1x256xf32>,
    %mul3A_1704 = arith.mulf %get3A_100, %get3A_88 : vector<32x256xf32>
    %reduce_sum3A_1705 = arith.constant dense<0.000000e+00> : vector<256xf32>
    %reduce_sum3A_1706 = vector.multi_reduction <add>, %mul3A_1704, %reduce_sum3A_1705 [0] : vector<32x256xf32> to vector<256xf32>
    %broadcast_in_dim3A_1707 = vector.shape_cast %reduce_sum3A_1706 : vector<256xf32> to vector<1x256xf32>
    %swap3A_1708 = arith.constant 259 : index
    %swap3A_1709 = arith.constant 0 : index
    %swap3A_1710 = vector.load %arg20[%swap3A_1708, %swap3A_1709] : memref<384x256xf32, #tpu.memory_space<vmem>>, vector<1x256xf32>
    tpu.vector_store %arg20[%swap3A_1708, %swap3A_1709], %broadcast_in_dim3A_1707 {strides = array<i32>} : memref<384x256xf32, #tpu.memory_space<vmem>>, vector<1x256xf32>,
    %mul3A_1711 = arith.mulf %get3A_100, %get3A_91 : vector<32x256xf32>
    %reduce_sum3A_1712 = arith.constant dense<0.000000e+00> : vector<256xf32>
    %reduce_sum3A_1713 = vector.multi_reduction <add>, %mul3A_1711, %reduce_sum3A_1712 [0] : vector<32x256xf32> to vector<256xf32>
    %broadcast_in_dim3A_1714 = vector.shape_cast %reduce_sum3A_1713 : vector<256xf32> to vector<1x256xf32>
    %swap3A_1715 = arith.constant 260 : index
    %swap3A_1716 = arith.constant 0 : index
    %swap3A_1717 = vector.load %arg20[%swap3A_1715, %swap3A_1716] : memref<384x256xf32, #tpu.memory_space<vmem>>, vector<1x256xf32>
    tpu.vector_store %arg20[%swap3A_1715, %swap3A_1716], %broadcast_in_dim3A_1714 {strides = array<i32>} : memref<384x256xf32, #tpu.memory_space<vmem>>, vector<1x256xf32>,
    %mul3A_1718 = arith.mulf %get3A_100, %get3A_94 : vector<32x256xf32>
    %reduce_sum3A_1719 = arith.constant dense<0.000000e+00> : vector<256xf32>
    %reduce_sum3A_1720 = vector.multi_reduction <add>, %mul3A_1718, %reduce_sum3A_1719 [0] : vector<32x256xf32> to vector<256xf32>
    %broadcast_in_dim3A_1721 = vector.shape_cast %reduce_sum3A_1720 : vector<256xf32> to vector<1x256xf32>
    %swap3A_1722 = arith.constant 261 : index
    %swap3A_1723 = arith.constant 0 : index
    %swap3A_1724 = vector.load %arg20[%swap3A_1722, %swap3A_1723] : memref<384x256xf32, #tpu.memory_space<vmem>>, vector<1x256xf32>
    tpu.vector_store %arg20[%swap3A_1722, %swap3A_1723], %broadcast_in_dim3A_1721 {strides = array<i32>} : memref<384x256xf32, #tpu.memory_space<vmem>>, vector<1x256xf32>,
    %mul3A_1725 = arith.mulf %get3A_100, %get3A_97 : vector<32x256xf32>
    %reduce_sum3A_1726 = arith.constant dense<0.000000e+00> : vector<256xf32>
    %reduce_sum3A_1727 = vector.multi_reduction <add>, %mul3A_1725, %reduce_sum3A_1726 [0] : vector<32x256xf32> to vector<256xf32>
    %broadcast_in_dim3A_1728 = vector.shape_cast %reduce_sum3A_1727 : vector<256xf32> to vector<1x256xf32>
    %swap3A_1729 = arith.constant 262 : index
    %swap3A_1730 = arith.constant 0 : index
    %swap3A_1731 = vector.load %arg20[%swap3A_1729, %swap3A_1730] : memref<384x256xf32, #tpu.memory_space<vmem>>, vector<1x256xf32>
    tpu.vector_store %arg20[%swap3A_1729, %swap3A_1730], %broadcast_in_dim3A_1728 {strides = array<i32>} : memref<384x256xf32, #tpu.memory_space<vmem>>, vector<1x256xf32>,
    %mul3A_1732 = arith.mulf %get3A_103, %max3A_37 : vector<32x256xf32>
    %reduce_sum3A_1733 = arith.constant dense<0.000000e+00> : vector<256xf32>
    %reduce_sum3A_1734 = vector.multi_reduction <add>, %mul3A_1732, %reduce_sum3A_1733 [0] : vector<32x256xf32> to vector<256xf32>
    %broadcast_in_dim3A_1735 = vector.shape_cast %reduce_sum3A_1734 : vector<256xf32> to vector<1x256xf32>
    %swap3A_1736 = arith.constant 263 : index
    %swap3A_1737 = arith.constant 0 : index
    %swap3A_1738 = vector.load %arg20[%swap3A_1736, %swap3A_1737] : memref<384x256xf32, #tpu.memory_space<vmem>>, vector<1x256xf32>
    tpu.vector_store %arg20[%swap3A_1736, %swap3A_1737], %broadcast_in_dim3A_1735 {strides = array<i32>} : memref<384x256xf32, #tpu.memory_space<vmem>>, vector<1x256xf32>,
    %mul3A_1739 = arith.mulf %get3A_103, %get3A_40 : vector<32x256xf32>
    %reduce_sum3A_1740 = arith.constant dense<0.000000e+00> : vector<256xf32>
    %reduce_sum3A_1741 = vector.multi_reduction <add>, %mul3A_1739, %reduce_sum3A_1740 [0] : vector<32x256xf32> to vector<256xf32>
    %broadcast_in_dim3A_1742 = vector.shape_cast %reduce_sum3A_1741 : vector<256xf32> to vector<1x256xf32>
    %swap3A_1743 = arith.constant 264 : index
    %swap3A_1744 = arith.constant 0 : index
    %swap3A_1745 = vector.load %arg20[%swap3A_1743, %swap3A_1744] : memref<384x256xf32, #tpu.memory_space<vmem>>, vector<1x256xf32>
    tpu.vector_store %arg20[%swap3A_1743, %swap3A_1744], %broadcast_in_dim3A_1742 {strides = array<i32>} : memref<384x256xf32, #tpu.memory_space<vmem>>, vector<1x256xf32>,
    %mul3A_1746 = arith.mulf %get3A_103, %get3A_43 : vector<32x256xf32>
    %reduce_sum3A_1747 = arith.constant dense<0.000000e+00> : vector<256xf32>
    %reduce_sum3A_1748 = vector.multi_reduction <add>, %mul3A_1746, %reduce_sum3A_1747 [0] : vector<32x256xf32> to vector<256xf32>
    %broadcast_in_dim3A_1749 = vector.shape_cast %reduce_sum3A_1748 : vector<256xf32> to vector<1x256xf32>
    %swap3A_1750 = arith.constant 265 : index
    %swap3A_1751 = arith.constant 0 : index
    %swap3A_1752 = vector.load %arg20[%swap3A_1750, %swap3A_1751] : memref<384x256xf32, #tpu.memory_space<vmem>>, vector<1x256xf32>
    tpu.vector_store %arg20[%swap3A_1750, %swap3A_1751], %broadcast_in_dim3A_1749 {strides = array<i32>} : memref<384x256xf32, #tpu.memory_space<vmem>>, vector<1x256xf32>,
    %mul3A_1753 = arith.mulf %get3A_103, %get3A_46 : vector<32x256xf32>
    %reduce_sum3A_1754 = arith.constant dense<0.000000e+00> : vector<256xf32>
    %reduce_sum3A_1755 = vector.multi_reduction <add>, %mul3A_1753, %reduce_sum3A_1754 [0] : vector<32x256xf32> to vector<256xf32>
    %broadcast_in_dim3A_1756 = vector.shape_cast %reduce_sum3A_1755 : vector<256xf32> to vector<1x256xf32>
    %swap3A_1757 = arith.constant 266 : index
    %swap3A_1758 = arith.constant 0 : index
    %swap3A_1759 = vector.load %arg20[%swap3A_1757, %swap3A_1758] : memref<384x256xf32, #tpu.memory_space<vmem>>, vector<1x256xf32>
    tpu.vector_store %arg20[%swap3A_1757, %swap3A_1758], %broadcast_in_dim3A_1756 {strides = array<i32>} : memref<384x256xf32, #tpu.memory_space<vmem>>, vector<1x256xf32>,
    %mul3A_1760 = arith.mulf %get3A_103, %get3A_49 : vector<32x256xf32>
    %reduce_sum3A_1761 = arith.constant dense<0.000000e+00> : vector<256xf32>
    %reduce_sum3A_1762 = vector.multi_reduction <add>, %mul3A_1760, %reduce_sum3A_1761 [0] : vector<32x256xf32> to vector<256xf32>
    %broadcast_in_dim3A_1763 = vector.shape_cast %reduce_sum3A_1762 : vector<256xf32> to vector<1x256xf32>
    %swap3A_1764 = arith.constant 267 : index
    %swap3A_1765 = arith.constant 0 : index
    %swap3A_1766 = vector.load %arg20[%swap3A_1764, %swap3A_1765] : memref<384x256xf32, #tpu.memory_space<vmem>>, vector<1x256xf32>
    tpu.vector_store %arg20[%swap3A_1764, %swap3A_1765], %broadcast_in_dim3A_1763 {strides = array<i32>} : memref<384x256xf32, #tpu.memory_space<vmem>>, vector<1x256xf32>,
    %mul3A_1767 = arith.mulf %get3A_103, %get3A_52 : vector<32x256xf32>
    %reduce_sum3A_1768 = arith.constant dense<0.000000e+00> : vector<256xf32>
    %reduce_sum3A_1769 = vector.multi_reduction <add>, %mul3A_1767, %reduce_sum3A_1768 [0] : vector<32x256xf32> to vector<256xf32>
    %broadcast_in_dim3A_1770 = vector.shape_cast %reduce_sum3A_1769 : vector<256xf32> to vector<1x256xf32>
    %swap3A_1771 = arith.constant 268 : index
    %swap3A_1772 = arith.constant 0 : index
    %swap3A_1773 = vector.load %arg20[%swap3A_1771, %swap3A_1772] : memref<384x256xf32, #tpu.memory_space<vmem>>, vector<1x256xf32>
    tpu.vector_store %arg20[%swap3A_1771, %swap3A_1772], %broadcast_in_dim3A_1770 {strides = array<i32>} : memref<384x256xf32, #tpu.memory_space<vmem>>, vector<1x256xf32>,
    %mul3A_1774 = arith.mulf %get3A_103, %get3A_55 : vector<32x256xf32>
    %reduce_sum3A_1775 = arith.constant dense<0.000000e+00> : vector<256xf32>
    %reduce_sum3A_1776 = vector.multi_reduction <add>, %mul3A_1774, %reduce_sum3A_1775 [0] : vector<32x256xf32> to vector<256xf32>
    %broadcast_in_dim3A_1777 = vector.shape_cast %reduce_sum3A_1776 : vector<256xf32> to vector<1x256xf32>
    %swap3A_1778 = arith.constant 269 : index
    %swap3A_1779 = arith.constant 0 : index
    %swap3A_1780 = vector.load %arg20[%swap3A_1778, %swap3A_1779] : memref<384x256xf32, #tpu.memory_space<vmem>>, vector<1x256xf32>
    tpu.vector_store %arg20[%swap3A_1778, %swap3A_1779], %broadcast_in_dim3A_1777 {strides = array<i32>} : memref<384x256xf32, #tpu.memory_space<vmem>>, vector<1x256xf32>,
    %mul3A_1781 = arith.mulf %get3A_103, %get3A_58 : vector<32x256xf32>
    %reduce_sum3A_1782 = arith.constant dense<0.000000e+00> : vector<256xf32>
    %reduce_sum3A_1783 = vector.multi_reduction <add>, %mul3A_1781, %reduce_sum3A_1782 [0] : vector<32x256xf32> to vector<256xf32>
    %broadcast_in_dim3A_1784 = vector.shape_cast %reduce_sum3A_1783 : vector<256xf32> to vector<1x256xf32>
    %swap3A_1785 = arith.constant 270 : index
    %swap3A_1786 = arith.constant 0 : index
    %swap3A_1787 = vector.load %arg20[%swap3A_1785, %swap3A_1786] : memref<384x256xf32, #tpu.memory_space<vmem>>, vector<1x256xf32>
    tpu.vector_store %arg20[%swap3A_1785, %swap3A_1786], %broadcast_in_dim3A_1784 {strides = array<i32>} : memref<384x256xf32, #tpu.memory_space<vmem>>, vector<1x256xf32>,
    %mul3A_1788 = arith.mulf %get3A_103, %get3A_61 : vector<32x256xf32>
    %reduce_sum3A_1789 = arith.constant dense<0.000000e+00> : vector<256xf32>
    %reduce_sum3A_1790 = vector.multi_reduction <add>, %mul3A_1788, %reduce_sum3A_1789 [0] : vector<32x256xf32> to vector<256xf32>
    %broadcast_in_dim3A_1791 = vector.shape_cast %reduce_sum3A_1790 : vector<256xf32> to vector<1x256xf32>
    %swap3A_1792 = arith.constant 271 : index
    %swap3A_1793 = arith.constant 0 : index
    %swap3A_1794 = vector.load %arg20[%swap3A_1792, %swap3A_1793] : memref<384x256xf32, #tpu.memory_space<vmem>>, vector<1x256xf32>
    tpu.vector_store %arg20[%swap3A_1792, %swap3A_1793], %broadcast_in_dim3A_1791 {strides = array<i32>} : memref<384x256xf32, #tpu.memory_space<vmem>>, vector<1x256xf32>,
    %mul3A_1795 = arith.mulf %get3A_103, %get3A_64 : vector<32x256xf32>
    %reduce_sum3A_1796 = arith.constant dense<0.000000e+00> : vector<256xf32>
    %reduce_sum3A_1797 = vector.multi_reduction <add>, %mul3A_1795, %reduce_sum3A_1796 [0] : vector<32x256xf32> to vector<256xf32>
    %broadcast_in_dim3A_1798 = vector.shape_cast %reduce_sum3A_1797 : vector<256xf32> to vector<1x256xf32>
    %swap3A_1799 = arith.constant 272 : index
    %swap3A_1800 = arith.constant 0 : index
    %swap3A_1801 = vector.load %arg20[%swap3A_1799, %swap3A_1800] : memref<384x256xf32, #tpu.memory_space<vmem>>, vector<1x256xf32>
    tpu.vector_store %arg20[%swap3A_1799, %swap3A_1800], %broadcast_in_dim3A_1798 {strides = array<i32>} : memref<384x256xf32, #tpu.memory_space<vmem>>, vector<1x256xf32>,
    %mul3A_1802 = arith.mulf %get3A_103, %get3A_67 : vector<32x256xf32>
    %reduce_sum3A_1803 = arith.constant dense<0.000000e+00> : vector<256xf32>
    %reduce_sum3A_1804 = vector.multi_reduction <add>, %mul3A_1802, %reduce_sum3A_1803 [0] : vector<32x256xf32> to vector<256xf32>
    %broadcast_in_dim3A_1805 = vector.shape_cast %reduce_sum3A_1804 : vector<256xf32> to vector<1x256xf32>
    %swap3A_1806 = arith.constant 273 : index
    %swap3A_1807 = arith.constant 0 : index
    %swap3A_1808 = vector.load %arg20[%swap3A_1806, %swap3A_1807] : memref<384x256xf32, #tpu.memory_space<vmem>>, vector<1x256xf32>
    tpu.vector_store %arg20[%swap3A_1806, %swap3A_1807], %broadcast_in_dim3A_1805 {strides = array<i32>} : memref<384x256xf32, #tpu.memory_space<vmem>>, vector<1x256xf32>,
    %mul3A_1809 = arith.mulf %get3A_103, %get3A_70 : vector<32x256xf32>
    %reduce_sum3A_1810 = arith.constant dense<0.000000e+00> : vector<256xf32>
    %reduce_sum3A_1811 = vector.multi_reduction <add>, %mul3A_1809, %reduce_sum3A_1810 [0] : vector<32x256xf32> to vector<256xf32>
    %broadcast_in_dim3A_1812 = vector.shape_cast %reduce_sum3A_1811 : vector<256xf32> to vector<1x256xf32>
    %swap3A_1813 = arith.constant 274 : index
    %swap3A_1814 = arith.constant 0 : index
    %swap3A_1815 = vector.load %arg20[%swap3A_1813, %swap3A_1814] : memref<384x256xf32, #tpu.memory_space<vmem>>, vector<1x256xf32>
    tpu.vector_store %arg20[%swap3A_1813, %swap3A_1814], %broadcast_in_dim3A_1812 {strides = array<i32>} : memref<384x256xf32, #tpu.memory_space<vmem>>, vector<1x256xf32>,
    %mul3A_1816 = arith.mulf %get3A_103, %get3A_73 : vector<32x256xf32>
    %reduce_sum3A_1817 = arith.constant dense<0.000000e+00> : vector<256xf32>
    %reduce_sum3A_1818 = vector.multi_reduction <add>, %mul3A_1816, %reduce_sum3A_1817 [0] : vector<32x256xf32> to vector<256xf32>
    %broadcast_in_dim3A_1819 = vector.shape_cast %reduce_sum3A_1818 : vector<256xf32> to vector<1x256xf32>
    %swap3A_1820 = arith.constant 275 : index
    %swap3A_1821 = arith.constant 0 : index
    %swap3A_1822 = vector.load %arg20[%swap3A_1820, %swap3A_1821] : memref<384x256xf32, #tpu.memory_space<vmem>>, vector<1x256xf32>
    tpu.vector_store %arg20[%swap3A_1820, %swap3A_1821], %broadcast_in_dim3A_1819 {strides = array<i32>} : memref<384x256xf32, #tpu.memory_space<vmem>>, vector<1x256xf32>,
    %mul3A_1823 = arith.mulf %get3A_103, %get3A_76 : vector<32x256xf32>
    %reduce_sum3A_1824 = arith.constant dense<0.000000e+00> : vector<256xf32>
    %reduce_sum3A_1825 = vector.multi_reduction <add>, %mul3A_1823, %reduce_sum3A_1824 [0] : vector<32x256xf32> to vector<256xf32>
    %broadcast_in_dim3A_1826 = vector.shape_cast %reduce_sum3A_1825 : vector<256xf32> to vector<1x256xf32>
    %swap3A_1827 = arith.constant 276 : index
    %swap3A_1828 = arith.constant 0 : index
    %swap3A_1829 = vector.load %arg20[%swap3A_1827, %swap3A_1828] : memref<384x256xf32, #tpu.memory_space<vmem>>, vector<1x256xf32>
    tpu.vector_store %arg20[%swap3A_1827, %swap3A_1828], %broadcast_in_dim3A_1826 {strides = array<i32>} : memref<384x256xf32, #tpu.memory_space<vmem>>, vector<1x256xf32>,
    %mul3A_1830 = arith.mulf %get3A_103, %get3A_79 : vector<32x256xf32>
    %reduce_sum3A_1831 = arith.constant dense<0.000000e+00> : vector<256xf32>
    %reduce_sum3A_1832 = vector.multi_reduction <add>, %mul3A_1830, %reduce_sum3A_1831 [0] : vector<32x256xf32> to vector<256xf32>
    %broadcast_in_dim3A_1833 = vector.shape_cast %reduce_sum3A_1832 : vector<256xf32> to vector<1x256xf32>
    %swap3A_1834 = arith.constant 277 : index
    %swap3A_1835 = arith.constant 0 : index
    %swap3A_1836 = vector.load %arg20[%swap3A_1834, %swap3A_1835] : memref<384x256xf32, #tpu.memory_space<vmem>>, vector<1x256xf32>
    tpu.vector_store %arg20[%swap3A_1834, %swap3A_1835], %broadcast_in_dim3A_1833 {strides = array<i32>} : memref<384x256xf32, #tpu.memory_space<vmem>>, vector<1x256xf32>,
    %mul3A_1837 = arith.mulf %get3A_103, %get3A_82 : vector<32x256xf32>
    %reduce_sum3A_1838 = arith.constant dense<0.000000e+00> : vector<256xf32>
    %reduce_sum3A_1839 = vector.multi_reduction <add>, %mul3A_1837, %reduce_sum3A_1838 [0] : vector<32x256xf32> to vector<256xf32>
    %broadcast_in_dim3A_1840 = vector.shape_cast %reduce_sum3A_1839 : vector<256xf32> to vector<1x256xf32>
    %swap3A_1841 = arith.constant 278 : index
    %swap3A_1842 = arith.constant 0 : index
    %swap3A_1843 = vector.load %arg20[%swap3A_1841, %swap3A_1842] : memref<384x256xf32, #tpu.memory_space<vmem>>, vector<1x256xf32>
    tpu.vector_store %arg20[%swap3A_1841, %swap3A_1842], %broadcast_in_dim3A_1840 {strides = array<i32>} : memref<384x256xf32, #tpu.memory_space<vmem>>, vector<1x256xf32>,
    %mul3A_1844 = arith.mulf %get3A_103, %get3A_85 : vector<32x256xf32>
    %reduce_sum3A_1845 = arith.constant dense<0.000000e+00> : vector<256xf32>
    %reduce_sum3A_1846 = vector.multi_reduction <add>, %mul3A_1844, %reduce_sum3A_1845 [0] : vector<32x256xf32> to vector<256xf32>
    %broadcast_in_dim3A_1847 = vector.shape_cast %reduce_sum3A_1846 : vector<256xf32> to vector<1x256xf32>
    %swap3A_1848 = arith.constant 279 : index
    %swap3A_1849 = arith.constant 0 : index
    %swap3A_1850 = vector.load %arg20[%swap3A_1848, %swap3A_1849] : memref<384x256xf32, #tpu.memory_space<vmem>>, vector<1x256xf32>
    tpu.vector_store %arg20[%swap3A_1848, %swap3A_1849], %broadcast_in_dim3A_1847 {strides = array<i32>} : memref<384x256xf32, #tpu.memory_space<vmem>>, vector<1x256xf32>,
    %mul3A_1851 = arith.mulf %get3A_103, %get3A_88 : vector<32x256xf32>
    %reduce_sum3A_1852 = arith.constant dense<0.000000e+00> : vector<256xf32>
    %reduce_sum3A_1853 = vector.multi_reduction <add>, %mul3A_1851, %reduce_sum3A_1852 [0] : vector<32x256xf32> to vector<256xf32>
    %broadcast_in_dim3A_1854 = vector.shape_cast %reduce_sum3A_1853 : vector<256xf32> to vector<1x256xf32>
    %swap3A_1855 = arith.constant 280 : index
    %swap3A_1856 = arith.constant 0 : index
    %swap3A_1857 = vector.load %arg20[%swap3A_1855, %swap3A_1856] : memref<384x256xf32, #tpu.memory_space<vmem>>, vector<1x256xf32>
    tpu.vector_store %arg20[%swap3A_1855, %swap3A_1856], %broadcast_in_dim3A_1854 {strides = array<i32>} : memref<384x256xf32, #tpu.memory_space<vmem>>, vector<1x256xf32>,
    %mul3A_1858 = arith.mulf %get3A_103, %get3A_91 : vector<32x256xf32>
    %reduce_sum3A_1859 = arith.constant dense<0.000000e+00> : vector<256xf32>
    %reduce_sum3A_1860 = vector.multi_reduction <add>, %mul3A_1858, %reduce_sum3A_1859 [0] : vector<32x256xf32> to vector<256xf32>
    %broadcast_in_dim3A_1861 = vector.shape_cast %reduce_sum3A_1860 : vector<256xf32> to vector<1x256xf32>
    %swap3A_1862 = arith.constant 281 : index
    %swap3A_1863 = arith.constant 0 : index
    %swap3A_1864 = vector.load %arg20[%swap3A_1862, %swap3A_1863] : memref<384x256xf32, #tpu.memory_space<vmem>>, vector<1x256xf32>
    tpu.vector_store %arg20[%swap3A_1862, %swap3A_1863], %broadcast_in_dim3A_1861 {strides = array<i32>} : memref<384x256xf32, #tpu.memory_space<vmem>>, vector<1x256xf32>,
    %mul3A_1865 = arith.mulf %get3A_103, %get3A_94 : vector<32x256xf32>
    %reduce_sum3A_1866 = arith.constant dense<0.000000e+00> : vector<256xf32>
    %reduce_sum3A_1867 = vector.multi_reduction <add>, %mul3A_1865, %reduce_sum3A_1866 [0] : vector<32x256xf32> to vector<256xf32>
    %broadcast_in_dim3A_1868 = vector.shape_cast %reduce_sum3A_1867 : vector<256xf32> to vector<1x256xf32>
    %swap3A_1869 = arith.constant 282 : index
    %swap3A_1870 = arith.constant 0 : index
    %swap3A_1871 = vector.load %arg20[%swap3A_1869, %swap3A_1870] : memref<384x256xf32, #tpu.memory_space<vmem>>, vector<1x256xf32>
    tpu.vector_store %arg20[%swap3A_1869, %swap3A_1870], %broadcast_in_dim3A_1868 {strides = array<i32>} : memref<384x256xf32, #tpu.memory_space<vmem>>, vector<1x256xf32>,
    %mul3A_1872 = arith.mulf %get3A_103, %get3A_97 : vector<32x256xf32>
    %reduce_sum3A_1873 = arith.constant dense<0.000000e+00> : vector<256xf32>
    %reduce_sum3A_1874 = vector.multi_reduction <add>, %mul3A_1872, %reduce_sum3A_1873 [0] : vector<32x256xf32> to vector<256xf32>
    %broadcast_in_dim3A_1875 = vector.shape_cast %reduce_sum3A_1874 : vector<256xf32> to vector<1x256xf32>
    %swap3A_1876 = arith.constant 283 : index
    %swap3A_1877 = arith.constant 0 : index
    %swap3A_1878 = vector.load %arg20[%swap3A_1876, %swap3A_1877] : memref<384x256xf32, #tpu.memory_space<vmem>>, vector<1x256xf32>
    tpu.vector_store %arg20[%swap3A_1876, %swap3A_1877], %broadcast_in_dim3A_1875 {strides = array<i32>} : memref<384x256xf32, #tpu.memory_space<vmem>>, vector<1x256xf32>,
    %mul3A_1879 = arith.mulf %get3A_103, %get3A_100 : vector<32x256xf32>
    %reduce_sum3A_1880 = arith.constant dense<0.000000e+00> : vector<256xf32>
    %reduce_sum3A_1881 = vector.multi_reduction <add>, %mul3A_1879, %reduce_sum3A_1880 [0] : vector<32x256xf32> to vector<256xf32>
    %broadcast_in_dim3A_1882 = vector.shape_cast %reduce_sum3A_1881 : vector<256xf32> to vector<1x256xf32>
    %swap3A_1883 = arith.constant 284 : index
    %swap3A_1884 = arith.constant 0 : index
    %swap3A_1885 = vector.load %arg20[%swap3A_1883, %swap3A_1884] : memref<384x256xf32, #tpu.memory_space<vmem>>, vector<1x256xf32>
    tpu.vector_store %arg20[%swap3A_1883, %swap3A_1884], %broadcast_in_dim3A_1882 {strides = array<i32>} : memref<384x256xf32, #tpu.memory_space<vmem>>, vector<1x256xf32>,
    %mul3A_1886 = arith.mulf %get3A_106, %max3A_37 : vector<32x256xf32>
    %reduce_sum3A_1887 = arith.constant dense<0.000000e+00> : vector<256xf32>
    %reduce_sum3A_1888 = vector.multi_reduction <add>, %mul3A_1886, %reduce_sum3A_1887 [0] : vector<32x256xf32> to vector<256xf32>
    %broadcast_in_dim3A_1889 = vector.shape_cast %reduce_sum3A_1888 : vector<256xf32> to vector<1x256xf32>
    %swap3A_1890 = arith.constant 285 : index
    %swap3A_1891 = arith.constant 0 : index
    %swap3A_1892 = vector.load %arg20[%swap3A_1890, %swap3A_1891] : memref<384x256xf32, #tpu.memory_space<vmem>>, vector<1x256xf32>
    tpu.vector_store %arg20[%swap3A_1890, %swap3A_1891], %broadcast_in_dim3A_1889 {strides = array<i32>} : memref<384x256xf32, #tpu.memory_space<vmem>>, vector<1x256xf32>,
    %mul3A_1893 = arith.mulf %get3A_106, %get3A_40 : vector<32x256xf32>
    %reduce_sum3A_1894 = arith.constant dense<0.000000e+00> : vector<256xf32>
    %reduce_sum3A_1895 = vector.multi_reduction <add>, %mul3A_1893, %reduce_sum3A_1894 [0] : vector<32x256xf32> to vector<256xf32>
    %broadcast_in_dim3A_1896 = vector.shape_cast %reduce_sum3A_1895 : vector<256xf32> to vector<1x256xf32>
    %swap3A_1897 = arith.constant 286 : index
    %swap3A_1898 = arith.constant 0 : index
    %swap3A_1899 = vector.load %arg20[%swap3A_1897, %swap3A_1898] : memref<384x256xf32, #tpu.memory_space<vmem>>, vector<1x256xf32>
    tpu.vector_store %arg20[%swap3A_1897, %swap3A_1898], %broadcast_in_dim3A_1896 {strides = array<i32>} : memref<384x256xf32, #tpu.memory_space<vmem>>, vector<1x256xf32>,
    %mul3A_1900 = arith.mulf %get3A_106, %get3A_43 : vector<32x256xf32>
    %reduce_sum3A_1901 = arith.constant dense<0.000000e+00> : vector<256xf32>
    %reduce_sum3A_1902 = vector.multi_reduction <add>, %mul3A_1900, %reduce_sum3A_1901 [0] : vector<32x256xf32> to vector<256xf32>
    %broadcast_in_dim3A_1903 = vector.shape_cast %reduce_sum3A_1902 : vector<256xf32> to vector<1x256xf32>
    %swap3A_1904 = arith.constant 287 : index
    %swap3A_1905 = arith.constant 0 : index
    %swap3A_1906 = vector.load %arg20[%swap3A_1904, %swap3A_1905] : memref<384x256xf32, #tpu.memory_space<vmem>>, vector<1x256xf32>
    tpu.vector_store %arg20[%swap3A_1904, %swap3A_1905], %broadcast_in_dim3A_1903 {strides = array<i32>} : memref<384x256xf32, #tpu.memory_space<vmem>>, vector<1x256xf32>,
    %mul3A_1907 = arith.mulf %get3A_106, %get3A_46 : vector<32x256xf32>
    %reduce_sum3A_1908 = arith.constant dense<0.000000e+00> : vector<256xf32>
    %reduce_sum3A_1909 = vector.multi_reduction <add>, %mul3A_1907, %reduce_sum3A_1908 [0] : vector<32x256xf32> to vector<256xf32>
    %broadcast_in_dim3A_1910 = vector.shape_cast %reduce_sum3A_1909 : vector<256xf32> to vector<1x256xf32>
    %swap3A_1911 = arith.constant 288 : index
    %swap3A_1912 = arith.constant 0 : index
    %swap3A_1913 = vector.load %arg20[%swap3A_1911, %swap3A_1912] : memref<384x256xf32, #tpu.memory_space<vmem>>, vector<1x256xf32>
    tpu.vector_store %arg20[%swap3A_1911, %swap3A_1912], %broadcast_in_dim3A_1910 {strides = array<i32>} : memref<384x256xf32, #tpu.memory_space<vmem>>, vector<1x256xf32>,
    %mul3A_1914 = arith.mulf %get3A_106, %get3A_49 : vector<32x256xf32>
    %reduce_sum3A_1915 = arith.constant dense<0.000000e+00> : vector<256xf32>
    %reduce_sum3A_1916 = vector.multi_reduction <add>, %mul3A_1914, %reduce_sum3A_1915 [0] : vector<32x256xf32> to vector<256xf32>
    %broadcast_in_dim3A_1917 = vector.shape_cast %reduce_sum3A_1916 : vector<256xf32> to vector<1x256xf32>
    %swap3A_1918 = arith.constant 289 : index
    %swap3A_1919 = arith.constant 0 : index
    %swap3A_1920 = vector.load %arg20[%swap3A_1918, %swap3A_1919] : memref<384x256xf32, #tpu.memory_space<vmem>>, vector<1x256xf32>
    tpu.vector_store %arg20[%swap3A_1918, %swap3A_1919], %broadcast_in_dim3A_1917 {strides = array<i32>} : memref<384x256xf32, #tpu.memory_space<vmem>>, vector<1x256xf32>,
    %mul3A_1921 = arith.mulf %get3A_106, %get3A_52 : vector<32x256xf32>
    %reduce_sum3A_1922 = arith.constant dense<0.000000e+00> : vector<256xf32>
    %reduce_sum3A_1923 = vector.multi_reduction <add>, %mul3A_1921, %reduce_sum3A_1922 [0] : vector<32x256xf32> to vector<256xf32>
    %broadcast_in_dim3A_1924 = vector.shape_cast %reduce_sum3A_1923 : vector<256xf32> to vector<1x256xf32>
    %swap3A_1925 = arith.constant 290 : index
    %swap3A_1926 = arith.constant 0 : index
    %swap3A_1927 = vector.load %arg20[%swap3A_1925, %swap3A_1926] : memref<384x256xf32, #tpu.memory_space<vmem>>, vector<1x256xf32>
    tpu.vector_store %arg20[%swap3A_1925, %swap3A_1926], %broadcast_in_dim3A_1924 {strides = array<i32>} : memref<384x256xf32, #tpu.memory_space<vmem>>, vector<1x256xf32>,
    %mul3A_1928 = arith.mulf %get3A_106, %get3A_55 : vector<32x256xf32>
    %reduce_sum3A_1929 = arith.constant dense<0.000000e+00> : vector<256xf32>
    %reduce_sum3A_1930 = vector.multi_reduction <add>, %mul3A_1928, %reduce_sum3A_1929 [0] : vector<32x256xf32> to vector<256xf32>
    %broadcast_in_dim3A_1931 = vector.shape_cast %reduce_sum3A_1930 : vector<256xf32> to vector<1x256xf32>
    %swap3A_1932 = arith.constant 291 : index
    %swap3A_1933 = arith.constant 0 : index
    %swap3A_1934 = vector.load %arg20[%swap3A_1932, %swap3A_1933] : memref<384x256xf32, #tpu.memory_space<vmem>>, vector<1x256xf32>
    tpu.vector_store %arg20[%swap3A_1932, %swap3A_1933], %broadcast_in_dim3A_1931 {strides = array<i32>} : memref<384x256xf32, #tpu.memory_space<vmem>>, vector<1x256xf32>,
    %mul3A_1935 = arith.mulf %get3A_106, %get3A_58 : vector<32x256xf32>
    %reduce_sum3A_1936 = arith.constant dense<0.000000e+00> : vector<256xf32>
    %reduce_sum3A_1937 = vector.multi_reduction <add>, %mul3A_1935, %reduce_sum3A_1936 [0] : vector<32x256xf32> to vector<256xf32>
    %broadcast_in_dim3A_1938 = vector.shape_cast %reduce_sum3A_1937 : vector<256xf32> to vector<1x256xf32>
    %swap3A_1939 = arith.constant 292 : index
    %swap3A_1940 = arith.constant 0 : index
    %swap3A_1941 = vector.load %arg20[%swap3A_1939, %swap3A_1940] : memref<384x256xf32, #tpu.memory_space<vmem>>, vector<1x256xf32>
    tpu.vector_store %arg20[%swap3A_1939, %swap3A_1940], %broadcast_in_dim3A_1938 {strides = array<i32>} : memref<384x256xf32, #tpu.memory_space<vmem>>, vector<1x256xf32>,
    %mul3A_1942 = arith.mulf %get3A_106, %get3A_61 : vector<32x256xf32>
    %reduce_sum3A_1943 = arith.constant dense<0.000000e+00> : vector<256xf32>
    %reduce_sum3A_1944 = vector.multi_reduction <add>, %mul3A_1942, %reduce_sum3A_1943 [0] : vector<32x256xf32> to vector<256xf32>
    %broadcast_in_dim3A_1945 = vector.shape_cast %reduce_sum3A_1944 : vector<256xf32> to vector<1x256xf32>
    %swap3A_1946 = arith.constant 293 : index
    %swap3A_1947 = arith.constant 0 : index
    %swap3A_1948 = vector.load %arg20[%swap3A_1946, %swap3A_1947] : memref<384x256xf32, #tpu.memory_space<vmem>>, vector<1x256xf32>
    tpu.vector_store %arg20[%swap3A_1946, %swap3A_1947], %broadcast_in_dim3A_1945 {strides = array<i32>} : memref<384x256xf32, #tpu.memory_space<vmem>>, vector<1x256xf32>,
    %mul3A_1949 = arith.mulf %get3A_106, %get3A_64 : vector<32x256xf32>
    %reduce_sum3A_1950 = arith.constant dense<0.000000e+00> : vector<256xf32>
    %reduce_sum3A_1951 = vector.multi_reduction <add>, %mul3A_1949, %reduce_sum3A_1950 [0] : vector<32x256xf32> to vector<256xf32>
    %broadcast_in_dim3A_1952 = vector.shape_cast %reduce_sum3A_1951 : vector<256xf32> to vector<1x256xf32>
    %swap3A_1953 = arith.constant 294 : index
    %swap3A_1954 = arith.constant 0 : index
    %swap3A_1955 = vector.load %arg20[%swap3A_1953, %swap3A_1954] : memref<384x256xf32, #tpu.memory_space<vmem>>, vector<1x256xf32>
    tpu.vector_store %arg20[%swap3A_1953, %swap3A_1954], %broadcast_in_dim3A_1952 {strides = array<i32>} : memref<384x256xf32, #tpu.memory_space<vmem>>, vector<1x256xf32>,
    %mul3A_1956 = arith.mulf %get3A_106, %get3A_67 : vector<32x256xf32>
    %reduce_sum3A_1957 = arith.constant dense<0.000000e+00> : vector<256xf32>
    %reduce_sum3A_1958 = vector.multi_reduction <add>, %mul3A_1956, %reduce_sum3A_1957 [0] : vector<32x256xf32> to vector<256xf32>
    %broadcast_in_dim3A_1959 = vector.shape_cast %reduce_sum3A_1958 : vector<256xf32> to vector<1x256xf32>
    %swap3A_1960 = arith.constant 295 : index
    %swap3A_1961 = arith.constant 0 : index
    %swap3A_1962 = vector.load %arg20[%swap3A_1960, %swap3A_1961] : memref<384x256xf32, #tpu.memory_space<vmem>>, vector<1x256xf32>
    tpu.vector_store %arg20[%swap3A_1960, %swap3A_1961], %broadcast_in_dim3A_1959 {strides = array<i32>} : memref<384x256xf32, #tpu.memory_space<vmem>>, vector<1x256xf32>,
    %mul3A_1963 = arith.mulf %get3A_106, %get3A_70 : vector<32x256xf32>
    %reduce_sum3A_1964 = arith.constant dense<0.000000e+00> : vector<256xf32>
    %reduce_sum3A_1965 = vector.multi_reduction <add>, %mul3A_1963, %reduce_sum3A_1964 [0] : vector<32x256xf32> to vector<256xf32>
    %broadcast_in_dim3A_1966 = vector.shape_cast %reduce_sum3A_1965 : vector<256xf32> to vector<1x256xf32>
    %swap3A_1967 = arith.constant 296 : index
    %swap3A_1968 = arith.constant 0 : index
    %swap3A_1969 = vector.load %arg20[%swap3A_1967, %swap3A_1968] : memref<384x256xf32, #tpu.memory_space<vmem>>, vector<1x256xf32>
    tpu.vector_store %arg20[%swap3A_1967, %swap3A_1968], %broadcast_in_dim3A_1966 {strides = array<i32>} : memref<384x256xf32, #tpu.memory_space<vmem>>, vector<1x256xf32>,
    %mul3A_1970 = arith.mulf %get3A_106, %get3A_73 : vector<32x256xf32>
    %reduce_sum3A_1971 = arith.constant dense<0.000000e+00> : vector<256xf32>
    %reduce_sum3A_1972 = vector.multi_reduction <add>, %mul3A_1970, %reduce_sum3A_1971 [0] : vector<32x256xf32> to vector<256xf32>
    %broadcast_in_dim3A_1973 = vector.shape_cast %reduce_sum3A_1972 : vector<256xf32> to vector<1x256xf32>
    %swap3A_1974 = arith.constant 297 : index
    %swap3A_1975 = arith.constant 0 : index
    %swap3A_1976 = vector.load %arg20[%swap3A_1974, %swap3A_1975] : memref<384x256xf32, #tpu.memory_space<vmem>>, vector<1x256xf32>
    tpu.vector_store %arg20[%swap3A_1974, %swap3A_1975], %broadcast_in_dim3A_1973 {strides = array<i32>} : memref<384x256xf32, #tpu.memory_space<vmem>>, vector<1x256xf32>,
    %mul3A_1977 = arith.mulf %get3A_106, %get3A_76 : vector<32x256xf32>
    %reduce_sum3A_1978 = arith.constant dense<0.000000e+00> : vector<256xf32>
    %reduce_sum3A_1979 = vector.multi_reduction <add>, %mul3A_1977, %reduce_sum3A_1978 [0] : vector<32x256xf32> to vector<256xf32>
    %broadcast_in_dim3A_1980 = vector.shape_cast %reduce_sum3A_1979 : vector<256xf32> to vector<1x256xf32>
    %swap3A_1981 = arith.constant 298 : index
    %swap3A_1982 = arith.constant 0 : index
    %swap3A_1983 = vector.load %arg20[%swap3A_1981, %swap3A_1982] : memref<384x256xf32, #tpu.memory_space<vmem>>, vector<1x256xf32>
    tpu.vector_store %arg20[%swap3A_1981, %swap3A_1982], %broadcast_in_dim3A_1980 {strides = array<i32>} : memref<384x256xf32, #tpu.memory_space<vmem>>, vector<1x256xf32>,
    %mul3A_1984 = arith.mulf %get3A_106, %get3A_79 : vector<32x256xf32>
    %reduce_sum3A_1985 = arith.constant dense<0.000000e+00> : vector<256xf32>
    %reduce_sum3A_1986 = vector.multi_reduction <add>, %mul3A_1984, %reduce_sum3A_1985 [0] : vector<32x256xf32> to vector<256xf32>
    %broadcast_in_dim3A_1987 = vector.shape_cast %reduce_sum3A_1986 : vector<256xf32> to vector<1x256xf32>
    %swap3A_1988 = arith.constant 299 : index
    %swap3A_1989 = arith.constant 0 : index
    %swap3A_1990 = vector.load %arg20[%swap3A_1988, %swap3A_1989] : memref<384x256xf32, #tpu.memory_space<vmem>>, vector<1x256xf32>
    tpu.vector_store %arg20[%swap3A_1988, %swap3A_1989], %broadcast_in_dim3A_1987 {strides = array<i32>} : memref<384x256xf32, #tpu.memory_space<vmem>>, vector<1x256xf32>,
    %mul3A_1991 = arith.mulf %get3A_106, %get3A_82 : vector<32x256xf32>
    %reduce_sum3A_1992 = arith.constant dense<0.000000e+00> : vector<256xf32>
    %reduce_sum3A_1993 = vector.multi_reduction <add>, %mul3A_1991, %reduce_sum3A_1992 [0] : vector<32x256xf32> to vector<256xf32>
    %broadcast_in_dim3A_1994 = vector.shape_cast %reduce_sum3A_1993 : vector<256xf32> to vector<1x256xf32>
    %swap3A_1995 = arith.constant 300 : index
    %swap3A_1996 = arith.constant 0 : index
    %swap3A_1997 = vector.load %arg20[%swap3A_1995, %swap3A_1996] : memref<384x256xf32, #tpu.memory_space<vmem>>, vector<1x256xf32>
    tpu.vector_store %arg20[%swap3A_1995, %swap3A_1996], %broadcast_in_dim3A_1994 {strides = array<i32>} : memref<384x256xf32, #tpu.memory_space<vmem>>, vector<1x256xf32>,
    %mul3A_1998 = arith.mulf %get3A_106, %get3A_85 : vector<32x256xf32>
    %reduce_sum3A_1999 = arith.constant dense<0.000000e+00> : vector<256xf32>
    %reduce_sum3A_2000 = vector.multi_reduction <add>, %mul3A_1998, %reduce_sum3A_1999 [0] : vector<32x256xf32> to vector<256xf32>
    %broadcast_in_dim3A_2001 = vector.shape_cast %reduce_sum3A_2000 : vector<256xf32> to vector<1x256xf32>
    %swap3A_2002 = arith.constant 301 : index
    %swap3A_2003 = arith.constant 0 : index
    %swap3A_2004 = vector.load %arg20[%swap3A_2002, %swap3A_2003] : memref<384x256xf32, #tpu.memory_space<vmem>>, vector<1x256xf32>
    tpu.vector_store %arg20[%swap3A_2002, %swap3A_2003], %broadcast_in_dim3A_2001 {strides = array<i32>} : memref<384x256xf32, #tpu.memory_space<vmem>>, vector<1x256xf32>,
    %mul3A_2005 = arith.mulf %get3A_106, %get3A_88 : vector<32x256xf32>
    %reduce_sum3A_2006 = arith.constant dense<0.000000e+00> : vector<256xf32>
    %reduce_sum3A_2007 = vector.multi_reduction <add>, %mul3A_2005, %reduce_sum3A_2006 [0] : vector<32x256xf32> to vector<256xf32>
    %broadcast_in_dim3A_2008 = vector.shape_cast %reduce_sum3A_2007 : vector<256xf32> to vector<1x256xf32>
    %swap3A_2009 = arith.constant 302 : index
    %swap3A_2010 = arith.constant 0 : index
    %swap3A_2011 = vector.load %arg20[%swap3A_2009, %swap3A_2010] : memref<384x256xf32, #tpu.memory_space<vmem>>, vector<1x256xf32>
    tpu.vector_store %arg20[%swap3A_2009, %swap3A_2010], %broadcast_in_dim3A_2008 {strides = array<i32>} : memref<384x256xf32, #tpu.memory_space<vmem>>, vector<1x256xf32>,
    %mul3A_2012 = arith.mulf %get3A_106, %get3A_91 : vector<32x256xf32>
    %reduce_sum3A_2013 = arith.constant dense<0.000000e+00> : vector<256xf32>
    %reduce_sum3A_2014 = vector.multi_reduction <add>, %mul3A_2012, %reduce_sum3A_2013 [0] : vector<32x256xf32> to vector<256xf32>
    %broadcast_in_dim3A_2015 = vector.shape_cast %reduce_sum3A_2014 : vector<256xf32> to vector<1x256xf32>
    %swap3A_2016 = arith.constant 303 : index
    %swap3A_2017 = arith.constant 0 : index
    %swap3A_2018 = vector.load %arg20[%swap3A_2016, %swap3A_2017] : memref<384x256xf32, #tpu.memory_space<vmem>>, vector<1x256xf32>
    tpu.vector_store %arg20[%swap3A_2016, %swap3A_2017], %broadcast_in_dim3A_2015 {strides = array<i32>} : memref<384x256xf32, #tpu.memory_space<vmem>>, vector<1x256xf32>,
    %mul3A_2019 = arith.mulf %get3A_106, %get3A_94 : vector<32x256xf32>
    %reduce_sum3A_2020 = arith.constant dense<0.000000e+00> : vector<256xf32>
    %reduce_sum3A_2021 = vector.multi_reduction <add>, %mul3A_2019, %reduce_sum3A_2020 [0] : vector<32x256xf32> to vector<256xf32>
    %broadcast_in_dim3A_2022 = vector.shape_cast %reduce_sum3A_2021 : vector<256xf32> to vector<1x256xf32>
    %swap3A_2023 = arith.constant 304 : index
    %swap3A_2024 = arith.constant 0 : index
    %swap3A_2025 = vector.load %arg20[%swap3A_2023, %swap3A_2024] : memref<384x256xf32, #tpu.memory_space<vmem>>, vector<1x256xf32>
    tpu.vector_store %arg20[%swap3A_2023, %swap3A_2024], %broadcast_in_dim3A_2022 {strides = array<i32>} : memref<384x256xf32, #tpu.memory_space<vmem>>, vector<1x256xf32>,
    %mul3A_2026 = arith.mulf %get3A_106, %get3A_97 : vector<32x256xf32>
    %reduce_sum3A_2027 = arith.constant dense<0.000000e+00> : vector<256xf32>
    %reduce_sum3A_2028 = vector.multi_reduction <add>, %mul3A_2026, %reduce_sum3A_2027 [0] : vector<32x256xf32> to vector<256xf32>
    %broadcast_in_dim3A_2029 = vector.shape_cast %reduce_sum3A_2028 : vector<256xf32> to vector<1x256xf32>
    %swap3A_2030 = arith.constant 305 : index
    %swap3A_2031 = arith.constant 0 : index
    %swap3A_2032 = vector.load %arg20[%swap3A_2030, %swap3A_2031] : memref<384x256xf32, #tpu.memory_space<vmem>>, vector<1x256xf32>
    tpu.vector_store %arg20[%swap3A_2030, %swap3A_2031], %broadcast_in_dim3A_2029 {strides = array<i32>} : memref<384x256xf32, #tpu.memory_space<vmem>>, vector<1x256xf32>,
    %mul3A_2033 = arith.mulf %get3A_106, %get3A_100 : vector<32x256xf32>
    %reduce_sum3A_2034 = arith.constant dense<0.000000e+00> : vector<256xf32>
    %reduce_sum3A_2035 = vector.multi_reduction <add>, %mul3A_2033, %reduce_sum3A_2034 [0] : vector<32x256xf32> to vector<256xf32>
    %broadcast_in_dim3A_2036 = vector.shape_cast %reduce_sum3A_2035 : vector<256xf32> to vector<1x256xf32>
    %swap3A_2037 = arith.constant 306 : index
    %swap3A_2038 = arith.constant 0 : index
    %swap3A_2039 = vector.load %arg20[%swap3A_2037, %swap3A_2038] : memref<384x256xf32, #tpu.memory_space<vmem>>, vector<1x256xf32>
    tpu.vector_store %arg20[%swap3A_2037, %swap3A_2038], %broadcast_in_dim3A_2036 {strides = array<i32>} : memref<384x256xf32, #tpu.memory_space<vmem>>, vector<1x256xf32>,
    %mul3A_2040 = arith.mulf %get3A_106, %get3A_103 : vector<32x256xf32>
    %reduce_sum3A_2041 = arith.constant dense<0.000000e+00> : vector<256xf32>
    %reduce_sum3A_2042 = vector.multi_reduction <add>, %mul3A_2040, %reduce_sum3A_2041 [0] : vector<32x256xf32> to vector<256xf32>
    %broadcast_in_dim3A_2043 = vector.shape_cast %reduce_sum3A_2042 : vector<256xf32> to vector<1x256xf32>
    %swap3A_2044 = arith.constant 307 : index
    %swap3A_2045 = arith.constant 0 : index
    %swap3A_2046 = vector.load %arg20[%swap3A_2044, %swap3A_2045] : memref<384x256xf32, #tpu.memory_space<vmem>>, vector<1x256xf32>
    tpu.vector_store %arg20[%swap3A_2044, %swap3A_2045], %broadcast_in_dim3A_2043 {strides = array<i32>} : memref<384x256xf32, #tpu.memory_space<vmem>>, vector<1x256xf32>,
    %mul3A_2047 = arith.mulf %get3A_109, %max3A_37 : vector<32x256xf32>
    %reduce_sum3A_2048 = arith.constant dense<0.000000e+00> : vector<256xf32>
    %reduce_sum3A_2049 = vector.multi_reduction <add>, %mul3A_2047, %reduce_sum3A_2048 [0] : vector<32x256xf32> to vector<256xf32>
    %broadcast_in_dim3A_2050 = vector.shape_cast %reduce_sum3A_2049 : vector<256xf32> to vector<1x256xf32>
    %swap3A_2051 = arith.constant 308 : index
    %swap3A_2052 = arith.constant 0 : index
    %swap3A_2053 = vector.load %arg20[%swap3A_2051, %swap3A_2052] : memref<384x256xf32, #tpu.memory_space<vmem>>, vector<1x256xf32>
    tpu.vector_store %arg20[%swap3A_2051, %swap3A_2052], %broadcast_in_dim3A_2050 {strides = array<i32>} : memref<384x256xf32, #tpu.memory_space<vmem>>, vector<1x256xf32>,
    %mul3A_2054 = arith.mulf %get3A_109, %get3A_40 : vector<32x256xf32>
    %reduce_sum3A_2055 = arith.constant dense<0.000000e+00> : vector<256xf32>
    %reduce_sum3A_2056 = vector.multi_reduction <add>, %mul3A_2054, %reduce_sum3A_2055 [0] : vector<32x256xf32> to vector<256xf32>
    %broadcast_in_dim3A_2057 = vector.shape_cast %reduce_sum3A_2056 : vector<256xf32> to vector<1x256xf32>
    %swap3A_2058 = arith.constant 309 : index
    %swap3A_2059 = arith.constant 0 : index
    %swap3A_2060 = vector.load %arg20[%swap3A_2058, %swap3A_2059] : memref<384x256xf32, #tpu.memory_space<vmem>>, vector<1x256xf32>
    tpu.vector_store %arg20[%swap3A_2058, %swap3A_2059], %broadcast_in_dim3A_2057 {strides = array<i32>} : memref<384x256xf32, #tpu.memory_space<vmem>>, vector<1x256xf32>,
    %mul3A_2061 = arith.mulf %get3A_109, %get3A_43 : vector<32x256xf32>
    %reduce_sum3A_2062 = arith.constant dense<0.000000e+00> : vector<256xf32>
    %reduce_sum3A_2063 = vector.multi_reduction <add>, %mul3A_2061, %reduce_sum3A_2062 [0] : vector<32x256xf32> to vector<256xf32>
    %broadcast_in_dim3A_2064 = vector.shape_cast %reduce_sum3A_2063 : vector<256xf32> to vector<1x256xf32>
    %swap3A_2065 = arith.constant 310 : index
    %swap3A_2066 = arith.constant 0 : index
    %swap3A_2067 = vector.load %arg20[%swap3A_2065, %swap3A_2066] : memref<384x256xf32, #tpu.memory_space<vmem>>, vector<1x256xf32>
    tpu.vector_store %arg20[%swap3A_2065, %swap3A_2066], %broadcast_in_dim3A_2064 {strides = array<i32>} : memref<384x256xf32, #tpu.memory_space<vmem>>, vector<1x256xf32>,
    %mul3A_2068 = arith.mulf %get3A_109, %get3A_46 : vector<32x256xf32>
    %reduce_sum3A_2069 = arith.constant dense<0.000000e+00> : vector<256xf32>
    %reduce_sum3A_2070 = vector.multi_reduction <add>, %mul3A_2068, %reduce_sum3A_2069 [0] : vector<32x256xf32> to vector<256xf32>
    %broadcast_in_dim3A_2071 = vector.shape_cast %reduce_sum3A_2070 : vector<256xf32> to vector<1x256xf32>
    %swap3A_2072 = arith.constant 311 : index
    %swap3A_2073 = arith.constant 0 : index
    %swap3A_2074 = vector.load %arg20[%swap3A_2072, %swap3A_2073] : memref<384x256xf32, #tpu.memory_space<vmem>>, vector<1x256xf32>
    tpu.vector_store %arg20[%swap3A_2072, %swap3A_2073], %broadcast_in_dim3A_2071 {strides = array<i32>} : memref<384x256xf32, #tpu.memory_space<vmem>>, vector<1x256xf32>,
    %mul3A_2075 = arith.mulf %get3A_109, %get3A_49 : vector<32x256xf32>
    %reduce_sum3A_2076 = arith.constant dense<0.000000e+00> : vector<256xf32>
    %reduce_sum3A_2077 = vector.multi_reduction <add>, %mul3A_2075, %reduce_sum3A_2076 [0] : vector<32x256xf32> to vector<256xf32>
    %broadcast_in_dim3A_2078 = vector.shape_cast %reduce_sum3A_2077 : vector<256xf32> to vector<1x256xf32>
    %swap3A_2079 = arith.constant 312 : index
    %swap3A_2080 = arith.constant 0 : index
    %swap3A_2081 = vector.load %arg20[%swap3A_2079, %swap3A_2080] : memref<384x256xf32, #tpu.memory_space<vmem>>, vector<1x256xf32>
    tpu.vector_store %arg20[%swap3A_2079, %swap3A_2080], %broadcast_in_dim3A_2078 {strides = array<i32>} : memref<384x256xf32, #tpu.memory_space<vmem>>, vector<1x256xf32>,
    %mul3A_2082 = arith.mulf %get3A_109, %get3A_52 : vector<32x256xf32>
    %reduce_sum3A_2083 = arith.constant dense<0.000000e+00> : vector<256xf32>
    %reduce_sum3A_2084 = vector.multi_reduction <add>, %mul3A_2082, %reduce_sum3A_2083 [0] : vector<32x256xf32> to vector<256xf32>
    %broadcast_in_dim3A_2085 = vector.shape_cast %reduce_sum3A_2084 : vector<256xf32> to vector<1x256xf32>
    %swap3A_2086 = arith.constant 313 : index
    %swap3A_2087 = arith.constant 0 : index
    %swap3A_2088 = vector.load %arg20[%swap3A_2086, %swap3A_2087] : memref<384x256xf32, #tpu.memory_space<vmem>>, vector<1x256xf32>
    tpu.vector_store %arg20[%swap3A_2086, %swap3A_2087], %broadcast_in_dim3A_2085 {strides = array<i32>} : memref<384x256xf32, #tpu.memory_space<vmem>>, vector<1x256xf32>,
    %mul3A_2089 = arith.mulf %get3A_109, %get3A_55 : vector<32x256xf32>
    %reduce_sum3A_2090 = arith.constant dense<0.000000e+00> : vector<256xf32>
    %reduce_sum3A_2091 = vector.multi_reduction <add>, %mul3A_2089, %reduce_sum3A_2090 [0] : vector<32x256xf32> to vector<256xf32>
    %broadcast_in_dim3A_2092 = vector.shape_cast %reduce_sum3A_2091 : vector<256xf32> to vector<1x256xf32>
    %swap3A_2093 = arith.constant 314 : index
    %swap3A_2094 = arith.constant 0 : index
    %swap3A_2095 = vector.load %arg20[%swap3A_2093, %swap3A_2094] : memref<384x256xf32, #tpu.memory_space<vmem>>, vector<1x256xf32>
    tpu.vector_store %arg20[%swap3A_2093, %swap3A_2094], %broadcast_in_dim3A_2092 {strides = array<i32>} : memref<384x256xf32, #tpu.memory_space<vmem>>, vector<1x256xf32>,
    %mul3A_2096 = arith.mulf %get3A_109, %get3A_58 : vector<32x256xf32>
    %reduce_sum3A_2097 = arith.constant dense<0.000000e+00> : vector<256xf32>
    %reduce_sum3A_2098 = vector.multi_reduction <add>, %mul3A_2096, %reduce_sum3A_2097 [0] : vector<32x256xf32> to vector<256xf32>
    %broadcast_in_dim3A_2099 = vector.shape_cast %reduce_sum3A_2098 : vector<256xf32> to vector<1x256xf32>
    %swap3A_2100 = arith.constant 315 : index
    %swap3A_2101 = arith.constant 0 : index
    %swap3A_2102 = vector.load %arg20[%swap3A_2100, %swap3A_2101] : memref<384x256xf32, #tpu.memory_space<vmem>>, vector<1x256xf32>
    tpu.vector_store %arg20[%swap3A_2100, %swap3A_2101], %broadcast_in_dim3A_2099 {strides = array<i32>} : memref<384x256xf32, #tpu.memory_space<vmem>>, vector<1x256xf32>,
    %mul3A_2103 = arith.mulf %get3A_109, %get3A_61 : vector<32x256xf32>
    %reduce_sum3A_2104 = arith.constant dense<0.000000e+00> : vector<256xf32>
    %reduce_sum3A_2105 = vector.multi_reduction <add>, %mul3A_2103, %reduce_sum3A_2104 [0] : vector<32x256xf32> to vector<256xf32>
    %broadcast_in_dim3A_2106 = vector.shape_cast %reduce_sum3A_2105 : vector<256xf32> to vector<1x256xf32>
    %swap3A_2107 = arith.constant 316 : index
    %swap3A_2108 = arith.constant 0 : index
    %swap3A_2109 = vector.load %arg20[%swap3A_2107, %swap3A_2108] : memref<384x256xf32, #tpu.memory_space<vmem>>, vector<1x256xf32>
    tpu.vector_store %arg20[%swap3A_2107, %swap3A_2108], %broadcast_in_dim3A_2106 {strides = array<i32>} : memref<384x256xf32, #tpu.memory_space<vmem>>, vector<1x256xf32>,
    %mul3A_2110 = arith.mulf %get3A_109, %get3A_64 : vector<32x256xf32>
    %reduce_sum3A_2111 = arith.constant dense<0.000000e+00> : vector<256xf32>
    %reduce_sum3A_2112 = vector.multi_reduction <add>, %mul3A_2110, %reduce_sum3A_2111 [0] : vector<32x256xf32> to vector<256xf32>
    %broadcast_in_dim3A_2113 = vector.shape_cast %reduce_sum3A_2112 : vector<256xf32> to vector<1x256xf32>
    %swap3A_2114 = arith.constant 317 : index
    %swap3A_2115 = arith.constant 0 : index
    %swap3A_2116 = vector.load %arg20[%swap3A_2114, %swap3A_2115] : memref<384x256xf32, #tpu.memory_space<vmem>>, vector<1x256xf32>
    tpu.vector_store %arg20[%swap3A_2114, %swap3A_2115], %broadcast_in_dim3A_2113 {strides = array<i32>} : memref<384x256xf32, #tpu.memory_space<vmem>>, vector<1x256xf32>,
    %mul3A_2117 = arith.mulf %get3A_109, %get3A_67 : vector<32x256xf32>
    %reduce_sum3A_2118 = arith.constant dense<0.000000e+00> : vector<256xf32>
    %reduce_sum3A_2119 = vector.multi_reduction <add>, %mul3A_2117, %reduce_sum3A_2118 [0] : vector<32x256xf32> to vector<256xf32>
    %broadcast_in_dim3A_2120 = vector.shape_cast %reduce_sum3A_2119 : vector<256xf32> to vector<1x256xf32>
    %swap3A_2121 = arith.constant 318 : index
    %swap3A_2122 = arith.constant 0 : index
    %swap3A_2123 = vector.load %arg20[%swap3A_2121, %swap3A_2122] : memref<384x256xf32, #tpu.memory_space<vmem>>, vector<1x256xf32>
    tpu.vector_store %arg20[%swap3A_2121, %swap3A_2122], %broadcast_in_dim3A_2120 {strides = array<i32>} : memref<384x256xf32, #tpu.memory_space<vmem>>, vector<1x256xf32>,
    %mul3A_2124 = arith.mulf %get3A_109, %get3A_70 : vector<32x256xf32>
    %reduce_sum3A_2125 = arith.constant dense<0.000000e+00> : vector<256xf32>
    %reduce_sum3A_2126 = vector.multi_reduction <add>, %mul3A_2124, %reduce_sum3A_2125 [0] : vector<32x256xf32> to vector<256xf32>
    %broadcast_in_dim3A_2127 = vector.shape_cast %reduce_sum3A_2126 : vector<256xf32> to vector<1x256xf32>
    %swap3A_2128 = arith.constant 319 : index
    %swap3A_2129 = arith.constant 0 : index
    %swap3A_2130 = vector.load %arg20[%swap3A_2128, %swap3A_2129] : memref<384x256xf32, #tpu.memory_space<vmem>>, vector<1x256xf32>
    tpu.vector_store %arg20[%swap3A_2128, %swap3A_2129], %broadcast_in_dim3A_2127 {strides = array<i32>} : memref<384x256xf32, #tpu.memory_space<vmem>>, vector<1x256xf32>,
    %mul3A_2131 = arith.mulf %get3A_109, %get3A_73 : vector<32x256xf32>
    %reduce_sum3A_2132 = arith.constant dense<0.000000e+00> : vector<256xf32>
    %reduce_sum3A_2133 = vector.multi_reduction <add>, %mul3A_2131, %reduce_sum3A_2132 [0] : vector<32x256xf32> to vector<256xf32>
    %broadcast_in_dim3A_2134 = vector.shape_cast %reduce_sum3A_2133 : vector<256xf32> to vector<1x256xf32>
    %swap3A_2135 = arith.constant 320 : index
    %swap3A_2136 = arith.constant 0 : index
    %swap3A_2137 = vector.load %arg20[%swap3A_2135, %swap3A_2136] : memref<384x256xf32, #tpu.memory_space<vmem>>, vector<1x256xf32>
    tpu.vector_store %arg20[%swap3A_2135, %swap3A_2136], %broadcast_in_dim3A_2134 {strides = array<i32>} : memref<384x256xf32, #tpu.memory_space<vmem>>, vector<1x256xf32>,
    %mul3A_2138 = arith.mulf %get3A_109, %get3A_76 : vector<32x256xf32>
    %reduce_sum3A_2139 = arith.constant dense<0.000000e+00> : vector<256xf32>
    %reduce_sum3A_2140 = vector.multi_reduction <add>, %mul3A_2138, %reduce_sum3A_2139 [0] : vector<32x256xf32> to vector<256xf32>
    %broadcast_in_dim3A_2141 = vector.shape_cast %reduce_sum3A_2140 : vector<256xf32> to vector<1x256xf32>
    %swap3A_2142 = arith.constant 321 : index
    %swap3A_2143 = arith.constant 0 : index
    %swap3A_2144 = vector.load %arg20[%swap3A_2142, %swap3A_2143] : memref<384x256xf32, #tpu.memory_space<vmem>>, vector<1x256xf32>
    tpu.vector_store %arg20[%swap3A_2142, %swap3A_2143], %broadcast_in_dim3A_2141 {strides = array<i32>} : memref<384x256xf32, #tpu.memory_space<vmem>>, vector<1x256xf32>,
    %mul3A_2145 = arith.mulf %get3A_109, %get3A_79 : vector<32x256xf32>
    %reduce_sum3A_2146 = arith.constant dense<0.000000e+00> : vector<256xf32>
    %reduce_sum3A_2147 = vector.multi_reduction <add>, %mul3A_2145, %reduce_sum3A_2146 [0] : vector<32x256xf32> to vector<256xf32>
    %broadcast_in_dim3A_2148 = vector.shape_cast %reduce_sum3A_2147 : vector<256xf32> to vector<1x256xf32>
    %swap3A_2149 = arith.constant 322 : index
    %swap3A_2150 = arith.constant 0 : index
    %swap3A_2151 = vector.load %arg20[%swap3A_2149, %swap3A_2150] : memref<384x256xf32, #tpu.memory_space<vmem>>, vector<1x256xf32>
    tpu.vector_store %arg20[%swap3A_2149, %swap3A_2150], %broadcast_in_dim3A_2148 {strides = array<i32>} : memref<384x256xf32, #tpu.memory_space<vmem>>, vector<1x256xf32>,
    %mul3A_2152 = arith.mulf %get3A_109, %get3A_82 : vector<32x256xf32>
    %reduce_sum3A_2153 = arith.constant dense<0.000000e+00> : vector<256xf32>
    %reduce_sum3A_2154 = vector.multi_reduction <add>, %mul3A_2152, %reduce_sum3A_2153 [0] : vector<32x256xf32> to vector<256xf32>
    %broadcast_in_dim3A_2155 = vector.shape_cast %reduce_sum3A_2154 : vector<256xf32> to vector<1x256xf32>
    %swap3A_2156 = arith.constant 323 : index
    %swap3A_2157 = arith.constant 0 : index
    %swap3A_2158 = vector.load %arg20[%swap3A_2156, %swap3A_2157] : memref<384x256xf32, #tpu.memory_space<vmem>>, vector<1x256xf32>
    tpu.vector_store %arg20[%swap3A_2156, %swap3A_2157], %broadcast_in_dim3A_2155 {strides = array<i32>} : memref<384x256xf32, #tpu.memory_space<vmem>>, vector<1x256xf32>,
    %mul3A_2159 = arith.mulf %get3A_109, %get3A_85 : vector<32x256xf32>
    %reduce_sum3A_2160 = arith.constant dense<0.000000e+00> : vector<256xf32>
    %reduce_sum3A_2161 = vector.multi_reduction <add>, %mul3A_2159, %reduce_sum3A_2160 [0] : vector<32x256xf32> to vector<256xf32>
    %broadcast_in_dim3A_2162 = vector.shape_cast %reduce_sum3A_2161 : vector<256xf32> to vector<1x256xf32>
    %swap3A_2163 = arith.constant 324 : index
    %swap3A_2164 = arith.constant 0 : index
    %swap3A_2165 = vector.load %arg20[%swap3A_2163, %swap3A_2164] : memref<384x256xf32, #tpu.memory_space<vmem>>, vector<1x256xf32>
    tpu.vector_store %arg20[%swap3A_2163, %swap3A_2164], %broadcast_in_dim3A_2162 {strides = array<i32>} : memref<384x256xf32, #tpu.memory_space<vmem>>, vector<1x256xf32>,
    %mul3A_2166 = arith.mulf %get3A_109, %get3A_88 : vector<32x256xf32>
    %reduce_sum3A_2167 = arith.constant dense<0.000000e+00> : vector<256xf32>
    %reduce_sum3A_2168 = vector.multi_reduction <add>, %mul3A_2166, %reduce_sum3A_2167 [0] : vector<32x256xf32> to vector<256xf32>
    %broadcast_in_dim3A_2169 = vector.shape_cast %reduce_sum3A_2168 : vector<256xf32> to vector<1x256xf32>
    %swap3A_2170 = arith.constant 325 : index
    %swap3A_2171 = arith.constant 0 : index
    %swap3A_2172 = vector.load %arg20[%swap3A_2170, %swap3A_2171] : memref<384x256xf32, #tpu.memory_space<vmem>>, vector<1x256xf32>
    tpu.vector_store %arg20[%swap3A_2170, %swap3A_2171], %broadcast_in_dim3A_2169 {strides = array<i32>} : memref<384x256xf32, #tpu.memory_space<vmem>>, vector<1x256xf32>,
    %mul3A_2173 = arith.mulf %get3A_109, %get3A_91 : vector<32x256xf32>
    %reduce_sum3A_2174 = arith.constant dense<0.000000e+00> : vector<256xf32>
    %reduce_sum3A_2175 = vector.multi_reduction <add>, %mul3A_2173, %reduce_sum3A_2174 [0] : vector<32x256xf32> to vector<256xf32>
    %broadcast_in_dim3A_2176 = vector.shape_cast %reduce_sum3A_2175 : vector<256xf32> to vector<1x256xf32>
    %swap3A_2177 = arith.constant 326 : index
    %swap3A_2178 = arith.constant 0 : index
    %swap3A_2179 = vector.load %arg20[%swap3A_2177, %swap3A_2178] : memref<384x256xf32, #tpu.memory_space<vmem>>, vector<1x256xf32>
    tpu.vector_store %arg20[%swap3A_2177, %swap3A_2178], %broadcast_in_dim3A_2176 {strides = array<i32>} : memref<384x256xf32, #tpu.memory_space<vmem>>, vector<1x256xf32>,
    %mul3A_2180 = arith.mulf %get3A_109, %get3A_94 : vector<32x256xf32>
    %reduce_sum3A_2181 = arith.constant dense<0.000000e+00> : vector<256xf32>
    %reduce_sum3A_2182 = vector.multi_reduction <add>, %mul3A_2180, %reduce_sum3A_2181 [0] : vector<32x256xf32> to vector<256xf32>
    %broadcast_in_dim3A_2183 = vector.shape_cast %reduce_sum3A_2182 : vector<256xf32> to vector<1x256xf32>
    %swap3A_2184 = arith.constant 327 : index
    %swap3A_2185 = arith.constant 0 : index
    %swap3A_2186 = vector.load %arg20[%swap3A_2184, %swap3A_2185] : memref<384x256xf32, #tpu.memory_space<vmem>>, vector<1x256xf32>
    tpu.vector_store %arg20[%swap3A_2184, %swap3A_2185], %broadcast_in_dim3A_2183 {strides = array<i32>} : memref<384x256xf32, #tpu.memory_space<vmem>>, vector<1x256xf32>,
    %mul3A_2187 = arith.mulf %get3A_109, %get3A_97 : vector<32x256xf32>
    %reduce_sum3A_2188 = arith.constant dense<0.000000e+00> : vector<256xf32>
    %reduce_sum3A_2189 = vector.multi_reduction <add>, %mul3A_2187, %reduce_sum3A_2188 [0] : vector<32x256xf32> to vector<256xf32>
    %broadcast_in_dim3A_2190 = vector.shape_cast %reduce_sum3A_2189 : vector<256xf32> to vector<1x256xf32>
    %swap3A_2191 = arith.constant 328 : index
    %swap3A_2192 = arith.constant 0 : index
    %swap3A_2193 = vector.load %arg20[%swap3A_2191, %swap3A_2192] : memref<384x256xf32, #tpu.memory_space<vmem>>, vector<1x256xf32>
    tpu.vector_store %arg20[%swap3A_2191, %swap3A_2192], %broadcast_in_dim3A_2190 {strides = array<i32>} : memref<384x256xf32, #tpu.memory_space<vmem>>, vector<1x256xf32>,
    %mul3A_2194 = arith.mulf %get3A_109, %get3A_100 : vector<32x256xf32>
    %reduce_sum3A_2195 = arith.constant dense<0.000000e+00> : vector<256xf32>
    %reduce_sum3A_2196 = vector.multi_reduction <add>, %mul3A_2194, %reduce_sum3A_2195 [0] : vector<32x256xf32> to vector<256xf32>
    %broadcast_in_dim3A_2197 = vector.shape_cast %reduce_sum3A_2196 : vector<256xf32> to vector<1x256xf32>
    %swap3A_2198 = arith.constant 329 : index
    %swap3A_2199 = arith.constant 0 : index
    %swap3A_2200 = vector.load %arg20[%swap3A_2198, %swap3A_2199] : memref<384x256xf32, #tpu.memory_space<vmem>>, vector<1x256xf32>
    tpu.vector_store %arg20[%swap3A_2198, %swap3A_2199], %broadcast_in_dim3A_2197 {strides = array<i32>} : memref<384x256xf32, #tpu.memory_space<vmem>>, vector<1x256xf32>,
    %mul3A_2201 = arith.mulf %get3A_109, %get3A_103 : vector<32x256xf32>
    %reduce_sum3A_2202 = arith.constant dense<0.000000e+00> : vector<256xf32>
    %reduce_sum3A_2203 = vector.multi_reduction <add>, %mul3A_2201, %reduce_sum3A_2202 [0] : vector<32x256xf32> to vector<256xf32>
    %broadcast_in_dim3A_2204 = vector.shape_cast %reduce_sum3A_2203 : vector<256xf32> to vector<1x256xf32>
    %swap3A_2205 = arith.constant 330 : index
    %swap3A_2206 = arith.constant 0 : index
    %swap3A_2207 = vector.load %arg20[%swap3A_2205, %swap3A_2206] : memref<384x256xf32, #tpu.memory_space<vmem>>, vector<1x256xf32>
    tpu.vector_store %arg20[%swap3A_2205, %swap3A_2206], %broadcast_in_dim3A_2204 {strides = array<i32>} : memref<384x256xf32, #tpu.memory_space<vmem>>, vector<1x256xf32>,
    %mul3A_2208 = arith.mulf %get3A_109, %get3A_106 : vector<32x256xf32>
    %reduce_sum3A_2209 = arith.constant dense<0.000000e+00> : vector<256xf32>
    %reduce_sum3A_2210 = vector.multi_reduction <add>, %mul3A_2208, %reduce_sum3A_2209 [0] : vector<32x256xf32> to vector<256xf32>
    %broadcast_in_dim3A_2211 = vector.shape_cast %reduce_sum3A_2210 : vector<256xf32> to vector<1x256xf32>
    %swap3A_2212 = arith.constant 331 : index
    %swap3A_2213 = arith.constant 0 : index
    %swap3A_2214 = vector.load %arg20[%swap3A_2212, %swap3A_2213] : memref<384x256xf32, #tpu.memory_space<vmem>>, vector<1x256xf32>
    tpu.vector_store %arg20[%swap3A_2212, %swap3A_2213], %broadcast_in_dim3A_2211 {strides = array<i32>} : memref<384x256xf32, #tpu.memory_space<vmem>>, vector<1x256xf32>,
    %mul3A_2215 = arith.mulf %get3A_112, %max3A_37 : vector<32x256xf32>
    %reduce_sum3A_2216 = arith.constant dense<0.000000e+00> : vector<256xf32>
    %reduce_sum3A_2217 = vector.multi_reduction <add>, %mul3A_2215, %reduce_sum3A_2216 [0] : vector<32x256xf32> to vector<256xf32>
    %broadcast_in_dim3A_2218 = vector.shape_cast %reduce_sum3A_2217 : vector<256xf32> to vector<1x256xf32>
    %swap3A_2219 = arith.constant 332 : index
    %swap3A_2220 = arith.constant 0 : index
    %swap3A_2221 = vector.load %arg20[%swap3A_2219, %swap3A_2220] : memref<384x256xf32, #tpu.memory_space<vmem>>, vector<1x256xf32>
    tpu.vector_store %arg20[%swap3A_2219, %swap3A_2220], %broadcast_in_dim3A_2218 {strides = array<i32>} : memref<384x256xf32, #tpu.memory_space<vmem>>, vector<1x256xf32>,
    %mul3A_2222 = arith.mulf %get3A_112, %get3A_40 : vector<32x256xf32>
    %reduce_sum3A_2223 = arith.constant dense<0.000000e+00> : vector<256xf32>
    %reduce_sum3A_2224 = vector.multi_reduction <add>, %mul3A_2222, %reduce_sum3A_2223 [0] : vector<32x256xf32> to vector<256xf32>
    %broadcast_in_dim3A_2225 = vector.shape_cast %reduce_sum3A_2224 : vector<256xf32> to vector<1x256xf32>
    %swap3A_2226 = arith.constant 333 : index
    %swap3A_2227 = arith.constant 0 : index
    %swap3A_2228 = vector.load %arg20[%swap3A_2226, %swap3A_2227] : memref<384x256xf32, #tpu.memory_space<vmem>>, vector<1x256xf32>
    tpu.vector_store %arg20[%swap3A_2226, %swap3A_2227], %broadcast_in_dim3A_2225 {strides = array<i32>} : memref<384x256xf32, #tpu.memory_space<vmem>>, vector<1x256xf32>,
    %mul3A_2229 = arith.mulf %get3A_112, %get3A_43 : vector<32x256xf32>
    %reduce_sum3A_2230 = arith.constant dense<0.000000e+00> : vector<256xf32>
    %reduce_sum3A_2231 = vector.multi_reduction <add>, %mul3A_2229, %reduce_sum3A_2230 [0] : vector<32x256xf32> to vector<256xf32>
    %broadcast_in_dim3A_2232 = vector.shape_cast %reduce_sum3A_2231 : vector<256xf32> to vector<1x256xf32>
    %swap3A_2233 = arith.constant 334 : index
    %swap3A_2234 = arith.constant 0 : index
    %swap3A_2235 = vector.load %arg20[%swap3A_2233, %swap3A_2234] : memref<384x256xf32, #tpu.memory_space<vmem>>, vector<1x256xf32>
    tpu.vector_store %arg20[%swap3A_2233, %swap3A_2234], %broadcast_in_dim3A_2232 {strides = array<i32>} : memref<384x256xf32, #tpu.memory_space<vmem>>, vector<1x256xf32>,
    %mul3A_2236 = arith.mulf %get3A_112, %get3A_46 : vector<32x256xf32>
    %reduce_sum3A_2237 = arith.constant dense<0.000000e+00> : vector<256xf32>
    %reduce_sum3A_2238 = vector.multi_reduction <add>, %mul3A_2236, %reduce_sum3A_2237 [0] : vector<32x256xf32> to vector<256xf32>
    %broadcast_in_dim3A_2239 = vector.shape_cast %reduce_sum3A_2238 : vector<256xf32> to vector<1x256xf32>
    %swap3A_2240 = arith.constant 335 : index
    %swap3A_2241 = arith.constant 0 : index
    %swap3A_2242 = vector.load %arg20[%swap3A_2240, %swap3A_2241] : memref<384x256xf32, #tpu.memory_space<vmem>>, vector<1x256xf32>
    tpu.vector_store %arg20[%swap3A_2240, %swap3A_2241], %broadcast_in_dim3A_2239 {strides = array<i32>} : memref<384x256xf32, #tpu.memory_space<vmem>>, vector<1x256xf32>,
    %mul3A_2243 = arith.mulf %get3A_112, %get3A_49 : vector<32x256xf32>
    %reduce_sum3A_2244 = arith.constant dense<0.000000e+00> : vector<256xf32>
    %reduce_sum3A_2245 = vector.multi_reduction <add>, %mul3A_2243, %reduce_sum3A_2244 [0] : vector<32x256xf32> to vector<256xf32>
    %broadcast_in_dim3A_2246 = vector.shape_cast %reduce_sum3A_2245 : vector<256xf32> to vector<1x256xf32>
    %swap3A_2247 = arith.constant 336 : index
    %swap3A_2248 = arith.constant 0 : index
    %swap3A_2249 = vector.load %arg20[%swap3A_2247, %swap3A_2248] : memref<384x256xf32, #tpu.memory_space<vmem>>, vector<1x256xf32>
    tpu.vector_store %arg20[%swap3A_2247, %swap3A_2248], %broadcast_in_dim3A_2246 {strides = array<i32>} : memref<384x256xf32, #tpu.memory_space<vmem>>, vector<1x256xf32>,
    %mul3A_2250 = arith.mulf %get3A_112, %get3A_52 : vector<32x256xf32>
    %reduce_sum3A_2251 = arith.constant dense<0.000000e+00> : vector<256xf32>
    %reduce_sum3A_2252 = vector.multi_reduction <add>, %mul3A_2250, %reduce_sum3A_2251 [0] : vector<32x256xf32> to vector<256xf32>
    %broadcast_in_dim3A_2253 = vector.shape_cast %reduce_sum3A_2252 : vector<256xf32> to vector<1x256xf32>
    %swap3A_2254 = arith.constant 337 : index
    %swap3A_2255 = arith.constant 0 : index
    %swap3A_2256 = vector.load %arg20[%swap3A_2254, %swap3A_2255] : memref<384x256xf32, #tpu.memory_space<vmem>>, vector<1x256xf32>
    tpu.vector_store %arg20[%swap3A_2254, %swap3A_2255], %broadcast_in_dim3A_2253 {strides = array<i32>} : memref<384x256xf32, #tpu.memory_space<vmem>>, vector<1x256xf32>,
    %mul3A_2257 = arith.mulf %get3A_112, %get3A_55 : vector<32x256xf32>
    %reduce_sum3A_2258 = arith.constant dense<0.000000e+00> : vector<256xf32>
    %reduce_sum3A_2259 = vector.multi_reduction <add>, %mul3A_2257, %reduce_sum3A_2258 [0] : vector<32x256xf32> to vector<256xf32>
    %broadcast_in_dim3A_2260 = vector.shape_cast %reduce_sum3A_2259 : vector<256xf32> to vector<1x256xf32>
    %swap3A_2261 = arith.constant 338 : index
    %swap3A_2262 = arith.constant 0 : index
    %swap3A_2263 = vector.load %arg20[%swap3A_2261, %swap3A_2262] : memref<384x256xf32, #tpu.memory_space<vmem>>, vector<1x256xf32>
    tpu.vector_store %arg20[%swap3A_2261, %swap3A_2262], %broadcast_in_dim3A_2260 {strides = array<i32>} : memref<384x256xf32, #tpu.memory_space<vmem>>, vector<1x256xf32>,
    %mul3A_2264 = arith.mulf %get3A_112, %get3A_58 : vector<32x256xf32>
    %reduce_sum3A_2265 = arith.constant dense<0.000000e+00> : vector<256xf32>
    %reduce_sum3A_2266 = vector.multi_reduction <add>, %mul3A_2264, %reduce_sum3A_2265 [0] : vector<32x256xf32> to vector<256xf32>
    %broadcast_in_dim3A_2267 = vector.shape_cast %reduce_sum3A_2266 : vector<256xf32> to vector<1x256xf32>
    %swap3A_2268 = arith.constant 339 : index
    %swap3A_2269 = arith.constant 0 : index
    %swap3A_2270 = vector.load %arg20[%swap3A_2268, %swap3A_2269] : memref<384x256xf32, #tpu.memory_space<vmem>>, vector<1x256xf32>
    tpu.vector_store %arg20[%swap3A_2268, %swap3A_2269], %broadcast_in_dim3A_2267 {strides = array<i32>} : memref<384x256xf32, #tpu.memory_space<vmem>>, vector<1x256xf32>,
    %mul3A_2271 = arith.mulf %get3A_112, %get3A_61 : vector<32x256xf32>
    %reduce_sum3A_2272 = arith.constant dense<0.000000e+00> : vector<256xf32>
    %reduce_sum3A_2273 = vector.multi_reduction <add>, %mul3A_2271, %reduce_sum3A_2272 [0] : vector<32x256xf32> to vector<256xf32>
    %broadcast_in_dim3A_2274 = vector.shape_cast %reduce_sum3A_2273 : vector<256xf32> to vector<1x256xf32>
    %swap3A_2275 = arith.constant 340 : index
    %swap3A_2276 = arith.constant 0 : index
    %swap3A_2277 = vector.load %arg20[%swap3A_2275, %swap3A_2276] : memref<384x256xf32, #tpu.memory_space<vmem>>, vector<1x256xf32>
    tpu.vector_store %arg20[%swap3A_2275, %swap3A_2276], %broadcast_in_dim3A_2274 {strides = array<i32>} : memref<384x256xf32, #tpu.memory_space<vmem>>, vector<1x256xf32>,
    %mul3A_2278 = arith.mulf %get3A_112, %get3A_64 : vector<32x256xf32>
    %reduce_sum3A_2279 = arith.constant dense<0.000000e+00> : vector<256xf32>
    %reduce_sum3A_2280 = vector.multi_reduction <add>, %mul3A_2278, %reduce_sum3A_2279 [0] : vector<32x256xf32> to vector<256xf32>
    %broadcast_in_dim3A_2281 = vector.shape_cast %reduce_sum3A_2280 : vector<256xf32> to vector<1x256xf32>
    %swap3A_2282 = arith.constant 341 : index
    %swap3A_2283 = arith.constant 0 : index
    %swap3A_2284 = vector.load %arg20[%swap3A_2282, %swap3A_2283] : memref<384x256xf32, #tpu.memory_space<vmem>>, vector<1x256xf32>
    tpu.vector_store %arg20[%swap3A_2282, %swap3A_2283], %broadcast_in_dim3A_2281 {strides = array<i32>} : memref<384x256xf32, #tpu.memory_space<vmem>>, vector<1x256xf32>,
    %mul3A_2285 = arith.mulf %get3A_112, %get3A_67 : vector<32x256xf32>
    %reduce_sum3A_2286 = arith.constant dense<0.000000e+00> : vector<256xf32>
    %reduce_sum3A_2287 = vector.multi_reduction <add>, %mul3A_2285, %reduce_sum3A_2286 [0] : vector<32x256xf32> to vector<256xf32>
    %broadcast_in_dim3A_2288 = vector.shape_cast %reduce_sum3A_2287 : vector<256xf32> to vector<1x256xf32>
    %swap3A_2289 = arith.constant 342 : index
    %swap3A_2290 = arith.constant 0 : index
    %swap3A_2291 = vector.load %arg20[%swap3A_2289, %swap3A_2290] : memref<384x256xf32, #tpu.memory_space<vmem>>, vector<1x256xf32>
    tpu.vector_store %arg20[%swap3A_2289, %swap3A_2290], %broadcast_in_dim3A_2288 {strides = array<i32>} : memref<384x256xf32, #tpu.memory_space<vmem>>, vector<1x256xf32>,
    %mul3A_2292 = arith.mulf %get3A_112, %get3A_70 : vector<32x256xf32>
    %reduce_sum3A_2293 = arith.constant dense<0.000000e+00> : vector<256xf32>
    %reduce_sum3A_2294 = vector.multi_reduction <add>, %mul3A_2292, %reduce_sum3A_2293 [0] : vector<32x256xf32> to vector<256xf32>
    %broadcast_in_dim3A_2295 = vector.shape_cast %reduce_sum3A_2294 : vector<256xf32> to vector<1x256xf32>
    %swap3A_2296 = arith.constant 343 : index
    %swap3A_2297 = arith.constant 0 : index
    %swap3A_2298 = vector.load %arg20[%swap3A_2296, %swap3A_2297] : memref<384x256xf32, #tpu.memory_space<vmem>>, vector<1x256xf32>
    tpu.vector_store %arg20[%swap3A_2296, %swap3A_2297], %broadcast_in_dim3A_2295 {strides = array<i32>} : memref<384x256xf32, #tpu.memory_space<vmem>>, vector<1x256xf32>,
    %mul3A_2299 = arith.mulf %get3A_112, %get3A_73 : vector<32x256xf32>
    %reduce_sum3A_2300 = arith.constant dense<0.000000e+00> : vector<256xf32>
    %reduce_sum3A_2301 = vector.multi_reduction <add>, %mul3A_2299, %reduce_sum3A_2300 [0] : vector<32x256xf32> to vector<256xf32>
    %broadcast_in_dim3A_2302 = vector.shape_cast %reduce_sum3A_2301 : vector<256xf32> to vector<1x256xf32>
    %swap3A_2303 = arith.constant 344 : index
    %swap3A_2304 = arith.constant 0 : index
    %swap3A_2305 = vector.load %arg20[%swap3A_2303, %swap3A_2304] : memref<384x256xf32, #tpu.memory_space<vmem>>, vector<1x256xf32>
    tpu.vector_store %arg20[%swap3A_2303, %swap3A_2304], %broadcast_in_dim3A_2302 {strides = array<i32>} : memref<384x256xf32, #tpu.memory_space<vmem>>, vector<1x256xf32>,
    %mul3A_2306 = arith.mulf %get3A_112, %get3A_76 : vector<32x256xf32>
    %reduce_sum3A_2307 = arith.constant dense<0.000000e+00> : vector<256xf32>
    %reduce_sum3A_2308 = vector.multi_reduction <add>, %mul3A_2306, %reduce_sum3A_2307 [0] : vector<32x256xf32> to vector<256xf32>
    %broadcast_in_dim3A_2309 = vector.shape_cast %reduce_sum3A_2308 : vector<256xf32> to vector<1x256xf32>
    %swap3A_2310 = arith.constant 345 : index
    %swap3A_2311 = arith.constant 0 : index
    %swap3A_2312 = vector.load %arg20[%swap3A_2310, %swap3A_2311] : memref<384x256xf32, #tpu.memory_space<vmem>>, vector<1x256xf32>
    tpu.vector_store %arg20[%swap3A_2310, %swap3A_2311], %broadcast_in_dim3A_2309 {strides = array<i32>} : memref<384x256xf32, #tpu.memory_space<vmem>>, vector<1x256xf32>,
    %mul3A_2313 = arith.mulf %get3A_112, %get3A_79 : vector<32x256xf32>
    %reduce_sum3A_2314 = arith.constant dense<0.000000e+00> : vector<256xf32>
    %reduce_sum3A_2315 = vector.multi_reduction <add>, %mul3A_2313, %reduce_sum3A_2314 [0] : vector<32x256xf32> to vector<256xf32>
    %broadcast_in_dim3A_2316 = vector.shape_cast %reduce_sum3A_2315 : vector<256xf32> to vector<1x256xf32>
    %swap3A_2317 = arith.constant 346 : index
    %swap3A_2318 = arith.constant 0 : index
    %swap3A_2319 = vector.load %arg20[%swap3A_2317, %swap3A_2318] : memref<384x256xf32, #tpu.memory_space<vmem>>, vector<1x256xf32>
    tpu.vector_store %arg20[%swap3A_2317, %swap3A_2318], %broadcast_in_dim3A_2316 {strides = array<i32>} : memref<384x256xf32, #tpu.memory_space<vmem>>, vector<1x256xf32>,
    %mul3A_2320 = arith.mulf %get3A_112, %get3A_82 : vector<32x256xf32>
    %reduce_sum3A_2321 = arith.constant dense<0.000000e+00> : vector<256xf32>
    %reduce_sum3A_2322 = vector.multi_reduction <add>, %mul3A_2320, %reduce_sum3A_2321 [0] : vector<32x256xf32> to vector<256xf32>
    %broadcast_in_dim3A_2323 = vector.shape_cast %reduce_sum3A_2322 : vector<256xf32> to vector<1x256xf32>
    %swap3A_2324 = arith.constant 347 : index
    %swap3A_2325 = arith.constant 0 : index
    %swap3A_2326 = vector.load %arg20[%swap3A_2324, %swap3A_2325] : memref<384x256xf32, #tpu.memory_space<vmem>>, vector<1x256xf32>
    tpu.vector_store %arg20[%swap3A_2324, %swap3A_2325], %broadcast_in_dim3A_2323 {strides = array<i32>} : memref<384x256xf32, #tpu.memory_space<vmem>>, vector<1x256xf32>,
    %mul3A_2327 = arith.mulf %get3A_112, %get3A_85 : vector<32x256xf32>
    %reduce_sum3A_2328 = arith.constant dense<0.000000e+00> : vector<256xf32>
    %reduce_sum3A_2329 = vector.multi_reduction <add>, %mul3A_2327, %reduce_sum3A_2328 [0] : vector<32x256xf32> to vector<256xf32>
    %broadcast_in_dim3A_2330 = vector.shape_cast %reduce_sum3A_2329 : vector<256xf32> to vector<1x256xf32>
    %swap3A_2331 = arith.constant 348 : index
    %swap3A_2332 = arith.constant 0 : index
    %swap3A_2333 = vector.load %arg20[%swap3A_2331, %swap3A_2332] : memref<384x256xf32, #tpu.memory_space<vmem>>, vector<1x256xf32>
    tpu.vector_store %arg20[%swap3A_2331, %swap3A_2332], %broadcast_in_dim3A_2330 {strides = array<i32>} : memref<384x256xf32, #tpu.memory_space<vmem>>, vector<1x256xf32>,
    %mul3A_2334 = arith.mulf %get3A_112, %get3A_88 : vector<32x256xf32>
    %reduce_sum3A_2335 = arith.constant dense<0.000000e+00> : vector<256xf32>
    %reduce_sum3A_2336 = vector.multi_reduction <add>, %mul3A_2334, %reduce_sum3A_2335 [0] : vector<32x256xf32> to vector<256xf32>
    %broadcast_in_dim3A_2337 = vector.shape_cast %reduce_sum3A_2336 : vector<256xf32> to vector<1x256xf32>
    %swap3A_2338 = arith.constant 349 : index
    %swap3A_2339 = arith.constant 0 : index
    %swap3A_2340 = vector.load %arg20[%swap3A_2338, %swap3A_2339] : memref<384x256xf32, #tpu.memory_space<vmem>>, vector<1x256xf32>
    tpu.vector_store %arg20[%swap3A_2338, %swap3A_2339], %broadcast_in_dim3A_2337 {strides = array<i32>} : memref<384x256xf32, #tpu.memory_space<vmem>>, vector<1x256xf32>,
    %mul3A_2341 = arith.mulf %get3A_112, %get3A_91 : vector<32x256xf32>
    %reduce_sum3A_2342 = arith.constant dense<0.000000e+00> : vector<256xf32>
    %reduce_sum3A_2343 = vector.multi_reduction <add>, %mul3A_2341, %reduce_sum3A_2342 [0] : vector<32x256xf32> to vector<256xf32>
    %broadcast_in_dim3A_2344 = vector.shape_cast %reduce_sum3A_2343 : vector<256xf32> to vector<1x256xf32>
    %swap3A_2345 = arith.constant 350 : index
    %swap3A_2346 = arith.constant 0 : index
    %swap3A_2347 = vector.load %arg20[%swap3A_2345, %swap3A_2346] : memref<384x256xf32, #tpu.memory_space<vmem>>, vector<1x256xf32>
    tpu.vector_store %arg20[%swap3A_2345, %swap3A_2346], %broadcast_in_dim3A_2344 {strides = array<i32>} : memref<384x256xf32, #tpu.memory_space<vmem>>, vector<1x256xf32>,
    %mul3A_2348 = arith.mulf %get3A_112, %get3A_94 : vector<32x256xf32>
    %reduce_sum3A_2349 = arith.constant dense<0.000000e+00> : vector<256xf32>
    %reduce_sum3A_2350 = vector.multi_reduction <add>, %mul3A_2348, %reduce_sum3A_2349 [0] : vector<32x256xf32> to vector<256xf32>
    %broadcast_in_dim3A_2351 = vector.shape_cast %reduce_sum3A_2350 : vector<256xf32> to vector<1x256xf32>
    %swap3A_2352 = arith.constant 351 : index
    %swap3A_2353 = arith.constant 0 : index
    %swap3A_2354 = vector.load %arg20[%swap3A_2352, %swap3A_2353] : memref<384x256xf32, #tpu.memory_space<vmem>>, vector<1x256xf32>
    tpu.vector_store %arg20[%swap3A_2352, %swap3A_2353], %broadcast_in_dim3A_2351 {strides = array<i32>} : memref<384x256xf32, #tpu.memory_space<vmem>>, vector<1x256xf32>,
    %mul3A_2355 = arith.mulf %get3A_112, %get3A_97 : vector<32x256xf32>
    %reduce_sum3A_2356 = arith.constant dense<0.000000e+00> : vector<256xf32>
    %reduce_sum3A_2357 = vector.multi_reduction <add>, %mul3A_2355, %reduce_sum3A_2356 [0] : vector<32x256xf32> to vector<256xf32>
    %broadcast_in_dim3A_2358 = vector.shape_cast %reduce_sum3A_2357 : vector<256xf32> to vector<1x256xf32>
    %swap3A_2359 = arith.constant 352 : index
    %swap3A_2360 = arith.constant 0 : index
    %swap3A_2361 = vector.load %arg20[%swap3A_2359, %swap3A_2360] : memref<384x256xf32, #tpu.memory_space<vmem>>, vector<1x256xf32>
    tpu.vector_store %arg20[%swap3A_2359, %swap3A_2360], %broadcast_in_dim3A_2358 {strides = array<i32>} : memref<384x256xf32, #tpu.memory_space<vmem>>, vector<1x256xf32>,
    %mul3A_2362 = arith.mulf %get3A_112, %get3A_100 : vector<32x256xf32>
    %reduce_sum3A_2363 = arith.constant dense<0.000000e+00> : vector<256xf32>
    %reduce_sum3A_2364 = vector.multi_reduction <add>, %mul3A_2362, %reduce_sum3A_2363 [0] : vector<32x256xf32> to vector<256xf32>
    %broadcast_in_dim3A_2365 = vector.shape_cast %reduce_sum3A_2364 : vector<256xf32> to vector<1x256xf32>
    %swap3A_2366 = arith.constant 353 : index
    %swap3A_2367 = arith.constant 0 : index
    %swap3A_2368 = vector.load %arg20[%swap3A_2366, %swap3A_2367] : memref<384x256xf32, #tpu.memory_space<vmem>>, vector<1x256xf32>
    tpu.vector_store %arg20[%swap3A_2366, %swap3A_2367], %broadcast_in_dim3A_2365 {strides = array<i32>} : memref<384x256xf32, #tpu.memory_space<vmem>>, vector<1x256xf32>,
    %mul3A_2369 = arith.mulf %get3A_112, %get3A_103 : vector<32x256xf32>
    %reduce_sum3A_2370 = arith.constant dense<0.000000e+00> : vector<256xf32>
    %reduce_sum3A_2371 = vector.multi_reduction <add>, %mul3A_2369, %reduce_sum3A_2370 [0] : vector<32x256xf32> to vector<256xf32>
    %broadcast_in_dim3A_2372 = vector.shape_cast %reduce_sum3A_2371 : vector<256xf32> to vector<1x256xf32>
    %swap3A_2373 = arith.constant 354 : index
    %swap3A_2374 = arith.constant 0 : index
    %swap3A_2375 = vector.load %arg20[%swap3A_2373, %swap3A_2374] : memref<384x256xf32, #tpu.memory_space<vmem>>, vector<1x256xf32>
    tpu.vector_store %arg20[%swap3A_2373, %swap3A_2374], %broadcast_in_dim3A_2372 {strides = array<i32>} : memref<384x256xf32, #tpu.memory_space<vmem>>, vector<1x256xf32>,
    %mul3A_2376 = arith.mulf %get3A_112, %get3A_106 : vector<32x256xf32>
    %reduce_sum3A_2377 = arith.constant dense<0.000000e+00> : vector<256xf32>
    %reduce_sum3A_2378 = vector.multi_reduction <add>, %mul3A_2376, %reduce_sum3A_2377 [0] : vector<32x256xf32> to vector<256xf32>
    %broadcast_in_dim3A_2379 = vector.shape_cast %reduce_sum3A_2378 : vector<256xf32> to vector<1x256xf32>
    %swap3A_2380 = arith.constant 355 : index
    %swap3A_2381 = arith.constant 0 : index
    %swap3A_2382 = vector.load %arg20[%swap3A_2380, %swap3A_2381] : memref<384x256xf32, #tpu.memory_space<vmem>>, vector<1x256xf32>
    tpu.vector_store %arg20[%swap3A_2380, %swap3A_2381], %broadcast_in_dim3A_2379 {strides = array<i32>} : memref<384x256xf32, #tpu.memory_space<vmem>>, vector<1x256xf32>,
    %mul3A_2383 = arith.mulf %get3A_112, %get3A_109 : vector<32x256xf32>
    %reduce_sum3A_2384 = arith.constant dense<0.000000e+00> : vector<256xf32>
    %reduce_sum3A_2385 = vector.multi_reduction <add>, %mul3A_2383, %reduce_sum3A_2384 [0] : vector<32x256xf32> to vector<256xf32>
    %broadcast_in_dim3A_2386 = vector.shape_cast %reduce_sum3A_2385 : vector<256xf32> to vector<1x256xf32>
    %swap3A_2387 = arith.constant 356 : index
    %swap3A_2388 = arith.constant 0 : index
    %swap3A_2389 = vector.load %arg20[%swap3A_2387, %swap3A_2388] : memref<384x256xf32, #tpu.memory_space<vmem>>, vector<1x256xf32>
    tpu.vector_store %arg20[%swap3A_2387, %swap3A_2388], %broadcast_in_dim3A_2386 {strides = array<i32>} : memref<384x256xf32, #tpu.memory_space<vmem>>, vector<1x256xf32>,
    %mul3A_2390 = arith.mulf %get3A_115, %max3A_37 : vector<32x256xf32>
    %reduce_sum3A_2391 = arith.constant dense<0.000000e+00> : vector<256xf32>
    %reduce_sum3A_2392 = vector.multi_reduction <add>, %mul3A_2390, %reduce_sum3A_2391 [0] : vector<32x256xf32> to vector<256xf32>
    %broadcast_in_dim3A_2393 = vector.shape_cast %reduce_sum3A_2392 : vector<256xf32> to vector<1x256xf32>
    %swap3A_2394 = arith.constant 357 : index
    %swap3A_2395 = arith.constant 0 : index
    %swap3A_2396 = vector.load %arg20[%swap3A_2394, %swap3A_2395] : memref<384x256xf32, #tpu.memory_space<vmem>>, vector<1x256xf32>
    tpu.vector_store %arg20[%swap3A_2394, %swap3A_2395], %broadcast_in_dim3A_2393 {strides = array<i32>} : memref<384x256xf32, #tpu.memory_space<vmem>>, vector<1x256xf32>,
    %mul3A_2397 = arith.mulf %get3A_115, %get3A_40 : vector<32x256xf32>
    %reduce_sum3A_2398 = arith.constant dense<0.000000e+00> : vector<256xf32>
    %reduce_sum3A_2399 = vector.multi_reduction <add>, %mul3A_2397, %reduce_sum3A_2398 [0] : vector<32x256xf32> to vector<256xf32>
    %broadcast_in_dim3A_2400 = vector.shape_cast %reduce_sum3A_2399 : vector<256xf32> to vector<1x256xf32>
    %swap3A_2401 = arith.constant 358 : index
    %swap3A_2402 = arith.constant 0 : index
    %swap3A_2403 = vector.load %arg20[%swap3A_2401, %swap3A_2402] : memref<384x256xf32, #tpu.memory_space<vmem>>, vector<1x256xf32>
    tpu.vector_store %arg20[%swap3A_2401, %swap3A_2402], %broadcast_in_dim3A_2400 {strides = array<i32>} : memref<384x256xf32, #tpu.memory_space<vmem>>, vector<1x256xf32>,
    %mul3A_2404 = arith.mulf %get3A_115, %get3A_43 : vector<32x256xf32>
    %reduce_sum3A_2405 = arith.constant dense<0.000000e+00> : vector<256xf32>
    %reduce_sum3A_2406 = vector.multi_reduction <add>, %mul3A_2404, %reduce_sum3A_2405 [0] : vector<32x256xf32> to vector<256xf32>
    %broadcast_in_dim3A_2407 = vector.shape_cast %reduce_sum3A_2406 : vector<256xf32> to vector<1x256xf32>
    %swap3A_2408 = arith.constant 359 : index
    %swap3A_2409 = arith.constant 0 : index
    %swap3A_2410 = vector.load %arg20[%swap3A_2408, %swap3A_2409] : memref<384x256xf32, #tpu.memory_space<vmem>>, vector<1x256xf32>
    tpu.vector_store %arg20[%swap3A_2408, %swap3A_2409], %broadcast_in_dim3A_2407 {strides = array<i32>} : memref<384x256xf32, #tpu.memory_space<vmem>>, vector<1x256xf32>,
    %mul3A_2411 = arith.mulf %get3A_115, %get3A_46 : vector<32x256xf32>
    %reduce_sum3A_2412 = arith.constant dense<0.000000e+00> : vector<256xf32>
    %reduce_sum3A_2413 = vector.multi_reduction <add>, %mul3A_2411, %reduce_sum3A_2412 [0] : vector<32x256xf32> to vector<256xf32>
    %broadcast_in_dim3A_2414 = vector.shape_cast %reduce_sum3A_2413 : vector<256xf32> to vector<1x256xf32>
    %swap3A_2415 = arith.constant 360 : index
    %swap3A_2416 = arith.constant 0 : index
    %swap3A_2417 = vector.load %arg20[%swap3A_2415, %swap3A_2416] : memref<384x256xf32, #tpu.memory_space<vmem>>, vector<1x256xf32>
    tpu.vector_store %arg20[%swap3A_2415, %swap3A_2416], %broadcast_in_dim3A_2414 {strides = array<i32>} : memref<384x256xf32, #tpu.memory_space<vmem>>, vector<1x256xf32>,
    %mul3A_2418 = arith.mulf %get3A_115, %get3A_49 : vector<32x256xf32>
    %reduce_sum3A_2419 = arith.constant dense<0.000000e+00> : vector<256xf32>
    %reduce_sum3A_2420 = vector.multi_reduction <add>, %mul3A_2418, %reduce_sum3A_2419 [0] : vector<32x256xf32> to vector<256xf32>
    %broadcast_in_dim3A_2421 = vector.shape_cast %reduce_sum3A_2420 : vector<256xf32> to vector<1x256xf32>
    %swap3A_2422 = arith.constant 361 : index
    %swap3A_2423 = arith.constant 0 : index
    %swap3A_2424 = vector.load %arg20[%swap3A_2422, %swap3A_2423] : memref<384x256xf32, #tpu.memory_space<vmem>>, vector<1x256xf32>
    tpu.vector_store %arg20[%swap3A_2422, %swap3A_2423], %broadcast_in_dim3A_2421 {strides = array<i32>} : memref<384x256xf32, #tpu.memory_space<vmem>>, vector<1x256xf32>,
    %mul3A_2425 = arith.mulf %get3A_115, %get3A_52 : vector<32x256xf32>
    %reduce_sum3A_2426 = arith.constant dense<0.000000e+00> : vector<256xf32>
    %reduce_sum3A_2427 = vector.multi_reduction <add>, %mul3A_2425, %reduce_sum3A_2426 [0] : vector<32x256xf32> to vector<256xf32>
    %broadcast_in_dim3A_2428 = vector.shape_cast %reduce_sum3A_2427 : vector<256xf32> to vector<1x256xf32>
    %swap3A_2429 = arith.constant 362 : index
    %swap3A_2430 = arith.constant 0 : index
    %swap3A_2431 = vector.load %arg20[%swap3A_2429, %swap3A_2430] : memref<384x256xf32, #tpu.memory_space<vmem>>, vector<1x256xf32>
    tpu.vector_store %arg20[%swap3A_2429, %swap3A_2430], %broadcast_in_dim3A_2428 {strides = array<i32>} : memref<384x256xf32, #tpu.memory_space<vmem>>, vector<1x256xf32>,
    %mul3A_2432 = arith.mulf %get3A_115, %get3A_55 : vector<32x256xf32>
    %reduce_sum3A_2433 = arith.constant dense<0.000000e+00> : vector<256xf32>
    %reduce_sum3A_2434 = vector.multi_reduction <add>, %mul3A_2432, %reduce_sum3A_2433 [0] : vector<32x256xf32> to vector<256xf32>
    %broadcast_in_dim3A_2435 = vector.shape_cast %reduce_sum3A_2434 : vector<256xf32> to vector<1x256xf32>
    %swap3A_2436 = arith.constant 363 : index
    %swap3A_2437 = arith.constant 0 : index
    %swap3A_2438 = vector.load %arg20[%swap3A_2436, %swap3A_2437] : memref<384x256xf32, #tpu.memory_space<vmem>>, vector<1x256xf32>
    tpu.vector_store %arg20[%swap3A_2436, %swap3A_2437], %broadcast_in_dim3A_2435 {strides = array<i32>} : memref<384x256xf32, #tpu.memory_space<vmem>>, vector<1x256xf32>,
    %mul3A_2439 = arith.mulf %get3A_115, %get3A_58 : vector<32x256xf32>
    %reduce_sum3A_2440 = arith.constant dense<0.000000e+00> : vector<256xf32>
    %reduce_sum3A_2441 = vector.multi_reduction <add>, %mul3A_2439, %reduce_sum3A_2440 [0] : vector<32x256xf32> to vector<256xf32>
    %broadcast_in_dim3A_2442 = vector.shape_cast %reduce_sum3A_2441 : vector<256xf32> to vector<1x256xf32>
    %swap3A_2443 = arith.constant 364 : index
    %swap3A_2444 = arith.constant 0 : index
    %swap3A_2445 = vector.load %arg20[%swap3A_2443, %swap3A_2444] : memref<384x256xf32, #tpu.memory_space<vmem>>, vector<1x256xf32>
    tpu.vector_store %arg20[%swap3A_2443, %swap3A_2444], %broadcast_in_dim3A_2442 {strides = array<i32>} : memref<384x256xf32, #tpu.memory_space<vmem>>, vector<1x256xf32>,
    %mul3A_2446 = arith.mulf %get3A_115, %get3A_61 : vector<32x256xf32>
    %reduce_sum3A_2447 = arith.constant dense<0.000000e+00> : vector<256xf32>
    %reduce_sum3A_2448 = vector.multi_reduction <add>, %mul3A_2446, %reduce_sum3A_2447 [0] : vector<32x256xf32> to vector<256xf32>
    %broadcast_in_dim3A_2449 = vector.shape_cast %reduce_sum3A_2448 : vector<256xf32> to vector<1x256xf32>
    %swap3A_2450 = arith.constant 365 : index
    %swap3A_2451 = arith.constant 0 : index
    %swap3A_2452 = vector.load %arg20[%swap3A_2450, %swap3A_2451] : memref<384x256xf32, #tpu.memory_space<vmem>>, vector<1x256xf32>
    tpu.vector_store %arg20[%swap3A_2450, %swap3A_2451], %broadcast_in_dim3A_2449 {strides = array<i32>} : memref<384x256xf32, #tpu.memory_space<vmem>>, vector<1x256xf32>,
    %mul3A_2453 = arith.mulf %get3A_115, %get3A_64 : vector<32x256xf32>
    %reduce_sum3A_2454 = arith.constant dense<0.000000e+00> : vector<256xf32>
    %reduce_sum3A_2455 = vector.multi_reduction <add>, %mul3A_2453, %reduce_sum3A_2454 [0] : vector<32x256xf32> to vector<256xf32>
    %broadcast_in_dim3A_2456 = vector.shape_cast %reduce_sum3A_2455 : vector<256xf32> to vector<1x256xf32>
    %swap3A_2457 = arith.constant 366 : index
    %swap3A_2458 = arith.constant 0 : index
    %swap3A_2459 = vector.load %arg20[%swap3A_2457, %swap3A_2458] : memref<384x256xf32, #tpu.memory_space<vmem>>, vector<1x256xf32>
    tpu.vector_store %arg20[%swap3A_2457, %swap3A_2458], %broadcast_in_dim3A_2456 {strides = array<i32>} : memref<384x256xf32, #tpu.memory_space<vmem>>, vector<1x256xf32>,
    %mul3A_2460 = arith.mulf %get3A_115, %get3A_67 : vector<32x256xf32>
    %reduce_sum3A_2461 = arith.constant dense<0.000000e+00> : vector<256xf32>
    %reduce_sum3A_2462 = vector.multi_reduction <add>, %mul3A_2460, %reduce_sum3A_2461 [0] : vector<32x256xf32> to vector<256xf32>
    %broadcast_in_dim3A_2463 = vector.shape_cast %reduce_sum3A_2462 : vector<256xf32> to vector<1x256xf32>
    %swap3A_2464 = arith.constant 367 : index
    %swap3A_2465 = arith.constant 0 : index
    %swap3A_2466 = vector.load %arg20[%swap3A_2464, %swap3A_2465] : memref<384x256xf32, #tpu.memory_space<vmem>>, vector<1x256xf32>
    tpu.vector_store %arg20[%swap3A_2464, %swap3A_2465], %broadcast_in_dim3A_2463 {strides = array<i32>} : memref<384x256xf32, #tpu.memory_space<vmem>>, vector<1x256xf32>,
    %mul3A_2467 = arith.mulf %get3A_115, %get3A_70 : vector<32x256xf32>
    %reduce_sum3A_2468 = arith.constant dense<0.000000e+00> : vector<256xf32>
    %reduce_sum3A_2469 = vector.multi_reduction <add>, %mul3A_2467, %reduce_sum3A_2468 [0] : vector<32x256xf32> to vector<256xf32>
    %broadcast_in_dim3A_2470 = vector.shape_cast %reduce_sum3A_2469 : vector<256xf32> to vector<1x256xf32>
    %swap3A_2471 = arith.constant 368 : index
    %swap3A_2472 = arith.constant 0 : index
    %swap3A_2473 = vector.load %arg20[%swap3A_2471, %swap3A_2472] : memref<384x256xf32, #tpu.memory_space<vmem>>, vector<1x256xf32>
    tpu.vector_store %arg20[%swap3A_2471, %swap3A_2472], %broadcast_in_dim3A_2470 {strides = array<i32>} : memref<384x256xf32, #tpu.memory_space<vmem>>, vector<1x256xf32>,
    %mul3A_2474 = arith.mulf %get3A_115, %get3A_73 : vector<32x256xf32>
    %reduce_sum3A_2475 = arith.constant dense<0.000000e+00> : vector<256xf32>
    %reduce_sum3A_2476 = vector.multi_reduction <add>, %mul3A_2474, %reduce_sum3A_2475 [0] : vector<32x256xf32> to vector<256xf32>
    %broadcast_in_dim3A_2477 = vector.shape_cast %reduce_sum3A_2476 : vector<256xf32> to vector<1x256xf32>
    %swap3A_2478 = arith.constant 369 : index
    %swap3A_2479 = arith.constant 0 : index
    %swap3A_2480 = vector.load %arg20[%swap3A_2478, %swap3A_2479] : memref<384x256xf32, #tpu.memory_space<vmem>>, vector<1x256xf32>
    tpu.vector_store %arg20[%swap3A_2478, %swap3A_2479], %broadcast_in_dim3A_2477 {strides = array<i32>} : memref<384x256xf32, #tpu.memory_space<vmem>>, vector<1x256xf32>,
    %mul3A_2481 = arith.mulf %get3A_115, %get3A_76 : vector<32x256xf32>
    %reduce_sum3A_2482 = arith.constant dense<0.000000e+00> : vector<256xf32>
    %reduce_sum3A_2483 = vector.multi_reduction <add>, %mul3A_2481, %reduce_sum3A_2482 [0] : vector<32x256xf32> to vector<256xf32>
    %broadcast_in_dim3A_2484 = vector.shape_cast %reduce_sum3A_2483 : vector<256xf32> to vector<1x256xf32>
    %swap3A_2485 = arith.constant 370 : index
    %swap3A_2486 = arith.constant 0 : index
    %swap3A_2487 = vector.load %arg20[%swap3A_2485, %swap3A_2486] : memref<384x256xf32, #tpu.memory_space<vmem>>, vector<1x256xf32>
    tpu.vector_store %arg20[%swap3A_2485, %swap3A_2486], %broadcast_in_dim3A_2484 {strides = array<i32>} : memref<384x256xf32, #tpu.memory_space<vmem>>, vector<1x256xf32>,
    %mul3A_2488 = arith.mulf %get3A_115, %get3A_79 : vector<32x256xf32>
    %reduce_sum3A_2489 = arith.constant dense<0.000000e+00> : vector<256xf32>
    %reduce_sum3A_2490 = vector.multi_reduction <add>, %mul3A_2488, %reduce_sum3A_2489 [0] : vector<32x256xf32> to vector<256xf32>
    %broadcast_in_dim3A_2491 = vector.shape_cast %reduce_sum3A_2490 : vector<256xf32> to vector<1x256xf32>
    %swap3A_2492 = arith.constant 371 : index
    %swap3A_2493 = arith.constant 0 : index
    %swap3A_2494 = vector.load %arg20[%swap3A_2492, %swap3A_2493] : memref<384x256xf32, #tpu.memory_space<vmem>>, vector<1x256xf32>
    tpu.vector_store %arg20[%swap3A_2492, %swap3A_2493], %broadcast_in_dim3A_2491 {strides = array<i32>} : memref<384x256xf32, #tpu.memory_space<vmem>>, vector<1x256xf32>,
    %mul3A_2495 = arith.mulf %get3A_115, %get3A_82 : vector<32x256xf32>
    %reduce_sum3A_2496 = arith.constant dense<0.000000e+00> : vector<256xf32>
    %reduce_sum3A_2497 = vector.multi_reduction <add>, %mul3A_2495, %reduce_sum3A_2496 [0] : vector<32x256xf32> to vector<256xf32>
    %broadcast_in_dim3A_2498 = vector.shape_cast %reduce_sum3A_2497 : vector<256xf32> to vector<1x256xf32>
    %swap3A_2499 = arith.constant 372 : index
    %swap3A_2500 = arith.constant 0 : index
    %swap3A_2501 = vector.load %arg20[%swap3A_2499, %swap3A_2500] : memref<384x256xf32, #tpu.memory_space<vmem>>, vector<1x256xf32>
    tpu.vector_store %arg20[%swap3A_2499, %swap3A_2500], %broadcast_in_dim3A_2498 {strides = array<i32>} : memref<384x256xf32, #tpu.memory_space<vmem>>, vector<1x256xf32>,
    %mul3A_2502 = arith.mulf %get3A_115, %get3A_85 : vector<32x256xf32>
    %reduce_sum3A_2503 = arith.constant dense<0.000000e+00> : vector<256xf32>
    %reduce_sum3A_2504 = vector.multi_reduction <add>, %mul3A_2502, %reduce_sum3A_2503 [0] : vector<32x256xf32> to vector<256xf32>
    %broadcast_in_dim3A_2505 = vector.shape_cast %reduce_sum3A_2504 : vector<256xf32> to vector<1x256xf32>
    %swap3A_2506 = arith.constant 373 : index
    %swap3A_2507 = arith.constant 0 : index
    %swap3A_2508 = vector.load %arg20[%swap3A_2506, %swap3A_2507] : memref<384x256xf32, #tpu.memory_space<vmem>>, vector<1x256xf32>
    tpu.vector_store %arg20[%swap3A_2506, %swap3A_2507], %broadcast_in_dim3A_2505 {strides = array<i32>} : memref<384x256xf32, #tpu.memory_space<vmem>>, vector<1x256xf32>,
    %mul3A_2509 = arith.mulf %get3A_115, %get3A_88 : vector<32x256xf32>
    %reduce_sum3A_2510 = arith.constant dense<0.000000e+00> : vector<256xf32>
    %reduce_sum3A_2511 = vector.multi_reduction <add>, %mul3A_2509, %reduce_sum3A_2510 [0] : vector<32x256xf32> to vector<256xf32>
    %broadcast_in_dim3A_2512 = vector.shape_cast %reduce_sum3A_2511 : vector<256xf32> to vector<1x256xf32>
    %swap3A_2513 = arith.constant 374 : index
    %swap3A_2514 = arith.constant 0 : index
    %swap3A_2515 = vector.load %arg20[%swap3A_2513, %swap3A_2514] : memref<384x256xf32, #tpu.memory_space<vmem>>, vector<1x256xf32>
    tpu.vector_store %arg20[%swap3A_2513, %swap3A_2514], %broadcast_in_dim3A_2512 {strides = array<i32>} : memref<384x256xf32, #tpu.memory_space<vmem>>, vector<1x256xf32>,
    %mul3A_2516 = arith.mulf %get3A_115, %get3A_91 : vector<32x256xf32>
    %reduce_sum3A_2517 = arith.constant dense<0.000000e+00> : vector<256xf32>
    %reduce_sum3A_2518 = vector.multi_reduction <add>, %mul3A_2516, %reduce_sum3A_2517 [0] : vector<32x256xf32> to vector<256xf32>
    %broadcast_in_dim3A_2519 = vector.shape_cast %reduce_sum3A_2518 : vector<256xf32> to vector<1x256xf32>
    %swap3A_2520 = arith.constant 375 : index
    %swap3A_2521 = arith.constant 0 : index
    %swap3A_2522 = vector.load %arg20[%swap3A_2520, %swap3A_2521] : memref<384x256xf32, #tpu.memory_space<vmem>>, vector<1x256xf32>
    tpu.vector_store %arg20[%swap3A_2520, %swap3A_2521], %broadcast_in_dim3A_2519 {strides = array<i32>} : memref<384x256xf32, #tpu.memory_space<vmem>>, vector<1x256xf32>,
    %mul3A_2523 = arith.mulf %get3A_115, %get3A_94 : vector<32x256xf32>
    %reduce_sum3A_2524 = arith.constant dense<0.000000e+00> : vector<256xf32>
    %reduce_sum3A_2525 = vector.multi_reduction <add>, %mul3A_2523, %reduce_sum3A_2524 [0] : vector<32x256xf32> to vector<256xf32>
    %broadcast_in_dim3A_2526 = vector.shape_cast %reduce_sum3A_2525 : vector<256xf32> to vector<1x256xf32>
    %swap3A_2527 = arith.constant 376 : index
    %swap3A_2528 = arith.constant 0 : index
    %swap3A_2529 = vector.load %arg20[%swap3A_2527, %swap3A_2528] : memref<384x256xf32, #tpu.memory_space<vmem>>, vector<1x256xf32>
    tpu.vector_store %arg20[%swap3A_2527, %swap3A_2528], %broadcast_in_dim3A_2526 {strides = array<i32>} : memref<384x256xf32, #tpu.memory_space<vmem>>, vector<1x256xf32>,
    %mul3A_2530 = arith.mulf %get3A_115, %get3A_97 : vector<32x256xf32>
    %reduce_sum3A_2531 = arith.constant dense<0.000000e+00> : vector<256xf32>
    %reduce_sum3A_2532 = vector.multi_reduction <add>, %mul3A_2530, %reduce_sum3A_2531 [0] : vector<32x256xf32> to vector<256xf32>
    %broadcast_in_dim3A_2533 = vector.shape_cast %reduce_sum3A_2532 : vector<256xf32> to vector<1x256xf32>
    %swap3A_2534 = arith.constant 377 : index
    %swap3A_2535 = arith.constant 0 : index
    %swap3A_2536 = vector.load %arg20[%swap3A_2534, %swap3A_2535] : memref<384x256xf32, #tpu.memory_space<vmem>>, vector<1x256xf32>
    tpu.vector_store %arg20[%swap3A_2534, %swap3A_2535], %broadcast_in_dim3A_2533 {strides = array<i32>} : memref<384x256xf32, #tpu.memory_space<vmem>>, vector<1x256xf32>,
    %mul3A_2537 = arith.mulf %get3A_115, %get3A_100 : vector<32x256xf32>
    %reduce_sum3A_2538 = arith.constant dense<0.000000e+00> : vector<256xf32>
    %reduce_sum3A_2539 = vector.multi_reduction <add>, %mul3A_2537, %reduce_sum3A_2538 [0] : vector<32x256xf32> to vector<256xf32>
    %broadcast_in_dim3A_2540 = vector.shape_cast %reduce_sum3A_2539 : vector<256xf32> to vector<1x256xf32>
    %swap3A_2541 = arith.constant 378 : index
    %swap3A_2542 = arith.constant 0 : index
    %swap3A_2543 = vector.load %arg20[%swap3A_2541, %swap3A_2542] : memref<384x256xf32, #tpu.memory_space<vmem>>, vector<1x256xf32>
    tpu.vector_store %arg20[%swap3A_2541, %swap3A_2542], %broadcast_in_dim3A_2540 {strides = array<i32>} : memref<384x256xf32, #tpu.memory_space<vmem>>, vector<1x256xf32>,
    %mul3A_2544 = arith.mulf %get3A_115, %get3A_103 : vector<32x256xf32>
    %reduce_sum3A_2545 = arith.constant dense<0.000000e+00> : vector<256xf32>
    %reduce_sum3A_2546 = vector.multi_reduction <add>, %mul3A_2544, %reduce_sum3A_2545 [0] : vector<32x256xf32> to vector<256xf32>
    %broadcast_in_dim3A_2547 = vector.shape_cast %reduce_sum3A_2546 : vector<256xf32> to vector<1x256xf32>
    %swap3A_2548 = arith.constant 379 : index
    %swap3A_2549 = arith.constant 0 : index
    %swap3A_2550 = vector.load %arg20[%swap3A_2548, %swap3A_2549] : memref<384x256xf32, #tpu.memory_space<vmem>>, vector<1x256xf32>
    tpu.vector_store %arg20[%swap3A_2548, %swap3A_2549], %broadcast_in_dim3A_2547 {strides = array<i32>} : memref<384x256xf32, #tpu.memory_space<vmem>>, vector<1x256xf32>,
    %mul3A_2551 = arith.mulf %get3A_115, %get3A_106 : vector<32x256xf32>
    %reduce_sum3A_2552 = arith.constant dense<0.000000e+00> : vector<256xf32>
    %reduce_sum3A_2553 = vector.multi_reduction <add>, %mul3A_2551, %reduce_sum3A_2552 [0] : vector<32x256xf32> to vector<256xf32>
    %broadcast_in_dim3A_2554 = vector.shape_cast %reduce_sum3A_2553 : vector<256xf32> to vector<1x256xf32>
    %swap3A_2555 = arith.constant 380 : index
    %swap3A_2556 = arith.constant 0 : index
    %swap3A_2557 = vector.load %arg20[%swap3A_2555, %swap3A_2556] : memref<384x256xf32, #tpu.memory_space<vmem>>, vector<1x256xf32>
    tpu.vector_store %arg20[%swap3A_2555, %swap3A_2556], %broadcast_in_dim3A_2554 {strides = array<i32>} : memref<384x256xf32, #tpu.memory_space<vmem>>, vector<1x256xf32>,
    %mul3A_2558 = arith.mulf %get3A_115, %get3A_109 : vector<32x256xf32>
    %reduce_sum3A_2559 = arith.constant dense<0.000000e+00> : vector<256xf32>
    %reduce_sum3A_2560 = vector.multi_reduction <add>, %mul3A_2558, %reduce_sum3A_2559 [0] : vector<32x256xf32> to vector<256xf32>
    %broadcast_in_dim3A_2561 = vector.shape_cast %reduce_sum3A_2560 : vector<256xf32> to vector<1x256xf32>
    %swap3A_2562 = arith.constant 381 : index
    %swap3A_2563 = arith.constant 0 : index
    %swap3A_2564 = vector.load %arg20[%swap3A_2562, %swap3A_2563] : memref<384x256xf32, #tpu.memory_space<vmem>>, vector<1x256xf32>
    tpu.vector_store %arg20[%swap3A_2562, %swap3A_2563], %broadcast_in_dim3A_2561 {strides = array<i32>} : memref<384x256xf32, #tpu.memory_space<vmem>>, vector<1x256xf32>,
    %mul3A_2565 = arith.mulf %get3A_115, %get3A_112 : vector<32x256xf32>
    %reduce_sum3A_2566 = arith.constant dense<0.000000e+00> : vector<256xf32>
    %reduce_sum3A_2567 = vector.multi_reduction <add>, %mul3A_2565, %reduce_sum3A_2566 [0] : vector<32x256xf32> to vector<256xf32>
    %broadcast_in_dim3A_2568 = vector.shape_cast %reduce_sum3A_2567 : vector<256xf32> to vector<1x256xf32>
    %swap3A_2569 = arith.constant 382 : index
    %swap3A_2570 = arith.constant 0 : index
    %swap3A_2571 = vector.load %arg20[%swap3A_2569, %swap3A_2570] : memref<384x256xf32, #tpu.memory_space<vmem>>, vector<1x256xf32>
    tpu.vector_store %arg20[%swap3A_2569, %swap3A_2570], %broadcast_in_dim3A_2568 {strides = array<i32>} : memref<384x256xf32, #tpu.memory_space<vmem>>, vector<1x256xf32>,
    %broadcast_in_dim3A_2572 = arith.constant 0.000000e+00 : f32
    %broadcast_in_dim3A_2573 = vector.broadcast %broadcast_in_dim3A_2572 : f32 to vector<1x256xf32>
    %swap3A_2574 = arith.constant 383 : index
    %swap3A_2575 = arith.constant 0 : index
    %swap3A_2576 = vector.load %arg20[%swap3A_2574, %swap3A_2575] : memref<384x256xf32, #tpu.memory_space<vmem>>, vector<1x256xf32>
    tpu.vector_store %arg20[%swap3A_2574, %swap3A_2575], %broadcast_in_dim3A_2573 {strides = array<i32>} : memref<384x256xf32, #tpu.memory_space<vmem>>, vector<1x256xf32>,
    %get3A_2577 = arith.constant 0 : index
    %get3A_2578 = arith.constant 0 : index
    %get3A_2579 = vector.load %arg20[%get3A_2577, %get3A_2578] : memref<384x256xf32, #tpu.memory_space<vmem>>, vector<384x256xf32>
    %get3A_2580 = arith.constant 0 : index
    %get3A_2581 = arith.constant 0 : index
    %get3A_2582 = vector.load %arg9[%get3A_2580, %get3A_2581] : memref<1024x384xf32, #tpu.memory_space<vmem>>, vector<1024x384xf32>
    %dot_general3A_2583 = arith.constant dense<0.000000e+00> : vector<1024x256xf32>
    %dot_general3A_2584 = tpu.matmul %get3A_2582, %get3A_2579, %dot_general3A_2583 {dimension_numbers = #tpu.dot_dimension_numbers<[1], [0], [0], [1], [0, 0, 1, 1], [], []>, transpose_lhs_hint = false} : vector<1024x384xf32>, vector<384x256xf32>, vector<1024x256xf32> -> vector<1024x256xf32>
    %get3A_2585 = arith.constant 0 : index
    %get3A_2586 = arith.constant 0 : index
    %get3A_2587 = vector.load %arg10[%get3A_2585, %get3A_2586] : memref<1024x1xf32, #tpu.memory_space<vmem>>, vector<1024x1xf32>
    %add3A_2588 = vector.broadcast %get3A_2587 : vector<1024x1xf32> to vector<1024x256xf32>
    %add3A_2589 = arith.addf %dot_general3A_2584, %add3A_2588 : vector<1024x256xf32>
    %max3A_2590 = arith.constant 0.000000e+00 : f32
    %max3A_2591 = vector.broadcast %max3A_2590 : f32 to vector<1024x256xf32>
    %max3A_2592 = arith.maximumf %add3A_2589, %max3A_2591 : vector<1024x256xf32>
    %get3A_2593 = arith.constant 0 : index
    %get3A_2594 = arith.constant 0 : index
    %get3A_2595 = vector.load %arg11[%get3A_2593, %get3A_2594] : memref<1024x1024xf32, #tpu.memory_space<vmem>>, vector<1024x1024xf32>
    %dot_general3A_2596 = arith.constant dense<0.000000e+00> : vector<1024x256xf32>
    %dot_general3A_2597 = tpu.matmul %get3A_2595, %max3A_2592, %dot_general3A_2596 {dimension_numbers = #tpu.dot_dimension_numbers<[1], [0], [0], [1], [0, 0, 1, 1], [], []>, transpose_lhs_hint = false} : vector<1024x1024xf32>, vector<1024x256xf32>, vector<1024x256xf32> -> vector<1024x256xf32>
    %get3A_2598 = arith.constant 0 : index
    %get3A_2599 = arith.constant 0 : index
    %get3A_2600 = vector.load %arg12[%get3A_2598, %get3A_2599] : memref<1024x1xf32, #tpu.memory_space<vmem>>, vector<1024x1xf32>
    %add3A_2601 = vector.broadcast %get3A_2600 : vector<1024x1xf32> to vector<1024x256xf32>
    %add3A_2602 = arith.addf %dot_general3A_2597, %add3A_2601 : vector<1024x256xf32>
    %max3A_2603 = arith.constant 0.000000e+00 : f32
    %max3A_2604 = vector.broadcast %max3A_2603 : f32 to vector<1024x256xf32>
    %max3A_2605 = arith.maximumf %add3A_2602, %max3A_2604 : vector<1024x256xf32>
    %get3A_2606 = arith.constant 0 : index
    %get3A_2607 = arith.constant 0 : index
    %get3A_2608 = vector.load %arg13[%get3A_2606, %get3A_2607] : memref<512x1024xf32, #tpu.memory_space<vmem>>, vector<512x1024xf32>
    %dot_general3A_2609 = arith.constant dense<0.000000e+00> : vector<512x256xf32>
    %dot_general3A_2610 = tpu.matmul %get3A_2608, %max3A_2605, %dot_general3A_2609 {dimension_numbers = #tpu.dot_dimension_numbers<[1], [0], [0], [1], [0, 0, 1, 1], [], []>, transpose_lhs_hint = false} : vector<512x1024xf32>, vector<1024x256xf32>, vector<512x256xf32> -> vector<512x256xf32>
    %get3A_2611 = arith.constant 0 : index
    %get3A_2612 = arith.constant 0 : index
    %get3A_2613 = vector.load %arg14[%get3A_2611, %get3A_2612] : memref<512x1xf32, #tpu.memory_space<vmem>>, vector<512x1xf32>
    %add3A_2614 = vector.broadcast %get3A_2613 : vector<512x1xf32> to vector<512x256xf32>
    %add3A_2615 = arith.addf %dot_general3A_2610, %add3A_2614 : vector<512x256xf32>
    %max3A_2616 = arith.constant 0.000000e+00 : f32
    %max3A_2617 = vector.broadcast %max3A_2616 : f32 to vector<512x256xf32>
    %max3A_2618 = arith.maximumf %add3A_2615, %max3A_2617 : vector<512x256xf32>
    %get3A_2619 = arith.constant 0 : index
    %get3A_2620 = arith.constant 0 : index
    %get3A_2621 = vector.load %arg15[%get3A_2619, %get3A_2620] : memref<256x512xf32, #tpu.memory_space<vmem>>, vector<256x512xf32>
    %dot_general3A_2622 = arith.constant dense<0.000000e+00> : vector<256x256xf32>
    %dot_general3A_2623 = tpu.matmul %get3A_2621, %max3A_2618, %dot_general3A_2622 {dimension_numbers = #tpu.dot_dimension_numbers<[1], [0], [0], [1], [0, 0, 1, 1], [], []>, transpose_lhs_hint = false} : vector<256x512xf32>, vector<512x256xf32>, vector<256x256xf32> -> vector<256x256xf32>
    %get3A_2624 = arith.constant 0 : index
    %get3A_2625 = arith.constant 0 : index
    %get3A_2626 = vector.load %arg16[%get3A_2624, %get3A_2625] : memref<256x1xf32, #tpu.memory_space<vmem>>, vector<256x1xf32>
    %add3A_2627 = vector.broadcast %get3A_2626 : vector<256x1xf32> to vector<256x256xf32>
    %add3A_2628 = arith.addf %dot_general3A_2623, %add3A_2627 : vector<256x256xf32>
    %max3A_2629 = arith.constant 0.000000e+00 : f32
    %max3A_2630 = vector.broadcast %max3A_2629 : f32 to vector<256x256xf32>
    %max3A_2631 = arith.maximumf %add3A_2628, %max3A_2630 : vector<256x256xf32>
    %get3A_2632 = arith.constant 0 : index
    %get3A_2633 = arith.constant 0 : index
    %get3A_2634 = vector.load %arg17[%get3A_2632, %get3A_2633] : memref<1x256xf32, #tpu.memory_space<vmem>>, vector<1x256xf32>
    %dot_general3A_2635 = arith.constant dense<0.000000e+00> : vector<1x256xf32>
    %dot_general3A_2636 = tpu.matmul %get3A_2634, %max3A_2631, %dot_general3A_2635 {dimension_numbers = #tpu.dot_dimension_numbers<[1], [0], [0], [1], [0, 0, 1, 1], [], []>, transpose_lhs_hint = false} : vector<1x256xf32>, vector<256x256xf32>, vector<1x256xf32> -> vector<1x256xf32>
    %get3A_2637 = arith.constant 0 : index
    %get3A_2638 = arith.constant 0 : index
    %get3A_2639 = vector.load %arg18[%get3A_2637, %get3A_2638] : memref<1x1xf32, #tpu.memory_space<vmem>>, vector<1x1xf32>
    %add3A_2640 = vector.broadcast %get3A_2639 : vector<1x1xf32> to vector<1x256xf32>
    %add3A_2641 = arith.addf %dot_general3A_2636, %add3A_2640 : vector<1x256xf32>
    %swap3A_2642 = arith.constant 0 : index
    %swap3A_2643 = arith.constant 0 : index
    %swap3A_2644 = vector.load %arg19[%swap3A_2642, %swap3A_2643] : memref<1x256xf32, #tpu.memory_space<vmem>>, vector<1x256xf32>
    tpu.vector_store %arg19[%swap3A_2642, %swap3A_2643], %add3A_2641 {strides = array<i32>} : memref<1x256xf32, #tpu.memory_space<vmem>>, vector<1x256xf32>,
    return
  }
  func.func @transform_0(%arg0: i32) -> (i32, i32) {
    %c0_i32 = arith.constant 0 : i32
    %c0_i32_0 = arith.constant 0 : i32
    return %c0_i32, %arg0 : i32, i32
  }
  func.func @transform_1(%arg0: i32) -> (i32, i32) {
    %c0_i32 = arith.constant 0 : i32
    %c0_i32_0 = arith.constant 0 : i32
    return %c0_i32, %arg0 : i32, i32
  }
  func.func @transform_2(%arg0: i32) -> (i32, i32) {
    %c0_i32 = arith.constant 0 : i32
    %c0_i32_0 = arith.constant 0 : i32
    %c0_i32_1 = arith.constant 0 : i32
    return %c0_i32, %c0_i32_0 : i32, i32
  }
  func.func @transform_3(%arg0: i32) -> (i32, i32) {
    %c0_i32 = arith.constant 0 : i32
    %c0_i32_0 = arith.constant 0 : i32
    %c0_i32_1 = arith.constant 0 : i32
    return %c0_i32, %c0_i32_0 : i32, i32
  }
  func.func @transform_4(%arg0: i32) -> (i32, i32) {
    %c0_i32 = arith.constant 0 : i32
    %c0_i32_0 = arith.constant 0 : i32
    %c0_i32_1 = arith.constant 0 : i32
    return %c0_i32, %c0_i32_0 : i32, i32
  }
  func.func @transform_5(%arg0: i32) -> (i32, i32) {
    %c0_i32 = arith.constant 0 : i32
    %c0_i32_0 = arith.constant 0 : i32
    %c0_i32_1 = arith.constant 0 : i32
    return %c0_i32, %c0_i32_0 : i32, i32
  }
  func.func @transform_6(%arg0: i32) -> (i32, i32) {
    %c0_i32 = arith.constant 0 : i32
    %c0_i32_0 = arith.constant 0 : i32
    %c0_i32_1 = arith.constant 0 : i32
    return %c0_i32, %c0_i32_0 : i32, i32
  }
  func.func @transform_7(%arg0: i32) -> (i32, i32) {
    %c0_i32 = arith.constant 0 : i32
    %c0_i32_0 = arith.constant 0 : i32
    %c0_i32_1 = arith.constant 0 : i32
    return %c0_i32, %c0_i32_0 : i32, i32
  }
  func.func @transform_8(%arg0: i32) -> (i32, i32) {
    %c0_i32 = arith.constant 0 : i32
    %c0_i32_0 = arith.constant 0 : i32
    %c0_i32_1 = arith.constant 0 : i32
    return %c0_i32, %c0_i32_0 : i32, i32
  }
  func.func @transform_9(%arg0: i32) -> (i32, i32) {
    %c0_i32 = arith.constant 0 : i32
    %c0_i32_0 = arith.constant 0 : i32
    %c0_i32_1 = arith.constant 0 : i32
    return %c0_i32, %c0_i32_0 : i32, i32
  }
  func.func @transform_10(%arg0: i32) -> (i32, i32) {
    %c0_i32 = arith.constant 0 : i32
    %c0_i32_0 = arith.constant 0 : i32
    %c0_i32_1 = arith.constant 0 : i32
    return %c0_i32, %c0_i32_0 : i32, i32
  }
  func.func @transform_11(%arg0: i32) -> (i32, i32) {
    %c0_i32 = arith.constant 0 : i32
    %c0_i32_0 = arith.constant 0 : i32
    %c0_i32_1 = arith.constant 0 : i32
    return %c0_i32, %c0_i32_0 : i32, i32
  }
  func.func @transform_12(%arg0: i32) -> (i32, i32) {
    %c0_i32 = arith.constant 0 : i32
    %c0_i32_0 = arith.constant 0 : i32
    %c0_i32_1 = arith.constant 0 : i32
    return %c0_i32, %c0_i32_0 : i32, i32
  }
  func.func @transform_13(%arg0: i32) -> (i32, i32) {
    %c0_i32 = arith.constant 0 : i32
    %c0_i32_0 = arith.constant 0 : i32
    %c0_i32_1 = arith.constant 0 : i32
    return %c0_i32, %c0_i32_0 : i32, i32
  }
  func.func @transform_14(%arg0: i32) -> (i32, i32) {
    %c0_i32 = arith.constant 0 : i32
    %c0_i32_0 = arith.constant 0 : i32
    %c0_i32_1 = arith.constant 0 : i32
    return %c0_i32, %c0_i32_0 : i32, i32
  }
  func.func @transform_15(%arg0: i32) -> (i32, i32) {
    %c0_i32 = arith.constant 0 : i32
    %c0_i32_0 = arith.constant 0 : i32
    %c0_i32_1 = arith.constant 0 : i32
    return %c0_i32, %c0_i32_0 : i32, i32
  }
  func.func @transform_16(%arg0: i32) -> (i32, i32) {
    %c0_i32 = arith.constant 0 : i32
    %c0_i32_0 = arith.constant 0 : i32
    %c0_i32_1 = arith.constant 0 : i32
    return %c0_i32, %c0_i32_0 : i32, i32
  }
  func.func @transform_17(%arg0: i32) -> (i32, i32) {
    %c0_i32 = arith.constant 0 : i32
    %c0_i32_0 = arith.constant 0 : i32
    %c0_i32_1 = arith.constant 0 : i32
    return %c0_i32, %c0_i32_0 : i32, i32
  }
  func.func @transform_18(%arg0: i32) -> (i32, i32) {
    %c0_i32 = arith.constant 0 : i32
    %c0_i32_0 = arith.constant 0 : i32
    return %c0_i32, %arg0 : i32, i32
  }
}

</mosaic_0001>

<sc_bundles>
// kernel: kernel.4.cloned.1.call-start
scs
__scs_entry_jumppad:
0x0: {  	(pc) =	sbr.rel $0x88, $3  }
0x1: {  	(tag) =	ssettag $0x0;
	lr =	simm.s32 $0x1  }
0x2: {  	[smem:$0x3F8E] =	sst lr;
	_ =	strace $0xD0000000  }
0x3: {  	_ = 	snop  }
0x4: {  	_ = 	snop  }
0x5: {  	_ = 	snop  }
0x6: {  	_ = 	snop  }
0x7: {  	_ = 	snop  }
__scs_overlays_trampoline_lowered:
0x8: {  	[smem:$0x3F9D] =	sst s0  }
0x9: {  	[smem:$0x3F9E] =	sst s1  }
0xa: {  	[smem:$0x3F9F] =	sst s2  }
0xb: {  	[smem:$0x3FA0] =	sst s3  }
0xc: {  	[smem:$0x3FA1] =	sst s4  }
0xd: {  	[smem:$0x3FA2] =	sst s5  }
0xe: {  	[smem:$0x3FA3] =	sst s6  }
0xf: {  	[smem:$0x3FA4] =	sst s7  }
0x10: {  	[smem:$0x3FA5] =	sst s8  }
0x11: {  	[smem:$0x3FA6] =	sst s9;
	s0 =	simm.s32 @!p0 $0x0  }
0x12: {  	s1 =	sld [smem:$0x3F8C];
	s0 =	simm.s32 @p0 $0x1  }
0x13: {  	[smem:$0x3FA7] =	sst s0;
	s0 =	simm.s32 @!p1 $0x0  }
0x14: {  	s2 =	sld [smem:$0x3F8B];
	s0 =	simm.s32 @p1 $0x1  }
0x15: {  	[smem:$0x3FA8] =	sst s0;
	s0 =	simm.s32 @!p2 $0x0  }
0x16: {  	s3 =	sld [smem:$0x3FDB];
	s0 =	simm.s32 @p2 $0x1  }
0x17: {  	s4 =	simm.s32 $0x1BF5;
	[smem:$0x3FAA] =	sst s0  }
0x18: {  	s0 =	sld [smem:$0x3F8D];
	_ =	swait.ge [sflag:s4], $0x0  }
0x19: {  	s7 =	sld [smem:$0x3F8E]  }
0x1a: {  	s8 =	sadd.s32 $0xFFFFE003, lr  }
0x1b: {  	s9 =	sadd.s32 $0xFFFFFEF7, lr;
	s5 =	simm.s32 $0xFFFFFFFF;
	p2 =	slt.u32 s8, $0xFFFFF086  }
0x1c: {  	p1 =	slt.u32 s9, $0xF7A;
	s5 =	simm.s32 @!p2 $0x0  }
0x1d: {  	s5 =	simm.s32 @p1 $0x1;
	p0 =	seq.s32 s7, s2  }
0x1e: {  	s7 =	smul.u32 @!p0 $0xF7A, s2;
	p2 =	seq.s32 @!p0 s5, $0x0  }
0x1f: {  	s9 =	smul.u32 $0xF7A, s1;
	s8 =	simm.s32 @!p0 $0x1BF5;
	p2 =	por !p2, p0  }
0x20: {  	[sflag:s8] =	ssyncset.s32 @!p0 $0xFFFFF086;
	s6 =	sadd.s32 @!p0 s3, s7;
	s7 =	simm.s32 @!p0 $0x108  }
0x21: {  	s3 =	sadd.s32 s3, s9;
	s6 =	sadd.s32 @!p0 $0x88, s6;
	s7 =	simm.s32 @p2 $0x1082  }
0x22: {  	[simem:s7], [sflag:s8] =	dma.local @!p0 [hbm:s6], $0xF7A  }
0x23: {  	s9 =	sor.u32 $0xD0000000, s2;
	s6 =	simm.s32 $0x108;
	_ =	swait.ge @!p0 [sflag:s8], $0x0  }
0x24: {  	s3 =	sadd.s32 $0x88, s3;
	s6 =	simm.s32 @!p1 $0x1082;
	[sflag:s4] =	ssyncset.s32 $0xFFFFF086  }
0x25: {  	[simem:s6], [sflag:s4] =	dma.local [hbm:s3], $0xF7A  }
0x26: {  	[smem:$0x3F8E] =	sst s1;
	(tag) =	ssettag s2;
	_ =	strace s9  }
0x27: {  	s1 =	sld [smem:$0x3F9E]  }
0x28: {  	s2 =	sld [smem:$0x3F9F]  }
0x29: {  	s4 =	sld [smem:$0x3FA1]  }
0x2a: {  	p0 =	seq.s32 s5, $0x0;
	s5 =	sld [smem:$0x3FA2]  }
0x2b: {  	s6 =	sld [smem:$0x3FA3]  }
0x2c: {  	s7 =	sld [smem:$0x3FA4]  }
0x2d: {  	s3 =	simm.s32 $0x108;
	s8 =	sld [smem:$0x3FA5]  }
0x2e: {  	s3 =	simm.s32 @!p0 $0x1082;
	s9 =	sld [smem:$0x3FA6]  }
0x2f: {  	lr =	sadd.s32 s0, s3;
	s0 =	sld [smem:$0x3F9D]  }
0x30: {  	s3 =	sld [smem:$0x3FA0]  }
0x31: {  	[smem:$0x3FA9] =	sst s10  }
0x32: {  	s10 =	sld [smem:$0x3FA7];
	_ =	sdelay $0x3  }
0x33: {  	p0 =	seq.s32 s10, $0x1;
	s10 =	sld [smem:$0x3FA9];
	_ =	sdelay $0x3  }
0x34: {  	[smem:$0x3FA9] =	sst s10  }
0x35: {  	s10 =	sld [smem:$0x3FA8];
	_ =	sdelay $0x3  }
0x36: {  	p1 =	seq.s32 s10, $0x1;
	s10 =	sld [smem:$0x3FA9];
	_ =	sdelay $0x3  }
0x37: {  	[smem:$0x3FA9] =	sst s10  }
0x38: {  	s10 =	sld [smem:$0x3FAA]  }
0x39: {  	_ = 	snop;
	(pc) =	sbr.ind lr, $3  }
0x3a: {  	_ = 	snop  }
0x3b: {  	_ = 	snop  }
0x3c: {  	p2 =	seq.s32 s10, $0x1;
	s10 =	sld [smem:$0x3FA9]  }
0x3d: {  	_ =	shalt  }
0x3e: {  	_ =	shalt  }
0x3f: {  	_ =	shalt  }
0x40: {  	_ =	shalt  }
0x41: {  	_ =	shalt  }
0x42: {  	_ =	shalt  }
0x43: {  	_ =	shalt  }
0x44: {  	_ =	shalt  }
0x45: {  	_ =	shalt  }
0x46: {  	_ =	shalt  }
0x47: {  	_ =	shalt  }
0x48: {  	_ =	shalt  }
0x49: {  	_ =	shalt  }
0x4a: {  	_ =	shalt  }
0x4b: {  	_ =	shalt  }
0x4c: {  	_ =	shalt  }
0x4d: {  	_ =	shalt  }
0x4e: {  	_ =	shalt  }
0x4f: {  	_ =	shalt  }
0x50: {  	_ =	shalt  }
0x51: {  	_ =	shalt  }
0x52: {  	_ =	shalt  }
0x53: {  	_ =	shalt  }
0x54: {  	_ =	shalt  }
0x55: {  	_ =	shalt  }
0x56: {  	_ =	shalt  }
0x57: {  	_ =	shalt  }
0x58: {  	_ =	shalt  }
0x59: {  	_ =	shalt  }
0x5a: {  	_ =	shalt  }
0x5b: {  	_ =	shalt  }
0x5c: {  	_ =	shalt  }
0x5d: {  	_ =	shalt  }
0x5e: {  	_ =	shalt  }
0x5f: {  	_ =	shalt  }
0x60: {  	_ =	shalt  }
0x61: {  	_ =	shalt  }
0x62: {  	_ =	shalt  }
0x63: {  	_ =	shalt  }
0x64: {  	_ =	shalt  }
0x65: {  	_ =	shalt  }
0x66: {  	_ =	shalt  }
0x67: {  	_ =	shalt  }
0x68: {  	_ =	shalt  }
0x69: {  	_ =	shalt  }
0x6a: {  	_ =	shalt  }
0x6b: {  	_ =	shalt  }
0x6c: {  	_ =	shalt  }
0x6d: {  	_ =	shalt  }
0x6e: {  	_ =	shalt  }
0x6f: {  	_ =	shalt  }
0x70: {  	_ =	shalt  }
0x71: {  	_ =	shalt  }
0x72: {  	_ =	shalt  }
0x73: {  	_ =	shalt  }
0x74: {  	_ =	shalt  }
0x75: {  	_ =	shalt  }
0x76: {  	_ =	shalt  }
0x77: {  	_ =	shalt  }
0x78: {  	_ =	shalt  }
0x79: {  	_ =	shalt  }
0x7a: {  	_ =	shalt  }
0x7b: {  	_ =	shalt  }
0x7c: {  	_ =	shalt  }
0x7d: {  	_ =	shalt  }
0x7e: {  	_ =	shalt  }
0x7f: {  	_ =	shalt  }
0x80: {  	_ =	shalt  }
0x81: {  	_ =	shalt  }
0x82: {  	_ =	shalt  }
0x83: {  	_ =	shalt  }
0x84: {  	_ =	shalt  }
0x85: {  	_ =	shalt  }
0x86: {  	_ =	shalt  }
0x87: {  	_ =	shalt  }
.Lfunc_end0:
.L_simem_size_0:
called_computation_lowered:
.L_overlay_start_0:
0x88: {  	s2 =	sld [smem:$0x3FD9]  }
0x89: {  	s3 =	sld [smem:$0x3FFE];
	_ =	sdelay $0x1  }
0x8a: {  	s1 =	srdreg.scid  }
0x8b: {  	s0 =	sand.u32 $0x1, s1  }
0x8c: {  	s16 =	sshll.u32 s0, $0xA;
	s2 =	sadd.s32 s3, s2  }
0x8d: {  	s2 =	sadd.s32 s2, s16  }
0x8e: {  	[smem:$0x3FB5] =	sst s2  }
0x8f: {  	_ = 	snop  }
0x90: {  	(tm) =	ssettm $0x1  }
0x91: {  	s17 =	sld [smem:$0x3FFB];
	_ =	sdelay $0x3  }
0x92: {  	_ =	strace s17  }
0x93: {  	s2 =	sld [smem:$0x3FFC];
	_ =	sdelay $0x3  }
0x94: {  	_ =	strace s2  }
0x95: {  	s2 =	sld [smem:$0x3FFD];
	_ =	sdelay $0x3  }
0x96: {  	_ =	strace s2  }
0x97: {  	_ =	strace $0x8FFFFFFF  }
0x98: {  	s18 =	sld [smem:$0x3FDB];
	_ =	sdelay $0x1  }
0x99: {  	s19 =	simm.s32 $_scs_section_size  }
0x9a: {  	s4 =	simm.s32 $_size__tile_overlayer_lowered;
	s5 =	simm.s32 $_tile_overlayer_lowered  }
0x9b: {  	s22 =	simm.s32 $0x1BFF;
	s21 =	sshll.u32 s5, $0x1;
	s2 =	sadd.s32 s19, s18  }
0x9c: {  	s6 =	simm.s32 $0x0;
	s20 =	sshll.u32 s4, $0x1;
	s4 =	sadd.s32 s21, s2  }
0x9d: {  	[timem:s6], [sflag:s22] =	dma.local [hbm:s4], s20  }
0x9e: {  	_ =	swait.ge [sflag:s22], s20  }
0x9f: {  	s3 =	ssub.s32 $0x0, s20;
	[sflag:s22] =	ssyncset.done $0x0  }
0xa0: {  	[sflag:s22] =	ssyncadd.s32 s3;
	_ =	sdelay $0x1  }
0xa1: {  	s23 =	simm.s32 $0x1B8B  }
0xa2: {  	_ =	swait.ge [sflag:s23], $0x1  }
0xa3: {  	[sflag:s23] =	ssyncset.done $0x0  }
0xa4: {  	s25 =	simm.s32 $0x1B8E;
	s24 =	sld [smem:$0x3FFE];
	[sflag:s23] =	ssyncadd.s32 $0xFFFFFFFF  }
0xa5: {  	s26 =	simm.s32 $execute0_lowered;
	[smem:$0x3FD2] =	sst s25  }
0xa6: {  	s4 =	sshll.u32 s26, $0x1;
	_ =	strace $0x80000046;
	[dreg:$0x1] =	wrdreg $0xFFFFFFFF  }
0xa7: {  	s28 =	simm.s32 $_size_execute0_lowered;
	s2 =	sadd.s32 s2, s4;
	[dreg:$0x0] =	wrdreg $0x0  }
0xa8: {  	s4 =	sshll.u32 s28, $0x1;
	[dreg:$0x2] =	wrdreg s2  }
0xa9: {  	[dreg:$0x3] =	wrdreg s4  }
0xaa: {  	[dreg:$0x4] =	wrdreg $0xC0  }
0xab: {  	_ =	task [dreg:s6], $0x5FFFF  }
0xac: {  	[dreg:$0x1] =	wrdreg $0xFFFFFFFF  }
0xad: {  	[dreg:$0x0] =	wrdreg $0x60  }
0xae: {  	[dreg:$0x2] =	wrdreg s24  }
0xaf: {  	[dreg:$0x3] =	wrdreg $0x9  }
0xb0: {  	_ =	task.clear_ibuf [dreg:s6], $0x4FFFF;
	_ =	strace $0x90000046  }
0xb1: {  	s29 =	simm.s32 $0x9;
	_ =	strace $0x80000048  }
0xb2: {  	_ =	swait.ge [sflag:s29], $0x1  }
0xb3: {  	[sflag:s29] =	ssyncadd.s32 $0xFFFFFFFF  }
0xb4: {  	_ =	strace $0x90000048  }
0xb5: {  	_ =	sfence  }
0xb6: {  	s30 =	sld [smem:$0x0];
	_ =	sdelay $0x2  }
0xb7: {  	s31 =	sshll.u32 s1, $0xD;
	s1 =	sshrl.u32 s1, $0x2  }
0xb8: {  	s3 =	sand.u32 $0x4000, s31;
	s1 =	sadd.s32 s1, s30  }
0xb9: {  	s0 =	sor.u32 s3, s0;
	s1 =	sshll.u32 s1, $0x11  }
0xba: {  	s0 =	sor.u32 s1, s0  }
0xbb: {  	s0 =	sadd.s32 $0x8F2B, s0  }
0xbc: {  	[sflag:s0] =	ssyncadd.remote.s32 $0x1  }
0xbd: {  	_ =	sfence.sel $0xFFFF  }
0xbe: {  	[dreg:$0x0] =	wrdreg $0xFFFFFFFF;
	(pc) =	sbr.abs _section_cstart, $3  }
0xbf: {  	[dreg:$0x1] =	wrdreg $0xFFFFFFFF  }
0xc0: {  	_ =	task.clear_ibuf [dreg:s6], $0x2FFFF;
	_ =	strace $0x9FFFFFFF  }
0xc1: {  	(tm) =	ssettm $0x7FFFFFFF  }
tec
execute0_lowered:
.L_overlay_start_1:
0x0: {  	(tag) =	ssettag $0x1  }
0x1: {  	s5 =	rddreg [dreg:$0x0]  }
0x2: {  	s0 =	rddreg [dreg:$0x1];
	s1 =	simm.s32 $0x0;
	s2 =	srdreg.scid  }
0x3: {  	s10 =	simm.s32 $0x196A0;
	s11 =	simm.s32 $0x0;
	[smem:$0x7FF] =	sst s1  }
0x4: {  	s6 =	sand.u32 $0x1, s2;
	s3 =	sadd.s32 $0x2400, s5;
	s2 =	stileid.u32  }
0x5: {  	s4 =	sadd.s32 $0x9ED600, s5;
	s5 =	sadd.s32 $0x9F0A00, s5;
	s7 =	ssub.s32 $0x2, s6  }
0x6: {  	_ =	strace $0x80000047;
	s9 =	sshll.u32 s2, $0x1;
	s8 =	sshrl.u32 s7, $0x1  }
0x7: {  	s6 =	sor.u32 s6, s9;
	s9 =	simm.s32 $0x1;
	s7 =	ssub.s32 s7, s8  }
0x8: {  	s6 =	smul.u32 $0x1A, s6;
	s8 =	simm.s32 $0x186A0;
	s7 =	smax.u32 s7, $0x1  }
.LBB2_1:
0x9: {  	s12 =	simm.s32 $0x0  }
.LBB2_2:
0xa: {  	s13 =	sadd.s32 s6, s12  }
0xb: {  	s14 =	sshll.u32 s13, $0x4;
	s15 =	sshrl.u32 s13, $0x5;
	s16 =	sand.u32 $0x1F, s13  }
0xc: {  	s14 =	sand.u32 $0x1FFFFE00, s14;
	s15 =	smul.u32 $0x30D400, s15  }
0xd: {  	s16 =	smul.u32 $0x186A0, s16;
	s14 =	sadd.s32 s4, s14  }
0xe: {  	[tilespmem:s8], [sflag:$0x1] =	stream.linear.gather [hbm4b:s14+s1], $0x1000, $0x38;
	[tilespmem:$0x1A6A0] =	vst v63  }
0xf: {  	s31 =	sadd.s32 s16, s15;
	_ =	swait.ge [sflag:s9], $0x1000  }
0x10: {  	s14 =	sshrl.u32 s31, $0x3;
	[sflag:s9] =	ssyncset.done $0x0  }
0x11: {  	s14 =	sadd.s32 s3, s14;
	[sflag:s9] =	ssyncadd.s32 $0xFFFFF000  }
0x12: {  	[tilespmem:s1], [sflag:$0x1] =	stream.linear.gather [hbm4b:s14+s1], $0x186A0, $0x38;
	[tilespmem:$0x1A6A0] =	vst v63  }
0x13: {  	_ =	swait.ge [sflag:s9], $0x186A0  }
0x14: {  	s15 =	simm.s32 $0x186C0;
	[sflag:s9] =	ssyncset.done $0x0  }
0x15: {  	s16 =	simm.s32 $0x196C0;
	s14 =	simm.s32 $0xFFFFFFFC;
	[sflag:s9] =	ssyncadd.s32 $0xFFFE7960  }
.LBB2_3:
0x16: {  	v0 =	vld [tilespmem:s15+$0xFFFFFFE0];
	_ =	sdelay $0x7  }
0x17: {  	v0 =	vld.idx.msk [tilespmem:v0+s1+$0x0], $0xffff;
	_ =	sdelay $0x4  }
0x18: {  	[tilespmem:s16+$0xFFFFFFE0] =	vst v0  }
0x19: {  	v0 =	vld [tilespmem:s15+$0xFFFFFFF0];
	_ =	sdelay $0x7  }
0x1a: {  	v0 =	vld.idx.msk [tilespmem:v0+s1+$0x0], $0xffff;
	_ =	sdelay $0x4  }
0x1b: {  	[tilespmem:s16+$0xFFFFFFF0] =	vst v0  }
0x1c: {  	v0 =	vld [tilespmem:s15+$0x0];
	_ =	sdelay $0x7  }
0x1d: {  	v0 =	vld.idx.msk [tilespmem:v0+s1+$0x0], $0xffff;
	_ =	sdelay $0x4  }
0x1e: {  	[tilespmem:s16+$0x0] =	vst v0  }
0x1f: {  	v0 =	vld [tilespmem:s15+$0x10];
	_ =	sdelay $0x6  }
0x20: {  	s14 =	sadd.s32 $0x4, s14  }
0x21: {  	p0 =	slt.u32 s14, $0xFC;
	v0 =	vld.idx.msk [tilespmem:v0+s1+$0x0], $0xffff  }
.Ltmp0:
0x22: {  	_ = 	snop;
	(pc) =	sbr.rel @p0 .LBB2_3-.Ltmp0, $2  }
0x23: {  	_ =	sdelay $0x2  }
0x24: {  	s15 =	sadd.s32 $0x40, s15;
	[tilespmem:s16+$0x10] =	vst v0;
	s16 =	sadd.s32 $0x40, s16  }
0x25: {  	s12 =	sadd.s32 $0x1, s12  }
0x26: {  	s13 =	sshll.u32 s13, $0x9;
	p0 =	sne.s32 s12, $0x1A  }
.Ltmp1:
0x27: {  	s13 =	sadd.s32 s5, s13;
	(pc) =	sbr.rel @p0 .LBB2_2-.Ltmp1, $4  }
0x28: {  	[hbm4b:s13+s1] =	stream.linear.scatter [tilespmem:s10], [sflag:$0x1], $0x1000, $0x38;
	[tilespmem:$0x1A6A0] =	vst v63  }
0x29: {  	_ =	swait.ge [sflag:s9], $0x1000  }
0x2a: {  	[sflag:s9] =	ssyncset.done $0x0  }
0x2b: {  	[sflag:s9] =	ssyncadd.s32 $0xFFFFF000  }
0x2c: {  	s11 =	sadd.s32 $0x1, s11  }
0x2d: {  	p0 =	sne.s32 s11, s7  }
.Ltmp2:
0x2e: {  	_ = 	snop;
	(pc) =	sbr.rel @p0 .LBB2_1-.Ltmp2, $1  }
0x2f: {  	_ =	sdelay $0x3  }
0x30: {  	_ =	sfence.sel $0x180000  }
0x31: {  	[bflag:$0x0] =	sbarrier.arrive $0xFFFF  }
0x32: {  	p0 =	sne.s32 s2, $0x0;
	_ =	strace $0x90000047  }
0x33: {  	s0 =	sadd.s32 @!p0 $0x100000, s0;
	[bflag:$0x2] =	sbarrier.arrive $0xFFFF  }
0x34: {  	[sflag:s0] =	ssyncadd.tile.s32 @!p0 $0x1;
	_ =	shalt  }
.Lfunc_end2:
_tile_overlayer_lowered:
.L_overlay_start_2:
0x35: {  	(tag) =	ssettag $0x2  }
0x36: {  	s0 =	rddreg [dreg:$0x0];
	s2 =	stileid.u32  }
0x37: {  	s1 =	rddreg [dreg:$0x1];
	p0 =	sne.s32 s2, $0x0  }
0x38: {  	s3 =	rddreg [dreg:$0x2];
	[bflag:$0x3] =	sbarrier.arrive $0xFFFF;
	s2 =	simm.s32 @!p0 $0x1C01  }
0x39: {  	[timem:s3], [sflag:s2] =	dma.local @!p0 [hbm:s0], s1  }
0x3a: {  	s0 =	simm.s32 @!p0 $0x1  }
0x3b: {  	_ =	swait.ge @!p0 [sflag:s0], s1  }
0x3c: {  	s1 =	ssub.s32 @!p0 $0x0, s1;
	[sflag:s0] =	ssyncset.done @!p0 $0x0  }
0x3d: {  	[sflag:s0] =	ssyncadd.s32 @!p0 s1  }
0x3e: {  	[bflag:$0x3] =	sbarrier.arrive $0xFFFF  }
0x3f: {  	_ =	shalt  }

</sc_bundles>
